<compile_context>
chip_gen: v7x
topology: tpu7x:2x2x1
jax: 0.10.2.dev20260603
libtpu: 0.0.44.dev20260713+nightly
codegen_flags: <defaults>
</compile_context>

<pallas_src>
import jax
import jax.numpy as jnp
from jax import lax
from jax.experimental import pallas as pl
from jax.experimental.pallas import tpu as pltpu
from jax.experimental.pallas import tpu_sc as plsc

PI = 3.1415926235897933
NUM_ENTITY = 100000
NUM_RELATION = 1000
NUM_TIME = 365
NUM_MAXLEN = 50
DIM = 128
BATCH = 16384

NC = 2
NS = 16
NW = NC * NS
B2 = 2 * BATCH
PW = B2 // NW
C = 32
NCHUNK = PW // C
NBUF = 2
assert NCHUNK % NBUF == 0
G = DIM // 16

_MAGIC = 12582912.0
_Q1 = 1.57079101
_Q3 = -0.64589288
_Q5 = 0.07943441
_Q7 = -0.00433314

_GDN = lax.GatherDimensionNumbers(
    offset_dims=(), collapsed_slice_dims=(0,), start_index_map=(0,))


def _abs_sin_q(v):
    n = (v * 0.25 + _MAGIC) - _MAGIC
    r = v - n * 4.0
    a = jnp.abs(r)
    m = jnp.minimum(a, 2.0 - a)
    u = m * m
    p = ((_Q7 * u + _Q5) * u + _Q3) * u + _Q1
    return m * p


def _lane_sum(x, bfly):
    for idx in bfly:
        x = x + lax.gather(x, idx, _GDN, slice_sizes=(1,),
                           mode=lax.GatherScatterMode.PROMISE_IN_BOUNDS)
    return x


def _sqrt(x):
    bits = lax.bitcast_convert_type(x, jnp.int32)
    y = lax.bitcast_convert_type(
        0x5F3759DF - lax.shift_right_logical(bits, 1), jnp.float32)
    for _ in range(3):
        y = y * (1.5 - 0.5 * x * y * y)
    return x * y


def _sc_body(h_hbm, r_hbm, t_hbm, tm_hbm, st_hbm,
             ent_hbm, rel_hbm, modr_hbm, mode_hbm, time_hbm, step_hbm,
             out_hbm,
             idx_h, idx_r, idx_t, idx_tm, idx_st,
             step_tab, time_tab,
             hbuf, tbuf, hmbuf, rbuf, rmbuf,
             res_p, *sems):
    wid = lax.axis_index("s") * NC + lax.axis_index("c")
    lane = lax.iota(jnp.int32, 16)
    bfly = [lax.bitwise_and(lane + sh, 15)[:, None] for sh in (8, 4, 2, 1)]

    pltpu.sync_copy(h_hbm.at[wid], idx_h)
    pltpu.sync_copy(r_hbm.at[wid], idx_r)
    pltpu.sync_copy(t_hbm.at[wid], idx_t)
    pltpu.sync_copy(tm_hbm.at[wid], idx_tm.at[pl.ds(0, PW)])
    pltpu.sync_copy(st_hbm.at[wid], idx_st.at[pl.ds(0, PW)])
    pltpu.sync_copy(step_hbm, step_tab)
    pltpu.sync_copy(time_hbm, time_tab)

    for g in range(G):
        sl = pl.ds(g * 16, 16)
        step_tab[0, sl] = jnp.abs(step_tab[0, sl])

    def cum_body(i, carry):
        for g in range(G):
            sl = pl.ds(g * 16, 16)
            step_tab[i, sl] = jnp.abs(step_tab[i, sl]) + step_tab[i - 1, sl]
        return carry

    lax.fori_loop(1, NUM_MAXLEN, cum_body, 0)

    def chunk_copies(c, b):
        return [
            pltpu.make_async_copy(ent_hbm.at[idx_h.at[c]], hbuf.at[b], sems[b]),
            pltpu.make_async_copy(ent_hbm.at[idx_t.at[c]], tbuf.at[b], sems[b]),
            pltpu.make_async_copy(mode_hbm.at[idx_h.at[c]], hmbuf.at[b], sems[b]),
            pltpu.make_async_copy(rel_hbm.at[idx_r.at[c]], rbuf.at[b], sems[b]),
            pltpu.make_async_copy(modr_hbm.at[idx_r.at[c]], rmbuf.at[b],
                                  sems[b]),
        ]

    for b in range(NBUF):
        for cp in chunk_copies(b, b):
            cp.start()

    def compute_chunk(c, b):
        hb, tb, hmb, rb, rmb = (hbuf.at[b], tbuf.at[b], hmbuf.at[b],
                                rbuf.at[b], rmbuf.at[b])

        def grp_body(q, carry2):
            def elem_body(l, carry3):
                tp, tq = carry3
                j = q * 16 + l
                e = c * C + j
                tm_i = idx_tm[pl.ds(e, 16)][0]
                st_i = idx_st[pl.ds(e, 16)][0]
                accp = jnp.zeros((16,), jnp.float32)
                accm = jnp.zeros((16,), jnp.float32)
                for g in range(G):
                    sl = pl.ds(g * 16, 16)
                    h = hb[j, sl]
                    t = tb[j, sl]
                    tmv = time_tab[tm_i, sl]
                    stv = step_tab[st_i, sl]
                    w = (h - t) * (tmv + 1.0) + rb[j, sl]
                    accp = accp + _abs_sin_q(w)
                    dm = jnp.abs(hmb[j, sl]) * jnp.abs(rmb[j, sl]) - stv
                    accm = accm + dm * dm
                sel = lane == l
                tp = jnp.where(sel, _lane_sum(accp, bfly), tp)
                tq = jnp.where(sel, _lane_sum(accm, bfly), tq)
                return (tp, tq)

            z = jnp.zeros((16,), jnp.float32)
            tp, tq = lax.fori_loop(0, 16, elem_body, (z, z))
            base16 = c * C + q * 16
            res_p[pl.ds(base16, 16)] = tp + 0.5 * _sqrt(tq)
            return carry2

        lax.fori_loop(0, C // 16, grp_body, 0)

    def pipe_body(p, carry):
        for b in range(NBUF):
            c = NBUF * p + b
            for cp in chunk_copies(c, b):
                cp.wait()
            compute_chunk(c, b)
            nxt = jnp.minimum(c + NBUF, NCHUNK - 1)
            for cp in chunk_copies(nxt, b):
                cp.start()
        return carry

    lax.fori_loop(0, NCHUNK // NBUF, pipe_body, 0)
    for b in range(NBUF):
        for cp in chunk_copies(NCHUNK - 1, b):
            cp.wait()
    pltpu.sync_copy(res_p, out_hbm.at[wid])


@jax.jit
def _mpke_sc(h, r, t, tm, st, ent, rel, modr, mode, time_pk, stepw):
    mesh = plsc.VectorSubcoreMesh(core_axis_name="c", subcore_axis_name="s")
    f32 = jnp.float32
    i32 = jnp.int32
    run = pl.kernel(
        _sc_body,
        out_type=jax.ShapeDtypeStruct((NW, PW), f32),
        mesh=mesh,
        scratch_types=[
            pltpu.VMEM((NCHUNK, C), i32),
            pltpu.VMEM((NCHUNK, C), i32),
            pltpu.VMEM((NCHUNK, C), i32),
            pltpu.VMEM((PW + 16,), i32),
            pltpu.VMEM((PW + 16,), i32),
            pltpu.VMEM((NUM_MAXLEN, DIM), f32),
            pltpu.VMEM((NUM_TIME, DIM), f32),
            pltpu.VMEM((NBUF, C, DIM), f32),
            pltpu.VMEM((NBUF, C, DIM), f32),
            pltpu.VMEM((NBUF, C, DIM), f32),
            pltpu.VMEM((NBUF, C, DIM), f32),
            pltpu.VMEM((NBUF, C, DIM), f32),
            pltpu.VMEM((PW,), f32),
        ] + [pltpu.SemaphoreType.DMA] * NBUF,
    )
    return run(h, r, t, tm, st, ent, rel, modr, mode, time_pk, stepw)


def kernel(positiveBatchHead, positiveBatchRelation, positiveBatchTail,
           positiveBatchTime, positiveBatchStep,
           corruptedBatchHead, corruptedBatchRelation, corruptedBatchTail,
           corruptedBatchTime, corruptedBatchStep,
           entity_weight, relation_weight, mod_e_weight, mod_r_weight,
           time_weight, step_weight):
    def prep(a, b):
        return (jnp.concatenate([a, b]).astype(jnp.int32)
                .reshape(NW, NCHUNK, C))

    h = prep(positiveBatchHead, corruptedBatchHead)
    r = prep(positiveBatchRelation, corruptedBatchRelation)
    t = prep(positiveBatchTail, corruptedBatchTail)
    tm = prep(positiveBatchTime, corruptedBatchTime).reshape(NW, PW)
    st = prep(positiveBatchStep, corruptedBatchStep).reshape(NW, PW)
    out = _mpke_sc(h, r, t, tm, st, entity_weight, relation_weight,
                   mod_r_weight, mod_e_weight, time_weight, step_weight)
    loss = out.reshape(B2)
    return (loss[:BATCH], loss[BATCH:])

# --- scband reference (transcript-rebuilt; emitter-appended) ---
"""Pipeline reference for scband-mpke-21818433864368 (READ-ONLY COPY).

The authoritative reference and input builder live on the scoring server;
editing this copy changes nothing except your own understanding.
"""

import jax, jax.numpy as jnp
import numpy as np

NUM_ENTITY = 100000
NUM_RELATION = 1000
NUM_TIME = 365
NUM_MAXLEN = 50
DIM = 128
BATCH = 16384
PI = 3.1415926235897933


def setup_inputs(seed: int = 0):
    key = jax.random.key(seed)
    ks = jax.random.split(key, 16)
    inp = {}
    inp['positiveBatchHead'] = jax.random.randint(ks[0], (BATCH,), 0, NUM_ENTITY)
    inp['positiveBatchRelation'] = jax.random.randint(ks[1], (BATCH,), 0, NUM_RELATION)
    inp['positiveBatchTail'] = jax.random.randint(ks[2], (BATCH,), 0, NUM_ENTITY)
    inp['positiveBatchTime'] = jax.random.randint(ks[3], (BATCH,), 0, NUM_TIME)
    inp['positiveBatchStep'] = jax.random.randint(ks[4], (BATCH,), 0, NUM_MAXLEN)
    inp['corruptedBatchHead'] = jax.random.randint(ks[5], (BATCH,), 0, NUM_ENTITY)
    inp['corruptedBatchRelation'] = jax.random.randint(ks[6], (BATCH,), 0, NUM_RELATION)
    inp['corruptedBatchTail'] = jax.random.randint(ks[7], (BATCH,), 0, NUM_ENTITY)
    inp['corruptedBatchTime'] = jax.random.randint(ks[8], (BATCH,), 0, NUM_TIME)
    inp['corruptedBatchStep'] = jax.random.randint(ks[9], (BATCH,), 0, NUM_MAXLEN)
    inp['entity_weight'] = jax.random.normal(ks[10], (NUM_ENTITY, DIM), dtype=jnp.float32) * 0.05
    inp['mod_e_weight'] = jax.random.normal(ks[11], (NUM_ENTITY, DIM), dtype=jnp.float32) * 0.05
    inp['relation_weight'] = jax.random.normal(ks[12], (NUM_RELATION, DIM), dtype=jnp.float32) * 0.05
    inp['mod_r_weight'] = jax.random.normal(ks[13], (NUM_RELATION, DIM), dtype=jnp.float32) * 0.05
    inp['time_weight'] = jax.random.normal(ks[14], (NUM_TIME, DIM), dtype=jnp.float32) * 0.05
    inp['step_weight'] = jax.random.normal(ks[15], (NUM_MAXLEN, DIM), dtype=jnp.float32) * 0.05
    return inp


def reference(positiveBatchHead, positiveBatchRelation, positiveBatchTail, positiveBatchTime, positiveBatchStep,
              corruptedBatchHead, corruptedBatchRelation, corruptedBatchTail, corruptedBatchTime, corruptedBatchStep,
              entity_weight, relation_weight, mod_e_weight, mod_r_weight, time_weight, step_weight):
    # torch uses step_embeddings.weight.data (detached) then cumsum
    step_emb = jnp.cumsum(jnp.abs(step_weight), axis=0)

    def score(h_idx, r_idx, t_idx, tm_idx, st_idx):
        H = jnp.take(entity_weight, h_idx, axis=0)
        Rv = jnp.take(relation_weight, r_idx, axis=0) * PI
        Tl = jnp.take(entity_weight, t_idx, axis=0)
        Tm = jnp.take(time_weight, tm_idx, axis=0)
        St = jnp.take(step_emb, st_idx, axis=0)
        H = (H + H * Tm) * PI
        Tl = (Tl + Tl * Tm) * PI
        # norm=1 over dim 1 of sin((H + R - T)/2)
        loss_phase = jnp.sum(jnp.abs(jnp.sin((H + Rv - Tl) / 2.0)), axis=1)
        Hm = jnp.abs(jnp.take(mod_e_weight, h_idx, axis=0))
        Rm = jnp.abs(jnp.take(mod_r_weight, r_idx, axis=0))
        # norm_m = 2 over dim 1
        loss_mod = jnp.sqrt(jnp.sum((Hm * Rm - St) ** 2, axis=1))
        # hyper_p = 1, hyper_m = 0.5
        return 1.0 * loss_phase + 0.5 * loss_mod

    positiveLoss = score(positiveBatchHead, positiveBatchRelation, positiveBatchTail, positiveBatchTime, positiveBatchStep)
    negativeLoss = score(corruptedBatchHead, corruptedBatchRelation, corruptedBatchTail, corruptedBatchTime, corruptedBatchStep)
    return (positiveLoss, negativeLoss)

if __name__ == "__main__":
    import jax
    _d = setup_inputs()
    print(jax.jit(kernel)(*tuple(_d.values())))

</pallas_src>

<mosaic_0001>
#map = affine_map<(d0, d1) -> (0, 0, 0)>
#map1 = affine_map<(d0, d1) -> (0, 0)>
module attributes {stable_mosaic.version = 14 : i64} {
  func.func @_sc_body(%arg0: i32, %arg1: i32, %arg2: memref<32x32x32xi32, #tpu.memory_space<hbm>>, %arg3: memref<32x32x32xi32, #tpu.memory_space<hbm>>, %arg4: memref<32x32x32xi32, #tpu.memory_space<hbm>>, %arg5: memref<32x1024xi32, #tpu.memory_space<hbm>>, %arg6: memref<32x1024xi32, #tpu.memory_space<hbm>>, %arg7: memref<100000x128xf32, #tpu.memory_space<hbm>>, %arg8: memref<100000x128xf32, #tpu.memory_space<hbm>>, %arg9: memref<1000x128xf32, #tpu.memory_space<hbm>>, %arg10: memref<1000x128xf32, #tpu.memory_space<hbm>>, %arg11: memref<365x128xf32, #tpu.memory_space<hbm>>, %arg12: memref<50x128xf32, #tpu.memory_space<hbm>>, %arg13: memref<32x1024xf32, #tpu.memory_space<hbm>>, %arg14: memref<32x32xi32, #tpu.memory_space<vmem>>, %arg15: memref<32x32xi32, #tpu.memory_space<vmem>>, %arg16: memref<32x32xi32, #tpu.memory_space<vmem>>, %arg17: memref<1040xi32, #tpu.memory_space<vmem>>, %arg18: memref<1040xi32, #tpu.memory_space<vmem>>, %arg19: memref<50x128xf32, #tpu.memory_space<vmem>>, %arg20: memref<365x128xf32, #tpu.memory_space<vmem>>, %arg21: memref<2x32x128xf32, #tpu.memory_space<vmem>>, %arg22: memref<2x32x128xf32, #tpu.memory_space<vmem>>, %arg23: memref<2x32x128xf32, #tpu.memory_space<vmem>>, %arg24: memref<2x32x128xf32, #tpu.memory_space<vmem>>, %arg25: memref<2x32x128xf32, #tpu.memory_space<vmem>>, %arg26: memref<1024xf32, #tpu.memory_space<vmem>>, %arg27: memref<!tpu.dma_semaphore, #tpu.memory_space<semaphore_mem>>, %arg28: memref<!tpu.dma_semaphore, #tpu.memory_space<semaphore_mem>>) attributes {dimension_semantics = [#tpu.dimension_semantics<core_parallel>, #tpu.dimension_semantics<subcore_parallel>], iteration_bounds = array<i64: 2, 16>, scalar_prefetch = 0 : i64, scratch_operands = 15 : i64, tpu.core_type = #tpu.core_type<sc_vector_subcore>, window_params = [{transform_indices = #map}, {transform_indices = #map}, {transform_indices = #map}, {transform_indices = #map1}, {transform_indices = #map1}, {transform_indices = #map1}, {transform_indices = #map1}, {transform_indices = #map1}, {transform_indices = #map1}, {transform_indices = #map1}, {transform_indices = #map1}, {transform_indices = #map1}]} {
    %mul3A = arith.constant 2 : i32
    %mul3A_0 = arith.muli %arg1, %mul3A : i32
    %add3A = arith.addi %mul3A_0, %arg0 : i32
    %iota3A = tpu.iota {dimensions = array<i32: 0>} : vector<16xi32>
    %add3A_1 = arith.constant 8 : i32
    %add3A_2 = vector.broadcast %add3A_1 : i32 to vector<16xi32>
    %add3A_3 = arith.addi %iota3A, %add3A_2 : vector<16xi32>
    %and3A = arith.constant 15 : i32
    %and3A_4 = vector.broadcast %and3A : i32 to vector<16xi32>
    %and3A_5 = arith.andi %add3A_3, %and3A_4 : vector<16xi32>
    %broadcast_in_dim3A = vector.shape_cast %and3A_5 : vector<16xi32> to vector<16x1xi32>
    %add3A_6 = arith.constant 4 : i32
    %add3A_7 = vector.broadcast %add3A_6 : i32 to vector<16xi32>
    %add3A_8 = arith.addi %iota3A, %add3A_7 : vector<16xi32>
    %and3A_9 = arith.constant 15 : i32
    %and3A_10 = vector.broadcast %and3A_9 : i32 to vector<16xi32>
    %and3A_11 = arith.andi %add3A_8, %and3A_10 : vector<16xi32>
    %broadcast_in_dim3A_12 = vector.shape_cast %and3A_11 : vector<16xi32> to vector<16x1xi32>
    %add3A_13 = arith.constant 2 : i32
    %add3A_14 = vector.broadcast %add3A_13 : i32 to vector<16xi32>
    %add3A_15 = arith.addi %iota3A, %add3A_14 : vector<16xi32>
    %and3A_16 = arith.constant 15 : i32
    %and3A_17 = vector.broadcast %and3A_16 : i32 to vector<16xi32>
    %and3A_18 = arith.andi %add3A_15, %and3A_17 : vector<16xi32>
    %broadcast_in_dim3A_19 = vector.shape_cast %and3A_18 : vector<16xi32> to vector<16x1xi32>
    %add3A_20 = arith.constant 1 : i32
    %add3A_21 = vector.broadcast %add3A_20 : i32 to vector<16xi32>
    %add3A_22 = arith.addi %iota3A, %add3A_21 : vector<16xi32>
    %and3A_23 = arith.constant 15 : i32
    %and3A_24 = vector.broadcast %and3A_23 : i32 to vector<16xi32>
    %and3A_25 = arith.andi %add3A_22, %and3A_24 : vector<16xi32>
    %broadcast_in_dim3A_26 = vector.shape_cast %and3A_25 : vector<16xi32> to vector<16x1xi32>
    "tpu.region"() ({
      %run_scoped3A = tpu.sem_alloc : memref<!tpu.dma_semaphore, #tpu.memory_space<semaphore_mem>>
      %dma_start3A_369 = arith.constant 0 : i32
      %dma_start3A_370 = arith.constant 0 : i32
      %dma_start3A_371 = tpu.memref_slice %arg2[%add3A, %dma_start3A_369, %dma_start3A_370] : memref<32x32x32xi32, #tpu.memory_space<hbm>> -> memref<1x32x32xi32, #tpu.memory_space<hbm>>
      %dma_start3A_372 = tpu.memref_squeeze %dma_start3A_371 : memref<1x32x32xi32, #tpu.memory_space<hbm>> -> memref<32x32xi32, #tpu.memory_space<hbm>>
      %dma_start3A_373 = arith.constant 0 : i32
      %dma_start3A_374 = arith.constant 0 : i32
      %dma_start3A_375 = tpu.memref_slice %arg2[%add3A, %dma_start3A_373, %dma_start3A_374] : memref<32x32x32xi32, #tpu.memory_space<hbm>> -> memref<1x32x32xi32, #tpu.memory_space<hbm>>
      %dma_start3A_376 = tpu.memref_squeeze %dma_start3A_375 : memref<1x32x32xi32, #tpu.memory_space<hbm>> -> memref<32x32xi32, #tpu.memory_space<hbm>>
      tpu.enqueue_dma source(%dma_start3A_376 : memref<32x32xi32, #tpu.memory_space<hbm>>) target(%arg14 : memref<32x32xi32, #tpu.memory_space<vmem>>) target_semaphore(%run_scoped3A : memref<!tpu.dma_semaphore, #tpu.memory_space<semaphore_mem>>)
      %dma_wait3A_377 = arith.constant 0 : i32
      %dma_wait3A_378 = arith.constant 0 : i32
      %dma_wait3A_379 = tpu.memref_slice %arg2[%add3A, %dma_wait3A_377, %dma_wait3A_378] : memref<32x32x32xi32, #tpu.memory_space<hbm>> -> memref<1x32x32xi32, #tpu.memory_space<hbm>>
      %dma_wait3A_380 = tpu.memref_squeeze %dma_wait3A_379 : memref<1x32x32xi32, #tpu.memory_space<hbm>> -> memref<32x32xi32, #tpu.memory_space<hbm>>
      %dma_wait3A_381 = arith.constant 0 : i32
      %dma_wait3A_382 = arith.constant 0 : i32
      %dma_wait3A_383 = tpu.memref_slice %arg2[%add3A, %dma_wait3A_381, %dma_wait3A_382] : memref<32x32x32xi32, #tpu.memory_space<hbm>> -> memref<1x32x32xi32, #tpu.memory_space<hbm>>
      %dma_wait3A_384 = tpu.memref_squeeze %dma_wait3A_383 : memref<1x32x32xi32, #tpu.memory_space<hbm>> -> memref<32x32xi32, #tpu.memory_space<hbm>>
      tpu.wait_dma2 semaphore(%run_scoped3A : memref<!tpu.dma_semaphore, #tpu.memory_space<semaphore_mem>>) src(%dma_wait3A_384 : memref<32x32xi32, #tpu.memory_space<hbm>>) dst(%arg14 : memref<32x32xi32, #tpu.memory_space<vmem>>)
      tpu.yield
    }) : () -> ()
    "tpu.region"() ({
      %run_scoped3A = tpu.sem_alloc : memref<!tpu.dma_semaphore, #tpu.memory_space<semaphore_mem>>
      %dma_start3A_369 = arith.constant 0 : i32
      %dma_start3A_370 = arith.constant 0 : i32
      %dma_start3A_371 = tpu.memref_slice %arg3[%add3A, %dma_start3A_369, %dma_start3A_370] : memref<32x32x32xi32, #tpu.memory_space<hbm>> -> memref<1x32x32xi32, #tpu.memory_space<hbm>>
      %dma_start3A_372 = tpu.memref_squeeze %dma_start3A_371 : memref<1x32x32xi32, #tpu.memory_space<hbm>> -> memref<32x32xi32, #tpu.memory_space<hbm>>
      %dma_start3A_373 = arith.constant 0 : i32
      %dma_start3A_374 = arith.constant 0 : i32
      %dma_start3A_375 = tpu.memref_slice %arg3[%add3A, %dma_start3A_373, %dma_start3A_374] : memref<32x32x32xi32, #tpu.memory_space<hbm>> -> memref<1x32x32xi32, #tpu.memory_space<hbm>>
      %dma_start3A_376 = tpu.memref_squeeze %dma_start3A_375 : memref<1x32x32xi32, #tpu.memory_space<hbm>> -> memref<32x32xi32, #tpu.memory_space<hbm>>
      tpu.enqueue_dma source(%dma_start3A_376 : memref<32x32xi32, #tpu.memory_space<hbm>>) target(%arg15 : memref<32x32xi32, #tpu.memory_space<vmem>>) target_semaphore(%run_scoped3A : memref<!tpu.dma_semaphore, #tpu.memory_space<semaphore_mem>>)
      %dma_wait3A_377 = arith.constant 0 : i32
      %dma_wait3A_378 = arith.constant 0 : i32
      %dma_wait3A_379 = tpu.memref_slice %arg3[%add3A, %dma_wait3A_377, %dma_wait3A_378] : memref<32x32x32xi32, #tpu.memory_space<hbm>> -> memref<1x32x32xi32, #tpu.memory_space<hbm>>
      %dma_wait3A_380 = tpu.memref_squeeze %dma_wait3A_379 : memref<1x32x32xi32, #tpu.memory_space<hbm>> -> memref<32x32xi32, #tpu.memory_space<hbm>>
      %dma_wait3A_381 = arith.constant 0 : i32
      %dma_wait3A_382 = arith.constant 0 : i32
      %dma_wait3A_383 = tpu.memref_slice %arg3[%add3A, %dma_wait3A_381, %dma_wait3A_382] : memref<32x32x32xi32, #tpu.memory_space<hbm>> -> memref<1x32x32xi32, #tpu.memory_space<hbm>>
      %dma_wait3A_384 = tpu.memref_squeeze %dma_wait3A_383 : memref<1x32x32xi32, #tpu.memory_space<hbm>> -> memref<32x32xi32, #tpu.memory_space<hbm>>
      tpu.wait_dma2 semaphore(%run_scoped3A : memref<!tpu.dma_semaphore, #tpu.memory_space<semaphore_mem>>) src(%dma_wait3A_384 : memref<32x32xi32, #tpu.memory_space<hbm>>) dst(%arg15 : memref<32x32xi32, #tpu.memory_space<vmem>>)
      tpu.yield
    }) : () -> ()
    "tpu.region"() ({
      %run_scoped3A = tpu.sem_alloc : memref<!tpu.dma_semaphore, #tpu.memory_space<semaphore_mem>>
      %dma_start3A_369 = arith.constant 0 : i32
      %dma_start3A_370 = arith.constant 0 : i32
      %dma_start3A_371 = tpu.memref_slice %arg4[%add3A, %dma_start3A_369, %dma_start3A_370] : memref<32x32x32xi32, #tpu.memory_space<hbm>> -> memref<1x32x32xi32, #tpu.memory_space<hbm>>
      %dma_start3A_372 = tpu.memref_squeeze %dma_start3A_371 : memref<1x32x32xi32, #tpu.memory_space<hbm>> -> memref<32x32xi32, #tpu.memory_space<hbm>>
      %dma_start3A_373 = arith.constant 0 : i32
      %dma_start3A_374 = arith.constant 0 : i32
      %dma_start3A_375 = tpu.memref_slice %arg4[%add3A, %dma_start3A_373, %dma_start3A_374] : memref<32x32x32xi32, #tpu.memory_space<hbm>> -> memref<1x32x32xi32, #tpu.memory_space<hbm>>
      %dma_start3A_376 = tpu.memref_squeeze %dma_start3A_375 : memref<1x32x32xi32, #tpu.memory_space<hbm>> -> memref<32x32xi32, #tpu.memory_space<hbm>>
      tpu.enqueue_dma source(%dma_start3A_376 : memref<32x32xi32, #tpu.memory_space<hbm>>) target(%arg16 : memref<32x32xi32, #tpu.memory_space<vmem>>) target_semaphore(%run_scoped3A : memref<!tpu.dma_semaphore, #tpu.memory_space<semaphore_mem>>)
      %dma_wait3A_377 = arith.constant 0 : i32
      %dma_wait3A_378 = arith.constant 0 : i32
      %dma_wait3A_379 = tpu.memref_slice %arg4[%add3A, %dma_wait3A_377, %dma_wait3A_378] : memref<32x32x32xi32, #tpu.memory_space<hbm>> -> memref<1x32x32xi32, #tpu.memory_space<hbm>>
      %dma_wait3A_380 = tpu.memref_squeeze %dma_wait3A_379 : memref<1x32x32xi32, #tpu.memory_space<hbm>> -> memref<32x32xi32, #tpu.memory_space<hbm>>
      %dma_wait3A_381 = arith.constant 0 : i32
      %dma_wait3A_382 = arith.constant 0 : i32
      %dma_wait3A_383 = tpu.memref_slice %arg4[%add3A, %dma_wait3A_381, %dma_wait3A_382] : memref<32x32x32xi32, #tpu.memory_space<hbm>> -> memref<1x32x32xi32, #tpu.memory_space<hbm>>
      %dma_wait3A_384 = tpu.memref_squeeze %dma_wait3A_383 : memref<1x32x32xi32, #tpu.memory_space<hbm>> -> memref<32x32xi32, #tpu.memory_space<hbm>>
      tpu.wait_dma2 semaphore(%run_scoped3A : memref<!tpu.dma_semaphore, #tpu.memory_space<semaphore_mem>>) src(%dma_wait3A_384 : memref<32x32xi32, #tpu.memory_space<hbm>>) dst(%arg16 : memref<32x32xi32, #tpu.memory_space<vmem>>)
      tpu.yield
    }) : () -> ()
    "tpu.region"() ({
      %run_scoped3A = tpu.sem_alloc : memref<!tpu.dma_semaphore, #tpu.memory_space<semaphore_mem>>
      %dma_start3A_369 = arith.constant 0 : i32
      %dma_start3A_370 = tpu.memref_slice %arg17[%dma_start3A_369] : memref<1040xi32, #tpu.memory_space<vmem>> -> memref<1024xi32, #tpu.memory_space<vmem>>
      %dma_start3A_371 = arith.constant 0 : i32
      %dma_start3A_372 = tpu.memref_slice %arg5[%add3A, %dma_start3A_371] : memref<32x1024xi32, #tpu.memory_space<hbm>> -> memref<1x1024xi32, #tpu.memory_space<hbm>>
      %dma_start3A_373 = tpu.memref_squeeze %dma_start3A_372 : memref<1x1024xi32, #tpu.memory_space<hbm>> -> memref<1024xi32, #tpu.memory_space<hbm>>
      %dma_start3A_374 = arith.constant 0 : i32
      %dma_start3A_375 = tpu.memref_slice %arg17[%dma_start3A_374] : memref<1040xi32, #tpu.memory_space<vmem>> -> memref<1024xi32, #tpu.memory_space<vmem>>
      %dma_start3A_376 = arith.constant 0 : i32
      %dma_start3A_377 = tpu.memref_slice %arg5[%add3A, %dma_start3A_376] : memref<32x1024xi32, #tpu.memory_space<hbm>> -> memref<1x1024xi32, #tpu.memory_space<hbm>>
      %dma_start3A_378 = tpu.memref_squeeze %dma_start3A_377 : memref<1x1024xi32, #tpu.memory_space<hbm>> -> memref<1024xi32, #tpu.memory_space<hbm>>
      tpu.enqueue_dma source(%dma_start3A_378 : memref<1024xi32, #tpu.memory_space<hbm>>) target(%dma_start3A_375 : memref<1024xi32, #tpu.memory_space<vmem>>) target_semaphore(%run_scoped3A : memref<!tpu.dma_semaphore, #tpu.memory_space<semaphore_mem>>)
      %dma_wait3A_379 = arith.constant 0 : i32
      %dma_wait3A_380 = tpu.memref_slice %arg17[%dma_wait3A_379] : memref<1040xi32, #tpu.memory_space<vmem>> -> memref<1024xi32, #tpu.memory_space<vmem>>
      %dma_wait3A_381 = arith.constant 0 : i32
      %dma_wait3A_382 = tpu.memref_slice %arg5[%add3A, %dma_wait3A_381] : memref<32x1024xi32, #tpu.memory_space<hbm>> -> memref<1x1024xi32, #tpu.memory_space<hbm>>
      %dma_wait3A_383 = tpu.memref_squeeze %dma_wait3A_382 : memref<1x1024xi32, #tpu.memory_space<hbm>> -> memref<1024xi32, #tpu.memory_space<hbm>>
      %dma_wait3A_384 = arith.constant 0 : i32
      %dma_wait3A_385 = tpu.memref_slice %arg17[%dma_wait3A_384] : memref<1040xi32, #tpu.memory_space<vmem>> -> memref<1024xi32, #tpu.memory_space<vmem>>
      %dma_wait3A_386 = arith.constant 0 : i32
      %dma_wait3A_387 = tpu.memref_slice %arg5[%add3A, %dma_wait3A_386] : memref<32x1024xi32, #tpu.memory_space<hbm>> -> memref<1x1024xi32, #tpu.memory_space<hbm>>
      %dma_wait3A_388 = tpu.memref_squeeze %dma_wait3A_387 : memref<1x1024xi32, #tpu.memory_space<hbm>> -> memref<1024xi32, #tpu.memory_space<hbm>>
      tpu.wait_dma2 semaphore(%run_scoped3A : memref<!tpu.dma_semaphore, #tpu.memory_space<semaphore_mem>>) src(%dma_wait3A_388 : memref<1024xi32, #tpu.memory_space<hbm>>) dst(%dma_wait3A_385 : memref<1024xi32, #tpu.memory_space<vmem>>)
      tpu.yield
    }) : () -> ()
    "tpu.region"() ({
      %run_scoped3A = tpu.sem_alloc : memref<!tpu.dma_semaphore, #tpu.memory_space<semaphore_mem>>
      %dma_start3A_369 = arith.constant 0 : i32
      %dma_start3A_370 = tpu.memref_slice %arg18[%dma_start3A_369] : memref<1040xi32, #tpu.memory_space<vmem>> -> memref<1024xi32, #tpu.memory_space<vmem>>
      %dma_start3A_371 = arith.constant 0 : i32
      %dma_start3A_372 = tpu.memref_slice %arg6[%add3A, %dma_start3A_371] : memref<32x1024xi32, #tpu.memory_space<hbm>> -> memref<1x1024xi32, #tpu.memory_space<hbm>>
      %dma_start3A_373 = tpu.memref_squeeze %dma_start3A_372 : memref<1x1024xi32, #tpu.memory_space<hbm>> -> memref<1024xi32, #tpu.memory_space<hbm>>
      %dma_start3A_374 = arith.constant 0 : i32
      %dma_start3A_375 = tpu.memref_slice %arg18[%dma_start3A_374] : memref<1040xi32, #tpu.memory_space<vmem>> -> memref<1024xi32, #tpu.memory_space<vmem>>
      %dma_start3A_376 = arith.constant 0 : i32
      %dma_start3A_377 = tpu.memref_slice %arg6[%add3A, %dma_start3A_376] : memref<32x1024xi32, #tpu.memory_space<hbm>> -> memref<1x1024xi32, #tpu.memory_space<hbm>>
      %dma_start3A_378 = tpu.memref_squeeze %dma_start3A_377 : memref<1x1024xi32, #tpu.memory_space<hbm>> -> memref<1024xi32, #tpu.memory_space<hbm>>
      tpu.enqueue_dma source(%dma_start3A_378 : memref<1024xi32, #tpu.memory_space<hbm>>) target(%dma_start3A_375 : memref<1024xi32, #tpu.memory_space<vmem>>) target_semaphore(%run_scoped3A : memref<!tpu.dma_semaphore, #tpu.memory_space<semaphore_mem>>)
      %dma_wait3A_379 = arith.constant 0 : i32
      %dma_wait3A_380 = tpu.memref_slice %arg18[%dma_wait3A_379] : memref<1040xi32, #tpu.memory_space<vmem>> -> memref<1024xi32, #tpu.memory_space<vmem>>
      %dma_wait3A_381 = arith.constant 0 : i32
      %dma_wait3A_382 = tpu.memref_slice %arg6[%add3A, %dma_wait3A_381] : memref<32x1024xi32, #tpu.memory_space<hbm>> -> memref<1x1024xi32, #tpu.memory_space<hbm>>
      %dma_wait3A_383 = tpu.memref_squeeze %dma_wait3A_382 : memref<1x1024xi32, #tpu.memory_space<hbm>> -> memref<1024xi32, #tpu.memory_space<hbm>>
      %dma_wait3A_384 = arith.constant 0 : i32
      %dma_wait3A_385 = tpu.memref_slice %arg18[%dma_wait3A_384] : memref<1040xi32, #tpu.memory_space<vmem>> -> memref<1024xi32, #tpu.memory_space<vmem>>
      %dma_wait3A_386 = arith.constant 0 : i32
      %dma_wait3A_387 = tpu.memref_slice %arg6[%add3A, %dma_wait3A_386] : memref<32x1024xi32, #tpu.memory_space<hbm>> -> memref<1x1024xi32, #tpu.memory_space<hbm>>
      %dma_wait3A_388 = tpu.memref_squeeze %dma_wait3A_387 : memref<1x1024xi32, #tpu.memory_space<hbm>> -> memref<1024xi32, #tpu.memory_space<hbm>>
      tpu.wait_dma2 semaphore(%run_scoped3A : memref<!tpu.dma_semaphore, #tpu.memory_space<semaphore_mem>>) src(%dma_wait3A_388 : memref<1024xi32, #tpu.memory_space<hbm>>) dst(%dma_wait3A_385 : memref<1024xi32, #tpu.memory_space<vmem>>)
      tpu.yield
    }) : () -> ()
    "tpu.region"() ({
      %run_scoped3A = tpu.sem_alloc : memref<!tpu.dma_semaphore, #tpu.memory_space<semaphore_mem>>
      tpu.enqueue_dma source(%arg12 : memref<50x128xf32, #tpu.memory_space<hbm>>) target(%arg19 : memref<50x128xf32, #tpu.memory_space<vmem>>) target_semaphore(%run_scoped3A : memref<!tpu.dma_semaphore, #tpu.memory_space<semaphore_mem>>)
      tpu.wait_dma2 semaphore(%run_scoped3A : memref<!tpu.dma_semaphore, #tpu.memory_space<semaphore_mem>>) src(%arg12 : memref<50x128xf32, #tpu.memory_space<hbm>>) dst(%arg19 : memref<50x128xf32, #tpu.memory_space<vmem>>)
      tpu.yield
    }) : () -> ()
    "tpu.region"() ({
      %run_scoped3A = tpu.sem_alloc : memref<!tpu.dma_semaphore, #tpu.memory_space<semaphore_mem>>
      tpu.enqueue_dma source(%arg11 : memref<365x128xf32, #tpu.memory_space<hbm>>) target(%arg20 : memref<365x128xf32, #tpu.memory_space<vmem>>) target_semaphore(%run_scoped3A : memref<!tpu.dma_semaphore, #tpu.memory_space<semaphore_mem>>)
      tpu.wait_dma2 semaphore(%run_scoped3A : memref<!tpu.dma_semaphore, #tpu.memory_space<semaphore_mem>>) src(%arg11 : memref<365x128xf32, #tpu.memory_space<hbm>>) dst(%arg20 : memref<365x128xf32, #tpu.memory_space<vmem>>)
      tpu.yield
    }) : () -> ()
    %get3A = arith.constant 0 : i32
    %get3A_27 = arith.index_cast %get3A : i32 to index
    %get3A_28 = arith.constant 0 : index
    %get3A_29 = tpu.vector_load %arg19[%get3A_27, %get3A_28] {strides = array<i32>} : memref<50x128xf32, #tpu.memory_space<vmem>>, vector<1x16xf32>,
    %get3A_30 = vector.shape_cast %get3A_29 : vector<1x16xf32> to vector<16xf32>
    %abs3A = math.absf %get3A_30 : vector<16xf32>
    %swap3A = arith.constant 0 : i32
    %swap3A_31 = arith.index_cast %swap3A : i32 to index
    %swap3A_32 = arith.constant 0 : index
    %swap3A_33 = tpu.vector_load %arg19[%swap3A_31, %swap3A_32] {strides = array<i32>} : memref<50x128xf32, #tpu.memory_space<vmem>>, vector<1x16xf32>,
    %swap3A_34 = vector.shape_cast %swap3A_33 : vector<1x16xf32> to vector<16xf32>
    %swap3A_35 = vector.shape_cast %abs3A : vector<16xf32> to vector<1x16xf32>
    tpu.vector_store %arg19[%swap3A_31, %swap3A_32], %swap3A_35 {strides = array<i32>} : memref<50x128xf32, #tpu.memory_space<vmem>>, vector<1x16xf32>,
    %get3A_36 = arith.constant 0 : i32
    %get3A_37 = arith.index_cast %get3A_36 : i32 to index
    %get3A_38 = arith.constant 16 : index
    %get3A_39 = tpu.vector_load %arg19[%get3A_37, %get3A_38] {strides = array<i32>} : memref<50x128xf32, #tpu.memory_space<vmem>>, vector<1x16xf32>,
    %get3A_40 = vector.shape_cast %get3A_39 : vector<1x16xf32> to vector<16xf32>
    %abs3A_41 = math.absf %get3A_40 : vector<16xf32>
    %swap3A_42 = arith.constant 0 : i32
    %swap3A_43 = arith.index_cast %swap3A_42 : i32 to index
    %swap3A_44 = arith.constant 16 : index
    %swap3A_45 = tpu.vector_load %arg19[%swap3A_43, %swap3A_44] {strides = array<i32>} : memref<50x128xf32, #tpu.memory_space<vmem>>, vector<1x16xf32>,
    %swap3A_46 = vector.shape_cast %swap3A_45 : vector<1x16xf32> to vector<16xf32>
    %swap3A_47 = vector.shape_cast %abs3A_41 : vector<16xf32> to vector<1x16xf32>
    tpu.vector_store %arg19[%swap3A_43, %swap3A_44], %swap3A_47 {strides = array<i32>} : memref<50x128xf32, #tpu.memory_space<vmem>>, vector<1x16xf32>,
    %get3A_48 = arith.constant 0 : i32
    %get3A_49 = arith.index_cast %get3A_48 : i32 to index
    %get3A_50 = arith.constant 32 : index
    %get3A_51 = tpu.vector_load %arg19[%get3A_49, %get3A_50] {strides = array<i32>} : memref<50x128xf32, #tpu.memory_space<vmem>>, vector<1x16xf32>,
    %get3A_52 = vector.shape_cast %get3A_51 : vector<1x16xf32> to vector<16xf32>
    %abs3A_53 = math.absf %get3A_52 : vector<16xf32>
    %swap3A_54 = arith.constant 0 : i32
    %swap3A_55 = arith.index_cast %swap3A_54 : i32 to index
    %swap3A_56 = arith.constant 32 : index
    %swap3A_57 = tpu.vector_load %arg19[%swap3A_55, %swap3A_56] {strides = array<i32>} : memref<50x128xf32, #tpu.memory_space<vmem>>, vector<1x16xf32>,
    %swap3A_58 = vector.shape_cast %swap3A_57 : vector<1x16xf32> to vector<16xf32>
    %swap3A_59 = vector.shape_cast %abs3A_53 : vector<16xf32> to vector<1x16xf32>
    tpu.vector_store %arg19[%swap3A_55, %swap3A_56], %swap3A_59 {strides = array<i32>} : memref<50x128xf32, #tpu.memory_space<vmem>>, vector<1x16xf32>,
    %get3A_60 = arith.constant 0 : i32
    %get3A_61 = arith.index_cast %get3A_60 : i32 to index
    %get3A_62 = arith.constant 48 : index
    %get3A_63 = tpu.vector_load %arg19[%get3A_61, %get3A_62] {strides = array<i32>} : memref<50x128xf32, #tpu.memory_space<vmem>>, vector<1x16xf32>,
    %get3A_64 = vector.shape_cast %get3A_63 : vector<1x16xf32> to vector<16xf32>
    %abs3A_65 = math.absf %get3A_64 : vector<16xf32>
    %swap3A_66 = arith.constant 0 : i32
    %swap3A_67 = arith.index_cast %swap3A_66 : i32 to index
    %swap3A_68 = arith.constant 48 : index
    %swap3A_69 = tpu.vector_load %arg19[%swap3A_67, %swap3A_68] {strides = array<i32>} : memref<50x128xf32, #tpu.memory_space<vmem>>, vector<1x16xf32>,
    %swap3A_70 = vector.shape_cast %swap3A_69 : vector<1x16xf32> to vector<16xf32>
    %swap3A_71 = vector.shape_cast %abs3A_65 : vector<16xf32> to vector<1x16xf32>
    tpu.vector_store %arg19[%swap3A_67, %swap3A_68], %swap3A_71 {strides = array<i32>} : memref<50x128xf32, #tpu.memory_space<vmem>>, vector<1x16xf32>,
    %get3A_72 = arith.constant 0 : i32
    %get3A_73 = arith.index_cast %get3A_72 : i32 to index
    %get3A_74 = arith.constant 64 : index
    %get3A_75 = tpu.vector_load %arg19[%get3A_73, %get3A_74] {strides = array<i32>} : memref<50x128xf32, #tpu.memory_space<vmem>>, vector<1x16xf32>,
    %get3A_76 = vector.shape_cast %get3A_75 : vector<1x16xf32> to vector<16xf32>
    %abs3A_77 = math.absf %get3A_76 : vector<16xf32>
    %swap3A_78 = arith.constant 0 : i32
    %swap3A_79 = arith.index_cast %swap3A_78 : i32 to index
    %swap3A_80 = arith.constant 64 : index
    %swap3A_81 = tpu.vector_load %arg19[%swap3A_79, %swap3A_80] {strides = array<i32>} : memref<50x128xf32, #tpu.memory_space<vmem>>, vector<1x16xf32>,
    %swap3A_82 = vector.shape_cast %swap3A_81 : vector<1x16xf32> to vector<16xf32>
    %swap3A_83 = vector.shape_cast %abs3A_77 : vector<16xf32> to vector<1x16xf32>
    tpu.vector_store %arg19[%swap3A_79, %swap3A_80], %swap3A_83 {strides = array<i32>} : memref<50x128xf32, #tpu.memory_space<vmem>>, vector<1x16xf32>,
    %get3A_84 = arith.constant 0 : i32
    %get3A_85 = arith.index_cast %get3A_84 : i32 to index
    %get3A_86 = arith.constant 80 : index
    %get3A_87 = tpu.vector_load %arg19[%get3A_85, %get3A_86] {strides = array<i32>} : memref<50x128xf32, #tpu.memory_space<vmem>>, vector<1x16xf32>,
    %get3A_88 = vector.shape_cast %get3A_87 : vector<1x16xf32> to vector<16xf32>
    %abs3A_89 = math.absf %get3A_88 : vector<16xf32>
    %swap3A_90 = arith.constant 0 : i32
    %swap3A_91 = arith.index_cast %swap3A_90 : i32 to index
    %swap3A_92 = arith.constant 80 : index
    %swap3A_93 = tpu.vector_load %arg19[%swap3A_91, %swap3A_92] {strides = array<i32>} : memref<50x128xf32, #tpu.memory_space<vmem>>, vector<1x16xf32>,
    %swap3A_94 = vector.shape_cast %swap3A_93 : vector<1x16xf32> to vector<16xf32>
    %swap3A_95 = vector.shape_cast %abs3A_89 : vector<16xf32> to vector<1x16xf32>
    tpu.vector_store %arg19[%swap3A_91, %swap3A_92], %swap3A_95 {strides = array<i32>} : memref<50x128xf32, #tpu.memory_space<vmem>>, vector<1x16xf32>,
    %get3A_96 = arith.constant 0 : i32
    %get3A_97 = arith.index_cast %get3A_96 : i32 to index
    %get3A_98 = arith.constant 96 : index
    %get3A_99 = tpu.vector_load %arg19[%get3A_97, %get3A_98] {strides = array<i32>} : memref<50x128xf32, #tpu.memory_space<vmem>>, vector<1x16xf32>,
    %get3A_100 = vector.shape_cast %get3A_99 : vector<1x16xf32> to vector<16xf32>
    %abs3A_101 = math.absf %get3A_100 : vector<16xf32>
    %swap3A_102 = arith.constant 0 : i32
    %swap3A_103 = arith.index_cast %swap3A_102 : i32 to index
    %swap3A_104 = arith.constant 96 : index
    %swap3A_105 = tpu.vector_load %arg19[%swap3A_103, %swap3A_104] {strides = array<i32>} : memref<50x128xf32, #tpu.memory_space<vmem>>, vector<1x16xf32>,
    %swap3A_106 = vector.shape_cast %swap3A_105 : vector<1x16xf32> to vector<16xf32>
    %swap3A_107 = vector.shape_cast %abs3A_101 : vector<16xf32> to vector<1x16xf32>
    tpu.vector_store %arg19[%swap3A_103, %swap3A_104], %swap3A_107 {strides = array<i32>} : memref<50x128xf32, #tpu.memory_space<vmem>>, vector<1x16xf32>,
    %get3A_108 = arith.constant 0 : i32
    %get3A_109 = arith.index_cast %get3A_108 : i32 to index
    %get3A_110 = arith.constant 112 : index
    %get3A_111 = tpu.vector_load %arg19[%get3A_109, %get3A_110] {strides = array<i32>} : memref<50x128xf32, #tpu.memory_space<vmem>>, vector<1x16xf32>,
    %get3A_112 = vector.shape_cast %get3A_111 : vector<1x16xf32> to vector<16xf32>
    %abs3A_113 = math.absf %get3A_112 : vector<16xf32>
    %swap3A_114 = arith.constant 0 : i32
    %swap3A_115 = arith.index_cast %swap3A_114 : i32 to index
    %swap3A_116 = arith.constant 112 : index
    %swap3A_117 = tpu.vector_load %arg19[%swap3A_115, %swap3A_116] {strides = array<i32>} : memref<50x128xf32, #tpu.memory_space<vmem>>, vector<1x16xf32>,
    %swap3A_118 = vector.shape_cast %swap3A_117 : vector<1x16xf32> to vector<16xf32>
    %swap3A_119 = vector.shape_cast %abs3A_113 : vector<16xf32> to vector<1x16xf32>
    tpu.vector_store %arg19[%swap3A_115, %swap3A_116], %swap3A_119 {strides = array<i32>} : memref<50x128xf32, #tpu.memory_space<vmem>>, vector<1x16xf32>,
    %scan3A = arith.constant 0 : i32
    %scan3A_120 = arith.constant 1 : i32
    %scan3A_121 = arith.constant 49 : i32
    %scan3A_122 = arith.addi %scan3A_120, %scan3A_121 : i32
    %scan3A_123 = arith.constant 1 : i32
    scf.for %scan3A_369 = %scan3A_120 to %scan3A_122 step %scan3A_123  : i32 {
      %get3A_370 = arith.index_cast %scan3A_369 : i32 to index
      %get3A_371 = arith.constant 0 : index
      %get3A_372 = tpu.vector_load %arg19[%get3A_370, %get3A_371] {strides = array<i32>} : memref<50x128xf32, #tpu.memory_space<vmem>>, vector<1x16xf32>,
      %get3A_373 = vector.shape_cast %get3A_372 : vector<1x16xf32> to vector<16xf32>
      %abs3A_374 = math.absf %get3A_373 : vector<16xf32>
      %sub3A = arith.constant 1 : i32
      %sub3A_375 = arith.subi %scan3A_369, %sub3A : i32
      %get3A_376 = arith.index_cast %sub3A_375 : i32 to index
      %get3A_377 = arith.constant 0 : index
      %get3A_378 = tpu.vector_load %arg19[%get3A_376, %get3A_377] {strides = array<i32>} : memref<50x128xf32, #tpu.memory_space<vmem>>, vector<1x16xf32>,
      %get3A_379 = vector.shape_cast %get3A_378 : vector<1x16xf32> to vector<16xf32>
      %add3A_380 = arith.addf %abs3A_374, %get3A_379 : vector<16xf32>
      %swap3A_381 = arith.index_cast %scan3A_369 : i32 to index
      %swap3A_382 = arith.constant 0 : index
      %swap3A_383 = tpu.vector_load %arg19[%swap3A_381, %swap3A_382] {strides = array<i32>} : memref<50x128xf32, #tpu.memory_space<vmem>>, vector<1x16xf32>,
      %swap3A_384 = vector.shape_cast %swap3A_383 : vector<1x16xf32> to vector<16xf32>
      %swap3A_385 = vector.shape_cast %add3A_380 : vector<16xf32> to vector<1x16xf32>
      tpu.vector_store %arg19[%swap3A_381, %swap3A_382], %swap3A_385 {strides = array<i32>} : memref<50x128xf32, #tpu.memory_space<vmem>>, vector<1x16xf32>,
      %get3A_386 = arith.index_cast %scan3A_369 : i32 to index
      %get3A_387 = arith.constant 16 : index
      %get3A_388 = tpu.vector_load %arg19[%get3A_386, %get3A_387] {strides = array<i32>} : memref<50x128xf32, #tpu.memory_space<vmem>>, vector<1x16xf32>,
      %get3A_389 = vector.shape_cast %get3A_388 : vector<1x16xf32> to vector<16xf32>
      %abs3A_390 = math.absf %get3A_389 : vector<16xf32>
      %sub3A_391 = arith.constant 1 : i32
      %sub3A_392 = arith.subi %scan3A_369, %sub3A_391 : i32
      %get3A_393 = arith.index_cast %sub3A_392 : i32 to index
      %get3A_394 = arith.constant 16 : index
      %get3A_395 = tpu.vector_load %arg19[%get3A_393, %get3A_394] {strides = array<i32>} : memref<50x128xf32, #tpu.memory_space<vmem>>, vector<1x16xf32>,
      %get3A_396 = vector.shape_cast %get3A_395 : vector<1x16xf32> to vector<16xf32>
      %add3A_397 = arith.addf %abs3A_390, %get3A_396 : vector<16xf32>
      %swap3A_398 = arith.index_cast %scan3A_369 : i32 to index
      %swap3A_399 = arith.constant 16 : index
      %swap3A_400 = tpu.vector_load %arg19[%swap3A_398, %swap3A_399] {strides = array<i32>} : memref<50x128xf32, #tpu.memory_space<vmem>>, vector<1x16xf32>,
      %swap3A_401 = vector.shape_cast %swap3A_400 : vector<1x16xf32> to vector<16xf32>
      %swap3A_402 = vector.shape_cast %add3A_397 : vector<16xf32> to vector<1x16xf32>
      tpu.vector_store %arg19[%swap3A_398, %swap3A_399], %swap3A_402 {strides = array<i32>} : memref<50x128xf32, #tpu.memory_space<vmem>>, vector<1x16xf32>,
      %get3A_403 = arith.index_cast %scan3A_369 : i32 to index
      %get3A_404 = arith.constant 32 : index
      %get3A_405 = tpu.vector_load %arg19[%get3A_403, %get3A_404] {strides = array<i32>} : memref<50x128xf32, #tpu.memory_space<vmem>>, vector<1x16xf32>,
      %get3A_406 = vector.shape_cast %get3A_405 : vector<1x16xf32> to vector<16xf32>
      %abs3A_407 = math.absf %get3A_406 : vector<16xf32>
      %sub3A_408 = arith.constant 1 : i32
      %sub3A_409 = arith.subi %scan3A_369, %sub3A_408 : i32
      %get3A_410 = arith.index_cast %sub3A_409 : i32 to index
      %get3A_411 = arith.constant 32 : index
      %get3A_412 = tpu.vector_load %arg19[%get3A_410, %get3A_411] {strides = array<i32>} : memref<50x128xf32, #tpu.memory_space<vmem>>, vector<1x16xf32>,
      %get3A_413 = vector.shape_cast %get3A_412 : vector<1x16xf32> to vector<16xf32>
      %add3A_414 = arith.addf %abs3A_407, %get3A_413 : vector<16xf32>
      %swap3A_415 = arith.index_cast %scan3A_369 : i32 to index
      %swap3A_416 = arith.constant 32 : index
      %swap3A_417 = tpu.vector_load %arg19[%swap3A_415, %swap3A_416] {strides = array<i32>} : memref<50x128xf32, #tpu.memory_space<vmem>>, vector<1x16xf32>,
      %swap3A_418 = vector.shape_cast %swap3A_417 : vector<1x16xf32> to vector<16xf32>
      %swap3A_419 = vector.shape_cast %add3A_414 : vector<16xf32> to vector<1x16xf32>
      tpu.vector_store %arg19[%swap3A_415, %swap3A_416], %swap3A_419 {strides = array<i32>} : memref<50x128xf32, #tpu.memory_space<vmem>>, vector<1x16xf32>,
      %get3A_420 = arith.index_cast %scan3A_369 : i32 to index
      %get3A_421 = arith.constant 48 : index
      %get3A_422 = tpu.vector_load %arg19[%get3A_420, %get3A_421] {strides = array<i32>} : memref<50x128xf32, #tpu.memory_space<vmem>>, vector<1x16xf32>,
      %get3A_423 = vector.shape_cast %get3A_422 : vector<1x16xf32> to vector<16xf32>
      %abs3A_424 = math.absf %get3A_423 : vector<16xf32>
      %sub3A_425 = arith.constant 1 : i32
      %sub3A_426 = arith.subi %scan3A_369, %sub3A_425 : i32
      %get3A_427 = arith.index_cast %sub3A_426 : i32 to index
      %get3A_428 = arith.constant 48 : index
      %get3A_429 = tpu.vector_load %arg19[%get3A_427, %get3A_428] {strides = array<i32>} : memref<50x128xf32, #tpu.memory_space<vmem>>, vector<1x16xf32>,
      %get3A_430 = vector.shape_cast %get3A_429 : vector<1x16xf32> to vector<16xf32>
      %add3A_431 = arith.addf %abs3A_424, %get3A_430 : vector<16xf32>
      %swap3A_432 = arith.index_cast %scan3A_369 : i32 to index
      %swap3A_433 = arith.constant 48 : index
      %swap3A_434 = tpu.vector_load %arg19[%swap3A_432, %swap3A_433] {strides = array<i32>} : memref<50x128xf32, #tpu.memory_space<vmem>>, vector<1x16xf32>,
      %swap3A_435 = vector.shape_cast %swap3A_434 : vector<1x16xf32> to vector<16xf32>
      %swap3A_436 = vector.shape_cast %add3A_431 : vector<16xf32> to vector<1x16xf32>
      tpu.vector_store %arg19[%swap3A_432, %swap3A_433], %swap3A_436 {strides = array<i32>} : memref<50x128xf32, #tpu.memory_space<vmem>>, vector<1x16xf32>,
      %get3A_437 = arith.index_cast %scan3A_369 : i32 to index
      %get3A_438 = arith.constant 64 : index
      %get3A_439 = tpu.vector_load %arg19[%get3A_437, %get3A_438] {strides = array<i32>} : memref<50x128xf32, #tpu.memory_space<vmem>>, vector<1x16xf32>,
      %get3A_440 = vector.shape_cast %get3A_439 : vector<1x16xf32> to vector<16xf32>
      %abs3A_441 = math.absf %get3A_440 : vector<16xf32>
      %sub3A_442 = arith.constant 1 : i32
      %sub3A_443 = arith.subi %scan3A_369, %sub3A_442 : i32
      %get3A_444 = arith.index_cast %sub3A_443 : i32 to index
      %get3A_445 = arith.constant 64 : index
      %get3A_446 = tpu.vector_load %arg19[%get3A_444, %get3A_445] {strides = array<i32>} : memref<50x128xf32, #tpu.memory_space<vmem>>, vector<1x16xf32>,
      %get3A_447 = vector.shape_cast %get3A_446 : vector<1x16xf32> to vector<16xf32>
      %add3A_448 = arith.addf %abs3A_441, %get3A_447 : vector<16xf32>
      %swap3A_449 = arith.index_cast %scan3A_369 : i32 to index
      %swap3A_450 = arith.constant 64 : index
      %swap3A_451 = tpu.vector_load %arg19[%swap3A_449, %swap3A_450] {strides = array<i32>} : memref<50x128xf32, #tpu.memory_space<vmem>>, vector<1x16xf32>,
      %swap3A_452 = vector.shape_cast %swap3A_451 : vector<1x16xf32> to vector<16xf32>
      %swap3A_453 = vector.shape_cast %add3A_448 : vector<16xf32> to vector<1x16xf32>
      tpu.vector_store %arg19[%swap3A_449, %swap3A_450], %swap3A_453 {strides = array<i32>} : memref<50x128xf32, #tpu.memory_space<vmem>>, vector<1x16xf32>,
      %get3A_454 = arith.index_cast %scan3A_369 : i32 to index
      %get3A_455 = arith.constant 80 : index
      %get3A_456 = tpu.vector_load %arg19[%get3A_454, %get3A_455] {strides = array<i32>} : memref<50x128xf32, #tpu.memory_space<vmem>>, vector<1x16xf32>,
      %get3A_457 = vector.shape_cast %get3A_456 : vector<1x16xf32> to vector<16xf32>
      %abs3A_458 = math.absf %get3A_457 : vector<16xf32>
      %sub3A_459 = arith.constant 1 : i32
      %sub3A_460 = arith.subi %scan3A_369, %sub3A_459 : i32
      %get3A_461 = arith.index_cast %sub3A_460 : i32 to index
      %get3A_462 = arith.constant 80 : index
      %get3A_463 = tpu.vector_load %arg19[%get3A_461, %get3A_462] {strides = array<i32>} : memref<50x128xf32, #tpu.memory_space<vmem>>, vector<1x16xf32>,
      %get3A_464 = vector.shape_cast %get3A_463 : vector<1x16xf32> to vector<16xf32>
      %add3A_465 = arith.addf %abs3A_458, %get3A_464 : vector<16xf32>
      %swap3A_466 = arith.index_cast %scan3A_369 : i32 to index
      %swap3A_467 = arith.constant 80 : index
      %swap3A_468 = tpu.vector_load %arg19[%swap3A_466, %swap3A_467] {strides = array<i32>} : memref<50x128xf32, #tpu.memory_space<vmem>>, vector<1x16xf32>,
      %swap3A_469 = vector.shape_cast %swap3A_468 : vector<1x16xf32> to vector<16xf32>
      %swap3A_470 = vector.shape_cast %add3A_465 : vector<16xf32> to vector<1x16xf32>
      tpu.vector_store %arg19[%swap3A_466, %swap3A_467], %swap3A_470 {strides = array<i32>} : memref<50x128xf32, #tpu.memory_space<vmem>>, vector<1x16xf32>,
      %get3A_471 = arith.index_cast %scan3A_369 : i32 to index
      %get3A_472 = arith.constant 96 : index
      %get3A_473 = tpu.vector_load %arg19[%get3A_471, %get3A_472] {strides = array<i32>} : memref<50x128xf32, #tpu.memory_space<vmem>>, vector<1x16xf32>,
      %get3A_474 = vector.shape_cast %get3A_473 : vector<1x16xf32> to vector<16xf32>
      %abs3A_475 = math.absf %get3A_474 : vector<16xf32>
      %sub3A_476 = arith.constant 1 : i32
      %sub3A_477 = arith.subi %scan3A_369, %sub3A_476 : i32
      %get3A_478 = arith.index_cast %sub3A_477 : i32 to index
      %get3A_479 = arith.constant 96 : index
      %get3A_480 = tpu.vector_load %arg19[%get3A_478, %get3A_479] {strides = array<i32>} : memref<50x128xf32, #tpu.memory_space<vmem>>, vector<1x16xf32>,
      %get3A_481 = vector.shape_cast %get3A_480 : vector<1x16xf32> to vector<16xf32>
      %add3A_482 = arith.addf %abs3A_475, %get3A_481 : vector<16xf32>
      %swap3A_483 = arith.index_cast %scan3A_369 : i32 to index
      %swap3A_484 = arith.constant 96 : index
      %swap3A_485 = tpu.vector_load %arg19[%swap3A_483, %swap3A_484] {strides = array<i32>} : memref<50x128xf32, #tpu.memory_space<vmem>>, vector<1x16xf32>,
      %swap3A_486 = vector.shape_cast %swap3A_485 : vector<1x16xf32> to vector<16xf32>
      %swap3A_487 = vector.shape_cast %add3A_482 : vector<16xf32> to vector<1x16xf32>
      tpu.vector_store %arg19[%swap3A_483, %swap3A_484], %swap3A_487 {strides = array<i32>} : memref<50x128xf32, #tpu.memory_space<vmem>>, vector<1x16xf32>,
      %get3A_488 = arith.index_cast %scan3A_369 : i32 to index
      %get3A_489 = arith.constant 112 : index
      %get3A_490 = tpu.vector_load %arg19[%get3A_488, %get3A_489] {strides = array<i32>} : memref<50x128xf32, #tpu.memory_space<vmem>>, vector<1x16xf32>,
      %get3A_491 = vector.shape_cast %get3A_490 : vector<1x16xf32> to vector<16xf32>
      %abs3A_492 = math.absf %get3A_491 : vector<16xf32>
      %sub3A_493 = arith.constant 1 : i32
      %sub3A_494 = arith.subi %scan3A_369, %sub3A_493 : i32
      %get3A_495 = arith.index_cast %sub3A_494 : i32 to index
      %get3A_496 = arith.constant 112 : index
      %get3A_497 = tpu.vector_load %arg19[%get3A_495, %get3A_496] {strides = array<i32>} : memref<50x128xf32, #tpu.memory_space<vmem>>, vector<1x16xf32>,
      %get3A_498 = vector.shape_cast %get3A_497 : vector<1x16xf32> to vector<16xf32>
      %add3A_499 = arith.addf %abs3A_492, %get3A_498 : vector<16xf32>
      %swap3A_500 = arith.index_cast %scan3A_369 : i32 to index
      %swap3A_501 = arith.constant 112 : index
      %swap3A_502 = tpu.vector_load %arg19[%swap3A_500, %swap3A_501] {strides = array<i32>} : memref<50x128xf32, #tpu.memory_space<vmem>>, vector<1x16xf32>,
      %swap3A_503 = vector.shape_cast %swap3A_502 : vector<1x16xf32> to vector<16xf32>
      %swap3A_504 = vector.shape_cast %add3A_499 : vector<16xf32> to vector<1x16xf32>
      tpu.vector_store %arg19[%swap3A_500, %swap3A_501], %swap3A_504 {strides = array<i32>} : memref<50x128xf32, #tpu.memory_space<vmem>>, vector<1x16xf32>,
    }
    %scan3A_124 = arith.constant 49 : i32
    %dma_start3A = arith.constant 0 : i32
    %dma_start3A_125 = arith.constant 0 : i32
    %dma_start3A_126 = arith.constant 0 : i32
    %dma_start3A_127 = arith.constant 0 : i32
    %dma_start3A_128 = tpu.memref_slice %arg21[%dma_start3A_125, %dma_start3A_126, %dma_start3A_127] : memref<2x32x128xf32, #tpu.memory_space<vmem>> -> memref<1x32x128xf32, #tpu.memory_space<vmem>>
    %dma_start3A_129 = tpu.memref_squeeze %dma_start3A_128 : memref<1x32x128xf32, #tpu.memory_space<vmem>> -> memref<32x128xf32, #tpu.memory_space<vmem>>
    %dma_start3A_130 = arith.constant 0 : i32
    %dma_start3A_131 = tpu.memref_slice %arg14[%dma_start3A, %dma_start3A_130] : memref<32x32xi32, #tpu.memory_space<vmem>> -> memref<1x32xi32, #tpu.memory_space<vmem>>
    %dma_start3A_132 = tpu.memref_squeeze %dma_start3A_131 : memref<1x32xi32, #tpu.memory_space<vmem>> -> memref<32xi32, #tpu.memory_space<vmem>>
    %dma_start3A_133 = arith.constant 0 : i32
    %dma_start3A_134 = arith.constant 0 : i32
    %dma_start3A_135 = tpu.memref_slice %arg7[%dma_start3A_133, %dma_start3A_134] : memref<100000x128xf32, #tpu.memory_space<hbm>> -> memref<100000x128xf32, #tpu.memory_space<hbm>>
    tpu.enqueue_indirect_dma source(%dma_start3A_135 : memref<100000x128xf32, #tpu.memory_space<hbm>>) target(%dma_start3A_129 : memref<32x128xf32, #tpu.memory_space<vmem>>) offsets(%dma_start3A_132 : memref<32xi32, #tpu.memory_space<vmem>>) semaphore(%arg27 : memref<!tpu.dma_semaphore, #tpu.memory_space<semaphore_mem>>)
    %dma_start3A_136 = arith.constant 0 : i32
    %dma_start3A_137 = arith.constant 0 : i32
    %dma_start3A_138 = arith.constant 0 : i32
    %dma_start3A_139 = arith.constant 0 : i32
    %dma_start3A_140 = tpu.memref_slice %arg22[%dma_start3A_137, %dma_start3A_138, %dma_start3A_139] : memref<2x32x128xf32, #tpu.memory_space<vmem>> -> memref<1x32x128xf32, #tpu.memory_space<vmem>>
    %dma_start3A_141 = tpu.memref_squeeze %dma_start3A_140 : memref<1x32x128xf32, #tpu.memory_space<vmem>> -> memref<32x128xf32, #tpu.memory_space<vmem>>
    %dma_start3A_142 = arith.constant 0 : i32
    %dma_start3A_143 = tpu.memref_slice %arg16[%dma_start3A_136, %dma_start3A_142] : memref<32x32xi32, #tpu.memory_space<vmem>> -> memref<1x32xi32, #tpu.memory_space<vmem>>
    %dma_start3A_144 = tpu.memref_squeeze %dma_start3A_143 : memref<1x32xi32, #tpu.memory_space<vmem>> -> memref<32xi32, #tpu.memory_space<vmem>>
    %dma_start3A_145 = arith.constant 0 : i32
    %dma_start3A_146 = arith.constant 0 : i32
    %dma_start3A_147 = tpu.memref_slice %arg7[%dma_start3A_145, %dma_start3A_146] : memref<100000x128xf32, #tpu.memory_space<hbm>> -> memref<100000x128xf32, #tpu.memory_space<hbm>>
    tpu.enqueue_indirect_dma source(%dma_start3A_147 : memref<100000x128xf32, #tpu.memory_space<hbm>>) target(%dma_start3A_141 : memref<32x128xf32, #tpu.memory_space<vmem>>) offsets(%dma_start3A_144 : memref<32xi32, #tpu.memory_space<vmem>>) semaphore(%arg27 : memref<!tpu.dma_semaphore, #tpu.memory_space<semaphore_mem>>)
    %dma_start3A_148 = arith.constant 0 : i32
    %dma_start3A_149 = arith.constant 0 : i32
    %dma_start3A_150 = arith.constant 0 : i32
    %dma_start3A_151 = arith.constant 0 : i32
    %dma_start3A_152 = tpu.memref_slice %arg23[%dma_start3A_149, %dma_start3A_150, %dma_start3A_151] : memref<2x32x128xf32, #tpu.memory_space<vmem>> -> memref<1x32x128xf32, #tpu.memory_space<vmem>>
    %dma_start3A_153 = tpu.memref_squeeze %dma_start3A_152 : memref<1x32x128xf32, #tpu.memory_space<vmem>> -> memref<32x128xf32, #tpu.memory_space<vmem>>
    %dma_start3A_154 = arith.constant 0 : i32
    %dma_start3A_155 = tpu.memref_slice %arg14[%dma_start3A_148, %dma_start3A_154] : memref<32x32xi32, #tpu.memory_space<vmem>> -> memref<1x32xi32, #tpu.memory_space<vmem>>
    %dma_start3A_156 = tpu.memref_squeeze %dma_start3A_155 : memref<1x32xi32, #tpu.memory_space<vmem>> -> memref<32xi32, #tpu.memory_space<vmem>>
    %dma_start3A_157 = arith.constant 0 : i32
    %dma_start3A_158 = arith.constant 0 : i32
    %dma_start3A_159 = tpu.memref_slice %arg10[%dma_start3A_157, %dma_start3A_158] : memref<1000x128xf32, #tpu.memory_space<hbm>> -> memref<1000x128xf32, #tpu.memory_space<hbm>>
    tpu.enqueue_indirect_dma source(%dma_start3A_159 : memref<1000x128xf32, #tpu.memory_space<hbm>>) target(%dma_start3A_153 : memref<32x128xf32, #tpu.memory_space<vmem>>) offsets(%dma_start3A_156 : memref<32xi32, #tpu.memory_space<vmem>>) semaphore(%arg27 : memref<!tpu.dma_semaphore, #tpu.memory_space<semaphore_mem>>)
    %dma_start3A_160 = arith.constant 0 : i32
    %dma_start3A_161 = arith.constant 0 : i32
    %dma_start3A_162 = arith.constant 0 : i32
    %dma_start3A_163 = arith.constant 0 : i32
    %dma_start3A_164 = tpu.memref_slice %arg24[%dma_start3A_161, %dma_start3A_162, %dma_start3A_163] : memref<2x32x128xf32, #tpu.memory_space<vmem>> -> memref<1x32x128xf32, #tpu.memory_space<vmem>>
    %dma_start3A_165 = tpu.memref_squeeze %dma_start3A_164 : memref<1x32x128xf32, #tpu.memory_space<vmem>> -> memref<32x128xf32, #tpu.memory_space<vmem>>
    %dma_start3A_166 = arith.constant 0 : i32
    %dma_start3A_167 = tpu.memref_slice %arg15[%dma_start3A_160, %dma_start3A_166] : memref<32x32xi32, #tpu.memory_space<vmem>> -> memref<1x32xi32, #tpu.memory_space<vmem>>
    %dma_start3A_168 = tpu.memref_squeeze %dma_start3A_167 : memref<1x32xi32, #tpu.memory_space<vmem>> -> memref<32xi32, #tpu.memory_space<vmem>>
    %dma_start3A_169 = arith.constant 0 : i32
    %dma_start3A_170 = arith.constant 0 : i32
    %dma_start3A_171 = tpu.memref_slice %arg8[%dma_start3A_169, %dma_start3A_170] : memref<100000x128xf32, #tpu.memory_space<hbm>> -> memref<100000x128xf32, #tpu.memory_space<hbm>>
    tpu.enqueue_indirect_dma source(%dma_start3A_171 : memref<100000x128xf32, #tpu.memory_space<hbm>>) target(%dma_start3A_165 : memref<32x128xf32, #tpu.memory_space<vmem>>) offsets(%dma_start3A_168 : memref<32xi32, #tpu.memory_space<vmem>>) semaphore(%arg27 : memref<!tpu.dma_semaphore, #tpu.memory_space<semaphore_mem>>)
    %dma_start3A_172 = arith.constant 0 : i32
    %dma_start3A_173 = arith.constant 0 : i32
    %dma_start3A_174 = arith.constant 0 : i32
    %dma_start3A_175 = arith.constant 0 : i32
    %dma_start3A_176 = tpu.memref_slice %arg25[%dma_start3A_173, %dma_start3A_174, %dma_start3A_175] : memref<2x32x128xf32, #tpu.memory_space<vmem>> -> memref<1x32x128xf32, #tpu.memory_space<vmem>>
    %dma_start3A_177 = tpu.memref_squeeze %dma_start3A_176 : memref<1x32x128xf32, #tpu.memory_space<vmem>> -> memref<32x128xf32, #tpu.memory_space<vmem>>
    %dma_start3A_178 = arith.constant 0 : i32
    %dma_start3A_179 = tpu.memref_slice %arg15[%dma_start3A_172, %dma_start3A_178] : memref<32x32xi32, #tpu.memory_space<vmem>> -> memref<1x32xi32, #tpu.memory_space<vmem>>
    %dma_start3A_180 = tpu.memref_squeeze %dma_start3A_179 : memref<1x32xi32, #tpu.memory_space<vmem>> -> memref<32xi32, #tpu.memory_space<vmem>>
    %dma_start3A_181 = arith.constant 0 : i32
    %dma_start3A_182 = arith.constant 0 : i32
    %dma_start3A_183 = tpu.memref_slice %arg9[%dma_start3A_181, %dma_start3A_182] : memref<1000x128xf32, #tpu.memory_space<hbm>> -> memref<1000x128xf32, #tpu.memory_space<hbm>>
    tpu.enqueue_indirect_dma source(%dma_start3A_183 : memref<1000x128xf32, #tpu.memory_space<hbm>>) target(%dma_start3A_177 : memref<32x128xf32, #tpu.memory_space<vmem>>) offsets(%dma_start3A_180 : memref<32xi32, #tpu.memory_space<vmem>>) semaphore(%arg27 : memref<!tpu.dma_semaphore, #tpu.memory_space<semaphore_mem>>)
    %dma_start3A_184 = arith.constant 1 : i32
    %dma_start3A_185 = arith.constant 1 : i32
    %dma_start3A_186 = arith.constant 0 : i32
    %dma_start3A_187 = arith.constant 0 : i32
    %dma_start3A_188 = tpu.memref_slice %arg21[%dma_start3A_185, %dma_start3A_186, %dma_start3A_187] : memref<2x32x128xf32, #tpu.memory_space<vmem>> -> memref<1x32x128xf32, #tpu.memory_space<vmem>>
    %dma_start3A_189 = tpu.memref_squeeze %dma_start3A_188 : memref<1x32x128xf32, #tpu.memory_space<vmem>> -> memref<32x128xf32, #tpu.memory_space<vmem>>
    %dma_start3A_190 = arith.constant 0 : i32
    %dma_start3A_191 = tpu.memref_slice %arg14[%dma_start3A_184, %dma_start3A_190] : memref<32x32xi32, #tpu.memory_space<vmem>> -> memref<1x32xi32, #tpu.memory_space<vmem>>
    %dma_start3A_192 = tpu.memref_squeeze %dma_start3A_191 : memref<1x32xi32, #tpu.memory_space<vmem>> -> memref<32xi32, #tpu.memory_space<vmem>>
    %dma_start3A_193 = arith.constant 0 : i32
    %dma_start3A_194 = arith.constant 0 : i32
    %dma_start3A_195 = tpu.memref_slice %arg7[%dma_start3A_193, %dma_start3A_194] : memref<100000x128xf32, #tpu.memory_space<hbm>> -> memref<100000x128xf32, #tpu.memory_space<hbm>>
    tpu.enqueue_indirect_dma source(%dma_start3A_195 : memref<100000x128xf32, #tpu.memory_space<hbm>>) target(%dma_start3A_189 : memref<32x128xf32, #tpu.memory_space<vmem>>) offsets(%dma_start3A_192 : memref<32xi32, #tpu.memory_space<vmem>>) semaphore(%arg28 : memref<!tpu.dma_semaphore, #tpu.memory_space<semaphore_mem>>)
    %dma_start3A_196 = arith.constant 1 : i32
    %dma_start3A_197 = arith.constant 1 : i32
    %dma_start3A_198 = arith.constant 0 : i32
    %dma_start3A_199 = arith.constant 0 : i32
    %dma_start3A_200 = tpu.memref_slice %arg22[%dma_start3A_197, %dma_start3A_198, %dma_start3A_199] : memref<2x32x128xf32, #tpu.memory_space<vmem>> -> memref<1x32x128xf32, #tpu.memory_space<vmem>>
    %dma_start3A_201 = tpu.memref_squeeze %dma_start3A_200 : memref<1x32x128xf32, #tpu.memory_space<vmem>> -> memref<32x128xf32, #tpu.memory_space<vmem>>
    %dma_start3A_202 = arith.constant 0 : i32
    %dma_start3A_203 = tpu.memref_slice %arg16[%dma_start3A_196, %dma_start3A_202] : memref<32x32xi32, #tpu.memory_space<vmem>> -> memref<1x32xi32, #tpu.memory_space<vmem>>
    %dma_start3A_204 = tpu.memref_squeeze %dma_start3A_203 : memref<1x32xi32, #tpu.memory_space<vmem>> -> memref<32xi32, #tpu.memory_space<vmem>>
    %dma_start3A_205 = arith.constant 0 : i32
    %dma_start3A_206 = arith.constant 0 : i32
    %dma_start3A_207 = tpu.memref_slice %arg7[%dma_start3A_205, %dma_start3A_206] : memref<100000x128xf32, #tpu.memory_space<hbm>> -> memref<100000x128xf32, #tpu.memory_space<hbm>>
    tpu.enqueue_indirect_dma source(%dma_start3A_207 : memref<100000x128xf32, #tpu.memory_space<hbm>>) target(%dma_start3A_201 : memref<32x128xf32, #tpu.memory_space<vmem>>) offsets(%dma_start3A_204 : memref<32xi32, #tpu.memory_space<vmem>>) semaphore(%arg28 : memref<!tpu.dma_semaphore, #tpu.memory_space<semaphore_mem>>)
    %dma_start3A_208 = arith.constant 1 : i32
    %dma_start3A_209 = arith.constant 1 : i32
    %dma_start3A_210 = arith.constant 0 : i32
    %dma_start3A_211 = arith.constant 0 : i32
    %dma_start3A_212 = tpu.memref_slice %arg23[%dma_start3A_209, %dma_start3A_210, %dma_start3A_211] : memref<2x32x128xf32, #tpu.memory_space<vmem>> -> memref<1x32x128xf32, #tpu.memory_space<vmem>>
    %dma_start3A_213 = tpu.memref_squeeze %dma_start3A_212 : memref<1x32x128xf32, #tpu.memory_space<vmem>> -> memref<32x128xf32, #tpu.memory_space<vmem>>
    %dma_start3A_214 = arith.constant 0 : i32
    %dma_start3A_215 = tpu.memref_slice %arg14[%dma_start3A_208, %dma_start3A_214] : memref<32x32xi32, #tpu.memory_space<vmem>> -> memref<1x32xi32, #tpu.memory_space<vmem>>
    %dma_start3A_216 = tpu.memref_squeeze %dma_start3A_215 : memref<1x32xi32, #tpu.memory_space<vmem>> -> memref<32xi32, #tpu.memory_space<vmem>>
    %dma_start3A_217 = arith.constant 0 : i32
    %dma_start3A_218 = arith.constant 0 : i32
    %dma_start3A_219 = tpu.memref_slice %arg10[%dma_start3A_217, %dma_start3A_218] : memref<1000x128xf32, #tpu.memory_space<hbm>> -> memref<1000x128xf32, #tpu.memory_space<hbm>>
    tpu.enqueue_indirect_dma source(%dma_start3A_219 : memref<1000x128xf32, #tpu.memory_space<hbm>>) target(%dma_start3A_213 : memref<32x128xf32, #tpu.memory_space<vmem>>) offsets(%dma_start3A_216 : memref<32xi32, #tpu.memory_space<vmem>>) semaphore(%arg28 : memref<!tpu.dma_semaphore, #tpu.memory_space<semaphore_mem>>)
    %dma_start3A_220 = arith.constant 1 : i32
    %dma_start3A_221 = arith.constant 1 : i32
    %dma_start3A_222 = arith.constant 0 : i32
    %dma_start3A_223 = arith.constant 0 : i32
    %dma_start3A_224 = tpu.memref_slice %arg24[%dma_start3A_221, %dma_start3A_222, %dma_start3A_223] : memref<2x32x128xf32, #tpu.memory_space<vmem>> -> memref<1x32x128xf32, #tpu.memory_space<vmem>>
    %dma_start3A_225 = tpu.memref_squeeze %dma_start3A_224 : memref<1x32x128xf32, #tpu.memory_space<vmem>> -> memref<32x128xf32, #tpu.memory_space<vmem>>
    %dma_start3A_226 = arith.constant 0 : i32
    %dma_start3A_227 = tpu.memref_slice %arg15[%dma_start3A_220, %dma_start3A_226] : memref<32x32xi32, #tpu.memory_space<vmem>> -> memref<1x32xi32, #tpu.memory_space<vmem>>
    %dma_start3A_228 = tpu.memref_squeeze %dma_start3A_227 : memref<1x32xi32, #tpu.memory_space<vmem>> -> memref<32xi32, #tpu.memory_space<vmem>>
    %dma_start3A_229 = arith.constant 0 : i32
    %dma_start3A_230 = arith.constant 0 : i32
    %dma_start3A_231 = tpu.memref_slice %arg8[%dma_start3A_229, %dma_start3A_230] : memref<100000x128xf32, #tpu.memory_space<hbm>> -> memref<100000x128xf32, #tpu.memory_space<hbm>>
    tpu.enqueue_indirect_dma source(%dma_start3A_231 : memref<100000x128xf32, #tpu.memory_space<hbm>>) target(%dma_start3A_225 : memref<32x128xf32, #tpu.memory_space<vmem>>) offsets(%dma_start3A_228 : memref<32xi32, #tpu.memory_space<vmem>>) semaphore(%arg28 : memref<!tpu.dma_semaphore, #tpu.memory_space<semaphore_mem>>)
    %dma_start3A_232 = arith.constant 1 : i32
    %dma_start3A_233 = arith.constant 1 : i32
    %dma_start3A_234 = arith.constant 0 : i32
    %dma_start3A_235 = arith.constant 0 : i32
    %dma_start3A_236 = tpu.memref_slice %arg25[%dma_start3A_233, %dma_start3A_234, %dma_start3A_235] : memref<2x32x128xf32, #tpu.memory_space<vmem>> -> memref<1x32x128xf32, #tpu.memory_space<vmem>>
    %dma_start3A_237 = tpu.memref_squeeze %dma_start3A_236 : memref<1x32x128xf32, #tpu.memory_space<vmem>> -> memref<32x128xf32, #tpu.memory_space<vmem>>
    %dma_start3A_238 = arith.constant 0 : i32
    %dma_start3A_239 = tpu.memref_slice %arg15[%dma_start3A_232, %dma_start3A_238] : memref<32x32xi32, #tpu.memory_space<vmem>> -> memref<1x32xi32, #tpu.memory_space<vmem>>
    %dma_start3A_240 = tpu.memref_squeeze %dma_start3A_239 : memref<1x32xi32, #tpu.memory_space<vmem>> -> memref<32xi32, #tpu.memory_space<vmem>>
    %dma_start3A_241 = arith.constant 0 : i32
    %dma_start3A_242 = arith.constant 0 : i32
    %dma_start3A_243 = tpu.memref_slice %arg9[%dma_start3A_241, %dma_start3A_242] : memref<1000x128xf32, #tpu.memory_space<hbm>> -> memref<1000x128xf32, #tpu.memory_space<hbm>>
    tpu.enqueue_indirect_dma source(%dma_start3A_243 : memref<1000x128xf32, #tpu.memory_space<hbm>>) target(%dma_start3A_237 : memref<32x128xf32, #tpu.memory_space<vmem>>) offsets(%dma_start3A_240 : memref<32xi32, #tpu.memory_space<vmem>>) semaphore(%arg28 : memref<!tpu.dma_semaphore, #tpu.memory_space<semaphore_mem>>)
    %scan3A_244 = arith.constant 0 : i32
    %scan3A_245 = arith.constant 0 : i32
    %scan3A_246 = arith.constant 16 : i32
    %scan3A_247 = arith.addi %scan3A_245, %scan3A_246 : i32
    %scan3A_248 = arith.constant 1 : i32
    scf.for %scan3A_369 = %scan3A_245 to %scan3A_247 step %scan3A_248  : i32 {
      %mul3A_370 = arith.constant 2 : i32
      %mul3A_371 = arith.muli %mul3A_370, %scan3A_369 : i32
      %add3A_372 = arith.constant 0 : i32
      %add3A_373 = arith.addi %mul3A_371, %add3A_372 : i32
      %dma_wait3A_374 = arith.constant 0 : i32
      %dma_wait3A_375 = arith.constant 0 : i32
      %dma_wait3A_376 = arith.constant 0 : i32
      %dma_wait3A_377 = tpu.memref_slice %arg21[%dma_wait3A_374, %dma_wait3A_375, %dma_wait3A_376] : memref<2x32x128xf32, #tpu.memory_space<vmem>> -> memref<1x32x128xf32, #tpu.memory_space<vmem>>
      %dma_wait3A_378 = tpu.memref_squeeze %dma_wait3A_377 : memref<1x32x128xf32, #tpu.memory_space<vmem>> -> memref<32x128xf32, #tpu.memory_space<vmem>>
      %dma_wait3A_379 = arith.constant 0 : i32
      %dma_wait3A_380 = tpu.memref_slice %arg14[%add3A_373, %dma_wait3A_379] : memref<32x32xi32, #tpu.memory_space<vmem>> -> memref<1x32xi32, #tpu.memory_space<vmem>>
      %dma_wait3A_381 = tpu.memref_squeeze %dma_wait3A_380 : memref<1x32xi32, #tpu.memory_space<vmem>> -> memref<32xi32, #tpu.memory_space<vmem>>
      %dma_wait3A_382 = arith.constant 0 : i32
      %dma_wait3A_383 = arith.constant 0 : i32
      %dma_wait3A_384 = tpu.memref_slice %arg7[%dma_wait3A_382, %dma_wait3A_383] : memref<100000x128xf32, #tpu.memory_space<hbm>> -> memref<100000x128xf32, #tpu.memory_space<hbm>>
      tpu.wait_indirect_dma semaphore(%arg27 : memref<!tpu.dma_semaphore, #tpu.memory_space<semaphore_mem>>) src(%dma_wait3A_384 : memref<100000x128xf32, #tpu.memory_space<hbm>>) dst(%dma_wait3A_378 : memref<32x128xf32, #tpu.memory_space<vmem>>)
      %dma_wait3A_385 = arith.constant 0 : i32
      %dma_wait3A_386 = arith.constant 0 : i32
      %dma_wait3A_387 = arith.constant 0 : i32
      %dma_wait3A_388 = tpu.memref_slice %arg22[%dma_wait3A_385, %dma_wait3A_386, %dma_wait3A_387] : memref<2x32x128xf32, #tpu.memory_space<vmem>> -> memref<1x32x128xf32, #tpu.memory_space<vmem>>
      %dma_wait3A_389 = tpu.memref_squeeze %dma_wait3A_388 : memref<1x32x128xf32, #tpu.memory_space<vmem>> -> memref<32x128xf32, #tpu.memory_space<vmem>>
      %dma_wait3A_390 = arith.constant 0 : i32
      %dma_wait3A_391 = tpu.memref_slice %arg16[%add3A_373, %dma_wait3A_390] : memref<32x32xi32, #tpu.memory_space<vmem>> -> memref<1x32xi32, #tpu.memory_space<vmem>>
      %dma_wait3A_392 = tpu.memref_squeeze %dma_wait3A_391 : memref<1x32xi32, #tpu.memory_space<vmem>> -> memref<32xi32, #tpu.memory_space<vmem>>
      %dma_wait3A_393 = arith.constant 0 : i32
      %dma_wait3A_394 = arith.constant 0 : i32
      %dma_wait3A_395 = tpu.memref_slice %arg7[%dma_wait3A_393, %dma_wait3A_394] : memref<100000x128xf32, #tpu.memory_space<hbm>> -> memref<100000x128xf32, #tpu.memory_space<hbm>>
      tpu.wait_indirect_dma semaphore(%arg27 : memref<!tpu.dma_semaphore, #tpu.memory_space<semaphore_mem>>) src(%dma_wait3A_395 : memref<100000x128xf32, #tpu.memory_space<hbm>>) dst(%dma_wait3A_389 : memref<32x128xf32, #tpu.memory_space<vmem>>)
      %dma_wait3A_396 = arith.constant 0 : i32
      %dma_wait3A_397 = arith.constant 0 : i32
      %dma_wait3A_398 = arith.constant 0 : i32
      %dma_wait3A_399 = tpu.memref_slice %arg23[%dma_wait3A_396, %dma_wait3A_397, %dma_wait3A_398] : memref<2x32x128xf32, #tpu.memory_space<vmem>> -> memref<1x32x128xf32, #tpu.memory_space<vmem>>
      %dma_wait3A_400 = tpu.memref_squeeze %dma_wait3A_399 : memref<1x32x128xf32, #tpu.memory_space<vmem>> -> memref<32x128xf32, #tpu.memory_space<vmem>>
      %dma_wait3A_401 = arith.constant 0 : i32
      %dma_wait3A_402 = tpu.memref_slice %arg14[%add3A_373, %dma_wait3A_401] : memref<32x32xi32, #tpu.memory_space<vmem>> -> memref<1x32xi32, #tpu.memory_space<vmem>>
      %dma_wait3A_403 = tpu.memref_squeeze %dma_wait3A_402 : memref<1x32xi32, #tpu.memory_space<vmem>> -> memref<32xi32, #tpu.memory_space<vmem>>
      %dma_wait3A_404 = arith.constant 0 : i32
      %dma_wait3A_405 = arith.constant 0 : i32
      %dma_wait3A_406 = tpu.memref_slice %arg10[%dma_wait3A_404, %dma_wait3A_405] : memref<1000x128xf32, #tpu.memory_space<hbm>> -> memref<1000x128xf32, #tpu.memory_space<hbm>>
      tpu.wait_indirect_dma semaphore(%arg27 : memref<!tpu.dma_semaphore, #tpu.memory_space<semaphore_mem>>) src(%dma_wait3A_406 : memref<1000x128xf32, #tpu.memory_space<hbm>>) dst(%dma_wait3A_400 : memref<32x128xf32, #tpu.memory_space<vmem>>)
      %dma_wait3A_407 = arith.constant 0 : i32
      %dma_wait3A_408 = arith.constant 0 : i32
      %dma_wait3A_409 = arith.constant 0 : i32
      %dma_wait3A_410 = tpu.memref_slice %arg24[%dma_wait3A_407, %dma_wait3A_408, %dma_wait3A_409] : memref<2x32x128xf32, #tpu.memory_space<vmem>> -> memref<1x32x128xf32, #tpu.memory_space<vmem>>
      %dma_wait3A_411 = tpu.memref_squeeze %dma_wait3A_410 : memref<1x32x128xf32, #tpu.memory_space<vmem>> -> memref<32x128xf32, #tpu.memory_space<vmem>>
      %dma_wait3A_412 = arith.constant 0 : i32
      %dma_wait3A_413 = tpu.memref_slice %arg15[%add3A_373, %dma_wait3A_412] : memref<32x32xi32, #tpu.memory_space<vmem>> -> memref<1x32xi32, #tpu.memory_space<vmem>>
      %dma_wait3A_414 = tpu.memref_squeeze %dma_wait3A_413 : memref<1x32xi32, #tpu.memory_space<vmem>> -> memref<32xi32, #tpu.memory_space<vmem>>
      %dma_wait3A_415 = arith.constant 0 : i32
      %dma_wait3A_416 = arith.constant 0 : i32
      %dma_wait3A_417 = tpu.memref_slice %arg8[%dma_wait3A_415, %dma_wait3A_416] : memref<100000x128xf32, #tpu.memory_space<hbm>> -> memref<100000x128xf32, #tpu.memory_space<hbm>>
      tpu.wait_indirect_dma semaphore(%arg27 : memref<!tpu.dma_semaphore, #tpu.memory_space<semaphore_mem>>) src(%dma_wait3A_417 : memref<100000x128xf32, #tpu.memory_space<hbm>>) dst(%dma_wait3A_411 : memref<32x128xf32, #tpu.memory_space<vmem>>)
      %dma_wait3A_418 = arith.constant 0 : i32
      %dma_wait3A_419 = arith.constant 0 : i32
      %dma_wait3A_420 = arith.constant 0 : i32
      %dma_wait3A_421 = tpu.memref_slice %arg25[%dma_wait3A_418, %dma_wait3A_419, %dma_wait3A_420] : memref<2x32x128xf32, #tpu.memory_space<vmem>> -> memref<1x32x128xf32, #tpu.memory_space<vmem>>
      %dma_wait3A_422 = tpu.memref_squeeze %dma_wait3A_421 : memref<1x32x128xf32, #tpu.memory_space<vmem>> -> memref<32x128xf32, #tpu.memory_space<vmem>>
      %dma_wait3A_423 = arith.constant 0 : i32
      %dma_wait3A_424 = tpu.memref_slice %arg15[%add3A_373, %dma_wait3A_423] : memref<32x32xi32, #tpu.memory_space<vmem>> -> memref<1x32xi32, #tpu.memory_space<vmem>>
      %dma_wait3A_425 = tpu.memref_squeeze %dma_wait3A_424 : memref<1x32xi32, #tpu.memory_space<vmem>> -> memref<32xi32, #tpu.memory_space<vmem>>
      %dma_wait3A_426 = arith.constant 0 : i32
      %dma_wait3A_427 = arith.constant 0 : i32
      %dma_wait3A_428 = tpu.memref_slice %arg9[%dma_wait3A_426, %dma_wait3A_427] : memref<1000x128xf32, #tpu.memory_space<hbm>> -> memref<1000x128xf32, #tpu.memory_space<hbm>>
      tpu.wait_indirect_dma semaphore(%arg27 : memref<!tpu.dma_semaphore, #tpu.memory_space<semaphore_mem>>) src(%dma_wait3A_428 : memref<1000x128xf32, #tpu.memory_space<hbm>>) dst(%dma_wait3A_422 : memref<32x128xf32, #tpu.memory_space<vmem>>)
      %scan3A_429 = arith.constant 0 : i32
      %scan3A_430 = arith.constant 0 : i32
      %scan3A_431 = arith.constant 0 : i32
      %scan3A_432 = arith.constant 0 : i32
      %scan3A_433 = arith.constant 0 : i32
      %scan3A_434 = arith.constant 0 : i32
      %scan3A_435 = arith.constant 0 : i32
      %scan3A_436 = arith.constant 2 : i32
      %scan3A_437 = arith.addi %scan3A_435, %scan3A_436 : i32
      %scan3A_438 = arith.constant 1 : i32
      scf.for %scan3A_627 = %scan3A_435 to %scan3A_437 step %scan3A_438  : i32 {
        %broadcast_in_dim3A_628 = arith.constant 0.000000e+00 : f32
        %broadcast_in_dim3A_629 = vector.broadcast %broadcast_in_dim3A_628 : f32 to vector<16xf32>
        %scan3A_630 = arith.constant 0 : i32
        %scan3A_631 = arith.constant 16 : i32
        %scan3A_632 = arith.addi %scan3A_630, %scan3A_631 : i32
        %scan3A_633 = arith.constant 1 : i32
        %scan3A_634:2 = scf.for %scan3A_682 = %scan3A_630 to %scan3A_632 step %scan3A_633 iter_args(%scan3A_683 = %broadcast_in_dim3A_629, %scan3A_684 = %broadcast_in_dim3A_629) -> (vector<16xf32>, vector<16xf32>)  : i32 {
          %mul3A_685 = arith.constant 16 : i32
          %mul3A_686 = arith.muli %scan3A_627, %mul3A_685 : i32
          %add3A_687 = arith.addi %mul3A_686, %scan3A_682 : i32
          %mul3A_688 = arith.constant 32 : i32
          %mul3A_689 = arith.muli %add3A_373, %mul3A_688 : i32
          %add3A_690 = arith.addi %mul3A_689, %add3A_687 : i32
          %get3A_691 = arith.index_cast %add3A_690 : i32 to index
          %get3A_692 = tpu.vector_load %arg17[%get3A_691] {strides = array<i32>} : memref<1040xi32, #tpu.memory_space<vmem>>, vector<16xi32>,
          %get3A_693 = vector.shape_cast %get3A_692 : vector<16xi32> to vector<16xi32>
          %slice3A = vector.extract_strided_slice %get3A_693 {offsets = [0], sizes = [1], strides = [1]} : vector<16xi32> to vector<1xi32>
          %squeeze3A = vector.extract %slice3A[0] : i32 from vector<1xi32>
          %get3A_694 = arith.index_cast %add3A_690 : i32 to index
          %get3A_695 = tpu.vector_load %arg18[%get3A_694] {strides = array<i32>} : memref<1040xi32, #tpu.memory_space<vmem>>, vector<16xi32>,
          %get3A_696 = vector.shape_cast %get3A_695 : vector<16xi32> to vector<16xi32>
          %slice3A_697 = vector.extract_strided_slice %get3A_696 {offsets = [0], sizes = [1], strides = [1]} : vector<16xi32> to vector<1xi32>
          %squeeze3A_698 = vector.extract %slice3A_697[0] : i32 from vector<1xi32>
          %broadcast_in_dim3A_699 = arith.constant 0.000000e+00 : f32
          %broadcast_in_dim3A_700 = vector.broadcast %broadcast_in_dim3A_699 : f32 to vector<16xf32>
          %broadcast_in_dim3A_701 = arith.constant 0.000000e+00 : f32
          %broadcast_in_dim3A_702 = vector.broadcast %broadcast_in_dim3A_701 : f32 to vector<16xf32>
          %get3A_703 = arith.constant 0 : i32
          %get3A_704 = arith.constant 0 : i32
          %get3A_705 = tpu.memref_slice %arg21[%scan3A_430, %get3A_703, %get3A_704] : memref<2x32x128xf32, #tpu.memory_space<vmem>> -> memref<1x32x128xf32, #tpu.memory_space<vmem>>
          %get3A_706 = tpu.memref_squeeze %get3A_705 : memref<1x32x128xf32, #tpu.memory_space<vmem>> -> memref<32x128xf32, #tpu.memory_space<vmem>>
          %get3A_707 = arith.index_cast %add3A_687 : i32 to index
          %get3A_708 = arith.constant 0 : index
          %get3A_709 = tpu.vector_load %get3A_706[%get3A_707, %get3A_708] {strides = array<i32>} : memref<32x128xf32, #tpu.memory_space<vmem>>, vector<1x16xf32>,
          %get3A_710 = vector.shape_cast %get3A_709 : vector<1x16xf32> to vector<16xf32>
          %get3A_711 = arith.constant 0 : i32
          %get3A_712 = arith.constant 0 : i32
          %get3A_713 = tpu.memref_slice %arg22[%scan3A_431, %get3A_711, %get3A_712] : memref<2x32x128xf32, #tpu.memory_space<vmem>> -> memref<1x32x128xf32, #tpu.memory_space<vmem>>
          %get3A_714 = tpu.memref_squeeze %get3A_713 : memref<1x32x128xf32, #tpu.memory_space<vmem>> -> memref<32x128xf32, #tpu.memory_space<vmem>>
          %get3A_715 = arith.index_cast %add3A_687 : i32 to index
          %get3A_716 = arith.constant 0 : index
          %get3A_717 = tpu.vector_load %get3A_714[%get3A_715, %get3A_716] {strides = array<i32>} : memref<32x128xf32, #tpu.memory_space<vmem>>, vector<1x16xf32>,
          %get3A_718 = vector.shape_cast %get3A_717 : vector<1x16xf32> to vector<16xf32>
          %get3A_719 = arith.index_cast %squeeze3A : i32 to index
          %get3A_720 = arith.constant 0 : index
          %get3A_721 = tpu.vector_load %arg20[%get3A_719, %get3A_720] {strides = array<i32>} : memref<365x128xf32, #tpu.memory_space<vmem>>, vector<1x16xf32>,
          %get3A_722 = vector.shape_cast %get3A_721 : vector<1x16xf32> to vector<16xf32>
          %get3A_723 = arith.index_cast %squeeze3A_698 : i32 to index
          %get3A_724 = arith.constant 0 : index
          %get3A_725 = tpu.vector_load %arg19[%get3A_723, %get3A_724] {strides = array<i32>} : memref<50x128xf32, #tpu.memory_space<vmem>>, vector<1x16xf32>,
          %get3A_726 = vector.shape_cast %get3A_725 : vector<1x16xf32> to vector<16xf32>
          %sub3A_727 = arith.subf %get3A_710, %get3A_718 : vector<16xf32>
          %add3A_728 = arith.constant 1.000000e+00 : f32
          %add3A_729 = vector.broadcast %add3A_728 : f32 to vector<16xf32>
          %add3A_730 = arith.addf %get3A_722, %add3A_729 : vector<16xf32>
          %mul3A_731 = arith.mulf %sub3A_727, %add3A_730 : vector<16xf32>
          %get3A_732 = arith.constant 0 : i32
          %get3A_733 = arith.constant 0 : i32
          %get3A_734 = tpu.memref_slice %arg24[%scan3A_432, %get3A_732, %get3A_733] : memref<2x32x128xf32, #tpu.memory_space<vmem>> -> memref<1x32x128xf32, #tpu.memory_space<vmem>>
          %get3A_735 = tpu.memref_squeeze %get3A_734 : memref<1x32x128xf32, #tpu.memory_space<vmem>> -> memref<32x128xf32, #tpu.memory_space<vmem>>
          %get3A_736 = arith.index_cast %add3A_687 : i32 to index
          %get3A_737 = arith.constant 0 : index
          %get3A_738 = tpu.vector_load %get3A_735[%get3A_736, %get3A_737] {strides = array<i32>} : memref<32x128xf32, #tpu.memory_space<vmem>>, vector<1x16xf32>,
          %get3A_739 = vector.shape_cast %get3A_738 : vector<1x16xf32> to vector<16xf32>
          %add3A_740 = arith.addf %mul3A_731, %get3A_739 : vector<16xf32>
          %mul3A_741 = arith.constant 2.500000e-01 : f32
          %mul3A_742 = vector.broadcast %mul3A_741 : f32 to vector<16xf32>
          %mul3A_743 = arith.mulf %add3A_740, %mul3A_742 : vector<16xf32>
          %add3A_744 = arith.constant 0x4B400000 : f32
          %add3A_745 = vector.broadcast %add3A_744 : f32 to vector<16xf32>
          %add3A_746 = arith.addf %mul3A_743, %add3A_745 : vector<16xf32>
          %sub3A_747 = arith.constant 0x4B400000 : f32
          %sub3A_748 = vector.broadcast %sub3A_747 : f32 to vector<16xf32>
          %sub3A_749 = arith.subf %add3A_746, %sub3A_748 : vector<16xf32>
          %mul3A_750 = arith.constant 4.000000e+00 : f32
          %mul3A_751 = vector.broadcast %mul3A_750 : f32 to vector<16xf32>
          %mul3A_752 = arith.mulf %sub3A_749, %mul3A_751 : vector<16xf32>
          %sub3A_753 = arith.subf %add3A_740, %mul3A_752 : vector<16xf32>
          %abs3A_754 = math.absf %sub3A_753 : vector<16xf32>
          %sub3A_755 = arith.constant 2.000000e+00 : f32
          %sub3A_756 = vector.broadcast %sub3A_755 : f32 to vector<16xf32>
          %sub3A_757 = arith.subf %sub3A_756, %abs3A_754 : vector<16xf32>
          %min3A_758 = arith.minimumf %abs3A_754, %sub3A_757 : vector<16xf32>
          %mul3A_759 = arith.mulf %min3A_758, %min3A_758 : vector<16xf32>
          %mul3A_760 = arith.constant -4.333140e-03 : f32
          %mul3A_761 = vector.broadcast %mul3A_760 : f32 to vector<16xf32>
          %mul3A_762 = arith.mulf %mul3A_761, %mul3A_759 : vector<16xf32>
          %add3A_763 = arith.constant 0.0794344097 : f32
          %add3A_764 = vector.broadcast %add3A_763 : f32 to vector<16xf32>
          %add3A_765 = arith.addf %mul3A_762, %add3A_764 : vector<16xf32>
          %mul3A_766 = arith.mulf %add3A_765, %mul3A_759 : vector<16xf32>
          %add3A_767 = arith.constant -0.645892859 : f32
          %add3A_768 = vector.broadcast %add3A_767 : f32 to vector<16xf32>
          %add3A_769 = arith.addf %mul3A_766, %add3A_768 : vector<16xf32>
          %mul3A_770 = arith.mulf %add3A_769, %mul3A_759 : vector<16xf32>
          %add3A_771 = arith.constant 1.57079101 : f32
          %add3A_772 = vector.broadcast %add3A_771 : f32 to vector<16xf32>
          %add3A_773 = arith.addf %mul3A_770, %add3A_772 : vector<16xf32>
          %mul3A_774 = arith.mulf %min3A_758, %add3A_773 : vector<16xf32>
          %add3A_775 = arith.addf %broadcast_in_dim3A_700, %mul3A_774 : vector<16xf32>
          %get3A_776 = arith.constant 0 : i32
          %get3A_777 = arith.constant 0 : i32
          %get3A_778 = tpu.memref_slice %arg23[%scan3A_433, %get3A_776, %get3A_777] : memref<2x32x128xf32, #tpu.memory_space<vmem>> -> memref<1x32x128xf32, #tpu.memory_space<vmem>>
          %get3A_779 = tpu.memref_squeeze %get3A_778 : memref<1x32x128xf32, #tpu.memory_space<vmem>> -> memref<32x128xf32, #tpu.memory_space<vmem>>
          %get3A_780 = arith.index_cast %add3A_687 : i32 to index
          %get3A_781 = arith.constant 0 : index
          %get3A_782 = tpu.vector_load %get3A_779[%get3A_780, %get3A_781] {strides = array<i32>} : memref<32x128xf32, #tpu.memory_space<vmem>>, vector<1x16xf32>,
          %get3A_783 = vector.shape_cast %get3A_782 : vector<1x16xf32> to vector<16xf32>
          %abs3A_784 = math.absf %get3A_783 : vector<16xf32>
          %get3A_785 = arith.constant 0 : i32
          %get3A_786 = arith.constant 0 : i32
          %get3A_787 = tpu.memref_slice %arg25[%scan3A_434, %get3A_785, %get3A_786] : memref<2x32x128xf32, #tpu.memory_space<vmem>> -> memref<1x32x128xf32, #tpu.memory_space<vmem>>
          %get3A_788 = tpu.memref_squeeze %get3A_787 : memref<1x32x128xf32, #tpu.memory_space<vmem>> -> memref<32x128xf32, #tpu.memory_space<vmem>>
          %get3A_789 = arith.index_cast %add3A_687 : i32 to index
          %get3A_790 = arith.constant 0 : index
          %get3A_791 = tpu.vector_load %get3A_788[%get3A_789, %get3A_790] {strides = array<i32>} : memref<32x128xf32, #tpu.memory_space<vmem>>, vector<1x16xf32>,
          %get3A_792 = vector.shape_cast %get3A_791 : vector<1x16xf32> to vector<16xf32>
          %abs3A_793 = math.absf %get3A_792 : vector<16xf32>
          %mul3A_794 = arith.mulf %abs3A_784, %abs3A_793 : vector<16xf32>
          %sub3A_795 = arith.subf %mul3A_794, %get3A_726 : vector<16xf32>
          %mul3A_796 = arith.mulf %sub3A_795, %sub3A_795 : vector<16xf32>
          %add3A_797 = arith.addf %broadcast_in_dim3A_702, %mul3A_796 : vector<16xf32>
          %get3A_798 = arith.constant 0 : i32
          %get3A_799 = arith.constant 0 : i32
          %get3A_800 = tpu.memref_slice %arg21[%scan3A_430, %get3A_798, %get3A_799] : memref<2x32x128xf32, #tpu.memory_space<vmem>> -> memref<1x32x128xf32, #tpu.memory_space<vmem>>
          %get3A_801 = tpu.memref_squeeze %get3A_800 : memref<1x32x128xf32, #tpu.memory_space<vmem>> -> memref<32x128xf32, #tpu.memory_space<vmem>>
          %get3A_802 = arith.index_cast %add3A_687 : i32 to index
          %get3A_803 = arith.constant 16 : index
          %get3A_804 = tpu.vector_load %get3A_801[%get3A_802, %get3A_803] {strides = array<i32>} : memref<32x128xf32, #tpu.memory_space<vmem>>, vector<1x16xf32>,
          %get3A_805 = vector.shape_cast %get3A_804 : vector<1x16xf32> to vector<16xf32>
          %get3A_806 = arith.constant 0 : i32
          %get3A_807 = arith.constant 0 : i32
          %get3A_808 = tpu.memref_slice %arg22[%scan3A_431, %get3A_806, %get3A_807] : memref<2x32x128xf32, #tpu.memory_space<vmem>> -> memref<1x32x128xf32, #tpu.memory_space<vmem>>
          %get3A_809 = tpu.memref_squeeze %get3A_808 : memref<1x32x128xf32, #tpu.memory_space<vmem>> -> memref<32x128xf32, #tpu.memory_space<vmem>>
          %get3A_810 = arith.index_cast %add3A_687 : i32 to index
          %get3A_811 = arith.constant 16 : index
          %get3A_812 = tpu.vector_load %get3A_809[%get3A_810, %get3A_811] {strides = array<i32>} : memref<32x128xf32, #tpu.memory_space<vmem>>, vector<1x16xf32>,
          %get3A_813 = vector.shape_cast %get3A_812 : vector<1x16xf32> to vector<16xf32>
          %get3A_814 = arith.index_cast %squeeze3A : i32 to index
          %get3A_815 = arith.constant 16 : index
          %get3A_816 = tpu.vector_load %arg20[%get3A_814, %get3A_815] {strides = array<i32>} : memref<365x128xf32, #tpu.memory_space<vmem>>, vector<1x16xf32>,
          %get3A_817 = vector.shape_cast %get3A_816 : vector<1x16xf32> to vector<16xf32>
          %get3A_818 = arith.index_cast %squeeze3A_698 : i32 to index
          %get3A_819 = arith.constant 16 : index
          %get3A_820 = tpu.vector_load %arg19[%get3A_818, %get3A_819] {strides = array<i32>} : memref<50x128xf32, #tpu.memory_space<vmem>>, vector<1x16xf32>,
          %get3A_821 = vector.shape_cast %get3A_820 : vector<1x16xf32> to vector<16xf32>
          %sub3A_822 = arith.subf %get3A_805, %get3A_813 : vector<16xf32>
          %add3A_823 = arith.constant 1.000000e+00 : f32
          %add3A_824 = vector.broadcast %add3A_823 : f32 to vector<16xf32>
          %add3A_825 = arith.addf %get3A_817, %add3A_824 : vector<16xf32>
          %mul3A_826 = arith.mulf %sub3A_822, %add3A_825 : vector<16xf32>
          %get3A_827 = arith.constant 0 : i32
          %get3A_828 = arith.constant 0 : i32
          %get3A_829 = tpu.memref_slice %arg24[%scan3A_432, %get3A_827, %get3A_828] : memref<2x32x128xf32, #tpu.memory_space<vmem>> -> memref<1x32x128xf32, #tpu.memory_space<vmem>>
          %get3A_830 = tpu.memref_squeeze %get3A_829 : memref<1x32x128xf32, #tpu.memory_space<vmem>> -> memref<32x128xf32, #tpu.memory_space<vmem>>
          %get3A_831 = arith.index_cast %add3A_687 : i32 to index
          %get3A_832 = arith.constant 16 : index
          %get3A_833 = tpu.vector_load %get3A_830[%get3A_831, %get3A_832] {strides = array<i32>} : memref<32x128xf32, #tpu.memory_space<vmem>>, vector<1x16xf32>,
          %get3A_834 = vector.shape_cast %get3A_833 : vector<1x16xf32> to vector<16xf32>
          %add3A_835 = arith.addf %mul3A_826, %get3A_834 : vector<16xf32>
          %mul3A_836 = arith.constant 2.500000e-01 : f32
          %mul3A_837 = vector.broadcast %mul3A_836 : f32 to vector<16xf32>
          %mul3A_838 = arith.mulf %add3A_835, %mul3A_837 : vector<16xf32>
          %add3A_839 = arith.constant 0x4B400000 : f32
          %add3A_840 = vector.broadcast %add3A_839 : f32 to vector<16xf32>
          %add3A_841 = arith.addf %mul3A_838, %add3A_840 : vector<16xf32>
          %sub3A_842 = arith.constant 0x4B400000 : f32
          %sub3A_843 = vector.broadcast %sub3A_842 : f32 to vector<16xf32>
          %sub3A_844 = arith.subf %add3A_841, %sub3A_843 : vector<16xf32>
          %mul3A_845 = arith.constant 4.000000e+00 : f32
          %mul3A_846 = vector.broadcast %mul3A_845 : f32 to vector<16xf32>
          %mul3A_847 = arith.mulf %sub3A_844, %mul3A_846 : vector<16xf32>
          %sub3A_848 = arith.subf %add3A_835, %mul3A_847 : vector<16xf32>
          %abs3A_849 = math.absf %sub3A_848 : vector<16xf32>
          %sub3A_850 = arith.constant 2.000000e+00 : f32
          %sub3A_851 = vector.broadcast %sub3A_850 : f32 to vector<16xf32>
          %sub3A_852 = arith.subf %sub3A_851, %abs3A_849 : vector<16xf32>
          %min3A_853 = arith.minimumf %abs3A_849, %sub3A_852 : vector<16xf32>
          %mul3A_854 = arith.mulf %min3A_853, %min3A_853 : vector<16xf32>
          %mul3A_855 = arith.constant -4.333140e-03 : f32
          %mul3A_856 = vector.broadcast %mul3A_855 : f32 to vector<16xf32>
          %mul3A_857 = arith.mulf %mul3A_856, %mul3A_854 : vector<16xf32>
          %add3A_858 = arith.constant 0.0794344097 : f32
          %add3A_859 = vector.broadcast %add3A_858 : f32 to vector<16xf32>
          %add3A_860 = arith.addf %mul3A_857, %add3A_859 : vector<16xf32>
          %mul3A_861 = arith.mulf %add3A_860, %mul3A_854 : vector<16xf32>
          %add3A_862 = arith.constant -0.645892859 : f32
          %add3A_863 = vector.broadcast %add3A_862 : f32 to vector<16xf32>
          %add3A_864 = arith.addf %mul3A_861, %add3A_863 : vector<16xf32>
          %mul3A_865 = arith.mulf %add3A_864, %mul3A_854 : vector<16xf32>
          %add3A_866 = arith.constant 1.57079101 : f32
          %add3A_867 = vector.broadcast %add3A_866 : f32 to vector<16xf32>
          %add3A_868 = arith.addf %mul3A_865, %add3A_867 : vector<16xf32>
          %mul3A_869 = arith.mulf %min3A_853, %add3A_868 : vector<16xf32>
          %add3A_870 = arith.addf %add3A_775, %mul3A_869 : vector<16xf32>
          %get3A_871 = arith.constant 0 : i32
          %get3A_872 = arith.constant 0 : i32
          %get3A_873 = tpu.memref_slice %arg23[%scan3A_433, %get3A_871, %get3A_872] : memref<2x32x128xf32, #tpu.memory_space<vmem>> -> memref<1x32x128xf32, #tpu.memory_space<vmem>>
          %get3A_874 = tpu.memref_squeeze %get3A_873 : memref<1x32x128xf32, #tpu.memory_space<vmem>> -> memref<32x128xf32, #tpu.memory_space<vmem>>
          %get3A_875 = arith.index_cast %add3A_687 : i32 to index
          %get3A_876 = arith.constant 16 : index
          %get3A_877 = tpu.vector_load %get3A_874[%get3A_875, %get3A_876] {strides = array<i32>} : memref<32x128xf32, #tpu.memory_space<vmem>>, vector<1x16xf32>,
          %get3A_878 = vector.shape_cast %get3A_877 : vector<1x16xf32> to vector<16xf32>
          %abs3A_879 = math.absf %get3A_878 : vector<16xf32>
          %get3A_880 = arith.constant 0 : i32
          %get3A_881 = arith.constant 0 : i32
          %get3A_882 = tpu.memref_slice %arg25[%scan3A_434, %get3A_880, %get3A_881] : memref<2x32x128xf32, #tpu.memory_space<vmem>> -> memref<1x32x128xf32, #tpu.memory_space<vmem>>
          %get3A_883 = tpu.memref_squeeze %get3A_882 : memref<1x32x128xf32, #tpu.memory_space<vmem>> -> memref<32x128xf32, #tpu.memory_space<vmem>>
          %get3A_884 = arith.index_cast %add3A_687 : i32 to index
          %get3A_885 = arith.constant 16 : index
          %get3A_886 = tpu.vector_load %get3A_883[%get3A_884, %get3A_885] {strides = array<i32>} : memref<32x128xf32, #tpu.memory_space<vmem>>, vector<1x16xf32>,
          %get3A_887 = vector.shape_cast %get3A_886 : vector<1x16xf32> to vector<16xf32>
          %abs3A_888 = math.absf %get3A_887 : vector<16xf32>
          %mul3A_889 = arith.mulf %abs3A_879, %abs3A_888 : vector<16xf32>
          %sub3A_890 = arith.subf %mul3A_889, %get3A_821 : vector<16xf32>
          %mul3A_891 = arith.mulf %sub3A_890, %sub3A_890 : vector<16xf32>
          %add3A_892 = arith.addf %add3A_797, %mul3A_891 : vector<16xf32>
          %get3A_893 = arith.constant 0 : i32
          %get3A_894 = arith.constant 0 : i32
          %get3A_895 = tpu.memref_slice %arg21[%scan3A_430, %get3A_893, %get3A_894] : memref<2x32x128xf32, #tpu.memory_space<vmem>> -> memref<1x32x128xf32, #tpu.memory_space<vmem>>
          %get3A_896 = tpu.memref_squeeze %get3A_895 : memref<1x32x128xf32, #tpu.memory_space<vmem>> -> memref<32x128xf32, #tpu.memory_space<vmem>>
          %get3A_897 = arith.index_cast %add3A_687 : i32 to index
          %get3A_898 = arith.constant 32 : index
          %get3A_899 = tpu.vector_load %get3A_896[%get3A_897, %get3A_898] {strides = array<i32>} : memref<32x128xf32, #tpu.memory_space<vmem>>, vector<1x16xf32>,
          %get3A_900 = vector.shape_cast %get3A_899 : vector<1x16xf32> to vector<16xf32>
          %get3A_901 = arith.constant 0 : i32
          %get3A_902 = arith.constant 0 : i32
          %get3A_903 = tpu.memref_slice %arg22[%scan3A_431, %get3A_901, %get3A_902] : memref<2x32x128xf32, #tpu.memory_space<vmem>> -> memref<1x32x128xf32, #tpu.memory_space<vmem>>
          %get3A_904 = tpu.memref_squeeze %get3A_903 : memref<1x32x128xf32, #tpu.memory_space<vmem>> -> memref<32x128xf32, #tpu.memory_space<vmem>>
          %get3A_905 = arith.index_cast %add3A_687 : i32 to index
          %get3A_906 = arith.constant 32 : index
          %get3A_907 = tpu.vector_load %get3A_904[%get3A_905, %get3A_906] {strides = array<i32>} : memref<32x128xf32, #tpu.memory_space<vmem>>, vector<1x16xf32>,
          %get3A_908 = vector.shape_cast %get3A_907 : vector<1x16xf32> to vector<16xf32>
          %get3A_909 = arith.index_cast %squeeze3A : i32 to index
          %get3A_910 = arith.constant 32 : index
          %get3A_911 = tpu.vector_load %arg20[%get3A_909, %get3A_910] {strides = array<i32>} : memref<365x128xf32, #tpu.memory_space<vmem>>, vector<1x16xf32>,
          %get3A_912 = vector.shape_cast %get3A_911 : vector<1x16xf32> to vector<16xf32>
          %get3A_913 = arith.index_cast %squeeze3A_698 : i32 to index
          %get3A_914 = arith.constant 32 : index
          %get3A_915 = tpu.vector_load %arg19[%get3A_913, %get3A_914] {strides = array<i32>} : memref<50x128xf32, #tpu.memory_space<vmem>>, vector<1x16xf32>,
          %get3A_916 = vector.shape_cast %get3A_915 : vector<1x16xf32> to vector<16xf32>
          %sub3A_917 = arith.subf %get3A_900, %get3A_908 : vector<16xf32>
          %add3A_918 = arith.constant 1.000000e+00 : f32
          %add3A_919 = vector.broadcast %add3A_918 : f32 to vector<16xf32>
          %add3A_920 = arith.addf %get3A_912, %add3A_919 : vector<16xf32>
          %mul3A_921 = arith.mulf %sub3A_917, %add3A_920 : vector<16xf32>
          %get3A_922 = arith.constant 0 : i32
          %get3A_923 = arith.constant 0 : i32
          %get3A_924 = tpu.memref_slice %arg24[%scan3A_432, %get3A_922, %get3A_923] : memref<2x32x128xf32, #tpu.memory_space<vmem>> -> memref<1x32x128xf32, #tpu.memory_space<vmem>>
          %get3A_925 = tpu.memref_squeeze %get3A_924 : memref<1x32x128xf32, #tpu.memory_space<vmem>> -> memref<32x128xf32, #tpu.memory_space<vmem>>
          %get3A_926 = arith.index_cast %add3A_687 : i32 to index
          %get3A_927 = arith.constant 32 : index
          %get3A_928 = tpu.vector_load %get3A_925[%get3A_926, %get3A_927] {strides = array<i32>} : memref<32x128xf32, #tpu.memory_space<vmem>>, vector<1x16xf32>,
          %get3A_929 = vector.shape_cast %get3A_928 : vector<1x16xf32> to vector<16xf32>
          %add3A_930 = arith.addf %mul3A_921, %get3A_929 : vector<16xf32>
          %mul3A_931 = arith.constant 2.500000e-01 : f32
          %mul3A_932 = vector.broadcast %mul3A_931 : f32 to vector<16xf32>
          %mul3A_933 = arith.mulf %add3A_930, %mul3A_932 : vector<16xf32>
          %add3A_934 = arith.constant 0x4B400000 : f32
          %add3A_935 = vector.broadcast %add3A_934 : f32 to vector<16xf32>
          %add3A_936 = arith.addf %mul3A_933, %add3A_935 : vector<16xf32>
          %sub3A_937 = arith.constant 0x4B400000 : f32
          %sub3A_938 = vector.broadcast %sub3A_937 : f32 to vector<16xf32>
          %sub3A_939 = arith.subf %add3A_936, %sub3A_938 : vector<16xf32>
          %mul3A_940 = arith.constant 4.000000e+00 : f32
          %mul3A_941 = vector.broadcast %mul3A_940 : f32 to vector<16xf32>
          %mul3A_942 = arith.mulf %sub3A_939, %mul3A_941 : vector<16xf32>
          %sub3A_943 = arith.subf %add3A_930, %mul3A_942 : vector<16xf32>
          %abs3A_944 = math.absf %sub3A_943 : vector<16xf32>
          %sub3A_945 = arith.constant 2.000000e+00 : f32
          %sub3A_946 = vector.broadcast %sub3A_945 : f32 to vector<16xf32>
          %sub3A_947 = arith.subf %sub3A_946, %abs3A_944 : vector<16xf32>
          %min3A_948 = arith.minimumf %abs3A_944, %sub3A_947 : vector<16xf32>
          %mul3A_949 = arith.mulf %min3A_948, %min3A_948 : vector<16xf32>
          %mul3A_950 = arith.constant -4.333140e-03 : f32
          %mul3A_951 = vector.broadcast %mul3A_950 : f32 to vector<16xf32>
          %mul3A_952 = arith.mulf %mul3A_951, %mul3A_949 : vector<16xf32>
          %add3A_953 = arith.constant 0.0794344097 : f32
          %add3A_954 = vector.broadcast %add3A_953 : f32 to vector<16xf32>
          %add3A_955 = arith.addf %mul3A_952, %add3A_954 : vector<16xf32>
          %mul3A_956 = arith.mulf %add3A_955, %mul3A_949 : vector<16xf32>
          %add3A_957 = arith.constant -0.645892859 : f32
          %add3A_958 = vector.broadcast %add3A_957 : f32 to vector<16xf32>
          %add3A_959 = arith.addf %mul3A_956, %add3A_958 : vector<16xf32>
          %mul3A_960 = arith.mulf %add3A_959, %mul3A_949 : vector<16xf32>
          %add3A_961 = arith.constant 1.57079101 : f32
          %add3A_962 = vector.broadcast %add3A_961 : f32 to vector<16xf32>
          %add3A_963 = arith.addf %mul3A_960, %add3A_962 : vector<16xf32>
          %mul3A_964 = arith.mulf %min3A_948, %add3A_963 : vector<16xf32>
          %add3A_965 = arith.addf %add3A_870, %mul3A_964 : vector<16xf32>
          %get3A_966 = arith.constant 0 : i32
          %get3A_967 = arith.constant 0 : i32
          %get3A_968 = tpu.memref_slice %arg23[%scan3A_433, %get3A_966, %get3A_967] : memref<2x32x128xf32, #tpu.memory_space<vmem>> -> memref<1x32x128xf32, #tpu.memory_space<vmem>>
          %get3A_969 = tpu.memref_squeeze %get3A_968 : memref<1x32x128xf32, #tpu.memory_space<vmem>> -> memref<32x128xf32, #tpu.memory_space<vmem>>
          %get3A_970 = arith.index_cast %add3A_687 : i32 to index
          %get3A_971 = arith.constant 32 : index
          %get3A_972 = tpu.vector_load %get3A_969[%get3A_970, %get3A_971] {strides = array<i32>} : memref<32x128xf32, #tpu.memory_space<vmem>>, vector<1x16xf32>,
          %get3A_973 = vector.shape_cast %get3A_972 : vector<1x16xf32> to vector<16xf32>
          %abs3A_974 = math.absf %get3A_973 : vector<16xf32>
          %get3A_975 = arith.constant 0 : i32
          %get3A_976 = arith.constant 0 : i32
          %get3A_977 = tpu.memref_slice %arg25[%scan3A_434, %get3A_975, %get3A_976] : memref<2x32x128xf32, #tpu.memory_space<vmem>> -> memref<1x32x128xf32, #tpu.memory_space<vmem>>
          %get3A_978 = tpu.memref_squeeze %get3A_977 : memref<1x32x128xf32, #tpu.memory_space<vmem>> -> memref<32x128xf32, #tpu.memory_space<vmem>>
          %get3A_979 = arith.index_cast %add3A_687 : i32 to index
          %get3A_980 = arith.constant 32 : index
          %get3A_981 = tpu.vector_load %get3A_978[%get3A_979, %get3A_980] {strides = array<i32>} : memref<32x128xf32, #tpu.memory_space<vmem>>, vector<1x16xf32>,
          %get3A_982 = vector.shape_cast %get3A_981 : vector<1x16xf32> to vector<16xf32>
          %abs3A_983 = math.absf %get3A_982 : vector<16xf32>
          %mul3A_984 = arith.mulf %abs3A_974, %abs3A_983 : vector<16xf32>
          %sub3A_985 = arith.subf %mul3A_984, %get3A_916 : vector<16xf32>
          %mul3A_986 = arith.mulf %sub3A_985, %sub3A_985 : vector<16xf32>
          %add3A_987 = arith.addf %add3A_892, %mul3A_986 : vector<16xf32>
          %get3A_988 = arith.constant 0 : i32
          %get3A_989 = arith.constant 0 : i32
          %get3A_990 = tpu.memref_slice %arg21[%scan3A_430, %get3A_988, %get3A_989] : memref<2x32x128xf32, #tpu.memory_space<vmem>> -> memref<1x32x128xf32, #tpu.memory_space<vmem>>
          %get3A_991 = tpu.memref_squeeze %get3A_990 : memref<1x32x128xf32, #tpu.memory_space<vmem>> -> memref<32x128xf32, #tpu.memory_space<vmem>>
          %get3A_992 = arith.index_cast %add3A_687 : i32 to index
          %get3A_993 = arith.constant 48 : index
          %get3A_994 = tpu.vector_load %get3A_991[%get3A_992, %get3A_993] {strides = array<i32>} : memref<32x128xf32, #tpu.memory_space<vmem>>, vector<1x16xf32>,
          %get3A_995 = vector.shape_cast %get3A_994 : vector<1x16xf32> to vector<16xf32>
          %get3A_996 = arith.constant 0 : i32
          %get3A_997 = arith.constant 0 : i32
          %get3A_998 = tpu.memref_slice %arg22[%scan3A_431, %get3A_996, %get3A_997] : memref<2x32x128xf32, #tpu.memory_space<vmem>> -> memref<1x32x128xf32, #tpu.memory_space<vmem>>
          %get3A_999 = tpu.memref_squeeze %get3A_998 : memref<1x32x128xf32, #tpu.memory_space<vmem>> -> memref<32x128xf32, #tpu.memory_space<vmem>>
          %get3A_1000 = arith.index_cast %add3A_687 : i32 to index
          %get3A_1001 = arith.constant 48 : index
          %get3A_1002 = tpu.vector_load %get3A_999[%get3A_1000, %get3A_1001] {strides = array<i32>} : memref<32x128xf32, #tpu.memory_space<vmem>>, vector<1x16xf32>,
          %get3A_1003 = vector.shape_cast %get3A_1002 : vector<1x16xf32> to vector<16xf32>
          %get3A_1004 = arith.index_cast %squeeze3A : i32 to index
          %get3A_1005 = arith.constant 48 : index
          %get3A_1006 = tpu.vector_load %arg20[%get3A_1004, %get3A_1005] {strides = array<i32>} : memref<365x128xf32, #tpu.memory_space<vmem>>, vector<1x16xf32>,
          %get3A_1007 = vector.shape_cast %get3A_1006 : vector<1x16xf32> to vector<16xf32>
          %get3A_1008 = arith.index_cast %squeeze3A_698 : i32 to index
          %get3A_1009 = arith.constant 48 : index
          %get3A_1010 = tpu.vector_load %arg19[%get3A_1008, %get3A_1009] {strides = array<i32>} : memref<50x128xf32, #tpu.memory_space<vmem>>, vector<1x16xf32>,
          %get3A_1011 = vector.shape_cast %get3A_1010 : vector<1x16xf32> to vector<16xf32>
          %sub3A_1012 = arith.subf %get3A_995, %get3A_1003 : vector<16xf32>
          %add3A_1013 = arith.constant 1.000000e+00 : f32
          %add3A_1014 = vector.broadcast %add3A_1013 : f32 to vector<16xf32>
          %add3A_1015 = arith.addf %get3A_1007, %add3A_1014 : vector<16xf32>
          %mul3A_1016 = arith.mulf %sub3A_1012, %add3A_1015 : vector<16xf32>
          %get3A_1017 = arith.constant 0 : i32
          %get3A_1018 = arith.constant 0 : i32
          %get3A_1019 = tpu.memref_slice %arg24[%scan3A_432, %get3A_1017, %get3A_1018] : memref<2x32x128xf32, #tpu.memory_space<vmem>> -> memref<1x32x128xf32, #tpu.memory_space<vmem>>
          %get3A_1020 = tpu.memref_squeeze %get3A_1019 : memref<1x32x128xf32, #tpu.memory_space<vmem>> -> memref<32x128xf32, #tpu.memory_space<vmem>>
          %get3A_1021 = arith.index_cast %add3A_687 : i32 to index
          %get3A_1022 = arith.constant 48 : index
          %get3A_1023 = tpu.vector_load %get3A_1020[%get3A_1021, %get3A_1022] {strides = array<i32>} : memref<32x128xf32, #tpu.memory_space<vmem>>, vector<1x16xf32>,
          %get3A_1024 = vector.shape_cast %get3A_1023 : vector<1x16xf32> to vector<16xf32>
          %add3A_1025 = arith.addf %mul3A_1016, %get3A_1024 : vector<16xf32>
          %mul3A_1026 = arith.constant 2.500000e-01 : f32
          %mul3A_1027 = vector.broadcast %mul3A_1026 : f32 to vector<16xf32>
          %mul3A_1028 = arith.mulf %add3A_1025, %mul3A_1027 : vector<16xf32>
          %add3A_1029 = arith.constant 0x4B400000 : f32
          %add3A_1030 = vector.broadcast %add3A_1029 : f32 to vector<16xf32>
          %add3A_1031 = arith.addf %mul3A_1028, %add3A_1030 : vector<16xf32>
          %sub3A_1032 = arith.constant 0x4B400000 : f32
          %sub3A_1033 = vector.broadcast %sub3A_1032 : f32 to vector<16xf32>
          %sub3A_1034 = arith.subf %add3A_1031, %sub3A_1033 : vector<16xf32>
          %mul3A_1035 = arith.constant 4.000000e+00 : f32
          %mul3A_1036 = vector.broadcast %mul3A_1035 : f32 to vector<16xf32>
          %mul3A_1037 = arith.mulf %sub3A_1034, %mul3A_1036 : vector<16xf32>
          %sub3A_1038 = arith.subf %add3A_1025, %mul3A_1037 : vector<16xf32>
          %abs3A_1039 = math.absf %sub3A_1038 : vector<16xf32>
          %sub3A_1040 = arith.constant 2.000000e+00 : f32
          %sub3A_1041 = vector.broadcast %sub3A_1040 : f32 to vector<16xf32>
          %sub3A_1042 = arith.subf %sub3A_1041, %abs3A_1039 : vector<16xf32>
          %min3A_1043 = arith.minimumf %abs3A_1039, %sub3A_1042 : vector<16xf32>
          %mul3A_1044 = arith.mulf %min3A_1043, %min3A_1043 : vector<16xf32>
          %mul3A_1045 = arith.constant -4.333140e-03 : f32
          %mul3A_1046 = vector.broadcast %mul3A_1045 : f32 to vector<16xf32>
          %mul3A_1047 = arith.mulf %mul3A_1046, %mul3A_1044 : vector<16xf32>
          %add3A_1048 = arith.constant 0.0794344097 : f32
          %add3A_1049 = vector.broadcast %add3A_1048 : f32 to vector<16xf32>
          %add3A_1050 = arith.addf %mul3A_1047, %add3A_1049 : vector<16xf32>
          %mul3A_1051 = arith.mulf %add3A_1050, %mul3A_1044 : vector<16xf32>
          %add3A_1052 = arith.constant -0.645892859 : f32
          %add3A_1053 = vector.broadcast %add3A_1052 : f32 to vector<16xf32>
          %add3A_1054 = arith.addf %mul3A_1051, %add3A_1053 : vector<16xf32>
          %mul3A_1055 = arith.mulf %add3A_1054, %mul3A_1044 : vector<16xf32>
          %add3A_1056 = arith.constant 1.57079101 : f32
          %add3A_1057 = vector.broadcast %add3A_1056 : f32 to vector<16xf32>
          %add3A_1058 = arith.addf %mul3A_1055, %add3A_1057 : vector<16xf32>
          %mul3A_1059 = arith.mulf %min3A_1043, %add3A_1058 : vector<16xf32>
          %add3A_1060 = arith.addf %add3A_965, %mul3A_1059 : vector<16xf32>
          %get3A_1061 = arith.constant 0 : i32
          %get3A_1062 = arith.constant 0 : i32
          %get3A_1063 = tpu.memref_slice %arg23[%scan3A_433, %get3A_1061, %get3A_1062] : memref<2x32x128xf32, #tpu.memory_space<vmem>> -> memref<1x32x128xf32, #tpu.memory_space<vmem>>
          %get3A_1064 = tpu.memref_squeeze %get3A_1063 : memref<1x32x128xf32, #tpu.memory_space<vmem>> -> memref<32x128xf32, #tpu.memory_space<vmem>>
          %get3A_1065 = arith.index_cast %add3A_687 : i32 to index
          %get3A_1066 = arith.constant 48 : index
          %get3A_1067 = tpu.vector_load %get3A_1064[%get3A_1065, %get3A_1066] {strides = array<i32>} : memref<32x128xf32, #tpu.memory_space<vmem>>, vector<1x16xf32>,
          %get3A_1068 = vector.shape_cast %get3A_1067 : vector<1x16xf32> to vector<16xf32>
          %abs3A_1069 = math.absf %get3A_1068 : vector<16xf32>
          %get3A_1070 = arith.constant 0 : i32
          %get3A_1071 = arith.constant 0 : i32
          %get3A_1072 = tpu.memref_slice %arg25[%scan3A_434, %get3A_1070, %get3A_1071] : memref<2x32x128xf32, #tpu.memory_space<vmem>> -> memref<1x32x128xf32, #tpu.memory_space<vmem>>
          %get3A_1073 = tpu.memref_squeeze %get3A_1072 : memref<1x32x128xf32, #tpu.memory_space<vmem>> -> memref<32x128xf32, #tpu.memory_space<vmem>>
          %get3A_1074 = arith.index_cast %add3A_687 : i32 to index
          %get3A_1075 = arith.constant 48 : index
          %get3A_1076 = tpu.vector_load %get3A_1073[%get3A_1074, %get3A_1075] {strides = array<i32>} : memref<32x128xf32, #tpu.memory_space<vmem>>, vector<1x16xf32>,
          %get3A_1077 = vector.shape_cast %get3A_1076 : vector<1x16xf32> to vector<16xf32>
          %abs3A_1078 = math.absf %get3A_1077 : vector<16xf32>
          %mul3A_1079 = arith.mulf %abs3A_1069, %abs3A_1078 : vector<16xf32>
          %sub3A_1080 = arith.subf %mul3A_1079, %get3A_1011 : vector<16xf32>
          %mul3A_1081 = arith.mulf %sub3A_1080, %sub3A_1080 : vector<16xf32>
          %add3A_1082 = arith.addf %add3A_987, %mul3A_1081 : vector<16xf32>
          %get3A_1083 = arith.constant 0 : i32
          %get3A_1084 = arith.constant 0 : i32
          %get3A_1085 = tpu.memref_slice %arg21[%scan3A_430, %get3A_1083, %get3A_1084] : memref<2x32x128xf32, #tpu.memory_space<vmem>> -> memref<1x32x128xf32, #tpu.memory_space<vmem>>
          %get3A_1086 = tpu.memref_squeeze %get3A_1085 : memref<1x32x128xf32, #tpu.memory_space<vmem>> -> memref<32x128xf32, #tpu.memory_space<vmem>>
          %get3A_1087 = arith.index_cast %add3A_687 : i32 to index
          %get3A_1088 = arith.constant 64 : index
          %get3A_1089 = tpu.vector_load %get3A_1086[%get3A_1087, %get3A_1088] {strides = array<i32>} : memref<32x128xf32, #tpu.memory_space<vmem>>, vector<1x16xf32>,
          %get3A_1090 = vector.shape_cast %get3A_1089 : vector<1x16xf32> to vector<16xf32>
          %get3A_1091 = arith.constant 0 : i32
          %get3A_1092 = arith.constant 0 : i32
          %get3A_1093 = tpu.memref_slice %arg22[%scan3A_431, %get3A_1091, %get3A_1092] : memref<2x32x128xf32, #tpu.memory_space<vmem>> -> memref<1x32x128xf32, #tpu.memory_space<vmem>>
          %get3A_1094 = tpu.memref_squeeze %get3A_1093 : memref<1x32x128xf32, #tpu.memory_space<vmem>> -> memref<32x128xf32, #tpu.memory_space<vmem>>
          %get3A_1095 = arith.index_cast %add3A_687 : i32 to index
          %get3A_1096 = arith.constant 64 : index
          %get3A_1097 = tpu.vector_load %get3A_1094[%get3A_1095, %get3A_1096] {strides = array<i32>} : memref<32x128xf32, #tpu.memory_space<vmem>>, vector<1x16xf32>,
          %get3A_1098 = vector.shape_cast %get3A_1097 : vector<1x16xf32> to vector<16xf32>
          %get3A_1099 = arith.index_cast %squeeze3A : i32 to index
          %get3A_1100 = arith.constant 64 : index
          %get3A_1101 = tpu.vector_load %arg20[%get3A_1099, %get3A_1100] {strides = array<i32>} : memref<365x128xf32, #tpu.memory_space<vmem>>, vector<1x16xf32>,
          %get3A_1102 = vector.shape_cast %get3A_1101 : vector<1x16xf32> to vector<16xf32>
          %get3A_1103 = arith.index_cast %squeeze3A_698 : i32 to index
          %get3A_1104 = arith.constant 64 : index
          %get3A_1105 = tpu.vector_load %arg19[%get3A_1103, %get3A_1104] {strides = array<i32>} : memref<50x128xf32, #tpu.memory_space<vmem>>, vector<1x16xf32>,
          %get3A_1106 = vector.shape_cast %get3A_1105 : vector<1x16xf32> to vector<16xf32>
          %sub3A_1107 = arith.subf %get3A_1090, %get3A_1098 : vector<16xf32>
          %add3A_1108 = arith.constant 1.000000e+00 : f32
          %add3A_1109 = vector.broadcast %add3A_1108 : f32 to vector<16xf32>
          %add3A_1110 = arith.addf %get3A_1102, %add3A_1109 : vector<16xf32>
          %mul3A_1111 = arith.mulf %sub3A_1107, %add3A_1110 : vector<16xf32>
          %get3A_1112 = arith.constant 0 : i32
          %get3A_1113 = arith.constant 0 : i32
          %get3A_1114 = tpu.memref_slice %arg24[%scan3A_432, %get3A_1112, %get3A_1113] : memref<2x32x128xf32, #tpu.memory_space<vmem>> -> memref<1x32x128xf32, #tpu.memory_space<vmem>>
          %get3A_1115 = tpu.memref_squeeze %get3A_1114 : memref<1x32x128xf32, #tpu.memory_space<vmem>> -> memref<32x128xf32, #tpu.memory_space<vmem>>
          %get3A_1116 = arith.index_cast %add3A_687 : i32 to index
          %get3A_1117 = arith.constant 64 : index
          %get3A_1118 = tpu.vector_load %get3A_1115[%get3A_1116, %get3A_1117] {strides = array<i32>} : memref<32x128xf32, #tpu.memory_space<vmem>>, vector<1x16xf32>,
          %get3A_1119 = vector.shape_cast %get3A_1118 : vector<1x16xf32> to vector<16xf32>
          %add3A_1120 = arith.addf %mul3A_1111, %get3A_1119 : vector<16xf32>
          %mul3A_1121 = arith.constant 2.500000e-01 : f32
          %mul3A_1122 = vector.broadcast %mul3A_1121 : f32 to vector<16xf32>
          %mul3A_1123 = arith.mulf %add3A_1120, %mul3A_1122 : vector<16xf32>
          %add3A_1124 = arith.constant 0x4B400000 : f32
          %add3A_1125 = vector.broadcast %add3A_1124 : f32 to vector<16xf32>
          %add3A_1126 = arith.addf %mul3A_1123, %add3A_1125 : vector<16xf32>
          %sub3A_1127 = arith.constant 0x4B400000 : f32
          %sub3A_1128 = vector.broadcast %sub3A_1127 : f32 to vector<16xf32>
          %sub3A_1129 = arith.subf %add3A_1126, %sub3A_1128 : vector<16xf32>
          %mul3A_1130 = arith.constant 4.000000e+00 : f32
          %mul3A_1131 = vector.broadcast %mul3A_1130 : f32 to vector<16xf32>
          %mul3A_1132 = arith.mulf %sub3A_1129, %mul3A_1131 : vector<16xf32>
          %sub3A_1133 = arith.subf %add3A_1120, %mul3A_1132 : vector<16xf32>
          %abs3A_1134 = math.absf %sub3A_1133 : vector<16xf32>
          %sub3A_1135 = arith.constant 2.000000e+00 : f32
          %sub3A_1136 = vector.broadcast %sub3A_1135 : f32 to vector<16xf32>
          %sub3A_1137 = arith.subf %sub3A_1136, %abs3A_1134 : vector<16xf32>
          %min3A_1138 = arith.minimumf %abs3A_1134, %sub3A_1137 : vector<16xf32>
          %mul3A_1139 = arith.mulf %min3A_1138, %min3A_1138 : vector<16xf32>
          %mul3A_1140 = arith.constant -4.333140e-03 : f32
          %mul3A_1141 = vector.broadcast %mul3A_1140 : f32 to vector<16xf32>
          %mul3A_1142 = arith.mulf %mul3A_1141, %mul3A_1139 : vector<16xf32>
          %add3A_1143 = arith.constant 0.0794344097 : f32
          %add3A_1144 = vector.broadcast %add3A_1143 : f32 to vector<16xf32>
          %add3A_1145 = arith.addf %mul3A_1142, %add3A_1144 : vector<16xf32>
          %mul3A_1146 = arith.mulf %add3A_1145, %mul3A_1139 : vector<16xf32>
          %add3A_1147 = arith.constant -0.645892859 : f32
          %add3A_1148 = vector.broadcast %add3A_1147 : f32 to vector<16xf32>
          %add3A_1149 = arith.addf %mul3A_1146, %add3A_1148 : vector<16xf32>
          %mul3A_1150 = arith.mulf %add3A_1149, %mul3A_1139 : vector<16xf32>
          %add3A_1151 = arith.constant 1.57079101 : f32
          %add3A_1152 = vector.broadcast %add3A_1151 : f32 to vector<16xf32>
          %add3A_1153 = arith.addf %mul3A_1150, %add3A_1152 : vector<16xf32>
          %mul3A_1154 = arith.mulf %min3A_1138, %add3A_1153 : vector<16xf32>
          %add3A_1155 = arith.addf %add3A_1060, %mul3A_1154 : vector<16xf32>
          %get3A_1156 = arith.constant 0 : i32
          %get3A_1157 = arith.constant 0 : i32
          %get3A_1158 = tpu.memref_slice %arg23[%scan3A_433, %get3A_1156, %get3A_1157] : memref<2x32x128xf32, #tpu.memory_space<vmem>> -> memref<1x32x128xf32, #tpu.memory_space<vmem>>
          %get3A_1159 = tpu.memref_squeeze %get3A_1158 : memref<1x32x128xf32, #tpu.memory_space<vmem>> -> memref<32x128xf32, #tpu.memory_space<vmem>>
          %get3A_1160 = arith.index_cast %add3A_687 : i32 to index
          %get3A_1161 = arith.constant 64 : index
          %get3A_1162 = tpu.vector_load %get3A_1159[%get3A_1160, %get3A_1161] {strides = array<i32>} : memref<32x128xf32, #tpu.memory_space<vmem>>, vector<1x16xf32>,
          %get3A_1163 = vector.shape_cast %get3A_1162 : vector<1x16xf32> to vector<16xf32>
          %abs3A_1164 = math.absf %get3A_1163 : vector<16xf32>
          %get3A_1165 = arith.constant 0 : i32
          %get3A_1166 = arith.constant 0 : i32
          %get3A_1167 = tpu.memref_slice %arg25[%scan3A_434, %get3A_1165, %get3A_1166] : memref<2x32x128xf32, #tpu.memory_space<vmem>> -> memref<1x32x128xf32, #tpu.memory_space<vmem>>
          %get3A_1168 = tpu.memref_squeeze %get3A_1167 : memref<1x32x128xf32, #tpu.memory_space<vmem>> -> memref<32x128xf32, #tpu.memory_space<vmem>>
          %get3A_1169 = arith.index_cast %add3A_687 : i32 to index
          %get3A_1170 = arith.constant 64 : index
          %get3A_1171 = tpu.vector_load %get3A_1168[%get3A_1169, %get3A_1170] {strides = array<i32>} : memref<32x128xf32, #tpu.memory_space<vmem>>, vector<1x16xf32>,
          %get3A_1172 = vector.shape_cast %get3A_1171 : vector<1x16xf32> to vector<16xf32>
          %abs3A_1173 = math.absf %get3A_1172 : vector<16xf32>
          %mul3A_1174 = arith.mulf %abs3A_1164, %abs3A_1173 : vector<16xf32>
          %sub3A_1175 = arith.subf %mul3A_1174, %get3A_1106 : vector<16xf32>
          %mul3A_1176 = arith.mulf %sub3A_1175, %sub3A_1175 : vector<16xf32>
          %add3A_1177 = arith.addf %add3A_1082, %mul3A_1176 : vector<16xf32>
          %get3A_1178 = arith.constant 0 : i32
          %get3A_1179 = arith.constant 0 : i32
          %get3A_1180 = tpu.memref_slice %arg21[%scan3A_430, %get3A_1178, %get3A_1179] : memref<2x32x128xf32, #tpu.memory_space<vmem>> -> memref<1x32x128xf32, #tpu.memory_space<vmem>>
          %get3A_1181 = tpu.memref_squeeze %get3A_1180 : memref<1x32x128xf32, #tpu.memory_space<vmem>> -> memref<32x128xf32, #tpu.memory_space<vmem>>
          %get3A_1182 = arith.index_cast %add3A_687 : i32 to index
          %get3A_1183 = arith.constant 80 : index
          %get3A_1184 = tpu.vector_load %get3A_1181[%get3A_1182, %get3A_1183] {strides = array<i32>} : memref<32x128xf32, #tpu.memory_space<vmem>>, vector<1x16xf32>,
          %get3A_1185 = vector.shape_cast %get3A_1184 : vector<1x16xf32> to vector<16xf32>
          %get3A_1186 = arith.constant 0 : i32
          %get3A_1187 = arith.constant 0 : i32
          %get3A_1188 = tpu.memref_slice %arg22[%scan3A_431, %get3A_1186, %get3A_1187] : memref<2x32x128xf32, #tpu.memory_space<vmem>> -> memref<1x32x128xf32, #tpu.memory_space<vmem>>
          %get3A_1189 = tpu.memref_squeeze %get3A_1188 : memref<1x32x128xf32, #tpu.memory_space<vmem>> -> memref<32x128xf32, #tpu.memory_space<vmem>>
          %get3A_1190 = arith.index_cast %add3A_687 : i32 to index
          %get3A_1191 = arith.constant 80 : index
          %get3A_1192 = tpu.vector_load %get3A_1189[%get3A_1190, %get3A_1191] {strides = array<i32>} : memref<32x128xf32, #tpu.memory_space<vmem>>, vector<1x16xf32>,
          %get3A_1193 = vector.shape_cast %get3A_1192 : vector<1x16xf32> to vector<16xf32>
          %get3A_1194 = arith.index_cast %squeeze3A : i32 to index
          %get3A_1195 = arith.constant 80 : index
          %get3A_1196 = tpu.vector_load %arg20[%get3A_1194, %get3A_1195] {strides = array<i32>} : memref<365x128xf32, #tpu.memory_space<vmem>>, vector<1x16xf32>,
          %get3A_1197 = vector.shape_cast %get3A_1196 : vector<1x16xf32> to vector<16xf32>
          %get3A_1198 = arith.index_cast %squeeze3A_698 : i32 to index
          %get3A_1199 = arith.constant 80 : index
          %get3A_1200 = tpu.vector_load %arg19[%get3A_1198, %get3A_1199] {strides = array<i32>} : memref<50x128xf32, #tpu.memory_space<vmem>>, vector<1x16xf32>,
          %get3A_1201 = vector.shape_cast %get3A_1200 : vector<1x16xf32> to vector<16xf32>
          %sub3A_1202 = arith.subf %get3A_1185, %get3A_1193 : vector<16xf32>
          %add3A_1203 = arith.constant 1.000000e+00 : f32
          %add3A_1204 = vector.broadcast %add3A_1203 : f32 to vector<16xf32>
          %add3A_1205 = arith.addf %get3A_1197, %add3A_1204 : vector<16xf32>
          %mul3A_1206 = arith.mulf %sub3A_1202, %add3A_1205 : vector<16xf32>
          %get3A_1207 = arith.constant 0 : i32
          %get3A_1208 = arith.constant 0 : i32
          %get3A_1209 = tpu.memref_slice %arg24[%scan3A_432, %get3A_1207, %get3A_1208] : memref<2x32x128xf32, #tpu.memory_space<vmem>> -> memref<1x32x128xf32, #tpu.memory_space<vmem>>
          %get3A_1210 = tpu.memref_squeeze %get3A_1209 : memref<1x32x128xf32, #tpu.memory_space<vmem>> -> memref<32x128xf32, #tpu.memory_space<vmem>>
          %get3A_1211 = arith.index_cast %add3A_687 : i32 to index
          %get3A_1212 = arith.constant 80 : index
          %get3A_1213 = tpu.vector_load %get3A_1210[%get3A_1211, %get3A_1212] {strides = array<i32>} : memref<32x128xf32, #tpu.memory_space<vmem>>, vector<1x16xf32>,
          %get3A_1214 = vector.shape_cast %get3A_1213 : vector<1x16xf32> to vector<16xf32>
          %add3A_1215 = arith.addf %mul3A_1206, %get3A_1214 : vector<16xf32>
          %mul3A_1216 = arith.constant 2.500000e-01 : f32
          %mul3A_1217 = vector.broadcast %mul3A_1216 : f32 to vector<16xf32>
          %mul3A_1218 = arith.mulf %add3A_1215, %mul3A_1217 : vector<16xf32>
          %add3A_1219 = arith.constant 0x4B400000 : f32
          %add3A_1220 = vector.broadcast %add3A_1219 : f32 to vector<16xf32>
          %add3A_1221 = arith.addf %mul3A_1218, %add3A_1220 : vector<16xf32>
          %sub3A_1222 = arith.constant 0x4B400000 : f32
          %sub3A_1223 = vector.broadcast %sub3A_1222 : f32 to vector<16xf32>
          %sub3A_1224 = arith.subf %add3A_1221, %sub3A_1223 : vector<16xf32>
          %mul3A_1225 = arith.constant 4.000000e+00 : f32
          %mul3A_1226 = vector.broadcast %mul3A_1225 : f32 to vector<16xf32>
          %mul3A_1227 = arith.mulf %sub3A_1224, %mul3A_1226 : vector<16xf32>
          %sub3A_1228 = arith.subf %add3A_1215, %mul3A_1227 : vector<16xf32>
          %abs3A_1229 = math.absf %sub3A_1228 : vector<16xf32>
          %sub3A_1230 = arith.constant 2.000000e+00 : f32
          %sub3A_1231 = vector.broadcast %sub3A_1230 : f32 to vector<16xf32>
          %sub3A_1232 = arith.subf %sub3A_1231, %abs3A_1229 : vector<16xf32>
          %min3A_1233 = arith.minimumf %abs3A_1229, %sub3A_1232 : vector<16xf32>
          %mul3A_1234 = arith.mulf %min3A_1233, %min3A_1233 : vector<16xf32>
          %mul3A_1235 = arith.constant -4.333140e-03 : f32
          %mul3A_1236 = vector.broadcast %mul3A_1235 : f32 to vector<16xf32>
          %mul3A_1237 = arith.mulf %mul3A_1236, %mul3A_1234 : vector<16xf32>
          %add3A_1238 = arith.constant 0.0794344097 : f32
          %add3A_1239 = vector.broadcast %add3A_1238 : f32 to vector<16xf32>
          %add3A_1240 = arith.addf %mul3A_1237, %add3A_1239 : vector<16xf32>
          %mul3A_1241 = arith.mulf %add3A_1240, %mul3A_1234 : vector<16xf32>
          %add3A_1242 = arith.constant -0.645892859 : f32
          %add3A_1243 = vector.broadcast %add3A_1242 : f32 to vector<16xf32>
          %add3A_1244 = arith.addf %mul3A_1241, %add3A_1243 : vector<16xf32>
          %mul3A_1245 = arith.mulf %add3A_1244, %mul3A_1234 : vector<16xf32>
          %add3A_1246 = arith.constant 1.57079101 : f32
          %add3A_1247 = vector.broadcast %add3A_1246 : f32 to vector<16xf32>
          %add3A_1248 = arith.addf %mul3A_1245, %add3A_1247 : vector<16xf32>
          %mul3A_1249 = arith.mulf %min3A_1233, %add3A_1248 : vector<16xf32>
          %add3A_1250 = arith.addf %add3A_1155, %mul3A_1249 : vector<16xf32>
          %get3A_1251 = arith.constant 0 : i32
          %get3A_1252 = arith.constant 0 : i32
          %get3A_1253 = tpu.memref_slice %arg23[%scan3A_433, %get3A_1251, %get3A_1252] : memref<2x32x128xf32, #tpu.memory_space<vmem>> -> memref<1x32x128xf32, #tpu.memory_space<vmem>>
          %get3A_1254 = tpu.memref_squeeze %get3A_1253 : memref<1x32x128xf32, #tpu.memory_space<vmem>> -> memref<32x128xf32, #tpu.memory_space<vmem>>
          %get3A_1255 = arith.index_cast %add3A_687 : i32 to index
          %get3A_1256 = arith.constant 80 : index
          %get3A_1257 = tpu.vector_load %get3A_1254[%get3A_1255, %get3A_1256] {strides = array<i32>} : memref<32x128xf32, #tpu.memory_space<vmem>>, vector<1x16xf32>,
          %get3A_1258 = vector.shape_cast %get3A_1257 : vector<1x16xf32> to vector<16xf32>
          %abs3A_1259 = math.absf %get3A_1258 : vector<16xf32>
          %get3A_1260 = arith.constant 0 : i32
          %get3A_1261 = arith.constant 0 : i32
          %get3A_1262 = tpu.memref_slice %arg25[%scan3A_434, %get3A_1260, %get3A_1261] : memref<2x32x128xf32, #tpu.memory_space<vmem>> -> memref<1x32x128xf32, #tpu.memory_space<vmem>>
          %get3A_1263 = tpu.memref_squeeze %get3A_1262 : memref<1x32x128xf32, #tpu.memory_space<vmem>> -> memref<32x128xf32, #tpu.memory_space<vmem>>
          %get3A_1264 = arith.index_cast %add3A_687 : i32 to index
          %get3A_1265 = arith.constant 80 : index
          %get3A_1266 = tpu.vector_load %get3A_1263[%get3A_1264, %get3A_1265] {strides = array<i32>} : memref<32x128xf32, #tpu.memory_space<vmem>>, vector<1x16xf32>,
          %get3A_1267 = vector.shape_cast %get3A_1266 : vector<1x16xf32> to vector<16xf32>
          %abs3A_1268 = math.absf %get3A_1267 : vector<16xf32>
          %mul3A_1269 = arith.mulf %abs3A_1259, %abs3A_1268 : vector<16xf32>
          %sub3A_1270 = arith.subf %mul3A_1269, %get3A_1201 : vector<16xf32>
          %mul3A_1271 = arith.mulf %sub3A_1270, %sub3A_1270 : vector<16xf32>
          %add3A_1272 = arith.addf %add3A_1177, %mul3A_1271 : vector<16xf32>
          %get3A_1273 = arith.constant 0 : i32
          %get3A_1274 = arith.constant 0 : i32
          %get3A_1275 = tpu.memref_slice %arg21[%scan3A_430, %get3A_1273, %get3A_1274] : memref<2x32x128xf32, #tpu.memory_space<vmem>> -> memref<1x32x128xf32, #tpu.memory_space<vmem>>
          %get3A_1276 = tpu.memref_squeeze %get3A_1275 : memref<1x32x128xf32, #tpu.memory_space<vmem>> -> memref<32x128xf32, #tpu.memory_space<vmem>>
          %get3A_1277 = arith.index_cast %add3A_687 : i32 to index
          %get3A_1278 = arith.constant 96 : index
          %get3A_1279 = tpu.vector_load %get3A_1276[%get3A_1277, %get3A_1278] {strides = array<i32>} : memref<32x128xf32, #tpu.memory_space<vmem>>, vector<1x16xf32>,
          %get3A_1280 = vector.shape_cast %get3A_1279 : vector<1x16xf32> to vector<16xf32>
          %get3A_1281 = arith.constant 0 : i32
          %get3A_1282 = arith.constant 0 : i32
          %get3A_1283 = tpu.memref_slice %arg22[%scan3A_431, %get3A_1281, %get3A_1282] : memref<2x32x128xf32, #tpu.memory_space<vmem>> -> memref<1x32x128xf32, #tpu.memory_space<vmem>>
          %get3A_1284 = tpu.memref_squeeze %get3A_1283 : memref<1x32x128xf32, #tpu.memory_space<vmem>> -> memref<32x128xf32, #tpu.memory_space<vmem>>
          %get3A_1285 = arith.index_cast %add3A_687 : i32 to index
          %get3A_1286 = arith.constant 96 : index
          %get3A_1287 = tpu.vector_load %get3A_1284[%get3A_1285, %get3A_1286] {strides = array<i32>} : memref<32x128xf32, #tpu.memory_space<vmem>>, vector<1x16xf32>,
          %get3A_1288 = vector.shape_cast %get3A_1287 : vector<1x16xf32> to vector<16xf32>
          %get3A_1289 = arith.index_cast %squeeze3A : i32 to index
          %get3A_1290 = arith.constant 96 : index
          %get3A_1291 = tpu.vector_load %arg20[%get3A_1289, %get3A_1290] {strides = array<i32>} : memref<365x128xf32, #tpu.memory_space<vmem>>, vector<1x16xf32>,
          %get3A_1292 = vector.shape_cast %get3A_1291 : vector<1x16xf32> to vector<16xf32>
          %get3A_1293 = arith.index_cast %squeeze3A_698 : i32 to index
          %get3A_1294 = arith.constant 96 : index
          %get3A_1295 = tpu.vector_load %arg19[%get3A_1293, %get3A_1294] {strides = array<i32>} : memref<50x128xf32, #tpu.memory_space<vmem>>, vector<1x16xf32>,
          %get3A_1296 = vector.shape_cast %get3A_1295 : vector<1x16xf32> to vector<16xf32>
          %sub3A_1297 = arith.subf %get3A_1280, %get3A_1288 : vector<16xf32>
          %add3A_1298 = arith.constant 1.000000e+00 : f32
          %add3A_1299 = vector.broadcast %add3A_1298 : f32 to vector<16xf32>
          %add3A_1300 = arith.addf %get3A_1292, %add3A_1299 : vector<16xf32>
          %mul3A_1301 = arith.mulf %sub3A_1297, %add3A_1300 : vector<16xf32>
          %get3A_1302 = arith.constant 0 : i32
          %get3A_1303 = arith.constant 0 : i32
          %get3A_1304 = tpu.memref_slice %arg24[%scan3A_432, %get3A_1302, %get3A_1303] : memref<2x32x128xf32, #tpu.memory_space<vmem>> -> memref<1x32x128xf32, #tpu.memory_space<vmem>>
          %get3A_1305 = tpu.memref_squeeze %get3A_1304 : memref<1x32x128xf32, #tpu.memory_space<vmem>> -> memref<32x128xf32, #tpu.memory_space<vmem>>
          %get3A_1306 = arith.index_cast %add3A_687 : i32 to index
          %get3A_1307 = arith.constant 96 : index
          %get3A_1308 = tpu.vector_load %get3A_1305[%get3A_1306, %get3A_1307] {strides = array<i32>} : memref<32x128xf32, #tpu.memory_space<vmem>>, vector<1x16xf32>,
          %get3A_1309 = vector.shape_cast %get3A_1308 : vector<1x16xf32> to vector<16xf32>
          %add3A_1310 = arith.addf %mul3A_1301, %get3A_1309 : vector<16xf32>
          %mul3A_1311 = arith.constant 2.500000e-01 : f32
          %mul3A_1312 = vector.broadcast %mul3A_1311 : f32 to vector<16xf32>
          %mul3A_1313 = arith.mulf %add3A_1310, %mul3A_1312 : vector<16xf32>
          %add3A_1314 = arith.constant 0x4B400000 : f32
          %add3A_1315 = vector.broadcast %add3A_1314 : f32 to vector<16xf32>
          %add3A_1316 = arith.addf %mul3A_1313, %add3A_1315 : vector<16xf32>
          %sub3A_1317 = arith.constant 0x4B400000 : f32
          %sub3A_1318 = vector.broadcast %sub3A_1317 : f32 to vector<16xf32>
          %sub3A_1319 = arith.subf %add3A_1316, %sub3A_1318 : vector<16xf32>
          %mul3A_1320 = arith.constant 4.000000e+00 : f32
          %mul3A_1321 = vector.broadcast %mul3A_1320 : f32 to vector<16xf32>
          %mul3A_1322 = arith.mulf %sub3A_1319, %mul3A_1321 : vector<16xf32>
          %sub3A_1323 = arith.subf %add3A_1310, %mul3A_1322 : vector<16xf32>
          %abs3A_1324 = math.absf %sub3A_1323 : vector<16xf32>
          %sub3A_1325 = arith.constant 2.000000e+00 : f32
          %sub3A_1326 = vector.broadcast %sub3A_1325 : f32 to vector<16xf32>
          %sub3A_1327 = arith.subf %sub3A_1326, %abs3A_1324 : vector<16xf32>
          %min3A_1328 = arith.minimumf %abs3A_1324, %sub3A_1327 : vector<16xf32>
          %mul3A_1329 = arith.mulf %min3A_1328, %min3A_1328 : vector<16xf32>
          %mul3A_1330 = arith.constant -4.333140e-03 : f32
          %mul3A_1331 = vector.broadcast %mul3A_1330 : f32 to vector<16xf32>
          %mul3A_1332 = arith.mulf %mul3A_1331, %mul3A_1329 : vector<16xf32>
          %add3A_1333 = arith.constant 0.0794344097 : f32
          %add3A_1334 = vector.broadcast %add3A_1333 : f32 to vector<16xf32>
          %add3A_1335 = arith.addf %mul3A_1332, %add3A_1334 : vector<16xf32>
          %mul3A_1336 = arith.mulf %add3A_1335, %mul3A_1329 : vector<16xf32>
          %add3A_1337 = arith.constant -0.645892859 : f32
          %add3A_1338 = vector.broadcast %add3A_1337 : f32 to vector<16xf32>
          %add3A_1339 = arith.addf %mul3A_1336, %add3A_1338 : vector<16xf32>
          %mul3A_1340 = arith.mulf %add3A_1339, %mul3A_1329 : vector<16xf32>
          %add3A_1341 = arith.constant 1.57079101 : f32
          %add3A_1342 = vector.broadcast %add3A_1341 : f32 to vector<16xf32>
          %add3A_1343 = arith.addf %mul3A_1340, %add3A_1342 : vector<16xf32>
          %mul3A_1344 = arith.mulf %min3A_1328, %add3A_1343 : vector<16xf32>
          %add3A_1345 = arith.addf %add3A_1250, %mul3A_1344 : vector<16xf32>
          %get3A_1346 = arith.constant 0 : i32
          %get3A_1347 = arith.constant 0 : i32
          %get3A_1348 = tpu.memref_slice %arg23[%scan3A_433, %get3A_1346, %get3A_1347] : memref<2x32x128xf32, #tpu.memory_space<vmem>> -> memref<1x32x128xf32, #tpu.memory_space<vmem>>
          %get3A_1349 = tpu.memref_squeeze %get3A_1348 : memref<1x32x128xf32, #tpu.memory_space<vmem>> -> memref<32x128xf32, #tpu.memory_space<vmem>>
          %get3A_1350 = arith.index_cast %add3A_687 : i32 to index
          %get3A_1351 = arith.constant 96 : index
          %get3A_1352 = tpu.vector_load %get3A_1349[%get3A_1350, %get3A_1351] {strides = array<i32>} : memref<32x128xf32, #tpu.memory_space<vmem>>, vector<1x16xf32>,
          %get3A_1353 = vector.shape_cast %get3A_1352 : vector<1x16xf32> to vector<16xf32>
          %abs3A_1354 = math.absf %get3A_1353 : vector<16xf32>
          %get3A_1355 = arith.constant 0 : i32
          %get3A_1356 = arith.constant 0 : i32
          %get3A_1357 = tpu.memref_slice %arg25[%scan3A_434, %get3A_1355, %get3A_1356] : memref<2x32x128xf32, #tpu.memory_space<vmem>> -> memref<1x32x128xf32, #tpu.memory_space<vmem>>
          %get3A_1358 = tpu.memref_squeeze %get3A_1357 : memref<1x32x128xf32, #tpu.memory_space<vmem>> -> memref<32x128xf32, #tpu.memory_space<vmem>>
          %get3A_1359 = arith.index_cast %add3A_687 : i32 to index
          %get3A_1360 = arith.constant 96 : index
          %get3A_1361 = tpu.vector_load %get3A_1358[%get3A_1359, %get3A_1360] {strides = array<i32>} : memref<32x128xf32, #tpu.memory_space<vmem>>, vector<1x16xf32>,
          %get3A_1362 = vector.shape_cast %get3A_1361 : vector<1x16xf32> to vector<16xf32>
          %abs3A_1363 = math.absf %get3A_1362 : vector<16xf32>
          %mul3A_1364 = arith.mulf %abs3A_1354, %abs3A_1363 : vector<16xf32>
          %sub3A_1365 = arith.subf %mul3A_1364, %get3A_1296 : vector<16xf32>
          %mul3A_1366 = arith.mulf %sub3A_1365, %sub3A_1365 : vector<16xf32>
          %add3A_1367 = arith.addf %add3A_1272, %mul3A_1366 : vector<16xf32>
          %get3A_1368 = arith.constant 0 : i32
          %get3A_1369 = arith.constant 0 : i32
          %get3A_1370 = tpu.memref_slice %arg21[%scan3A_430, %get3A_1368, %get3A_1369] : memref<2x32x128xf32, #tpu.memory_space<vmem>> -> memref<1x32x128xf32, #tpu.memory_space<vmem>>
          %get3A_1371 = tpu.memref_squeeze %get3A_1370 : memref<1x32x128xf32, #tpu.memory_space<vmem>> -> memref<32x128xf32, #tpu.memory_space<vmem>>
          %get3A_1372 = arith.index_cast %add3A_687 : i32 to index
          %get3A_1373 = arith.constant 112 : index
          %get3A_1374 = tpu.vector_load %get3A_1371[%get3A_1372, %get3A_1373] {strides = array<i32>} : memref<32x128xf32, #tpu.memory_space<vmem>>, vector<1x16xf32>,
          %get3A_1375 = vector.shape_cast %get3A_1374 : vector<1x16xf32> to vector<16xf32>
          %get3A_1376 = arith.constant 0 : i32
          %get3A_1377 = arith.constant 0 : i32
          %get3A_1378 = tpu.memref_slice %arg22[%scan3A_431, %get3A_1376, %get3A_1377] : memref<2x32x128xf32, #tpu.memory_space<vmem>> -> memref<1x32x128xf32, #tpu.memory_space<vmem>>
          %get3A_1379 = tpu.memref_squeeze %get3A_1378 : memref<1x32x128xf32, #tpu.memory_space<vmem>> -> memref<32x128xf32, #tpu.memory_space<vmem>>
          %get3A_1380 = arith.index_cast %add3A_687 : i32 to index
          %get3A_1381 = arith.constant 112 : index
          %get3A_1382 = tpu.vector_load %get3A_1379[%get3A_1380, %get3A_1381] {strides = array<i32>} : memref<32x128xf32, #tpu.memory_space<vmem>>, vector<1x16xf32>,
          %get3A_1383 = vector.shape_cast %get3A_1382 : vector<1x16xf32> to vector<16xf32>
          %get3A_1384 = arith.index_cast %squeeze3A : i32 to index
          %get3A_1385 = arith.constant 112 : index
          %get3A_1386 = tpu.vector_load %arg20[%get3A_1384, %get3A_1385] {strides = array<i32>} : memref<365x128xf32, #tpu.memory_space<vmem>>, vector<1x16xf32>,
          %get3A_1387 = vector.shape_cast %get3A_1386 : vector<1x16xf32> to vector<16xf32>
          %get3A_1388 = arith.index_cast %squeeze3A_698 : i32 to index
          %get3A_1389 = arith.constant 112 : index
          %get3A_1390 = tpu.vector_load %arg19[%get3A_1388, %get3A_1389] {strides = array<i32>} : memref<50x128xf32, #tpu.memory_space<vmem>>, vector<1x16xf32>,
          %get3A_1391 = vector.shape_cast %get3A_1390 : vector<1x16xf32> to vector<16xf32>
          %sub3A_1392 = arith.subf %get3A_1375, %get3A_1383 : vector<16xf32>
          %add3A_1393 = arith.constant 1.000000e+00 : f32
          %add3A_1394 = vector.broadcast %add3A_1393 : f32 to vector<16xf32>
          %add3A_1395 = arith.addf %get3A_1387, %add3A_1394 : vector<16xf32>
          %mul3A_1396 = arith.mulf %sub3A_1392, %add3A_1395 : vector<16xf32>
          %get3A_1397 = arith.constant 0 : i32
          %get3A_1398 = arith.constant 0 : i32
          %get3A_1399 = tpu.memref_slice %arg24[%scan3A_432, %get3A_1397, %get3A_1398] : memref<2x32x128xf32, #tpu.memory_space<vmem>> -> memref<1x32x128xf32, #tpu.memory_space<vmem>>
          %get3A_1400 = tpu.memref_squeeze %get3A_1399 : memref<1x32x128xf32, #tpu.memory_space<vmem>> -> memref<32x128xf32, #tpu.memory_space<vmem>>
          %get3A_1401 = arith.index_cast %add3A_687 : i32 to index
          %get3A_1402 = arith.constant 112 : index
          %get3A_1403 = tpu.vector_load %get3A_1400[%get3A_1401, %get3A_1402] {strides = array<i32>} : memref<32x128xf32, #tpu.memory_space<vmem>>, vector<1x16xf32>,
          %get3A_1404 = vector.shape_cast %get3A_1403 : vector<1x16xf32> to vector<16xf32>
          %add3A_1405 = arith.addf %mul3A_1396, %get3A_1404 : vector<16xf32>
          %mul3A_1406 = arith.constant 2.500000e-01 : f32
          %mul3A_1407 = vector.broadcast %mul3A_1406 : f32 to vector<16xf32>
          %mul3A_1408 = arith.mulf %add3A_1405, %mul3A_1407 : vector<16xf32>
          %add3A_1409 = arith.constant 0x4B400000 : f32
          %add3A_1410 = vector.broadcast %add3A_1409 : f32 to vector<16xf32>
          %add3A_1411 = arith.addf %mul3A_1408, %add3A_1410 : vector<16xf32>
          %sub3A_1412 = arith.constant 0x4B400000 : f32
          %sub3A_1413 = vector.broadcast %sub3A_1412 : f32 to vector<16xf32>
          %sub3A_1414 = arith.subf %add3A_1411, %sub3A_1413 : vector<16xf32>
          %mul3A_1415 = arith.constant 4.000000e+00 : f32
          %mul3A_1416 = vector.broadcast %mul3A_1415 : f32 to vector<16xf32>
          %mul3A_1417 = arith.mulf %sub3A_1414, %mul3A_1416 : vector<16xf32>
          %sub3A_1418 = arith.subf %add3A_1405, %mul3A_1417 : vector<16xf32>
          %abs3A_1419 = math.absf %sub3A_1418 : vector<16xf32>
          %sub3A_1420 = arith.constant 2.000000e+00 : f32
          %sub3A_1421 = vector.broadcast %sub3A_1420 : f32 to vector<16xf32>
          %sub3A_1422 = arith.subf %sub3A_1421, %abs3A_1419 : vector<16xf32>
          %min3A_1423 = arith.minimumf %abs3A_1419, %sub3A_1422 : vector<16xf32>
          %mul3A_1424 = arith.mulf %min3A_1423, %min3A_1423 : vector<16xf32>
          %mul3A_1425 = arith.constant -4.333140e-03 : f32
          %mul3A_1426 = vector.broadcast %mul3A_1425 : f32 to vector<16xf32>
          %mul3A_1427 = arith.mulf %mul3A_1426, %mul3A_1424 : vector<16xf32>
          %add3A_1428 = arith.constant 0.0794344097 : f32
          %add3A_1429 = vector.broadcast %add3A_1428 : f32 to vector<16xf32>
          %add3A_1430 = arith.addf %mul3A_1427, %add3A_1429 : vector<16xf32>
          %mul3A_1431 = arith.mulf %add3A_1430, %mul3A_1424 : vector<16xf32>
          %add3A_1432 = arith.constant -0.645892859 : f32
          %add3A_1433 = vector.broadcast %add3A_1432 : f32 to vector<16xf32>
          %add3A_1434 = arith.addf %mul3A_1431, %add3A_1433 : vector<16xf32>
          %mul3A_1435 = arith.mulf %add3A_1434, %mul3A_1424 : vector<16xf32>
          %add3A_1436 = arith.constant 1.57079101 : f32
          %add3A_1437 = vector.broadcast %add3A_1436 : f32 to vector<16xf32>
          %add3A_1438 = arith.addf %mul3A_1435, %add3A_1437 : vector<16xf32>
          %mul3A_1439 = arith.mulf %min3A_1423, %add3A_1438 : vector<16xf32>
          %add3A_1440 = arith.addf %add3A_1345, %mul3A_1439 : vector<16xf32>
          %get3A_1441 = arith.constant 0 : i32
          %get3A_1442 = arith.constant 0 : i32
          %get3A_1443 = tpu.memref_slice %arg23[%scan3A_433, %get3A_1441, %get3A_1442] : memref<2x32x128xf32, #tpu.memory_space<vmem>> -> memref<1x32x128xf32, #tpu.memory_space<vmem>>
          %get3A_1444 = tpu.memref_squeeze %get3A_1443 : memref<1x32x128xf32, #tpu.memory_space<vmem>> -> memref<32x128xf32, #tpu.memory_space<vmem>>
          %get3A_1445 = arith.index_cast %add3A_687 : i32 to index
          %get3A_1446 = arith.constant 112 : index
          %get3A_1447 = tpu.vector_load %get3A_1444[%get3A_1445, %get3A_1446] {strides = array<i32>} : memref<32x128xf32, #tpu.memory_space<vmem>>, vector<1x16xf32>,
          %get3A_1448 = vector.shape_cast %get3A_1447 : vector<1x16xf32> to vector<16xf32>
          %abs3A_1449 = math.absf %get3A_1448 : vector<16xf32>
          %get3A_1450 = arith.constant 0 : i32
          %get3A_1451 = arith.constant 0 : i32
          %get3A_1452 = tpu.memref_slice %arg25[%scan3A_434, %get3A_1450, %get3A_1451] : memref<2x32x128xf32, #tpu.memory_space<vmem>> -> memref<1x32x128xf32, #tpu.memory_space<vmem>>
          %get3A_1453 = tpu.memref_squeeze %get3A_1452 : memref<1x32x128xf32, #tpu.memory_space<vmem>> -> memref<32x128xf32, #tpu.memory_space<vmem>>
          %get3A_1454 = arith.index_cast %add3A_687 : i32 to index
          %get3A_1455 = arith.constant 112 : index
          %get3A_1456 = tpu.vector_load %get3A_1453[%get3A_1454, %get3A_1455] {strides = array<i32>} : memref<32x128xf32, #tpu.memory_space<vmem>>, vector<1x16xf32>,
          %get3A_1457 = vector.shape_cast %get3A_1456 : vector<1x16xf32> to vector<16xf32>
          %abs3A_1458 = math.absf %get3A_1457 : vector<16xf32>
          %mul3A_1459 = arith.mulf %abs3A_1449, %abs3A_1458 : vector<16xf32>
          %sub3A_1460 = arith.subf %mul3A_1459, %get3A_1391 : vector<16xf32>
          %mul3A_1461 = arith.mulf %sub3A_1460, %sub3A_1460 : vector<16xf32>
          %add3A_1462 = arith.addf %add3A_1367, %mul3A_1461 : vector<16xf32>
          %eq3A = vector.broadcast %scan3A_682 : i32 to vector<16xi32>
          %eq3A_1463 = arith.cmpi eq, %iota3A, %eq3A : vector<16xi32>
          %gather3A = vector.shape_cast %broadcast_in_dim3A : vector<16x1xi32> to vector<16xi32>
          %gather3A_1464 = tpu.dynamic_gather %add3A_1440[%gather3A] in [0] : vector<16xf32>, vector<16xi32> -> vector<16xf32>
          %add3A_1465 = arith.addf %add3A_1440, %gather3A_1464 : vector<16xf32>
          %gather3A_1466 = vector.shape_cast %broadcast_in_dim3A_12 : vector<16x1xi32> to vector<16xi32>
          %gather3A_1467 = tpu.dynamic_gather %add3A_1465[%gather3A_1466] in [0] : vector<16xf32>, vector<16xi32> -> vector<16xf32>
          %add3A_1468 = arith.addf %add3A_1465, %gather3A_1467 : vector<16xf32>
          %gather3A_1469 = vector.shape_cast %broadcast_in_dim3A_19 : vector<16x1xi32> to vector<16xi32>
          %gather3A_1470 = tpu.dynamic_gather %add3A_1468[%gather3A_1469] in [0] : vector<16xf32>, vector<16xi32> -> vector<16xf32>
          %add3A_1471 = arith.addf %add3A_1468, %gather3A_1470 : vector<16xf32>
          %gather3A_1472 = vector.shape_cast %broadcast_in_dim3A_26 : vector<16x1xi32> to vector<16xi32>
          %gather3A_1473 = tpu.dynamic_gather %add3A_1471[%gather3A_1472] in [0] : vector<16xf32>, vector<16xi32> -> vector<16xf32>
          %add3A_1474 = arith.addf %add3A_1471, %gather3A_1473 : vector<16xf32>
          %select_n3A = arith.select %eq3A_1463, %add3A_1474, %scan3A_683 : vector<16xi1>, vector<16xf32>
          %gather3A_1475 = vector.shape_cast %broadcast_in_dim3A : vector<16x1xi32> to vector<16xi32>
          %gather3A_1476 = tpu.dynamic_gather %add3A_1462[%gather3A_1475] in [0] : vector<16xf32>, vector<16xi32> -> vector<16xf32>
          %add3A_1477 = arith.addf %add3A_1462, %gather3A_1476 : vector<16xf32>
          %gather3A_1478 = vector.shape_cast %broadcast_in_dim3A_12 : vector<16x1xi32> to vector<16xi32>
          %gather3A_1479 = tpu.dynamic_gather %add3A_1477[%gather3A_1478] in [0] : vector<16xf32>, vector<16xi32> -> vector<16xf32>
          %add3A_1480 = arith.addf %add3A_1477, %gather3A_1479 : vector<16xf32>
          %gather3A_1481 = vector.shape_cast %broadcast_in_dim3A_19 : vector<16x1xi32> to vector<16xi32>
          %gather3A_1482 = tpu.dynamic_gather %add3A_1480[%gather3A_1481] in [0] : vector<16xf32>, vector<16xi32> -> vector<16xf32>
          %add3A_1483 = arith.addf %add3A_1480, %gather3A_1482 : vector<16xf32>
          %gather3A_1484 = vector.shape_cast %broadcast_in_dim3A_26 : vector<16x1xi32> to vector<16xi32>
          %gather3A_1485 = tpu.dynamic_gather %add3A_1483[%gather3A_1484] in [0] : vector<16xf32>, vector<16xi32> -> vector<16xf32>
          %add3A_1486 = arith.addf %add3A_1483, %gather3A_1485 : vector<16xf32>
          %select_n3A_1487 = arith.select %eq3A_1463, %add3A_1486, %scan3A_684 : vector<16xi1>, vector<16xf32>
          scf.yield %select_n3A, %select_n3A_1487 : vector<16xf32>, vector<16xf32>
        }
        %scan3A_635 = arith.constant 16 : i32
        %mul3A_636 = arith.constant 32 : i32
        %mul3A_637 = arith.muli %add3A_373, %mul3A_636 : i32
        %mul3A_638 = arith.constant 16 : i32
        %mul3A_639 = arith.muli %scan3A_627, %mul3A_638 : i32
        %add3A_640 = arith.addi %mul3A_637, %mul3A_639 : i32
        %bitcast_convert_type3A = tpu.bitcast %scan3A_634#1 : vector<16xf32> -> vector<16xi32>
        %shift_right_logical3A = arith.constant 1 : i32
        %shift_right_logical3A_641 = vector.broadcast %shift_right_logical3A : i32 to vector<16xi32>
        %shift_right_logical3A_642 = arith.shrui %bitcast_convert_type3A, %shift_right_logical3A_641 : vector<16xi32>
        %sub3A = arith.constant 1597463007 : i32
        %sub3A_643 = vector.broadcast %sub3A : i32 to vector<16xi32>
        %sub3A_644 = arith.subi %sub3A_643, %shift_right_logical3A_642 : vector<16xi32>
        %bitcast_convert_type3A_645 = tpu.bitcast %sub3A_644 : vector<16xi32> -> vector<16xf32>
        %mul3A_646 = arith.constant 5.000000e-01 : f32
        %mul3A_647 = vector.broadcast %mul3A_646 : f32 to vector<16xf32>
        %mul3A_648 = arith.mulf %mul3A_647, %scan3A_634#1 : vector<16xf32>
        %mul3A_649 = arith.mulf %mul3A_648, %bitcast_convert_type3A_645 : vector<16xf32>
        %mul3A_650 = arith.mulf %mul3A_649, %bitcast_convert_type3A_645 : vector<16xf32>
        %sub3A_651 = arith.constant 1.500000e+00 : f32
        %sub3A_652 = vector.broadcast %sub3A_651 : f32 to vector<16xf32>
        %sub3A_653 = arith.subf %sub3A_652, %mul3A_650 : vector<16xf32>
        %mul3A_654 = arith.mulf %bitcast_convert_type3A_645, %sub3A_653 : vector<16xf32>
        %mul3A_655 = arith.constant 5.000000e-01 : f32
        %mul3A_656 = vector.broadcast %mul3A_655 : f32 to vector<16xf32>
        %mul3A_657 = arith.mulf %mul3A_656, %scan3A_634#1 : vector<16xf32>
        %mul3A_658 = arith.mulf %mul3A_657, %mul3A_654 : vector<16xf32>
        %mul3A_659 = arith.mulf %mul3A_658, %mul3A_654 : vector<16xf32>
        %sub3A_660 = arith.constant 1.500000e+00 : f32
        %sub3A_661 = vector.broadcast %sub3A_660 : f32 to vector<16xf32>
        %sub3A_662 = arith.subf %sub3A_661, %mul3A_659 : vector<16xf32>
        %mul3A_663 = arith.mulf %mul3A_654, %sub3A_662 : vector<16xf32>
        %mul3A_664 = arith.constant 5.000000e-01 : f32
        %mul3A_665 = vector.broadcast %mul3A_664 : f32 to vector<16xf32>
        %mul3A_666 = arith.mulf %mul3A_665, %scan3A_634#1 : vector<16xf32>
        %mul3A_667 = arith.mulf %mul3A_666, %mul3A_663 : vector<16xf32>
        %mul3A_668 = arith.mulf %mul3A_667, %mul3A_663 : vector<16xf32>
        %sub3A_669 = arith.constant 1.500000e+00 : f32
        %sub3A_670 = vector.broadcast %sub3A_669 : f32 to vector<16xf32>
        %sub3A_671 = arith.subf %sub3A_670, %mul3A_668 : vector<16xf32>
        %mul3A_672 = arith.mulf %mul3A_663, %sub3A_671 : vector<16xf32>
        %mul3A_673 = arith.mulf %scan3A_634#1, %mul3A_672 : vector<16xf32>
        %mul3A_674 = arith.constant 5.000000e-01 : f32
        %mul3A_675 = vector.broadcast %mul3A_674 : f32 to vector<16xf32>
        %mul3A_676 = arith.mulf %mul3A_675, %mul3A_673 : vector<16xf32>
        %add3A_677 = arith.addf %scan3A_634#0, %mul3A_676 : vector<16xf32>
        %swap3A_678 = arith.index_cast %add3A_640 : i32 to index
        %swap3A_679 = tpu.vector_load %arg26[%swap3A_678] {strides = array<i32>} : memref<1024xf32, #tpu.memory_space<vmem>>, vector<16xf32>,
        %swap3A_680 = vector.shape_cast %swap3A_679 : vector<16xf32> to vector<16xf32>
        %swap3A_681 = vector.shape_cast %add3A_677 : vector<16xf32> to vector<16xf32>
        tpu.vector_store %arg26[%swap3A_678], %swap3A_681 {strides = array<i32>} : memref<1024xf32, #tpu.memory_space<vmem>>, vector<16xf32>,
      }
      %scan3A_439 = arith.constant 2 : i32
      %add3A_440 = arith.constant 2 : i32
      %add3A_441 = arith.addi %add3A_373, %add3A_440 : i32
      %min3A = arith.constant 31 : i32
      %min3A_442 = arith.minsi %add3A_441, %min3A : i32
      %dma_start3A_443 = arith.constant 0 : i32
      %dma_start3A_444 = arith.constant 0 : i32
      %dma_start3A_445 = arith.constant 0 : i32
      %dma_start3A_446 = tpu.memref_slice %arg21[%dma_start3A_443, %dma_start3A_444, %dma_start3A_445] : memref<2x32x128xf32, #tpu.memory_space<vmem>> -> memref<1x32x128xf32, #tpu.memory_space<vmem>>
      %dma_start3A_447 = tpu.memref_squeeze %dma_start3A_446 : memref<1x32x128xf32, #tpu.memory_space<vmem>> -> memref<32x128xf32, #tpu.memory_space<vmem>>
      %dma_start3A_448 = arith.constant 0 : i32
      %dma_start3A_449 = tpu.memref_slice %arg14[%min3A_442, %dma_start3A_448] : memref<32x32xi32, #tpu.memory_space<vmem>> -> memref<1x32xi32, #tpu.memory_space<vmem>>
      %dma_start3A_450 = tpu.memref_squeeze %dma_start3A_449 : memref<1x32xi32, #tpu.memory_space<vmem>> -> memref<32xi32, #tpu.memory_space<vmem>>
      %dma_start3A_451 = arith.constant 0 : i32
      %dma_start3A_452 = arith.constant 0 : i32
      %dma_start3A_453 = tpu.memref_slice %arg7[%dma_start3A_451, %dma_start3A_452] : memref<100000x128xf32, #tpu.memory_space<hbm>> -> memref<100000x128xf32, #tpu.memory_space<hbm>>
      tpu.enqueue_indirect_dma source(%dma_start3A_453 : memref<100000x128xf32, #tpu.memory_space<hbm>>) target(%dma_start3A_447 : memref<32x128xf32, #tpu.memory_space<vmem>>) offsets(%dma_start3A_450 : memref<32xi32, #tpu.memory_space<vmem>>) semaphore(%arg27 : memref<!tpu.dma_semaphore, #tpu.memory_space<semaphore_mem>>)
      %dma_start3A_454 = arith.constant 0 : i32
      %dma_start3A_455 = arith.constant 0 : i32
      %dma_start3A_456 = arith.constant 0 : i32
      %dma_start3A_457 = tpu.memref_slice %arg22[%dma_start3A_454, %dma_start3A_455, %dma_start3A_456] : memref<2x32x128xf32, #tpu.memory_space<vmem>> -> memref<1x32x128xf32, #tpu.memory_space<vmem>>
      %dma_start3A_458 = tpu.memref_squeeze %dma_start3A_457 : memref<1x32x128xf32, #tpu.memory_space<vmem>> -> memref<32x128xf32, #tpu.memory_space<vmem>>
      %dma_start3A_459 = arith.constant 0 : i32
      %dma_start3A_460 = tpu.memref_slice %arg16[%min3A_442, %dma_start3A_459] : memref<32x32xi32, #tpu.memory_space<vmem>> -> memref<1x32xi32, #tpu.memory_space<vmem>>
      %dma_start3A_461 = tpu.memref_squeeze %dma_start3A_460 : memref<1x32xi32, #tpu.memory_space<vmem>> -> memref<32xi32, #tpu.memory_space<vmem>>
      %dma_start3A_462 = arith.constant 0 : i32
      %dma_start3A_463 = arith.constant 0 : i32
      %dma_start3A_464 = tpu.memref_slice %arg7[%dma_start3A_462, %dma_start3A_463] : memref<100000x128xf32, #tpu.memory_space<hbm>> -> memref<100000x128xf32, #tpu.memory_space<hbm>>
      tpu.enqueue_indirect_dma source(%dma_start3A_464 : memref<100000x128xf32, #tpu.memory_space<hbm>>) target(%dma_start3A_458 : memref<32x128xf32, #tpu.memory_space<vmem>>) offsets(%dma_start3A_461 : memref<32xi32, #tpu.memory_space<vmem>>) semaphore(%arg27 : memref<!tpu.dma_semaphore, #tpu.memory_space<semaphore_mem>>)
      %dma_start3A_465 = arith.constant 0 : i32
      %dma_start3A_466 = arith.constant 0 : i32
      %dma_start3A_467 = arith.constant 0 : i32
      %dma_start3A_468 = tpu.memref_slice %arg23[%dma_start3A_465, %dma_start3A_466, %dma_start3A_467] : memref<2x32x128xf32, #tpu.memory_space<vmem>> -> memref<1x32x128xf32, #tpu.memory_space<vmem>>
      %dma_start3A_469 = tpu.memref_squeeze %dma_start3A_468 : memref<1x32x128xf32, #tpu.memory_space<vmem>> -> memref<32x128xf32, #tpu.memory_space<vmem>>
      %dma_start3A_470 = arith.constant 0 : i32
      %dma_start3A_471 = tpu.memref_slice %arg14[%min3A_442, %dma_start3A_470] : memref<32x32xi32, #tpu.memory_space<vmem>> -> memref<1x32xi32, #tpu.memory_space<vmem>>
      %dma_start3A_472 = tpu.memref_squeeze %dma_start3A_471 : memref<1x32xi32, #tpu.memory_space<vmem>> -> memref<32xi32, #tpu.memory_space<vmem>>
      %dma_start3A_473 = arith.constant 0 : i32
      %dma_start3A_474 = arith.constant 0 : i32
      %dma_start3A_475 = tpu.memref_slice %arg10[%dma_start3A_473, %dma_start3A_474] : memref<1000x128xf32, #tpu.memory_space<hbm>> -> memref<1000x128xf32, #tpu.memory_space<hbm>>
      tpu.enqueue_indirect_dma source(%dma_start3A_475 : memref<1000x128xf32, #tpu.memory_space<hbm>>) target(%dma_start3A_469 : memref<32x128xf32, #tpu.memory_space<vmem>>) offsets(%dma_start3A_472 : memref<32xi32, #tpu.memory_space<vmem>>) semaphore(%arg27 : memref<!tpu.dma_semaphore, #tpu.memory_space<semaphore_mem>>)
      %dma_start3A_476 = arith.constant 0 : i32
      %dma_start3A_477 = arith.constant 0 : i32
      %dma_start3A_478 = arith.constant 0 : i32
      %dma_start3A_479 = tpu.memref_slice %arg24[%dma_start3A_476, %dma_start3A_477, %dma_start3A_478] : memref<2x32x128xf32, #tpu.memory_space<vmem>> -> memref<1x32x128xf32, #tpu.memory_space<vmem>>
      %dma_start3A_480 = tpu.memref_squeeze %dma_start3A_479 : memref<1x32x128xf32, #tpu.memory_space<vmem>> -> memref<32x128xf32, #tpu.memory_space<vmem>>
      %dma_start3A_481 = arith.constant 0 : i32
      %dma_start3A_482 = tpu.memref_slice %arg15[%min3A_442, %dma_start3A_481] : memref<32x32xi32, #tpu.memory_space<vmem>> -> memref<1x32xi32, #tpu.memory_space<vmem>>
      %dma_start3A_483 = tpu.memref_squeeze %dma_start3A_482 : memref<1x32xi32, #tpu.memory_space<vmem>> -> memref<32xi32, #tpu.memory_space<vmem>>
      %dma_start3A_484 = arith.constant 0 : i32
      %dma_start3A_485 = arith.constant 0 : i32
      %dma_start3A_486 = tpu.memref_slice %arg8[%dma_start3A_484, %dma_start3A_485] : memref<100000x128xf32, #tpu.memory_space<hbm>> -> memref<100000x128xf32, #tpu.memory_space<hbm>>
      tpu.enqueue_indirect_dma source(%dma_start3A_486 : memref<100000x128xf32, #tpu.memory_space<hbm>>) target(%dma_start3A_480 : memref<32x128xf32, #tpu.memory_space<vmem>>) offsets(%dma_start3A_483 : memref<32xi32, #tpu.memory_space<vmem>>) semaphore(%arg27 : memref<!tpu.dma_semaphore, #tpu.memory_space<semaphore_mem>>)
      %dma_start3A_487 = arith.constant 0 : i32
      %dma_start3A_488 = arith.constant 0 : i32
      %dma_start3A_489 = arith.constant 0 : i32
      %dma_start3A_490 = tpu.memref_slice %arg25[%dma_start3A_487, %dma_start3A_488, %dma_start3A_489] : memref<2x32x128xf32, #tpu.memory_space<vmem>> -> memref<1x32x128xf32, #tpu.memory_space<vmem>>
      %dma_start3A_491 = tpu.memref_squeeze %dma_start3A_490 : memref<1x32x128xf32, #tpu.memory_space<vmem>> -> memref<32x128xf32, #tpu.memory_space<vmem>>
      %dma_start3A_492 = arith.constant 0 : i32
      %dma_start3A_493 = tpu.memref_slice %arg15[%min3A_442, %dma_start3A_492] : memref<32x32xi32, #tpu.memory_space<vmem>> -> memref<1x32xi32, #tpu.memory_space<vmem>>
      %dma_start3A_494 = tpu.memref_squeeze %dma_start3A_493 : memref<1x32xi32, #tpu.memory_space<vmem>> -> memref<32xi32, #tpu.memory_space<vmem>>
      %dma_start3A_495 = arith.constant 0 : i32
      %dma_start3A_496 = arith.constant 0 : i32
      %dma_start3A_497 = tpu.memref_slice %arg9[%dma_start3A_495, %dma_start3A_496] : memref<1000x128xf32, #tpu.memory_space<hbm>> -> memref<1000x128xf32, #tpu.memory_space<hbm>>
      tpu.enqueue_indirect_dma source(%dma_start3A_497 : memref<1000x128xf32, #tpu.memory_space<hbm>>) target(%dma_start3A_491 : memref<32x128xf32, #tpu.memory_space<vmem>>) offsets(%dma_start3A_494 : memref<32xi32, #tpu.memory_space<vmem>>) semaphore(%arg27 : memref<!tpu.dma_semaphore, #tpu.memory_space<semaphore_mem>>)
      %mul3A_498 = arith.constant 2 : i32
      %mul3A_499 = arith.muli %mul3A_498, %scan3A_369 : i32
      %add3A_500 = arith.constant 1 : i32
      %add3A_501 = arith.addi %mul3A_499, %add3A_500 : i32
      %dma_wait3A_502 = arith.constant 1 : i32
      %dma_wait3A_503 = arith.constant 0 : i32
      %dma_wait3A_504 = arith.constant 0 : i32
      %dma_wait3A_505 = tpu.memref_slice %arg21[%dma_wait3A_502, %dma_wait3A_503, %dma_wait3A_504] : memref<2x32x128xf32, #tpu.memory_space<vmem>> -> memref<1x32x128xf32, #tpu.memory_space<vmem>>
      %dma_wait3A_506 = tpu.memref_squeeze %dma_wait3A_505 : memref<1x32x128xf32, #tpu.memory_space<vmem>> -> memref<32x128xf32, #tpu.memory_space<vmem>>
      %dma_wait3A_507 = arith.constant 0 : i32
      %dma_wait3A_508 = tpu.memref_slice %arg14[%add3A_501, %dma_wait3A_507] : memref<32x32xi32, #tpu.memory_space<vmem>> -> memref<1x32xi32, #tpu.memory_space<vmem>>
      %dma_wait3A_509 = tpu.memref_squeeze %dma_wait3A_508 : memref<1x32xi32, #tpu.memory_space<vmem>> -> memref<32xi32, #tpu.memory_space<vmem>>
      %dma_wait3A_510 = arith.constant 0 : i32
      %dma_wait3A_511 = arith.constant 0 : i32
      %dma_wait3A_512 = tpu.memref_slice %arg7[%dma_wait3A_510, %dma_wait3A_511] : memref<100000x128xf32, #tpu.memory_space<hbm>> -> memref<100000x128xf32, #tpu.memory_space<hbm>>
      tpu.wait_indirect_dma semaphore(%arg28 : memref<!tpu.dma_semaphore, #tpu.memory_space<semaphore_mem>>) src(%dma_wait3A_512 : memref<100000x128xf32, #tpu.memory_space<hbm>>) dst(%dma_wait3A_506 : memref<32x128xf32, #tpu.memory_space<vmem>>)
      %dma_wait3A_513 = arith.constant 1 : i32
      %dma_wait3A_514 = arith.constant 0 : i32
      %dma_wait3A_515 = arith.constant 0 : i32
      %dma_wait3A_516 = tpu.memref_slice %arg22[%dma_wait3A_513, %dma_wait3A_514, %dma_wait3A_515] : memref<2x32x128xf32, #tpu.memory_space<vmem>> -> memref<1x32x128xf32, #tpu.memory_space<vmem>>
      %dma_wait3A_517 = tpu.memref_squeeze %dma_wait3A_516 : memref<1x32x128xf32, #tpu.memory_space<vmem>> -> memref<32x128xf32, #tpu.memory_space<vmem>>
      %dma_wait3A_518 = arith.constant 0 : i32
      %dma_wait3A_519 = tpu.memref_slice %arg16[%add3A_501, %dma_wait3A_518] : memref<32x32xi32, #tpu.memory_space<vmem>> -> memref<1x32xi32, #tpu.memory_space<vmem>>
      %dma_wait3A_520 = tpu.memref_squeeze %dma_wait3A_519 : memref<1x32xi32, #tpu.memory_space<vmem>> -> memref<32xi32, #tpu.memory_space<vmem>>
      %dma_wait3A_521 = arith.constant 0 : i32
      %dma_wait3A_522 = arith.constant 0 : i32
      %dma_wait3A_523 = tpu.memref_slice %arg7[%dma_wait3A_521, %dma_wait3A_522] : memref<100000x128xf32, #tpu.memory_space<hbm>> -> memref<100000x128xf32, #tpu.memory_space<hbm>>
      tpu.wait_indirect_dma semaphore(%arg28 : memref<!tpu.dma_semaphore, #tpu.memory_space<semaphore_mem>>) src(%dma_wait3A_523 : memref<100000x128xf32, #tpu.memory_space<hbm>>) dst(%dma_wait3A_517 : memref<32x128xf32, #tpu.memory_space<vmem>>)
      %dma_wait3A_524 = arith.constant 1 : i32
      %dma_wait3A_525 = arith.constant 0 : i32
      %dma_wait3A_526 = arith.constant 0 : i32
      %dma_wait3A_527 = tpu.memref_slice %arg23[%dma_wait3A_524, %dma_wait3A_525, %dma_wait3A_526] : memref<2x32x128xf32, #tpu.memory_space<vmem>> -> memref<1x32x128xf32, #tpu.memory_space<vmem>>
      %dma_wait3A_528 = tpu.memref_squeeze %dma_wait3A_527 : memref<1x32x128xf32, #tpu.memory_space<vmem>> -> memref<32x128xf32, #tpu.memory_space<vmem>>
      %dma_wait3A_529 = arith.constant 0 : i32
      %dma_wait3A_530 = tpu.memref_slice %arg14[%add3A_501, %dma_wait3A_529] : memref<32x32xi32, #tpu.memory_space<vmem>> -> memref<1x32xi32, #tpu.memory_space<vmem>>
      %dma_wait3A_531 = tpu.memref_squeeze %dma_wait3A_530 : memref<1x32xi32, #tpu.memory_space<vmem>> -> memref<32xi32, #tpu.memory_space<vmem>>
      %dma_wait3A_532 = arith.constant 0 : i32
      %dma_wait3A_533 = arith.constant 0 : i32
      %dma_wait3A_534 = tpu.memref_slice %arg10[%dma_wait3A_532, %dma_wait3A_533] : memref<1000x128xf32, #tpu.memory_space<hbm>> -> memref<1000x128xf32, #tpu.memory_space<hbm>>
      tpu.wait_indirect_dma semaphore(%arg28 : memref<!tpu.dma_semaphore, #tpu.memory_space<semaphore_mem>>) src(%dma_wait3A_534 : memref<1000x128xf32, #tpu.memory_space<hbm>>) dst(%dma_wait3A_528 : memref<32x128xf32, #tpu.memory_space<vmem>>)
      %dma_wait3A_535 = arith.constant 1 : i32
      %dma_wait3A_536 = arith.constant 0 : i32
      %dma_wait3A_537 = arith.constant 0 : i32
      %dma_wait3A_538 = tpu.memref_slice %arg24[%dma_wait3A_535, %dma_wait3A_536, %dma_wait3A_537] : memref<2x32x128xf32, #tpu.memory_space<vmem>> -> memref<1x32x128xf32, #tpu.memory_space<vmem>>
      %dma_wait3A_539 = tpu.memref_squeeze %dma_wait3A_538 : memref<1x32x128xf32, #tpu.memory_space<vmem>> -> memref<32x128xf32, #tpu.memory_space<vmem>>
      %dma_wait3A_540 = arith.constant 0 : i32
      %dma_wait3A_541 = tpu.memref_slice %arg15[%add3A_501, %dma_wait3A_540] : memref<32x32xi32, #tpu.memory_space<vmem>> -> memref<1x32xi32, #tpu.memory_space<vmem>>
      %dma_wait3A_542 = tpu.memref_squeeze %dma_wait3A_541 : memref<1x32xi32, #tpu.memory_space<vmem>> -> memref<32xi32, #tpu.memory_space<vmem>>
      %dma_wait3A_543 = arith.constant 0 : i32
      %dma_wait3A_544 = arith.constant 0 : i32
      %dma_wait3A_545 = tpu.memref_slice %arg8[%dma_wait3A_543, %dma_wait3A_544] : memref<100000x128xf32, #tpu.memory_space<hbm>> -> memref<100000x128xf32, #tpu.memory_space<hbm>>
      tpu.wait_indirect_dma semaphore(%arg28 : memref<!tpu.dma_semaphore, #tpu.memory_space<semaphore_mem>>) src(%dma_wait3A_545 : memref<100000x128xf32, #tpu.memory_space<hbm>>) dst(%dma_wait3A_539 : memref<32x128xf32, #tpu.memory_space<vmem>>)
      %dma_wait3A_546 = arith.constant 1 : i32
      %dma_wait3A_547 = arith.constant 0 : i32
      %dma_wait3A_548 = arith.constant 0 : i32
      %dma_wait3A_549 = tpu.memref_slice %arg25[%dma_wait3A_546, %dma_wait3A_547, %dma_wait3A_548] : memref<2x32x128xf32, #tpu.memory_space<vmem>> -> memref<1x32x128xf32, #tpu.memory_space<vmem>>
      %dma_wait3A_550 = tpu.memref_squeeze %dma_wait3A_549 : memref<1x32x128xf32, #tpu.memory_space<vmem>> -> memref<32x128xf32, #tpu.memory_space<vmem>>
      %dma_wait3A_551 = arith.constant 0 : i32
      %dma_wait3A_552 = tpu.memref_slice %arg15[%add3A_501, %dma_wait3A_551] : memref<32x32xi32, #tpu.memory_space<vmem>> -> memref<1x32xi32, #tpu.memory_space<vmem>>
      %dma_wait3A_553 = tpu.memref_squeeze %dma_wait3A_552 : memref<1x32xi32, #tpu.memory_space<vmem>> -> memref<32xi32, #tpu.memory_space<vmem>>
      %dma_wait3A_554 = arith.constant 0 : i32
      %dma_wait3A_555 = arith.constant 0 : i32
      %dma_wait3A_556 = tpu.memref_slice %arg9[%dma_wait3A_554, %dma_wait3A_555] : memref<1000x128xf32, #tpu.memory_space<hbm>> -> memref<1000x128xf32, #tpu.memory_space<hbm>>
      tpu.wait_indirect_dma semaphore(%arg28 : memref<!tpu.dma_semaphore, #tpu.memory_space<semaphore_mem>>) src(%dma_wait3A_556 : memref<1000x128xf32, #tpu.memory_space<hbm>>) dst(%dma_wait3A_550 : memref<32x128xf32, #tpu.memory_space<vmem>>)
      %scan3A_557 = arith.constant 0 : i32
      %scan3A_558 = arith.constant 1 : i32
      %scan3A_559 = arith.constant 1 : i32
      %scan3A_560 = arith.constant 1 : i32
      %scan3A_561 = arith.constant 1 : i32
      %scan3A_562 = arith.constant 1 : i32
      %scan3A_563 = arith.constant 0 : i32
      %scan3A_564 = arith.constant 2 : i32
      %scan3A_565 = arith.addi %scan3A_563, %scan3A_564 : i32
      %scan3A_566 = arith.constant 1 : i32
      scf.for %scan3A_627 = %scan3A_563 to %scan3A_565 step %scan3A_566  : i32 {
        %broadcast_in_dim3A_628 = arith.constant 0.000000e+00 : f32
        %broadcast_in_dim3A_629 = vector.broadcast %broadcast_in_dim3A_628 : f32 to vector<16xf32>
        %scan3A_630 = arith.constant 0 : i32
        %scan3A_631 = arith.constant 16 : i32
        %scan3A_632 = arith.addi %scan3A_630, %scan3A_631 : i32
        %scan3A_633 = arith.constant 1 : i32
        %scan3A_634:2 = scf.for %scan3A_682 = %scan3A_630 to %scan3A_632 step %scan3A_633 iter_args(%scan3A_683 = %broadcast_in_dim3A_629, %scan3A_684 = %broadcast_in_dim3A_629) -> (vector<16xf32>, vector<16xf32>)  : i32 {
          %mul3A_685 = arith.constant 16 : i32
          %mul3A_686 = arith.muli %scan3A_627, %mul3A_685 : i32
          %add3A_687 = arith.addi %mul3A_686, %scan3A_682 : i32
          %mul3A_688 = arith.constant 32 : i32
          %mul3A_689 = arith.muli %add3A_501, %mul3A_688 : i32
          %add3A_690 = arith.addi %mul3A_689, %add3A_687 : i32
          %get3A_691 = arith.index_cast %add3A_690 : i32 to index
          %get3A_692 = tpu.vector_load %arg17[%get3A_691] {strides = array<i32>} : memref<1040xi32, #tpu.memory_space<vmem>>, vector<16xi32>,
          %get3A_693 = vector.shape_cast %get3A_692 : vector<16xi32> to vector<16xi32>
          %slice3A = vector.extract_strided_slice %get3A_693 {offsets = [0], sizes = [1], strides = [1]} : vector<16xi32> to vector<1xi32>
          %squeeze3A = vector.extract %slice3A[0] : i32 from vector<1xi32>
          %get3A_694 = arith.index_cast %add3A_690 : i32 to index
          %get3A_695 = tpu.vector_load %arg18[%get3A_694] {strides = array<i32>} : memref<1040xi32, #tpu.memory_space<vmem>>, vector<16xi32>,
          %get3A_696 = vector.shape_cast %get3A_695 : vector<16xi32> to vector<16xi32>
          %slice3A_697 = vector.extract_strided_slice %get3A_696 {offsets = [0], sizes = [1], strides = [1]} : vector<16xi32> to vector<1xi32>
          %squeeze3A_698 = vector.extract %slice3A_697[0] : i32 from vector<1xi32>
          %broadcast_in_dim3A_699 = arith.constant 0.000000e+00 : f32
          %broadcast_in_dim3A_700 = vector.broadcast %broadcast_in_dim3A_699 : f32 to vector<16xf32>
          %broadcast_in_dim3A_701 = arith.constant 0.000000e+00 : f32
          %broadcast_in_dim3A_702 = vector.broadcast %broadcast_in_dim3A_701 : f32 to vector<16xf32>
          %get3A_703 = arith.constant 0 : i32
          %get3A_704 = arith.constant 0 : i32
          %get3A_705 = tpu.memref_slice %arg21[%scan3A_558, %get3A_703, %get3A_704] : memref<2x32x128xf32, #tpu.memory_space<vmem>> -> memref<1x32x128xf32, #tpu.memory_space<vmem>>
          %get3A_706 = tpu.memref_squeeze %get3A_705 : memref<1x32x128xf32, #tpu.memory_space<vmem>> -> memref<32x128xf32, #tpu.memory_space<vmem>>
          %get3A_707 = arith.index_cast %add3A_687 : i32 to index
          %get3A_708 = arith.constant 0 : index
          %get3A_709 = tpu.vector_load %get3A_706[%get3A_707, %get3A_708] {strides = array<i32>} : memref<32x128xf32, #tpu.memory_space<vmem>>, vector<1x16xf32>,
          %get3A_710 = vector.shape_cast %get3A_709 : vector<1x16xf32> to vector<16xf32>
          %get3A_711 = arith.constant 0 : i32
          %get3A_712 = arith.constant 0 : i32
          %get3A_713 = tpu.memref_slice %arg22[%scan3A_559, %get3A_711, %get3A_712] : memref<2x32x128xf32, #tpu.memory_space<vmem>> -> memref<1x32x128xf32, #tpu.memory_space<vmem>>
          %get3A_714 = tpu.memref_squeeze %get3A_713 : memref<1x32x128xf32, #tpu.memory_space<vmem>> -> memref<32x128xf32, #tpu.memory_space<vmem>>
          %get3A_715 = arith.index_cast %add3A_687 : i32 to index
          %get3A_716 = arith.constant 0 : index
          %get3A_717 = tpu.vector_load %get3A_714[%get3A_715, %get3A_716] {strides = array<i32>} : memref<32x128xf32, #tpu.memory_space<vmem>>, vector<1x16xf32>,
          %get3A_718 = vector.shape_cast %get3A_717 : vector<1x16xf32> to vector<16xf32>
          %get3A_719 = arith.index_cast %squeeze3A : i32 to index
          %get3A_720 = arith.constant 0 : index
          %get3A_721 = tpu.vector_load %arg20[%get3A_719, %get3A_720] {strides = array<i32>} : memref<365x128xf32, #tpu.memory_space<vmem>>, vector<1x16xf32>,
          %get3A_722 = vector.shape_cast %get3A_721 : vector<1x16xf32> to vector<16xf32>
          %get3A_723 = arith.index_cast %squeeze3A_698 : i32 to index
          %get3A_724 = arith.constant 0 : index
          %get3A_725 = tpu.vector_load %arg19[%get3A_723, %get3A_724] {strides = array<i32>} : memref<50x128xf32, #tpu.memory_space<vmem>>, vector<1x16xf32>,
          %get3A_726 = vector.shape_cast %get3A_725 : vector<1x16xf32> to vector<16xf32>
          %sub3A_727 = arith.subf %get3A_710, %get3A_718 : vector<16xf32>
          %add3A_728 = arith.constant 1.000000e+00 : f32
          %add3A_729 = vector.broadcast %add3A_728 : f32 to vector<16xf32>
          %add3A_730 = arith.addf %get3A_722, %add3A_729 : vector<16xf32>
          %mul3A_731 = arith.mulf %sub3A_727, %add3A_730 : vector<16xf32>
          %get3A_732 = arith.constant 0 : i32
          %get3A_733 = arith.constant 0 : i32
          %get3A_734 = tpu.memref_slice %arg24[%scan3A_560, %get3A_732, %get3A_733] : memref<2x32x128xf32, #tpu.memory_space<vmem>> -> memref<1x32x128xf32, #tpu.memory_space<vmem>>
          %get3A_735 = tpu.memref_squeeze %get3A_734 : memref<1x32x128xf32, #tpu.memory_space<vmem>> -> memref<32x128xf32, #tpu.memory_space<vmem>>
          %get3A_736 = arith.index_cast %add3A_687 : i32 to index
          %get3A_737 = arith.constant 0 : index
          %get3A_738 = tpu.vector_load %get3A_735[%get3A_736, %get3A_737] {strides = array<i32>} : memref<32x128xf32, #tpu.memory_space<vmem>>, vector<1x16xf32>,
          %get3A_739 = vector.shape_cast %get3A_738 : vector<1x16xf32> to vector<16xf32>
          %add3A_740 = arith.addf %mul3A_731, %get3A_739 : vector<16xf32>
          %mul3A_741 = arith.constant 2.500000e-01 : f32
          %mul3A_742 = vector.broadcast %mul3A_741 : f32 to vector<16xf32>
          %mul3A_743 = arith.mulf %add3A_740, %mul3A_742 : vector<16xf32>
          %add3A_744 = arith.constant 0x4B400000 : f32
          %add3A_745 = vector.broadcast %add3A_744 : f32 to vector<16xf32>
          %add3A_746 = arith.addf %mul3A_743, %add3A_745 : vector<16xf32>
          %sub3A_747 = arith.constant 0x4B400000 : f32
          %sub3A_748 = vector.broadcast %sub3A_747 : f32 to vector<16xf32>
          %sub3A_749 = arith.subf %add3A_746, %sub3A_748 : vector<16xf32>
          %mul3A_750 = arith.constant 4.000000e+00 : f32
          %mul3A_751 = vector.broadcast %mul3A_750 : f32 to vector<16xf32>
          %mul3A_752 = arith.mulf %sub3A_749, %mul3A_751 : vector<16xf32>
          %sub3A_753 = arith.subf %add3A_740, %mul3A_752 : vector<16xf32>
          %abs3A_754 = math.absf %sub3A_753 : vector<16xf32>
          %sub3A_755 = arith.constant 2.000000e+00 : f32
          %sub3A_756 = vector.broadcast %sub3A_755 : f32 to vector<16xf32>
          %sub3A_757 = arith.subf %sub3A_756, %abs3A_754 : vector<16xf32>
          %min3A_758 = arith.minimumf %abs3A_754, %sub3A_757 : vector<16xf32>
          %mul3A_759 = arith.mulf %min3A_758, %min3A_758 : vector<16xf32>
          %mul3A_760 = arith.constant -4.333140e-03 : f32
          %mul3A_761 = vector.broadcast %mul3A_760 : f32 to vector<16xf32>
          %mul3A_762 = arith.mulf %mul3A_761, %mul3A_759 : vector<16xf32>
          %add3A_763 = arith.constant 0.0794344097 : f32
          %add3A_764 = vector.broadcast %add3A_763 : f32 to vector<16xf32>
          %add3A_765 = arith.addf %mul3A_762, %add3A_764 : vector<16xf32>
          %mul3A_766 = arith.mulf %add3A_765, %mul3A_759 : vector<16xf32>
          %add3A_767 = arith.constant -0.645892859 : f32
          %add3A_768 = vector.broadcast %add3A_767 : f32 to vector<16xf32>
          %add3A_769 = arith.addf %mul3A_766, %add3A_768 : vector<16xf32>
          %mul3A_770 = arith.mulf %add3A_769, %mul3A_759 : vector<16xf32>
          %add3A_771 = arith.constant 1.57079101 : f32
          %add3A_772 = vector.broadcast %add3A_771 : f32 to vector<16xf32>
          %add3A_773 = arith.addf %mul3A_770, %add3A_772 : vector<16xf32>
          %mul3A_774 = arith.mulf %min3A_758, %add3A_773 : vector<16xf32>
          %add3A_775 = arith.addf %broadcast_in_dim3A_700, %mul3A_774 : vector<16xf32>
          %get3A_776 = arith.constant 0 : i32
          %get3A_777 = arith.constant 0 : i32
          %get3A_778 = tpu.memref_slice %arg23[%scan3A_561, %get3A_776, %get3A_777] : memref<2x32x128xf32, #tpu.memory_space<vmem>> -> memref<1x32x128xf32, #tpu.memory_space<vmem>>
          %get3A_779 = tpu.memref_squeeze %get3A_778 : memref<1x32x128xf32, #tpu.memory_space<vmem>> -> memref<32x128xf32, #tpu.memory_space<vmem>>
          %get3A_780 = arith.index_cast %add3A_687 : i32 to index
          %get3A_781 = arith.constant 0 : index
          %get3A_782 = tpu.vector_load %get3A_779[%get3A_780, %get3A_781] {strides = array<i32>} : memref<32x128xf32, #tpu.memory_space<vmem>>, vector<1x16xf32>,
          %get3A_783 = vector.shape_cast %get3A_782 : vector<1x16xf32> to vector<16xf32>
          %abs3A_784 = math.absf %get3A_783 : vector<16xf32>
          %get3A_785 = arith.constant 0 : i32
          %get3A_786 = arith.constant 0 : i32
          %get3A_787 = tpu.memref_slice %arg25[%scan3A_562, %get3A_785, %get3A_786] : memref<2x32x128xf32, #tpu.memory_space<vmem>> -> memref<1x32x128xf32, #tpu.memory_space<vmem>>
          %get3A_788 = tpu.memref_squeeze %get3A_787 : memref<1x32x128xf32, #tpu.memory_space<vmem>> -> memref<32x128xf32, #tpu.memory_space<vmem>>
          %get3A_789 = arith.index_cast %add3A_687 : i32 to index
          %get3A_790 = arith.constant 0 : index
          %get3A_791 = tpu.vector_load %get3A_788[%get3A_789, %get3A_790] {strides = array<i32>} : memref<32x128xf32, #tpu.memory_space<vmem>>, vector<1x16xf32>,
          %get3A_792 = vector.shape_cast %get3A_791 : vector<1x16xf32> to vector<16xf32>
          %abs3A_793 = math.absf %get3A_792 : vector<16xf32>
          %mul3A_794 = arith.mulf %abs3A_784, %abs3A_793 : vector<16xf32>
          %sub3A_795 = arith.subf %mul3A_794, %get3A_726 : vector<16xf32>
          %mul3A_796 = arith.mulf %sub3A_795, %sub3A_795 : vector<16xf32>
          %add3A_797 = arith.addf %broadcast_in_dim3A_702, %mul3A_796 : vector<16xf32>
          %get3A_798 = arith.constant 0 : i32
          %get3A_799 = arith.constant 0 : i32
          %get3A_800 = tpu.memref_slice %arg21[%scan3A_558, %get3A_798, %get3A_799] : memref<2x32x128xf32, #tpu.memory_space<vmem>> -> memref<1x32x128xf32, #tpu.memory_space<vmem>>
          %get3A_801 = tpu.memref_squeeze %get3A_800 : memref<1x32x128xf32, #tpu.memory_space<vmem>> -> memref<32x128xf32, #tpu.memory_space<vmem>>
          %get3A_802 = arith.index_cast %add3A_687 : i32 to index
          %get3A_803 = arith.constant 16 : index
          %get3A_804 = tpu.vector_load %get3A_801[%get3A_802, %get3A_803] {strides = array<i32>} : memref<32x128xf32, #tpu.memory_space<vmem>>, vector<1x16xf32>,
          %get3A_805 = vector.shape_cast %get3A_804 : vector<1x16xf32> to vector<16xf32>
          %get3A_806 = arith.constant 0 : i32
          %get3A_807 = arith.constant 0 : i32
          %get3A_808 = tpu.memref_slice %arg22[%scan3A_559, %get3A_806, %get3A_807] : memref<2x32x128xf32, #tpu.memory_space<vmem>> -> memref<1x32x128xf32, #tpu.memory_space<vmem>>
          %get3A_809 = tpu.memref_squeeze %get3A_808 : memref<1x32x128xf32, #tpu.memory_space<vmem>> -> memref<32x128xf32, #tpu.memory_space<vmem>>
          %get3A_810 = arith.index_cast %add3A_687 : i32 to index
          %get3A_811 = arith.constant 16 : index
          %get3A_812 = tpu.vector_load %get3A_809[%get3A_810, %get3A_811] {strides = array<i32>} : memref<32x128xf32, #tpu.memory_space<vmem>>, vector<1x16xf32>,
          %get3A_813 = vector.shape_cast %get3A_812 : vector<1x16xf32> to vector<16xf32>
          %get3A_814 = arith.index_cast %squeeze3A : i32 to index
          %get3A_815 = arith.constant 16 : index
          %get3A_816 = tpu.vector_load %arg20[%get3A_814, %get3A_815] {strides = array<i32>} : memref<365x128xf32, #tpu.memory_space<vmem>>, vector<1x16xf32>,
          %get3A_817 = vector.shape_cast %get3A_816 : vector<1x16xf32> to vector<16xf32>
          %get3A_818 = arith.index_cast %squeeze3A_698 : i32 to index
          %get3A_819 = arith.constant 16 : index
          %get3A_820 = tpu.vector_load %arg19[%get3A_818, %get3A_819] {strides = array<i32>} : memref<50x128xf32, #tpu.memory_space<vmem>>, vector<1x16xf32>,
          %get3A_821 = vector.shape_cast %get3A_820 : vector<1x16xf32> to vector<16xf32>
          %sub3A_822 = arith.subf %get3A_805, %get3A_813 : vector<16xf32>
          %add3A_823 = arith.constant 1.000000e+00 : f32
          %add3A_824 = vector.broadcast %add3A_823 : f32 to vector<16xf32>
          %add3A_825 = arith.addf %get3A_817, %add3A_824 : vector<16xf32>
          %mul3A_826 = arith.mulf %sub3A_822, %add3A_825 : vector<16xf32>
          %get3A_827 = arith.constant 0 : i32
          %get3A_828 = arith.constant 0 : i32
          %get3A_829 = tpu.memref_slice %arg24[%scan3A_560, %get3A_827, %get3A_828] : memref<2x32x128xf32, #tpu.memory_space<vmem>> -> memref<1x32x128xf32, #tpu.memory_space<vmem>>
          %get3A_830 = tpu.memref_squeeze %get3A_829 : memref<1x32x128xf32, #tpu.memory_space<vmem>> -> memref<32x128xf32, #tpu.memory_space<vmem>>
          %get3A_831 = arith.index_cast %add3A_687 : i32 to index
          %get3A_832 = arith.constant 16 : index
          %get3A_833 = tpu.vector_load %get3A_830[%get3A_831, %get3A_832] {strides = array<i32>} : memref<32x128xf32, #tpu.memory_space<vmem>>, vector<1x16xf32>,
          %get3A_834 = vector.shape_cast %get3A_833 : vector<1x16xf32> to vector<16xf32>
          %add3A_835 = arith.addf %mul3A_826, %get3A_834 : vector<16xf32>
          %mul3A_836 = arith.constant 2.500000e-01 : f32
          %mul3A_837 = vector.broadcast %mul3A_836 : f32 to vector<16xf32>
          %mul3A_838 = arith.mulf %add3A_835, %mul3A_837 : vector<16xf32>
          %add3A_839 = arith.constant 0x4B400000 : f32
          %add3A_840 = vector.broadcast %add3A_839 : f32 to vector<16xf32>
          %add3A_841 = arith.addf %mul3A_838, %add3A_840 : vector<16xf32>
          %sub3A_842 = arith.constant 0x4B400000 : f32
          %sub3A_843 = vector.broadcast %sub3A_842 : f32 to vector<16xf32>
          %sub3A_844 = arith.subf %add3A_841, %sub3A_843 : vector<16xf32>
          %mul3A_845 = arith.constant 4.000000e+00 : f32
          %mul3A_846 = vector.broadcast %mul3A_845 : f32 to vector<16xf32>
          %mul3A_847 = arith.mulf %sub3A_844, %mul3A_846 : vector<16xf32>
          %sub3A_848 = arith.subf %add3A_835, %mul3A_847 : vector<16xf32>
          %abs3A_849 = math.absf %sub3A_848 : vector<16xf32>
          %sub3A_850 = arith.constant 2.000000e+00 : f32
          %sub3A_851 = vector.broadcast %sub3A_850 : f32 to vector<16xf32>
          %sub3A_852 = arith.subf %sub3A_851, %abs3A_849 : vector<16xf32>
          %min3A_853 = arith.minimumf %abs3A_849, %sub3A_852 : vector<16xf32>
          %mul3A_854 = arith.mulf %min3A_853, %min3A_853 : vector<16xf32>
          %mul3A_855 = arith.constant -4.333140e-03 : f32
          %mul3A_856 = vector.broadcast %mul3A_855 : f32 to vector<16xf32>
          %mul3A_857 = arith.mulf %mul3A_856, %mul3A_854 : vector<16xf32>
          %add3A_858 = arith.constant 0.0794344097 : f32
          %add3A_859 = vector.broadcast %add3A_858 : f32 to vector<16xf32>
          %add3A_860 = arith.addf %mul3A_857, %add3A_859 : vector<16xf32>
          %mul3A_861 = arith.mulf %add3A_860, %mul3A_854 : vector<16xf32>
          %add3A_862 = arith.constant -0.645892859 : f32
          %add3A_863 = vector.broadcast %add3A_862 : f32 to vector<16xf32>
          %add3A_864 = arith.addf %mul3A_861, %add3A_863 : vector<16xf32>
          %mul3A_865 = arith.mulf %add3A_864, %mul3A_854 : vector<16xf32>
          %add3A_866 = arith.constant 1.57079101 : f32
          %add3A_867 = vector.broadcast %add3A_866 : f32 to vector<16xf32>
          %add3A_868 = arith.addf %mul3A_865, %add3A_867 : vector<16xf32>
          %mul3A_869 = arith.mulf %min3A_853, %add3A_868 : vector<16xf32>
          %add3A_870 = arith.addf %add3A_775, %mul3A_869 : vector<16xf32>
          %get3A_871 = arith.constant 0 : i32
          %get3A_872 = arith.constant 0 : i32
          %get3A_873 = tpu.memref_slice %arg23[%scan3A_561, %get3A_871, %get3A_872] : memref<2x32x128xf32, #tpu.memory_space<vmem>> -> memref<1x32x128xf32, #tpu.memory_space<vmem>>
          %get3A_874 = tpu.memref_squeeze %get3A_873 : memref<1x32x128xf32, #tpu.memory_space<vmem>> -> memref<32x128xf32, #tpu.memory_space<vmem>>
          %get3A_875 = arith.index_cast %add3A_687 : i32 to index
          %get3A_876 = arith.constant 16 : index
          %get3A_877 = tpu.vector_load %get3A_874[%get3A_875, %get3A_876] {strides = array<i32>} : memref<32x128xf32, #tpu.memory_space<vmem>>, vector<1x16xf32>,
          %get3A_878 = vector.shape_cast %get3A_877 : vector<1x16xf32> to vector<16xf32>
          %abs3A_879 = math.absf %get3A_878 : vector<16xf32>
          %get3A_880 = arith.constant 0 : i32
          %get3A_881 = arith.constant 0 : i32
          %get3A_882 = tpu.memref_slice %arg25[%scan3A_562, %get3A_880, %get3A_881] : memref<2x32x128xf32, #tpu.memory_space<vmem>> -> memref<1x32x128xf32, #tpu.memory_space<vmem>>
          %get3A_883 = tpu.memref_squeeze %get3A_882 : memref<1x32x128xf32, #tpu.memory_space<vmem>> -> memref<32x128xf32, #tpu.memory_space<vmem>>
          %get3A_884 = arith.index_cast %add3A_687 : i32 to index
          %get3A_885 = arith.constant 16 : index
          %get3A_886 = tpu.vector_load %get3A_883[%get3A_884, %get3A_885] {strides = array<i32>} : memref<32x128xf32, #tpu.memory_space<vmem>>, vector<1x16xf32>,
          %get3A_887 = vector.shape_cast %get3A_886 : vector<1x16xf32> to vector<16xf32>
          %abs3A_888 = math.absf %get3A_887 : vector<16xf32>
          %mul3A_889 = arith.mulf %abs3A_879, %abs3A_888 : vector<16xf32>
          %sub3A_890 = arith.subf %mul3A_889, %get3A_821 : vector<16xf32>
          %mul3A_891 = arith.mulf %sub3A_890, %sub3A_890 : vector<16xf32>
          %add3A_892 = arith.addf %add3A_797, %mul3A_891 : vector<16xf32>
          %get3A_893 = arith.constant 0 : i32
          %get3A_894 = arith.constant 0 : i32
          %get3A_895 = tpu.memref_slice %arg21[%scan3A_558, %get3A_893, %get3A_894] : memref<2x32x128xf32, #tpu.memory_space<vmem>> -> memref<1x32x128xf32, #tpu.memory_space<vmem>>
          %get3A_896 = tpu.memref_squeeze %get3A_895 : memref<1x32x128xf32, #tpu.memory_space<vmem>> -> memref<32x128xf32, #tpu.memory_space<vmem>>
          %get3A_897 = arith.index_cast %add3A_687 : i32 to index
          %get3A_898 = arith.constant 32 : index
          %get3A_899 = tpu.vector_load %get3A_896[%get3A_897, %get3A_898] {strides = array<i32>} : memref<32x128xf32, #tpu.memory_space<vmem>>, vector<1x16xf32>,
          %get3A_900 = vector.shape_cast %get3A_899 : vector<1x16xf32> to vector<16xf32>
          %get3A_901 = arith.constant 0 : i32
          %get3A_902 = arith.constant 0 : i32
          %get3A_903 = tpu.memref_slice %arg22[%scan3A_559, %get3A_901, %get3A_902] : memref<2x32x128xf32, #tpu.memory_space<vmem>> -> memref<1x32x128xf32, #tpu.memory_space<vmem>>
          %get3A_904 = tpu.memref_squeeze %get3A_903 : memref<1x32x128xf32, #tpu.memory_space<vmem>> -> memref<32x128xf32, #tpu.memory_space<vmem>>
          %get3A_905 = arith.index_cast %add3A_687 : i32 to index
          %get3A_906 = arith.constant 32 : index
          %get3A_907 = tpu.vector_load %get3A_904[%get3A_905, %get3A_906] {strides = array<i32>} : memref<32x128xf32, #tpu.memory_space<vmem>>, vector<1x16xf32>,
          %get3A_908 = vector.shape_cast %get3A_907 : vector<1x16xf32> to vector<16xf32>
          %get3A_909 = arith.index_cast %squeeze3A : i32 to index
          %get3A_910 = arith.constant 32 : index
          %get3A_911 = tpu.vector_load %arg20[%get3A_909, %get3A_910] {strides = array<i32>} : memref<365x128xf32, #tpu.memory_space<vmem>>, vector<1x16xf32>,
          %get3A_912 = vector.shape_cast %get3A_911 : vector<1x16xf32> to vector<16xf32>
          %get3A_913 = arith.index_cast %squeeze3A_698 : i32 to index
          %get3A_914 = arith.constant 32 : index
          %get3A_915 = tpu.vector_load %arg19[%get3A_913, %get3A_914] {strides = array<i32>} : memref<50x128xf32, #tpu.memory_space<vmem>>, vector<1x16xf32>,
          %get3A_916 = vector.shape_cast %get3A_915 : vector<1x16xf32> to vector<16xf32>
          %sub3A_917 = arith.subf %get3A_900, %get3A_908 : vector<16xf32>
          %add3A_918 = arith.constant 1.000000e+00 : f32
          %add3A_919 = vector.broadcast %add3A_918 : f32 to vector<16xf32>
          %add3A_920 = arith.addf %get3A_912, %add3A_919 : vector<16xf32>
          %mul3A_921 = arith.mulf %sub3A_917, %add3A_920 : vector<16xf32>
          %get3A_922 = arith.constant 0 : i32
          %get3A_923 = arith.constant 0 : i32
          %get3A_924 = tpu.memref_slice %arg24[%scan3A_560, %get3A_922, %get3A_923] : memref<2x32x128xf32, #tpu.memory_space<vmem>> -> memref<1x32x128xf32, #tpu.memory_space<vmem>>
          %get3A_925 = tpu.memref_squeeze %get3A_924 : memref<1x32x128xf32, #tpu.memory_space<vmem>> -> memref<32x128xf32, #tpu.memory_space<vmem>>
          %get3A_926 = arith.index_cast %add3A_687 : i32 to index
          %get3A_927 = arith.constant 32 : index
          %get3A_928 = tpu.vector_load %get3A_925[%get3A_926, %get3A_927] {strides = array<i32>} : memref<32x128xf32, #tpu.memory_space<vmem>>, vector<1x16xf32>,
          %get3A_929 = vector.shape_cast %get3A_928 : vector<1x16xf32> to vector<16xf32>
          %add3A_930 = arith.addf %mul3A_921, %get3A_929 : vector<16xf32>
          %mul3A_931 = arith.constant 2.500000e-01 : f32
          %mul3A_932 = vector.broadcast %mul3A_931 : f32 to vector<16xf32>
          %mul3A_933 = arith.mulf %add3A_930, %mul3A_932 : vector<16xf32>
          %add3A_934 = arith.constant 0x4B400000 : f32
          %add3A_935 = vector.broadcast %add3A_934 : f32 to vector<16xf32>
          %add3A_936 = arith.addf %mul3A_933, %add3A_935 : vector<16xf32>
          %sub3A_937 = arith.constant 0x4B400000 : f32
          %sub3A_938 = vector.broadcast %sub3A_937 : f32 to vector<16xf32>
          %sub3A_939 = arith.subf %add3A_936, %sub3A_938 : vector<16xf32>
          %mul3A_940 = arith.constant 4.000000e+00 : f32
          %mul3A_941 = vector.broadcast %mul3A_940 : f32 to vector<16xf32>
          %mul3A_942 = arith.mulf %sub3A_939, %mul3A_941 : vector<16xf32>
          %sub3A_943 = arith.subf %add3A_930, %mul3A_942 : vector<16xf32>
          %abs3A_944 = math.absf %sub3A_943 : vector<16xf32>
          %sub3A_945 = arith.constant 2.000000e+00 : f32
          %sub3A_946 = vector.broadcast %sub3A_945 : f32 to vector<16xf32>
          %sub3A_947 = arith.subf %sub3A_946, %abs3A_944 : vector<16xf32>
          %min3A_948 = arith.minimumf %abs3A_944, %sub3A_947 : vector<16xf32>
          %mul3A_949 = arith.mulf %min3A_948, %min3A_948 : vector<16xf32>
          %mul3A_950 = arith.constant -4.333140e-03 : f32
          %mul3A_951 = vector.broadcast %mul3A_950 : f32 to vector<16xf32>
          %mul3A_952 = arith.mulf %mul3A_951, %mul3A_949 : vector<16xf32>
          %add3A_953 = arith.constant 0.0794344097 : f32
          %add3A_954 = vector.broadcast %add3A_953 : f32 to vector<16xf32>
          %add3A_955 = arith.addf %mul3A_952, %add3A_954 : vector<16xf32>
          %mul3A_956 = arith.mulf %add3A_955, %mul3A_949 : vector<16xf32>
          %add3A_957 = arith.constant -0.645892859 : f32
          %add3A_958 = vector.broadcast %add3A_957 : f32 to vector<16xf32>
          %add3A_959 = arith.addf %mul3A_956, %add3A_958 : vector<16xf32>
          %mul3A_960 = arith.mulf %add3A_959, %mul3A_949 : vector<16xf32>
          %add3A_961 = arith.constant 1.57079101 : f32
          %add3A_962 = vector.broadcast %add3A_961 : f32 to vector<16xf32>
          %add3A_963 = arith.addf %mul3A_960, %add3A_962 : vector<16xf32>
          %mul3A_964 = arith.mulf %min3A_948, %add3A_963 : vector<16xf32>
          %add3A_965 = arith.addf %add3A_870, %mul3A_964 : vector<16xf32>
          %get3A_966 = arith.constant 0 : i32
          %get3A_967 = arith.constant 0 : i32
          %get3A_968 = tpu.memref_slice %arg23[%scan3A_561, %get3A_966, %get3A_967] : memref<2x32x128xf32, #tpu.memory_space<vmem>> -> memref<1x32x128xf32, #tpu.memory_space<vmem>>
          %get3A_969 = tpu.memref_squeeze %get3A_968 : memref<1x32x128xf32, #tpu.memory_space<vmem>> -> memref<32x128xf32, #tpu.memory_space<vmem>>
          %get3A_970 = arith.index_cast %add3A_687 : i32 to index
          %get3A_971 = arith.constant 32 : index
          %get3A_972 = tpu.vector_load %get3A_969[%get3A_970, %get3A_971] {strides = array<i32>} : memref<32x128xf32, #tpu.memory_space<vmem>>, vector<1x16xf32>,
          %get3A_973 = vector.shape_cast %get3A_972 : vector<1x16xf32> to vector<16xf32>
          %abs3A_974 = math.absf %get3A_973 : vector<16xf32>
          %get3A_975 = arith.constant 0 : i32
          %get3A_976 = arith.constant 0 : i32
          %get3A_977 = tpu.memref_slice %arg25[%scan3A_562, %get3A_975, %get3A_976] : memref<2x32x128xf32, #tpu.memory_space<vmem>> -> memref<1x32x128xf32, #tpu.memory_space<vmem>>
          %get3A_978 = tpu.memref_squeeze %get3A_977 : memref<1x32x128xf32, #tpu.memory_space<vmem>> -> memref<32x128xf32, #tpu.memory_space<vmem>>
          %get3A_979 = arith.index_cast %add3A_687 : i32 to index
          %get3A_980 = arith.constant 32 : index
          %get3A_981 = tpu.vector_load %get3A_978[%get3A_979, %get3A_980] {strides = array<i32>} : memref<32x128xf32, #tpu.memory_space<vmem>>, vector<1x16xf32>,
          %get3A_982 = vector.shape_cast %get3A_981 : vector<1x16xf32> to vector<16xf32>
          %abs3A_983 = math.absf %get3A_982 : vector<16xf32>
          %mul3A_984 = arith.mulf %abs3A_974, %abs3A_983 : vector<16xf32>
          %sub3A_985 = arith.subf %mul3A_984, %get3A_916 : vector<16xf32>
          %mul3A_986 = arith.mulf %sub3A_985, %sub3A_985 : vector<16xf32>
          %add3A_987 = arith.addf %add3A_892, %mul3A_986 : vector<16xf32>
          %get3A_988 = arith.constant 0 : i32
          %get3A_989 = arith.constant 0 : i32
          %get3A_990 = tpu.memref_slice %arg21[%scan3A_558, %get3A_988, %get3A_989] : memref<2x32x128xf32, #tpu.memory_space<vmem>> -> memref<1x32x128xf32, #tpu.memory_space<vmem>>
          %get3A_991 = tpu.memref_squeeze %get3A_990 : memref<1x32x128xf32, #tpu.memory_space<vmem>> -> memref<32x128xf32, #tpu.memory_space<vmem>>
          %get3A_992 = arith.index_cast %add3A_687 : i32 to index
          %get3A_993 = arith.constant 48 : index
          %get3A_994 = tpu.vector_load %get3A_991[%get3A_992, %get3A_993] {strides = array<i32>} : memref<32x128xf32, #tpu.memory_space<vmem>>, vector<1x16xf32>,
          %get3A_995 = vector.shape_cast %get3A_994 : vector<1x16xf32> to vector<16xf32>
          %get3A_996 = arith.constant 0 : i32
          %get3A_997 = arith.constant 0 : i32
          %get3A_998 = tpu.memref_slice %arg22[%scan3A_559, %get3A_996, %get3A_997] : memref<2x32x128xf32, #tpu.memory_space<vmem>> -> memref<1x32x128xf32, #tpu.memory_space<vmem>>
          %get3A_999 = tpu.memref_squeeze %get3A_998 : memref<1x32x128xf32, #tpu.memory_space<vmem>> -> memref<32x128xf32, #tpu.memory_space<vmem>>
          %get3A_1000 = arith.index_cast %add3A_687 : i32 to index
          %get3A_1001 = arith.constant 48 : index
          %get3A_1002 = tpu.vector_load %get3A_999[%get3A_1000, %get3A_1001] {strides = array<i32>} : memref<32x128xf32, #tpu.memory_space<vmem>>, vector<1x16xf32>,
          %get3A_1003 = vector.shape_cast %get3A_1002 : vector<1x16xf32> to vector<16xf32>
          %get3A_1004 = arith.index_cast %squeeze3A : i32 to index
          %get3A_1005 = arith.constant 48 : index
          %get3A_1006 = tpu.vector_load %arg20[%get3A_1004, %get3A_1005] {strides = array<i32>} : memref<365x128xf32, #tpu.memory_space<vmem>>, vector<1x16xf32>,
          %get3A_1007 = vector.shape_cast %get3A_1006 : vector<1x16xf32> to vector<16xf32>
          %get3A_1008 = arith.index_cast %squeeze3A_698 : i32 to index
          %get3A_1009 = arith.constant 48 : index
          %get3A_1010 = tpu.vector_load %arg19[%get3A_1008, %get3A_1009] {strides = array<i32>} : memref<50x128xf32, #tpu.memory_space<vmem>>, vector<1x16xf32>,
          %get3A_1011 = vector.shape_cast %get3A_1010 : vector<1x16xf32> to vector<16xf32>
          %sub3A_1012 = arith.subf %get3A_995, %get3A_1003 : vector<16xf32>
          %add3A_1013 = arith.constant 1.000000e+00 : f32
          %add3A_1014 = vector.broadcast %add3A_1013 : f32 to vector<16xf32>
          %add3A_1015 = arith.addf %get3A_1007, %add3A_1014 : vector<16xf32>
          %mul3A_1016 = arith.mulf %sub3A_1012, %add3A_1015 : vector<16xf32>
          %get3A_1017 = arith.constant 0 : i32
          %get3A_1018 = arith.constant 0 : i32
          %get3A_1019 = tpu.memref_slice %arg24[%scan3A_560, %get3A_1017, %get3A_1018] : memref<2x32x128xf32, #tpu.memory_space<vmem>> -> memref<1x32x128xf32, #tpu.memory_space<vmem>>
          %get3A_1020 = tpu.memref_squeeze %get3A_1019 : memref<1x32x128xf32, #tpu.memory_space<vmem>> -> memref<32x128xf32, #tpu.memory_space<vmem>>
          %get3A_1021 = arith.index_cast %add3A_687 : i32 to index
          %get3A_1022 = arith.constant 48 : index
          %get3A_1023 = tpu.vector_load %get3A_1020[%get3A_1021, %get3A_1022] {strides = array<i32>} : memref<32x128xf32, #tpu.memory_space<vmem>>, vector<1x16xf32>,
          %get3A_1024 = vector.shape_cast %get3A_1023 : vector<1x16xf32> to vector<16xf32>
          %add3A_1025 = arith.addf %mul3A_1016, %get3A_1024 : vector<16xf32>
          %mul3A_1026 = arith.constant 2.500000e-01 : f32
          %mul3A_1027 = vector.broadcast %mul3A_1026 : f32 to vector<16xf32>
          %mul3A_1028 = arith.mulf %add3A_1025, %mul3A_1027 : vector<16xf32>
          %add3A_1029 = arith.constant 0x4B400000 : f32
          %add3A_1030 = vector.broadcast %add3A_1029 : f32 to vector<16xf32>
          %add3A_1031 = arith.addf %mul3A_1028, %add3A_1030 : vector<16xf32>
          %sub3A_1032 = arith.constant 0x4B400000 : f32
          %sub3A_1033 = vector.broadcast %sub3A_1032 : f32 to vector<16xf32>
          %sub3A_1034 = arith.subf %add3A_1031, %sub3A_1033 : vector<16xf32>
          %mul3A_1035 = arith.constant 4.000000e+00 : f32
          %mul3A_1036 = vector.broadcast %mul3A_1035 : f32 to vector<16xf32>
          %mul3A_1037 = arith.mulf %sub3A_1034, %mul3A_1036 : vector<16xf32>
          %sub3A_1038 = arith.subf %add3A_1025, %mul3A_1037 : vector<16xf32>
          %abs3A_1039 = math.absf %sub3A_1038 : vector<16xf32>
          %sub3A_1040 = arith.constant 2.000000e+00 : f32
          %sub3A_1041 = vector.broadcast %sub3A_1040 : f32 to vector<16xf32>
          %sub3A_1042 = arith.subf %sub3A_1041, %abs3A_1039 : vector<16xf32>
          %min3A_1043 = arith.minimumf %abs3A_1039, %sub3A_1042 : vector<16xf32>
          %mul3A_1044 = arith.mulf %min3A_1043, %min3A_1043 : vector<16xf32>
          %mul3A_1045 = arith.constant -4.333140e-03 : f32
          %mul3A_1046 = vector.broadcast %mul3A_1045 : f32 to vector<16xf32>
          %mul3A_1047 = arith.mulf %mul3A_1046, %mul3A_1044 : vector<16xf32>
          %add3A_1048 = arith.constant 0.0794344097 : f32
          %add3A_1049 = vector.broadcast %add3A_1048 : f32 to vector<16xf32>
          %add3A_1050 = arith.addf %mul3A_1047, %add3A_1049 : vector<16xf32>
          %mul3A_1051 = arith.mulf %add3A_1050, %mul3A_1044 : vector<16xf32>
          %add3A_1052 = arith.constant -0.645892859 : f32
          %add3A_1053 = vector.broadcast %add3A_1052 : f32 to vector<16xf32>
          %add3A_1054 = arith.addf %mul3A_1051, %add3A_1053 : vector<16xf32>
          %mul3A_1055 = arith.mulf %add3A_1054, %mul3A_1044 : vector<16xf32>
          %add3A_1056 = arith.constant 1.57079101 : f32
          %add3A_1057 = vector.broadcast %add3A_1056 : f32 to vector<16xf32>
          %add3A_1058 = arith.addf %mul3A_1055, %add3A_1057 : vector<16xf32>
          %mul3A_1059 = arith.mulf %min3A_1043, %add3A_1058 : vector<16xf32>
          %add3A_1060 = arith.addf %add3A_965, %mul3A_1059 : vector<16xf32>
          %get3A_1061 = arith.constant 0 : i32
          %get3A_1062 = arith.constant 0 : i32
          %get3A_1063 = tpu.memref_slice %arg23[%scan3A_561, %get3A_1061, %get3A_1062] : memref<2x32x128xf32, #tpu.memory_space<vmem>> -> memref<1x32x128xf32, #tpu.memory_space<vmem>>
          %get3A_1064 = tpu.memref_squeeze %get3A_1063 : memref<1x32x128xf32, #tpu.memory_space<vmem>> -> memref<32x128xf32, #tpu.memory_space<vmem>>
          %get3A_1065 = arith.index_cast %add3A_687 : i32 to index
          %get3A_1066 = arith.constant 48 : index
          %get3A_1067 = tpu.vector_load %get3A_1064[%get3A_1065, %get3A_1066] {strides = array<i32>} : memref<32x128xf32, #tpu.memory_space<vmem>>, vector<1x16xf32>,
          %get3A_1068 = vector.shape_cast %get3A_1067 : vector<1x16xf32> to vector<16xf32>
          %abs3A_1069 = math.absf %get3A_1068 : vector<16xf32>
          %get3A_1070 = arith.constant 0 : i32
          %get3A_1071 = arith.constant 0 : i32
          %get3A_1072 = tpu.memref_slice %arg25[%scan3A_562, %get3A_1070, %get3A_1071] : memref<2x32x128xf32, #tpu.memory_space<vmem>> -> memref<1x32x128xf32, #tpu.memory_space<vmem>>
          %get3A_1073 = tpu.memref_squeeze %get3A_1072 : memref<1x32x128xf32, #tpu.memory_space<vmem>> -> memref<32x128xf32, #tpu.memory_space<vmem>>
          %get3A_1074 = arith.index_cast %add3A_687 : i32 to index
          %get3A_1075 = arith.constant 48 : index
          %get3A_1076 = tpu.vector_load %get3A_1073[%get3A_1074, %get3A_1075] {strides = array<i32>} : memref<32x128xf32, #tpu.memory_space<vmem>>, vector<1x16xf32>,
          %get3A_1077 = vector.shape_cast %get3A_1076 : vector<1x16xf32> to vector<16xf32>
          %abs3A_1078 = math.absf %get3A_1077 : vector<16xf32>
          %mul3A_1079 = arith.mulf %abs3A_1069, %abs3A_1078 : vector<16xf32>
          %sub3A_1080 = arith.subf %mul3A_1079, %get3A_1011 : vector<16xf32>
          %mul3A_1081 = arith.mulf %sub3A_1080, %sub3A_1080 : vector<16xf32>
          %add3A_1082 = arith.addf %add3A_987, %mul3A_1081 : vector<16xf32>
          %get3A_1083 = arith.constant 0 : i32
          %get3A_1084 = arith.constant 0 : i32
          %get3A_1085 = tpu.memref_slice %arg21[%scan3A_558, %get3A_1083, %get3A_1084] : memref<2x32x128xf32, #tpu.memory_space<vmem>> -> memref<1x32x128xf32, #tpu.memory_space<vmem>>
          %get3A_1086 = tpu.memref_squeeze %get3A_1085 : memref<1x32x128xf32, #tpu.memory_space<vmem>> -> memref<32x128xf32, #tpu.memory_space<vmem>>
          %get3A_1087 = arith.index_cast %add3A_687 : i32 to index
          %get3A_1088 = arith.constant 64 : index
          %get3A_1089 = tpu.vector_load %get3A_1086[%get3A_1087, %get3A_1088] {strides = array<i32>} : memref<32x128xf32, #tpu.memory_space<vmem>>, vector<1x16xf32>,
          %get3A_1090 = vector.shape_cast %get3A_1089 : vector<1x16xf32> to vector<16xf32>
          %get3A_1091 = arith.constant 0 : i32
          %get3A_1092 = arith.constant 0 : i32
          %get3A_1093 = tpu.memref_slice %arg22[%scan3A_559, %get3A_1091, %get3A_1092] : memref<2x32x128xf32, #tpu.memory_space<vmem>> -> memref<1x32x128xf32, #tpu.memory_space<vmem>>
          %get3A_1094 = tpu.memref_squeeze %get3A_1093 : memref<1x32x128xf32, #tpu.memory_space<vmem>> -> memref<32x128xf32, #tpu.memory_space<vmem>>
          %get3A_1095 = arith.index_cast %add3A_687 : i32 to index
          %get3A_1096 = arith.constant 64 : index
          %get3A_1097 = tpu.vector_load %get3A_1094[%get3A_1095, %get3A_1096] {strides = array<i32>} : memref<32x128xf32, #tpu.memory_space<vmem>>, vector<1x16xf32>,
          %get3A_1098 = vector.shape_cast %get3A_1097 : vector<1x16xf32> to vector<16xf32>
          %get3A_1099 = arith.index_cast %squeeze3A : i32 to index
          %get3A_1100 = arith.constant 64 : index
          %get3A_1101 = tpu.vector_load %arg20[%get3A_1099, %get3A_1100] {strides = array<i32>} : memref<365x128xf32, #tpu.memory_space<vmem>>, vector<1x16xf32>,
          %get3A_1102 = vector.shape_cast %get3A_1101 : vector<1x16xf32> to vector<16xf32>
          %get3A_1103 = arith.index_cast %squeeze3A_698 : i32 to index
          %get3A_1104 = arith.constant 64 : index
          %get3A_1105 = tpu.vector_load %arg19[%get3A_1103, %get3A_1104] {strides = array<i32>} : memref<50x128xf32, #tpu.memory_space<vmem>>, vector<1x16xf32>,
          %get3A_1106 = vector.shape_cast %get3A_1105 : vector<1x16xf32> to vector<16xf32>
          %sub3A_1107 = arith.subf %get3A_1090, %get3A_1098 : vector<16xf32>
          %add3A_1108 = arith.constant 1.000000e+00 : f32
          %add3A_1109 = vector.broadcast %add3A_1108 : f32 to vector<16xf32>
          %add3A_1110 = arith.addf %get3A_1102, %add3A_1109 : vector<16xf32>
          %mul3A_1111 = arith.mulf %sub3A_1107, %add3A_1110 : vector<16xf32>
          %get3A_1112 = arith.constant 0 : i32
          %get3A_1113 = arith.constant 0 : i32
          %get3A_1114 = tpu.memref_slice %arg24[%scan3A_560, %get3A_1112, %get3A_1113] : memref<2x32x128xf32, #tpu.memory_space<vmem>> -> memref<1x32x128xf32, #tpu.memory_space<vmem>>
          %get3A_1115 = tpu.memref_squeeze %get3A_1114 : memref<1x32x128xf32, #tpu.memory_space<vmem>> -> memref<32x128xf32, #tpu.memory_space<vmem>>
          %get3A_1116 = arith.index_cast %add3A_687 : i32 to index
          %get3A_1117 = arith.constant 64 : index
          %get3A_1118 = tpu.vector_load %get3A_1115[%get3A_1116, %get3A_1117] {strides = array<i32>} : memref<32x128xf32, #tpu.memory_space<vmem>>, vector<1x16xf32>,
          %get3A_1119 = vector.shape_cast %get3A_1118 : vector<1x16xf32> to vector<16xf32>
          %add3A_1120 = arith.addf %mul3A_1111, %get3A_1119 : vector<16xf32>
          %mul3A_1121 = arith.constant 2.500000e-01 : f32
          %mul3A_1122 = vector.broadcast %mul3A_1121 : f32 to vector<16xf32>
          %mul3A_1123 = arith.mulf %add3A_1120, %mul3A_1122 : vector<16xf32>
          %add3A_1124 = arith.constant 0x4B400000 : f32
          %add3A_1125 = vector.broadcast %add3A_1124 : f32 to vector<16xf32>
          %add3A_1126 = arith.addf %mul3A_1123, %add3A_1125 : vector<16xf32>
          %sub3A_1127 = arith.constant 0x4B400000 : f32
          %sub3A_1128 = vector.broadcast %sub3A_1127 : f32 to vector<16xf32>
          %sub3A_1129 = arith.subf %add3A_1126, %sub3A_1128 : vector<16xf32>
          %mul3A_1130 = arith.constant 4.000000e+00 : f32
          %mul3A_1131 = vector.broadcast %mul3A_1130 : f32 to vector<16xf32>
          %mul3A_1132 = arith.mulf %sub3A_1129, %mul3A_1131 : vector<16xf32>
          %sub3A_1133 = arith.subf %add3A_1120, %mul3A_1132 : vector<16xf32>
          %abs3A_1134 = math.absf %sub3A_1133 : vector<16xf32>
          %sub3A_1135 = arith.constant 2.000000e+00 : f32
          %sub3A_1136 = vector.broadcast %sub3A_1135 : f32 to vector<16xf32>
          %sub3A_1137 = arith.subf %sub3A_1136, %abs3A_1134 : vector<16xf32>
          %min3A_1138 = arith.minimumf %abs3A_1134, %sub3A_1137 : vector<16xf32>
          %mul3A_1139 = arith.mulf %min3A_1138, %min3A_1138 : vector<16xf32>
          %mul3A_1140 = arith.constant -4.333140e-03 : f32
          %mul3A_1141 = vector.broadcast %mul3A_1140 : f32 to vector<16xf32>
          %mul3A_1142 = arith.mulf %mul3A_1141, %mul3A_1139 : vector<16xf32>
          %add3A_1143 = arith.constant 0.0794344097 : f32
          %add3A_1144 = vector.broadcast %add3A_1143 : f32 to vector<16xf32>
          %add3A_1145 = arith.addf %mul3A_1142, %add3A_1144 : vector<16xf32>
          %mul3A_1146 = arith.mulf %add3A_1145, %mul3A_1139 : vector<16xf32>
          %add3A_1147 = arith.constant -0.645892859 : f32
          %add3A_1148 = vector.broadcast %add3A_1147 : f32 to vector<16xf32>
          %add3A_1149 = arith.addf %mul3A_1146, %add3A_1148 : vector<16xf32>
          %mul3A_1150 = arith.mulf %add3A_1149, %mul3A_1139 : vector<16xf32>
          %add3A_1151 = arith.constant 1.57079101 : f32
          %add3A_1152 = vector.broadcast %add3A_1151 : f32 to vector<16xf32>
          %add3A_1153 = arith.addf %mul3A_1150, %add3A_1152 : vector<16xf32>
          %mul3A_1154 = arith.mulf %min3A_1138, %add3A_1153 : vector<16xf32>
          %add3A_1155 = arith.addf %add3A_1060, %mul3A_1154 : vector<16xf32>
          %get3A_1156 = arith.constant 0 : i32
          %get3A_1157 = arith.constant 0 : i32
          %get3A_1158 = tpu.memref_slice %arg23[%scan3A_561, %get3A_1156, %get3A_1157] : memref<2x32x128xf32, #tpu.memory_space<vmem>> -> memref<1x32x128xf32, #tpu.memory_space<vmem>>
          %get3A_1159 = tpu.memref_squeeze %get3A_1158 : memref<1x32x128xf32, #tpu.memory_space<vmem>> -> memref<32x128xf32, #tpu.memory_space<vmem>>
          %get3A_1160 = arith.index_cast %add3A_687 : i32 to index
          %get3A_1161 = arith.constant 64 : index
          %get3A_1162 = tpu.vector_load %get3A_1159[%get3A_1160, %get3A_1161] {strides = array<i32>} : memref<32x128xf32, #tpu.memory_space<vmem>>, vector<1x16xf32>,
          %get3A_1163 = vector.shape_cast %get3A_1162 : vector<1x16xf32> to vector<16xf32>
          %abs3A_1164 = math.absf %get3A_1163 : vector<16xf32>
          %get3A_1165 = arith.constant 0 : i32
          %get3A_1166 = arith.constant 0 : i32
          %get3A_1167 = tpu.memref_slice %arg25[%scan3A_562, %get3A_1165, %get3A_1166] : memref<2x32x128xf32, #tpu.memory_space<vmem>> -> memref<1x32x128xf32, #tpu.memory_space<vmem>>
          %get3A_1168 = tpu.memref_squeeze %get3A_1167 : memref<1x32x128xf32, #tpu.memory_space<vmem>> -> memref<32x128xf32, #tpu.memory_space<vmem>>
          %get3A_1169 = arith.index_cast %add3A_687 : i32 to index
          %get3A_1170 = arith.constant 64 : index
          %get3A_1171 = tpu.vector_load %get3A_1168[%get3A_1169, %get3A_1170] {strides = array<i32>} : memref<32x128xf32, #tpu.memory_space<vmem>>, vector<1x16xf32>,
          %get3A_1172 = vector.shape_cast %get3A_1171 : vector<1x16xf32> to vector<16xf32>
          %abs3A_1173 = math.absf %get3A_1172 : vector<16xf32>
          %mul3A_1174 = arith.mulf %abs3A_1164, %abs3A_1173 : vector<16xf32>
          %sub3A_1175 = arith.subf %mul3A_1174, %get3A_1106 : vector<16xf32>
          %mul3A_1176 = arith.mulf %sub3A_1175, %sub3A_1175 : vector<16xf32>
          %add3A_1177 = arith.addf %add3A_1082, %mul3A_1176 : vector<16xf32>
          %get3A_1178 = arith.constant 0 : i32
          %get3A_1179 = arith.constant 0 : i32
          %get3A_1180 = tpu.memref_slice %arg21[%scan3A_558, %get3A_1178, %get3A_1179] : memref<2x32x128xf32, #tpu.memory_space<vmem>> -> memref<1x32x128xf32, #tpu.memory_space<vmem>>
          %get3A_1181 = tpu.memref_squeeze %get3A_1180 : memref<1x32x128xf32, #tpu.memory_space<vmem>> -> memref<32x128xf32, #tpu.memory_space<vmem>>
          %get3A_1182 = arith.index_cast %add3A_687 : i32 to index
          %get3A_1183 = arith.constant 80 : index
          %get3A_1184 = tpu.vector_load %get3A_1181[%get3A_1182, %get3A_1183] {strides = array<i32>} : memref<32x128xf32, #tpu.memory_space<vmem>>, vector<1x16xf32>,
          %get3A_1185 = vector.shape_cast %get3A_1184 : vector<1x16xf32> to vector<16xf32>
          %get3A_1186 = arith.constant 0 : i32
          %get3A_1187 = arith.constant 0 : i32
          %get3A_1188 = tpu.memref_slice %arg22[%scan3A_559, %get3A_1186, %get3A_1187] : memref<2x32x128xf32, #tpu.memory_space<vmem>> -> memref<1x32x128xf32, #tpu.memory_space<vmem>>
          %get3A_1189 = tpu.memref_squeeze %get3A_1188 : memref<1x32x128xf32, #tpu.memory_space<vmem>> -> memref<32x128xf32, #tpu.memory_space<vmem>>
          %get3A_1190 = arith.index_cast %add3A_687 : i32 to index
          %get3A_1191 = arith.constant 80 : index
          %get3A_1192 = tpu.vector_load %get3A_1189[%get3A_1190, %get3A_1191] {strides = array<i32>} : memref<32x128xf32, #tpu.memory_space<vmem>>, vector<1x16xf32>,
          %get3A_1193 = vector.shape_cast %get3A_1192 : vector<1x16xf32> to vector<16xf32>
          %get3A_1194 = arith.index_cast %squeeze3A : i32 to index
          %get3A_1195 = arith.constant 80 : index
          %get3A_1196 = tpu.vector_load %arg20[%get3A_1194, %get3A_1195] {strides = array<i32>} : memref<365x128xf32, #tpu.memory_space<vmem>>, vector<1x16xf32>,
          %get3A_1197 = vector.shape_cast %get3A_1196 : vector<1x16xf32> to vector<16xf32>
          %get3A_1198 = arith.index_cast %squeeze3A_698 : i32 to index
          %get3A_1199 = arith.constant 80 : index
          %get3A_1200 = tpu.vector_load %arg19[%get3A_1198, %get3A_1199] {strides = array<i32>} : memref<50x128xf32, #tpu.memory_space<vmem>>, vector<1x16xf32>,
          %get3A_1201 = vector.shape_cast %get3A_1200 : vector<1x16xf32> to vector<16xf32>
          %sub3A_1202 = arith.subf %get3A_1185, %get3A_1193 : vector<16xf32>
          %add3A_1203 = arith.constant 1.000000e+00 : f32
          %add3A_1204 = vector.broadcast %add3A_1203 : f32 to vector<16xf32>
          %add3A_1205 = arith.addf %get3A_1197, %add3A_1204 : vector<16xf32>
          %mul3A_1206 = arith.mulf %sub3A_1202, %add3A_1205 : vector<16xf32>
          %get3A_1207 = arith.constant 0 : i32
          %get3A_1208 = arith.constant 0 : i32
          %get3A_1209 = tpu.memref_slice %arg24[%scan3A_560, %get3A_1207, %get3A_1208] : memref<2x32x128xf32, #tpu.memory_space<vmem>> -> memref<1x32x128xf32, #tpu.memory_space<vmem>>
          %get3A_1210 = tpu.memref_squeeze %get3A_1209 : memref<1x32x128xf32, #tpu.memory_space<vmem>> -> memref<32x128xf32, #tpu.memory_space<vmem>>
          %get3A_1211 = arith.index_cast %add3A_687 : i32 to index
          %get3A_1212 = arith.constant 80 : index
          %get3A_1213 = tpu.vector_load %get3A_1210[%get3A_1211, %get3A_1212] {strides = array<i32>} : memref<32x128xf32, #tpu.memory_space<vmem>>, vector<1x16xf32>,
          %get3A_1214 = vector.shape_cast %get3A_1213 : vector<1x16xf32> to vector<16xf32>
          %add3A_1215 = arith.addf %mul3A_1206, %get3A_1214 : vector<16xf32>
          %mul3A_1216 = arith.constant 2.500000e-01 : f32
          %mul3A_1217 = vector.broadcast %mul3A_1216 : f32 to vector<16xf32>
          %mul3A_1218 = arith.mulf %add3A_1215, %mul3A_1217 : vector<16xf32>
          %add3A_1219 = arith.constant 0x4B400000 : f32
          %add3A_1220 = vector.broadcast %add3A_1219 : f32 to vector<16xf32>
          %add3A_1221 = arith.addf %mul3A_1218, %add3A_1220 : vector<16xf32>
          %sub3A_1222 = arith.constant 0x4B400000 : f32
          %sub3A_1223 = vector.broadcast %sub3A_1222 : f32 to vector<16xf32>
          %sub3A_1224 = arith.subf %add3A_1221, %sub3A_1223 : vector<16xf32>
          %mul3A_1225 = arith.constant 4.000000e+00 : f32
          %mul3A_1226 = vector.broadcast %mul3A_1225 : f32 to vector<16xf32>
          %mul3A_1227 = arith.mulf %sub3A_1224, %mul3A_1226 : vector<16xf32>
          %sub3A_1228 = arith.subf %add3A_1215, %mul3A_1227 : vector<16xf32>
          %abs3A_1229 = math.absf %sub3A_1228 : vector<16xf32>
          %sub3A_1230 = arith.constant 2.000000e+00 : f32
          %sub3A_1231 = vector.broadcast %sub3A_1230 : f32 to vector<16xf32>
          %sub3A_1232 = arith.subf %sub3A_1231, %abs3A_1229 : vector<16xf32>
          %min3A_1233 = arith.minimumf %abs3A_1229, %sub3A_1232 : vector<16xf32>
          %mul3A_1234 = arith.mulf %min3A_1233, %min3A_1233 : vector<16xf32>
          %mul3A_1235 = arith.constant -4.333140e-03 : f32
          %mul3A_1236 = vector.broadcast %mul3A_1235 : f32 to vector<16xf32>
          %mul3A_1237 = arith.mulf %mul3A_1236, %mul3A_1234 : vector<16xf32>
          %add3A_1238 = arith.constant 0.0794344097 : f32
          %add3A_1239 = vector.broadcast %add3A_1238 : f32 to vector<16xf32>
          %add3A_1240 = arith.addf %mul3A_1237, %add3A_1239 : vector<16xf32>
          %mul3A_1241 = arith.mulf %add3A_1240, %mul3A_1234 : vector<16xf32>
          %add3A_1242 = arith.constant -0.645892859 : f32
          %add3A_1243 = vector.broadcast %add3A_1242 : f32 to vector<16xf32>
          %add3A_1244 = arith.addf %mul3A_1241, %add3A_1243 : vector<16xf32>
          %mul3A_1245 = arith.mulf %add3A_1244, %mul3A_1234 : vector<16xf32>
          %add3A_1246 = arith.constant 1.57079101 : f32
          %add3A_1247 = vector.broadcast %add3A_1246 : f32 to vector<16xf32>
          %add3A_1248 = arith.addf %mul3A_1245, %add3A_1247 : vector<16xf32>
          %mul3A_1249 = arith.mulf %min3A_1233, %add3A_1248 : vector<16xf32>
          %add3A_1250 = arith.addf %add3A_1155, %mul3A_1249 : vector<16xf32>
          %get3A_1251 = arith.constant 0 : i32
          %get3A_1252 = arith.constant 0 : i32
          %get3A_1253 = tpu.memref_slice %arg23[%scan3A_561, %get3A_1251, %get3A_1252] : memref<2x32x128xf32, #tpu.memory_space<vmem>> -> memref<1x32x128xf32, #tpu.memory_space<vmem>>
          %get3A_1254 = tpu.memref_squeeze %get3A_1253 : memref<1x32x128xf32, #tpu.memory_space<vmem>> -> memref<32x128xf32, #tpu.memory_space<vmem>>
          %get3A_1255 = arith.index_cast %add3A_687 : i32 to index
          %get3A_1256 = arith.constant 80 : index
          %get3A_1257 = tpu.vector_load %get3A_1254[%get3A_1255, %get3A_1256] {strides = array<i32>} : memref<32x128xf32, #tpu.memory_space<vmem>>, vector<1x16xf32>,
          %get3A_1258 = vector.shape_cast %get3A_1257 : vector<1x16xf32> to vector<16xf32>
          %abs3A_1259 = math.absf %get3A_1258 : vector<16xf32>
          %get3A_1260 = arith.constant 0 : i32
          %get3A_1261 = arith.constant 0 : i32
          %get3A_1262 = tpu.memref_slice %arg25[%scan3A_562, %get3A_1260, %get3A_1261] : memref<2x32x128xf32, #tpu.memory_space<vmem>> -> memref<1x32x128xf32, #tpu.memory_space<vmem>>
          %get3A_1263 = tpu.memref_squeeze %get3A_1262 : memref<1x32x128xf32, #tpu.memory_space<vmem>> -> memref<32x128xf32, #tpu.memory_space<vmem>>
          %get3A_1264 = arith.index_cast %add3A_687 : i32 to index
          %get3A_1265 = arith.constant 80 : index
          %get3A_1266 = tpu.vector_load %get3A_1263[%get3A_1264, %get3A_1265] {strides = array<i32>} : memref<32x128xf32, #tpu.memory_space<vmem>>, vector<1x16xf32>,
          %get3A_1267 = vector.shape_cast %get3A_1266 : vector<1x16xf32> to vector<16xf32>
          %abs3A_1268 = math.absf %get3A_1267 : vector<16xf32>
          %mul3A_1269 = arith.mulf %abs3A_1259, %abs3A_1268 : vector<16xf32>
          %sub3A_1270 = arith.subf %mul3A_1269, %get3A_1201 : vector<16xf32>
          %mul3A_1271 = arith.mulf %sub3A_1270, %sub3A_1270 : vector<16xf32>
          %add3A_1272 = arith.addf %add3A_1177, %mul3A_1271 : vector<16xf32>
          %get3A_1273 = arith.constant 0 : i32
          %get3A_1274 = arith.constant 0 : i32
          %get3A_1275 = tpu.memref_slice %arg21[%scan3A_558, %get3A_1273, %get3A_1274] : memref<2x32x128xf32, #tpu.memory_space<vmem>> -> memref<1x32x128xf32, #tpu.memory_space<vmem>>
          %get3A_1276 = tpu.memref_squeeze %get3A_1275 : memref<1x32x128xf32, #tpu.memory_space<vmem>> -> memref<32x128xf32, #tpu.memory_space<vmem>>
          %get3A_1277 = arith.index_cast %add3A_687 : i32 to index
          %get3A_1278 = arith.constant 96 : index
          %get3A_1279 = tpu.vector_load %get3A_1276[%get3A_1277, %get3A_1278] {strides = array<i32>} : memref<32x128xf32, #tpu.memory_space<vmem>>, vector<1x16xf32>,
          %get3A_1280 = vector.shape_cast %get3A_1279 : vector<1x16xf32> to vector<16xf32>
          %get3A_1281 = arith.constant 0 : i32
          %get3A_1282 = arith.constant 0 : i32
          %get3A_1283 = tpu.memref_slice %arg22[%scan3A_559, %get3A_1281, %get3A_1282] : memref<2x32x128xf32, #tpu.memory_space<vmem>> -> memref<1x32x128xf32, #tpu.memory_space<vmem>>
          %get3A_1284 = tpu.memref_squeeze %get3A_1283 : memref<1x32x128xf32, #tpu.memory_space<vmem>> -> memref<32x128xf32, #tpu.memory_space<vmem>>
          %get3A_1285 = arith.index_cast %add3A_687 : i32 to index
          %get3A_1286 = arith.constant 96 : index
          %get3A_1287 = tpu.vector_load %get3A_1284[%get3A_1285, %get3A_1286] {strides = array<i32>} : memref<32x128xf32, #tpu.memory_space<vmem>>, vector<1x16xf32>,
          %get3A_1288 = vector.shape_cast %get3A_1287 : vector<1x16xf32> to vector<16xf32>
          %get3A_1289 = arith.index_cast %squeeze3A : i32 to index
          %get3A_1290 = arith.constant 96 : index
          %get3A_1291 = tpu.vector_load %arg20[%get3A_1289, %get3A_1290] {strides = array<i32>} : memref<365x128xf32, #tpu.memory_space<vmem>>, vector<1x16xf32>,
          %get3A_1292 = vector.shape_cast %get3A_1291 : vector<1x16xf32> to vector<16xf32>
          %get3A_1293 = arith.index_cast %squeeze3A_698 : i32 to index
          %get3A_1294 = arith.constant 96 : index
          %get3A_1295 = tpu.vector_load %arg19[%get3A_1293, %get3A_1294] {strides = array<i32>} : memref<50x128xf32, #tpu.memory_space<vmem>>, vector<1x16xf32>,
          %get3A_1296 = vector.shape_cast %get3A_1295 : vector<1x16xf32> to vector<16xf32>
          %sub3A_1297 = arith.subf %get3A_1280, %get3A_1288 : vector<16xf32>
          %add3A_1298 = arith.constant 1.000000e+00 : f32
          %add3A_1299 = vector.broadcast %add3A_1298 : f32 to vector<16xf32>
          %add3A_1300 = arith.addf %get3A_1292, %add3A_1299 : vector<16xf32>
          %mul3A_1301 = arith.mulf %sub3A_1297, %add3A_1300 : vector<16xf32>
          %get3A_1302 = arith.constant 0 : i32
          %get3A_1303 = arith.constant 0 : i32
          %get3A_1304 = tpu.memref_slice %arg24[%scan3A_560, %get3A_1302, %get3A_1303] : memref<2x32x128xf32, #tpu.memory_space<vmem>> -> memref<1x32x128xf32, #tpu.memory_space<vmem>>
          %get3A_1305 = tpu.memref_squeeze %get3A_1304 : memref<1x32x128xf32, #tpu.memory_space<vmem>> -> memref<32x128xf32, #tpu.memory_space<vmem>>
          %get3A_1306 = arith.index_cast %add3A_687 : i32 to index
          %get3A_1307 = arith.constant 96 : index
          %get3A_1308 = tpu.vector_load %get3A_1305[%get3A_1306, %get3A_1307] {strides = array<i32>} : memref<32x128xf32, #tpu.memory_space<vmem>>, vector<1x16xf32>,
          %get3A_1309 = vector.shape_cast %get3A_1308 : vector<1x16xf32> to vector<16xf32>
          %add3A_1310 = arith.addf %mul3A_1301, %get3A_1309 : vector<16xf32>
          %mul3A_1311 = arith.constant 2.500000e-01 : f32
          %mul3A_1312 = vector.broadcast %mul3A_1311 : f32 to vector<16xf32>
          %mul3A_1313 = arith.mulf %add3A_1310, %mul3A_1312 : vector<16xf32>
          %add3A_1314 = arith.constant 0x4B400000 : f32
          %add3A_1315 = vector.broadcast %add3A_1314 : f32 to vector<16xf32>
          %add3A_1316 = arith.addf %mul3A_1313, %add3A_1315 : vector<16xf32>
          %sub3A_1317 = arith.constant 0x4B400000 : f32
          %sub3A_1318 = vector.broadcast %sub3A_1317 : f32 to vector<16xf32>
          %sub3A_1319 = arith.subf %add3A_1316, %sub3A_1318 : vector<16xf32>
          %mul3A_1320 = arith.constant 4.000000e+00 : f32
          %mul3A_1321 = vector.broadcast %mul3A_1320 : f32 to vector<16xf32>
          %mul3A_1322 = arith.mulf %sub3A_1319, %mul3A_1321 : vector<16xf32>
          %sub3A_1323 = arith.subf %add3A_1310, %mul3A_1322 : vector<16xf32>
          %abs3A_1324 = math.absf %sub3A_1323 : vector<16xf32>
          %sub3A_1325 = arith.constant 2.000000e+00 : f32
          %sub3A_1326 = vector.broadcast %sub3A_1325 : f32 to vector<16xf32>
          %sub3A_1327 = arith.subf %sub3A_1326, %abs3A_1324 : vector<16xf32>
          %min3A_1328 = arith.minimumf %abs3A_1324, %sub3A_1327 : vector<16xf32>
          %mul3A_1329 = arith.mulf %min3A_1328, %min3A_1328 : vector<16xf32>
          %mul3A_1330 = arith.constant -4.333140e-03 : f32
          %mul3A_1331 = vector.broadcast %mul3A_1330 : f32 to vector<16xf32>
          %mul3A_1332 = arith.mulf %mul3A_1331, %mul3A_1329 : vector<16xf32>
          %add3A_1333 = arith.constant 0.0794344097 : f32
          %add3A_1334 = vector.broadcast %add3A_1333 : f32 to vector<16xf32>
          %add3A_1335 = arith.addf %mul3A_1332, %add3A_1334 : vector<16xf32>
          %mul3A_1336 = arith.mulf %add3A_1335, %mul3A_1329 : vector<16xf32>
          %add3A_1337 = arith.constant -0.645892859 : f32
          %add3A_1338 = vector.broadcast %add3A_1337 : f32 to vector<16xf32>
          %add3A_1339 = arith.addf %mul3A_1336, %add3A_1338 : vector<16xf32>
          %mul3A_1340 = arith.mulf %add3A_1339, %mul3A_1329 : vector<16xf32>
          %add3A_1341 = arith.constant 1.57079101 : f32
          %add3A_1342 = vector.broadcast %add3A_1341 : f32 to vector<16xf32>
          %add3A_1343 = arith.addf %mul3A_1340, %add3A_1342 : vector<16xf32>
          %mul3A_1344 = arith.mulf %min3A_1328, %add3A_1343 : vector<16xf32>
          %add3A_1345 = arith.addf %add3A_1250, %mul3A_1344 : vector<16xf32>
          %get3A_1346 = arith.constant 0 : i32
          %get3A_1347 = arith.constant 0 : i32
          %get3A_1348 = tpu.memref_slice %arg23[%scan3A_561, %get3A_1346, %get3A_1347] : memref<2x32x128xf32, #tpu.memory_space<vmem>> -> memref<1x32x128xf32, #tpu.memory_space<vmem>>
          %get3A_1349 = tpu.memref_squeeze %get3A_1348 : memref<1x32x128xf32, #tpu.memory_space<vmem>> -> memref<32x128xf32, #tpu.memory_space<vmem>>
          %get3A_1350 = arith.index_cast %add3A_687 : i32 to index
          %get3A_1351 = arith.constant 96 : index
          %get3A_1352 = tpu.vector_load %get3A_1349[%get3A_1350, %get3A_1351] {strides = array<i32>} : memref<32x128xf32, #tpu.memory_space<vmem>>, vector<1x16xf32>,
          %get3A_1353 = vector.shape_cast %get3A_1352 : vector<1x16xf32> to vector<16xf32>
          %abs3A_1354 = math.absf %get3A_1353 : vector<16xf32>
          %get3A_1355 = arith.constant 0 : i32
          %get3A_1356 = arith.constant 0 : i32
          %get3A_1357 = tpu.memref_slice %arg25[%scan3A_562, %get3A_1355, %get3A_1356] : memref<2x32x128xf32, #tpu.memory_space<vmem>> -> memref<1x32x128xf32, #tpu.memory_space<vmem>>
          %get3A_1358 = tpu.memref_squeeze %get3A_1357 : memref<1x32x128xf32, #tpu.memory_space<vmem>> -> memref<32x128xf32, #tpu.memory_space<vmem>>
          %get3A_1359 = arith.index_cast %add3A_687 : i32 to index
          %get3A_1360 = arith.constant 96 : index
          %get3A_1361 = tpu.vector_load %get3A_1358[%get3A_1359, %get3A_1360] {strides = array<i32>} : memref<32x128xf32, #tpu.memory_space<vmem>>, vector<1x16xf32>,
          %get3A_1362 = vector.shape_cast %get3A_1361 : vector<1x16xf32> to vector<16xf32>
          %abs3A_1363 = math.absf %get3A_1362 : vector<16xf32>
          %mul3A_1364 = arith.mulf %abs3A_1354, %abs3A_1363 : vector<16xf32>
          %sub3A_1365 = arith.subf %mul3A_1364, %get3A_1296 : vector<16xf32>
          %mul3A_1366 = arith.mulf %sub3A_1365, %sub3A_1365 : vector<16xf32>
          %add3A_1367 = arith.addf %add3A_1272, %mul3A_1366 : vector<16xf32>
          %get3A_1368 = arith.constant 0 : i32
          %get3A_1369 = arith.constant 0 : i32
          %get3A_1370 = tpu.memref_slice %arg21[%scan3A_558, %get3A_1368, %get3A_1369] : memref<2x32x128xf32, #tpu.memory_space<vmem>> -> memref<1x32x128xf32, #tpu.memory_space<vmem>>
          %get3A_1371 = tpu.memref_squeeze %get3A_1370 : memref<1x32x128xf32, #tpu.memory_space<vmem>> -> memref<32x128xf32, #tpu.memory_space<vmem>>
          %get3A_1372 = arith.index_cast %add3A_687 : i32 to index
          %get3A_1373 = arith.constant 112 : index
          %get3A_1374 = tpu.vector_load %get3A_1371[%get3A_1372, %get3A_1373] {strides = array<i32>} : memref<32x128xf32, #tpu.memory_space<vmem>>, vector<1x16xf32>,
          %get3A_1375 = vector.shape_cast %get3A_1374 : vector<1x16xf32> to vector<16xf32>
          %get3A_1376 = arith.constant 0 : i32
          %get3A_1377 = arith.constant 0 : i32
          %get3A_1378 = tpu.memref_slice %arg22[%scan3A_559, %get3A_1376, %get3A_1377] : memref<2x32x128xf32, #tpu.memory_space<vmem>> -> memref<1x32x128xf32, #tpu.memory_space<vmem>>
          %get3A_1379 = tpu.memref_squeeze %get3A_1378 : memref<1x32x128xf32, #tpu.memory_space<vmem>> -> memref<32x128xf32, #tpu.memory_space<vmem>>
          %get3A_1380 = arith.index_cast %add3A_687 : i32 to index
          %get3A_1381 = arith.constant 112 : index
          %get3A_1382 = tpu.vector_load %get3A_1379[%get3A_1380, %get3A_1381] {strides = array<i32>} : memref<32x128xf32, #tpu.memory_space<vmem>>, vector<1x16xf32>,
          %get3A_1383 = vector.shape_cast %get3A_1382 : vector<1x16xf32> to vector<16xf32>
          %get3A_1384 = arith.index_cast %squeeze3A : i32 to index
          %get3A_1385 = arith.constant 112 : index
          %get3A_1386 = tpu.vector_load %arg20[%get3A_1384, %get3A_1385] {strides = array<i32>} : memref<365x128xf32, #tpu.memory_space<vmem>>, vector<1x16xf32>,
          %get3A_1387 = vector.shape_cast %get3A_1386 : vector<1x16xf32> to vector<16xf32>
          %get3A_1388 = arith.index_cast %squeeze3A_698 : i32 to index
          %get3A_1389 = arith.constant 112 : index
          %get3A_1390 = tpu.vector_load %arg19[%get3A_1388, %get3A_1389] {strides = array<i32>} : memref<50x128xf32, #tpu.memory_space<vmem>>, vector<1x16xf32>,
          %get3A_1391 = vector.shape_cast %get3A_1390 : vector<1x16xf32> to vector<16xf32>
          %sub3A_1392 = arith.subf %get3A_1375, %get3A_1383 : vector<16xf32>
          %add3A_1393 = arith.constant 1.000000e+00 : f32
          %add3A_1394 = vector.broadcast %add3A_1393 : f32 to vector<16xf32>
          %add3A_1395 = arith.addf %get3A_1387, %add3A_1394 : vector<16xf32>
          %mul3A_1396 = arith.mulf %sub3A_1392, %add3A_1395 : vector<16xf32>
          %get3A_1397 = arith.constant 0 : i32
          %get3A_1398 = arith.constant 0 : i32
          %get3A_1399 = tpu.memref_slice %arg24[%scan3A_560, %get3A_1397, %get3A_1398] : memref<2x32x128xf32, #tpu.memory_space<vmem>> -> memref<1x32x128xf32, #tpu.memory_space<vmem>>
          %get3A_1400 = tpu.memref_squeeze %get3A_1399 : memref<1x32x128xf32, #tpu.memory_space<vmem>> -> memref<32x128xf32, #tpu.memory_space<vmem>>
          %get3A_1401 = arith.index_cast %add3A_687 : i32 to index
          %get3A_1402 = arith.constant 112 : index
          %get3A_1403 = tpu.vector_load %get3A_1400[%get3A_1401, %get3A_1402] {strides = array<i32>} : memref<32x128xf32, #tpu.memory_space<vmem>>, vector<1x16xf32>,
          %get3A_1404 = vector.shape_cast %get3A_1403 : vector<1x16xf32> to vector<16xf32>
          %add3A_1405 = arith.addf %mul3A_1396, %get3A_1404 : vector<16xf32>
          %mul3A_1406 = arith.constant 2.500000e-01 : f32
          %mul3A_1407 = vector.broadcast %mul3A_1406 : f32 to vector<16xf32>
          %mul3A_1408 = arith.mulf %add3A_1405, %mul3A_1407 : vector<16xf32>
          %add3A_1409 = arith.constant 0x4B400000 : f32
          %add3A_1410 = vector.broadcast %add3A_1409 : f32 to vector<16xf32>
          %add3A_1411 = arith.addf %mul3A_1408, %add3A_1410 : vector<16xf32>
          %sub3A_1412 = arith.constant 0x4B400000 : f32
          %sub3A_1413 = vector.broadcast %sub3A_1412 : f32 to vector<16xf32>
          %sub3A_1414 = arith.subf %add3A_1411, %sub3A_1413 : vector<16xf32>
          %mul3A_1415 = arith.constant 4.000000e+00 : f32
          %mul3A_1416 = vector.broadcast %mul3A_1415 : f32 to vector<16xf32>
          %mul3A_1417 = arith.mulf %sub3A_1414, %mul3A_1416 : vector<16xf32>
          %sub3A_1418 = arith.subf %add3A_1405, %mul3A_1417 : vector<16xf32>
          %abs3A_1419 = math.absf %sub3A_1418 : vector<16xf32>
          %sub3A_1420 = arith.constant 2.000000e+00 : f32
          %sub3A_1421 = vector.broadcast %sub3A_1420 : f32 to vector<16xf32>
          %sub3A_1422 = arith.subf %sub3A_1421, %abs3A_1419 : vector<16xf32>
          %min3A_1423 = arith.minimumf %abs3A_1419, %sub3A_1422 : vector<16xf32>
          %mul3A_1424 = arith.mulf %min3A_1423, %min3A_1423 : vector<16xf32>
          %mul3A_1425 = arith.constant -4.333140e-03 : f32
          %mul3A_1426 = vector.broadcast %mul3A_1425 : f32 to vector<16xf32>
          %mul3A_1427 = arith.mulf %mul3A_1426, %mul3A_1424 : vector<16xf32>
          %add3A_1428 = arith.constant 0.0794344097 : f32
          %add3A_1429 = vector.broadcast %add3A_1428 : f32 to vector<16xf32>
          %add3A_1430 = arith.addf %mul3A_1427, %add3A_1429 : vector<16xf32>
          %mul3A_1431 = arith.mulf %add3A_1430, %mul3A_1424 : vector<16xf32>
          %add3A_1432 = arith.constant -0.645892859 : f32
          %add3A_1433 = vector.broadcast %add3A_1432 : f32 to vector<16xf32>
          %add3A_1434 = arith.addf %mul3A_1431, %add3A_1433 : vector<16xf32>
          %mul3A_1435 = arith.mulf %add3A_1434, %mul3A_1424 : vector<16xf32>
          %add3A_1436 = arith.constant 1.57079101 : f32
          %add3A_1437 = vector.broadcast %add3A_1436 : f32 to vector<16xf32>
          %add3A_1438 = arith.addf %mul3A_1435, %add3A_1437 : vector<16xf32>
          %mul3A_1439 = arith.mulf %min3A_1423, %add3A_1438 : vector<16xf32>
          %add3A_1440 = arith.addf %add3A_1345, %mul3A_1439 : vector<16xf32>
          %get3A_1441 = arith.constant 0 : i32
          %get3A_1442 = arith.constant 0 : i32
          %get3A_1443 = tpu.memref_slice %arg23[%scan3A_561, %get3A_1441, %get3A_1442] : memref<2x32x128xf32, #tpu.memory_space<vmem>> -> memref<1x32x128xf32, #tpu.memory_space<vmem>>
          %get3A_1444 = tpu.memref_squeeze %get3A_1443 : memref<1x32x128xf32, #tpu.memory_space<vmem>> -> memref<32x128xf32, #tpu.memory_space<vmem>>
          %get3A_1445 = arith.index_cast %add3A_687 : i32 to index
          %get3A_1446 = arith.constant 112 : index
          %get3A_1447 = tpu.vector_load %get3A_1444[%get3A_1445, %get3A_1446] {strides = array<i32>} : memref<32x128xf32, #tpu.memory_space<vmem>>, vector<1x16xf32>,
          %get3A_1448 = vector.shape_cast %get3A_1447 : vector<1x16xf32> to vector<16xf32>
          %abs3A_1449 = math.absf %get3A_1448 : vector<16xf32>
          %get3A_1450 = arith.constant 0 : i32
          %get3A_1451 = arith.constant 0 : i32
          %get3A_1452 = tpu.memref_slice %arg25[%scan3A_562, %get3A_1450, %get3A_1451] : memref<2x32x128xf32, #tpu.memory_space<vmem>> -> memref<1x32x128xf32, #tpu.memory_space<vmem>>
          %get3A_1453 = tpu.memref_squeeze %get3A_1452 : memref<1x32x128xf32, #tpu.memory_space<vmem>> -> memref<32x128xf32, #tpu.memory_space<vmem>>
          %get3A_1454 = arith.index_cast %add3A_687 : i32 to index
          %get3A_1455 = arith.constant 112 : index
          %get3A_1456 = tpu.vector_load %get3A_1453[%get3A_1454, %get3A_1455] {strides = array<i32>} : memref<32x128xf32, #tpu.memory_space<vmem>>, vector<1x16xf32>,
          %get3A_1457 = vector.shape_cast %get3A_1456 : vector<1x16xf32> to vector<16xf32>
          %abs3A_1458 = math.absf %get3A_1457 : vector<16xf32>
          %mul3A_1459 = arith.mulf %abs3A_1449, %abs3A_1458 : vector<16xf32>
          %sub3A_1460 = arith.subf %mul3A_1459, %get3A_1391 : vector<16xf32>
          %mul3A_1461 = arith.mulf %sub3A_1460, %sub3A_1460 : vector<16xf32>
          %add3A_1462 = arith.addf %add3A_1367, %mul3A_1461 : vector<16xf32>
          %eq3A = vector.broadcast %scan3A_682 : i32 to vector<16xi32>
          %eq3A_1463 = arith.cmpi eq, %iota3A, %eq3A : vector<16xi32>
          %gather3A = vector.shape_cast %broadcast_in_dim3A : vector<16x1xi32> to vector<16xi32>
          %gather3A_1464 = tpu.dynamic_gather %add3A_1440[%gather3A] in [0] : vector<16xf32>, vector<16xi32> -> vector<16xf32>
          %add3A_1465 = arith.addf %add3A_1440, %gather3A_1464 : vector<16xf32>
          %gather3A_1466 = vector.shape_cast %broadcast_in_dim3A_12 : vector<16x1xi32> to vector<16xi32>
          %gather3A_1467 = tpu.dynamic_gather %add3A_1465[%gather3A_1466] in [0] : vector<16xf32>, vector<16xi32> -> vector<16xf32>
          %add3A_1468 = arith.addf %add3A_1465, %gather3A_1467 : vector<16xf32>
          %gather3A_1469 = vector.shape_cast %broadcast_in_dim3A_19 : vector<16x1xi32> to vector<16xi32>
          %gather3A_1470 = tpu.dynamic_gather %add3A_1468[%gather3A_1469] in [0] : vector<16xf32>, vector<16xi32> -> vector<16xf32>
          %add3A_1471 = arith.addf %add3A_1468, %gather3A_1470 : vector<16xf32>
          %gather3A_1472 = vector.shape_cast %broadcast_in_dim3A_26 : vector<16x1xi32> to vector<16xi32>
          %gather3A_1473 = tpu.dynamic_gather %add3A_1471[%gather3A_1472] in [0] : vector<16xf32>, vector<16xi32> -> vector<16xf32>
          %add3A_1474 = arith.addf %add3A_1471, %gather3A_1473 : vector<16xf32>
          %select_n3A = arith.select %eq3A_1463, %add3A_1474, %scan3A_683 : vector<16xi1>, vector<16xf32>
          %gather3A_1475 = vector.shape_cast %broadcast_in_dim3A : vector<16x1xi32> to vector<16xi32>
          %gather3A_1476 = tpu.dynamic_gather %add3A_1462[%gather3A_1475] in [0] : vector<16xf32>, vector<16xi32> -> vector<16xf32>
          %add3A_1477 = arith.addf %add3A_1462, %gather3A_1476 : vector<16xf32>
          %gather3A_1478 = vector.shape_cast %broadcast_in_dim3A_12 : vector<16x1xi32> to vector<16xi32>
          %gather3A_1479 = tpu.dynamic_gather %add3A_1477[%gather3A_1478] in [0] : vector<16xf32>, vector<16xi32> -> vector<16xf32>
          %add3A_1480 = arith.addf %add3A_1477, %gather3A_1479 : vector<16xf32>
          %gather3A_1481 = vector.shape_cast %broadcast_in_dim3A_19 : vector<16x1xi32> to vector<16xi32>
          %gather3A_1482 = tpu.dynamic_gather %add3A_1480[%gather3A_1481] in [0] : vector<16xf32>, vector<16xi32> -> vector<16xf32>
          %add3A_1483 = arith.addf %add3A_1480, %gather3A_1482 : vector<16xf32>
          %gather3A_1484 = vector.shape_cast %broadcast_in_dim3A_26 : vector<16x1xi32> to vector<16xi32>
          %gather3A_1485 = tpu.dynamic_gather %add3A_1483[%gather3A_1484] in [0] : vector<16xf32>, vector<16xi32> -> vector<16xf32>
          %add3A_1486 = arith.addf %add3A_1483, %gather3A_1485 : vector<16xf32>
          %select_n3A_1487 = arith.select %eq3A_1463, %add3A_1486, %scan3A_684 : vector<16xi1>, vector<16xf32>
          scf.yield %select_n3A, %select_n3A_1487 : vector<16xf32>, vector<16xf32>
        }
        %scan3A_635 = arith.constant 16 : i32
        %mul3A_636 = arith.constant 32 : i32
        %mul3A_637 = arith.muli %add3A_501, %mul3A_636 : i32
        %mul3A_638 = arith.constant 16 : i32
        %mul3A_639 = arith.muli %scan3A_627, %mul3A_638 : i32
        %add3A_640 = arith.addi %mul3A_637, %mul3A_639 : i32
        %bitcast_convert_type3A = tpu.bitcast %scan3A_634#1 : vector<16xf32> -> vector<16xi32>
        %shift_right_logical3A = arith.constant 1 : i32
        %shift_right_logical3A_641 = vector.broadcast %shift_right_logical3A : i32 to vector<16xi32>
        %shift_right_logical3A_642 = arith.shrui %bitcast_convert_type3A, %shift_right_logical3A_641 : vector<16xi32>
        %sub3A = arith.constant 1597463007 : i32
        %sub3A_643 = vector.broadcast %sub3A : i32 to vector<16xi32>
        %sub3A_644 = arith.subi %sub3A_643, %shift_right_logical3A_642 : vector<16xi32>
        %bitcast_convert_type3A_645 = tpu.bitcast %sub3A_644 : vector<16xi32> -> vector<16xf32>
        %mul3A_646 = arith.constant 5.000000e-01 : f32
        %mul3A_647 = vector.broadcast %mul3A_646 : f32 to vector<16xf32>
        %mul3A_648 = arith.mulf %mul3A_647, %scan3A_634#1 : vector<16xf32>
        %mul3A_649 = arith.mulf %mul3A_648, %bitcast_convert_type3A_645 : vector<16xf32>
        %mul3A_650 = arith.mulf %mul3A_649, %bitcast_convert_type3A_645 : vector<16xf32>
        %sub3A_651 = arith.constant 1.500000e+00 : f32
        %sub3A_652 = vector.broadcast %sub3A_651 : f32 to vector<16xf32>
        %sub3A_653 = arith.subf %sub3A_652, %mul3A_650 : vector<16xf32>
        %mul3A_654 = arith.mulf %bitcast_convert_type3A_645, %sub3A_653 : vector<16xf32>
        %mul3A_655 = arith.constant 5.000000e-01 : f32
        %mul3A_656 = vector.broadcast %mul3A_655 : f32 to vector<16xf32>
        %mul3A_657 = arith.mulf %mul3A_656, %scan3A_634#1 : vector<16xf32>
        %mul3A_658 = arith.mulf %mul3A_657, %mul3A_654 : vector<16xf32>
        %mul3A_659 = arith.mulf %mul3A_658, %mul3A_654 : vector<16xf32>
        %sub3A_660 = arith.constant 1.500000e+00 : f32
        %sub3A_661 = vector.broadcast %sub3A_660 : f32 to vector<16xf32>
        %sub3A_662 = arith.subf %sub3A_661, %mul3A_659 : vector<16xf32>
        %mul3A_663 = arith.mulf %mul3A_654, %sub3A_662 : vector<16xf32>
        %mul3A_664 = arith.constant 5.000000e-01 : f32
        %mul3A_665 = vector.broadcast %mul3A_664 : f32 to vector<16xf32>
        %mul3A_666 = arith.mulf %mul3A_665, %scan3A_634#1 : vector<16xf32>
        %mul3A_667 = arith.mulf %mul3A_666, %mul3A_663 : vector<16xf32>
        %mul3A_668 = arith.mulf %mul3A_667, %mul3A_663 : vector<16xf32>
        %sub3A_669 = arith.constant 1.500000e+00 : f32
        %sub3A_670 = vector.broadcast %sub3A_669 : f32 to vector<16xf32>
        %sub3A_671 = arith.subf %sub3A_670, %mul3A_668 : vector<16xf32>
        %mul3A_672 = arith.mulf %mul3A_663, %sub3A_671 : vector<16xf32>
        %mul3A_673 = arith.mulf %scan3A_634#1, %mul3A_672 : vector<16xf32>
        %mul3A_674 = arith.constant 5.000000e-01 : f32
        %mul3A_675 = vector.broadcast %mul3A_674 : f32 to vector<16xf32>
        %mul3A_676 = arith.mulf %mul3A_675, %mul3A_673 : vector<16xf32>
        %add3A_677 = arith.addf %scan3A_634#0, %mul3A_676 : vector<16xf32>
        %swap3A_678 = arith.index_cast %add3A_640 : i32 to index
        %swap3A_679 = tpu.vector_load %arg26[%swap3A_678] {strides = array<i32>} : memref<1024xf32, #tpu.memory_space<vmem>>, vector<16xf32>,
        %swap3A_680 = vector.shape_cast %swap3A_679 : vector<16xf32> to vector<16xf32>
        %swap3A_681 = vector.shape_cast %add3A_677 : vector<16xf32> to vector<16xf32>
        tpu.vector_store %arg26[%swap3A_678], %swap3A_681 {strides = array<i32>} : memref<1024xf32, #tpu.memory_space<vmem>>, vector<16xf32>,
      }
      %scan3A_567 = arith.constant 2 : i32
      %add3A_568 = arith.constant 2 : i32
      %add3A_569 = arith.addi %add3A_501, %add3A_568 : i32
      %min3A_570 = arith.constant 31 : i32
      %min3A_571 = arith.minsi %add3A_569, %min3A_570 : i32
      %dma_start3A_572 = arith.constant 1 : i32
      %dma_start3A_573 = arith.constant 0 : i32
      %dma_start3A_574 = arith.constant 0 : i32
      %dma_start3A_575 = tpu.memref_slice %arg21[%dma_start3A_572, %dma_start3A_573, %dma_start3A_574] : memref<2x32x128xf32, #tpu.memory_space<vmem>> -> memref<1x32x128xf32, #tpu.memory_space<vmem>>
      %dma_start3A_576 = tpu.memref_squeeze %dma_start3A_575 : memref<1x32x128xf32, #tpu.memory_space<vmem>> -> memref<32x128xf32, #tpu.memory_space<vmem>>
      %dma_start3A_577 = arith.constant 0 : i32
      %dma_start3A_578 = tpu.memref_slice %arg14[%min3A_571, %dma_start3A_577] : memref<32x32xi32, #tpu.memory_space<vmem>> -> memref<1x32xi32, #tpu.memory_space<vmem>>
      %dma_start3A_579 = tpu.memref_squeeze %dma_start3A_578 : memref<1x32xi32, #tpu.memory_space<vmem>> -> memref<32xi32, #tpu.memory_space<vmem>>
      %dma_start3A_580 = arith.constant 0 : i32
      %dma_start3A_581 = arith.constant 0 : i32
      %dma_start3A_582 = tpu.memref_slice %arg7[%dma_start3A_580, %dma_start3A_581] : memref<100000x128xf32, #tpu.memory_space<hbm>> -> memref<100000x128xf32, #tpu.memory_space<hbm>>
      tpu.enqueue_indirect_dma source(%dma_start3A_582 : memref<100000x128xf32, #tpu.memory_space<hbm>>) target(%dma_start3A_576 : memref<32x128xf32, #tpu.memory_space<vmem>>) offsets(%dma_start3A_579 : memref<32xi32, #tpu.memory_space<vmem>>) semaphore(%arg28 : memref<!tpu.dma_semaphore, #tpu.memory_space<semaphore_mem>>)
      %dma_start3A_583 = arith.constant 1 : i32
      %dma_start3A_584 = arith.constant 0 : i32
      %dma_start3A_585 = arith.constant 0 : i32
      %dma_start3A_586 = tpu.memref_slice %arg22[%dma_start3A_583, %dma_start3A_584, %dma_start3A_585] : memref<2x32x128xf32, #tpu.memory_space<vmem>> -> memref<1x32x128xf32, #tpu.memory_space<vmem>>
      %dma_start3A_587 = tpu.memref_squeeze %dma_start3A_586 : memref<1x32x128xf32, #tpu.memory_space<vmem>> -> memref<32x128xf32, #tpu.memory_space<vmem>>
      %dma_start3A_588 = arith.constant 0 : i32
      %dma_start3A_589 = tpu.memref_slice %arg16[%min3A_571, %dma_start3A_588] : memref<32x32xi32, #tpu.memory_space<vmem>> -> memref<1x32xi32, #tpu.memory_space<vmem>>
      %dma_start3A_590 = tpu.memref_squeeze %dma_start3A_589 : memref<1x32xi32, #tpu.memory_space<vmem>> -> memref<32xi32, #tpu.memory_space<vmem>>
      %dma_start3A_591 = arith.constant 0 : i32
      %dma_start3A_592 = arith.constant 0 : i32
      %dma_start3A_593 = tpu.memref_slice %arg7[%dma_start3A_591, %dma_start3A_592] : memref<100000x128xf32, #tpu.memory_space<hbm>> -> memref<100000x128xf32, #tpu.memory_space<hbm>>
      tpu.enqueue_indirect_dma source(%dma_start3A_593 : memref<100000x128xf32, #tpu.memory_space<hbm>>) target(%dma_start3A_587 : memref<32x128xf32, #tpu.memory_space<vmem>>) offsets(%dma_start3A_590 : memref<32xi32, #tpu.memory_space<vmem>>) semaphore(%arg28 : memref<!tpu.dma_semaphore, #tpu.memory_space<semaphore_mem>>)
      %dma_start3A_594 = arith.constant 1 : i32
      %dma_start3A_595 = arith.constant 0 : i32
      %dma_start3A_596 = arith.constant 0 : i32
      %dma_start3A_597 = tpu.memref_slice %arg23[%dma_start3A_594, %dma_start3A_595, %dma_start3A_596] : memref<2x32x128xf32, #tpu.memory_space<vmem>> -> memref<1x32x128xf32, #tpu.memory_space<vmem>>
      %dma_start3A_598 = tpu.memref_squeeze %dma_start3A_597 : memref<1x32x128xf32, #tpu.memory_space<vmem>> -> memref<32x128xf32, #tpu.memory_space<vmem>>
      %dma_start3A_599 = arith.constant 0 : i32
      %dma_start3A_600 = tpu.memref_slice %arg14[%min3A_571, %dma_start3A_599] : memref<32x32xi32, #tpu.memory_space<vmem>> -> memref<1x32xi32, #tpu.memory_space<vmem>>
      %dma_start3A_601 = tpu.memref_squeeze %dma_start3A_600 : memref<1x32xi32, #tpu.memory_space<vmem>> -> memref<32xi32, #tpu.memory_space<vmem>>
      %dma_start3A_602 = arith.constant 0 : i32
      %dma_start3A_603 = arith.constant 0 : i32
      %dma_start3A_604 = tpu.memref_slice %arg10[%dma_start3A_602, %dma_start3A_603] : memref<1000x128xf32, #tpu.memory_space<hbm>> -> memref<1000x128xf32, #tpu.memory_space<hbm>>
      tpu.enqueue_indirect_dma source(%dma_start3A_604 : memref<1000x128xf32, #tpu.memory_space<hbm>>) target(%dma_start3A_598 : memref<32x128xf32, #tpu.memory_space<vmem>>) offsets(%dma_start3A_601 : memref<32xi32, #tpu.memory_space<vmem>>) semaphore(%arg28 : memref<!tpu.dma_semaphore, #tpu.memory_space<semaphore_mem>>)
      %dma_start3A_605 = arith.constant 1 : i32
      %dma_start3A_606 = arith.constant 0 : i32
      %dma_start3A_607 = arith.constant 0 : i32
      %dma_start3A_608 = tpu.memref_slice %arg24[%dma_start3A_605, %dma_start3A_606, %dma_start3A_607] : memref<2x32x128xf32, #tpu.memory_space<vmem>> -> memref<1x32x128xf32, #tpu.memory_space<vmem>>
      %dma_start3A_609 = tpu.memref_squeeze %dma_start3A_608 : memref<1x32x128xf32, #tpu.memory_space<vmem>> -> memref<32x128xf32, #tpu.memory_space<vmem>>
      %dma_start3A_610 = arith.constant 0 : i32
      %dma_start3A_611 = tpu.memref_slice %arg15[%min3A_571, %dma_start3A_610] : memref<32x32xi32, #tpu.memory_space<vmem>> -> memref<1x32xi32, #tpu.memory_space<vmem>>
      %dma_start3A_612 = tpu.memref_squeeze %dma_start3A_611 : memref<1x32xi32, #tpu.memory_space<vmem>> -> memref<32xi32, #tpu.memory_space<vmem>>
      %dma_start3A_613 = arith.constant 0 : i32
      %dma_start3A_614 = arith.constant 0 : i32
      %dma_start3A_615 = tpu.memref_slice %arg8[%dma_start3A_613, %dma_start3A_614] : memref<100000x128xf32, #tpu.memory_space<hbm>> -> memref<100000x128xf32, #tpu.memory_space<hbm>>
      tpu.enqueue_indirect_dma source(%dma_start3A_615 : memref<100000x128xf32, #tpu.memory_space<hbm>>) target(%dma_start3A_609 : memref<32x128xf32, #tpu.memory_space<vmem>>) offsets(%dma_start3A_612 : memref<32xi32, #tpu.memory_space<vmem>>) semaphore(%arg28 : memref<!tpu.dma_semaphore, #tpu.memory_space<semaphore_mem>>)
      %dma_start3A_616 = arith.constant 1 : i32
      %dma_start3A_617 = arith.constant 0 : i32
      %dma_start3A_618 = arith.constant 0 : i32
      %dma_start3A_619 = tpu.memref_slice %arg25[%dma_start3A_616, %dma_start3A_617, %dma_start3A_618] : memref<2x32x128xf32, #tpu.memory_space<vmem>> -> memref<1x32x128xf32, #tpu.memory_space<vmem>>
      %dma_start3A_620 = tpu.memref_squeeze %dma_start3A_619 : memref<1x32x128xf32, #tpu.memory_space<vmem>> -> memref<32x128xf32, #tpu.memory_space<vmem>>
      %dma_start3A_621 = arith.constant 0 : i32
      %dma_start3A_622 = tpu.memref_slice %arg15[%min3A_571, %dma_start3A_621] : memref<32x32xi32, #tpu.memory_space<vmem>> -> memref<1x32xi32, #tpu.memory_space<vmem>>
      %dma_start3A_623 = tpu.memref_squeeze %dma_start3A_622 : memref<1x32xi32, #tpu.memory_space<vmem>> -> memref<32xi32, #tpu.memory_space<vmem>>
      %dma_start3A_624 = arith.constant 0 : i32
      %dma_start3A_625 = arith.constant 0 : i32
      %dma_start3A_626 = tpu.memref_slice %arg9[%dma_start3A_624, %dma_start3A_625] : memref<1000x128xf32, #tpu.memory_space<hbm>> -> memref<1000x128xf32, #tpu.memory_space<hbm>>
      tpu.enqueue_indirect_dma source(%dma_start3A_626 : memref<1000x128xf32, #tpu.memory_space<hbm>>) target(%dma_start3A_620 : memref<32x128xf32, #tpu.memory_space<vmem>>) offsets(%dma_start3A_623 : memref<32xi32, #tpu.memory_space<vmem>>) semaphore(%arg28 : memref<!tpu.dma_semaphore, #tpu.memory_space<semaphore_mem>>)
    }
    %scan3A_249 = arith.constant 16 : i32
    %dma_wait3A = arith.constant 31 : i32
    %dma_wait3A_250 = arith.constant 0 : i32
    %dma_wait3A_251 = arith.constant 0 : i32
    %dma_wait3A_252 = arith.constant 0 : i32
    %dma_wait3A_253 = tpu.memref_slice %arg21[%dma_wait3A_250, %dma_wait3A_251, %dma_wait3A_252] : memref<2x32x128xf32, #tpu.memory_space<vmem>> -> memref<1x32x128xf32, #tpu.memory_space<vmem>>
    %dma_wait3A_254 = tpu.memref_squeeze %dma_wait3A_253 : memref<1x32x128xf32, #tpu.memory_space<vmem>> -> memref<32x128xf32, #tpu.memory_space<vmem>>
    %dma_wait3A_255 = arith.constant 0 : i32
    %dma_wait3A_256 = tpu.memref_slice %arg14[%dma_wait3A, %dma_wait3A_255] : memref<32x32xi32, #tpu.memory_space<vmem>> -> memref<1x32xi32, #tpu.memory_space<vmem>>
    %dma_wait3A_257 = tpu.memref_squeeze %dma_wait3A_256 : memref<1x32xi32, #tpu.memory_space<vmem>> -> memref<32xi32, #tpu.memory_space<vmem>>
    %dma_wait3A_258 = arith.constant 0 : i32
    %dma_wait3A_259 = arith.constant 0 : i32
    %dma_wait3A_260 = tpu.memref_slice %arg7[%dma_wait3A_258, %dma_wait3A_259] : memref<100000x128xf32, #tpu.memory_space<hbm>> -> memref<100000x128xf32, #tpu.memory_space<hbm>>
    tpu.wait_indirect_dma semaphore(%arg27 : memref<!tpu.dma_semaphore, #tpu.memory_space<semaphore_mem>>) src(%dma_wait3A_260 : memref<100000x128xf32, #tpu.memory_space<hbm>>) dst(%dma_wait3A_254 : memref<32x128xf32, #tpu.memory_space<vmem>>)
    %dma_wait3A_261 = arith.constant 31 : i32
    %dma_wait3A_262 = arith.constant 0 : i32
    %dma_wait3A_263 = arith.constant 0 : i32
    %dma_wait3A_264 = arith.constant 0 : i32
    %dma_wait3A_265 = tpu.memref_slice %arg22[%dma_wait3A_262, %dma_wait3A_263, %dma_wait3A_264] : memref<2x32x128xf32, #tpu.memory_space<vmem>> -> memref<1x32x128xf32, #tpu.memory_space<vmem>>
    %dma_wait3A_266 = tpu.memref_squeeze %dma_wait3A_265 : memref<1x32x128xf32, #tpu.memory_space<vmem>> -> memref<32x128xf32, #tpu.memory_space<vmem>>
    %dma_wait3A_267 = arith.constant 0 : i32
    %dma_wait3A_268 = tpu.memref_slice %arg16[%dma_wait3A_261, %dma_wait3A_267] : memref<32x32xi32, #tpu.memory_space<vmem>> -> memref<1x32xi32, #tpu.memory_space<vmem>>
    %dma_wait3A_269 = tpu.memref_squeeze %dma_wait3A_268 : memref<1x32xi32, #tpu.memory_space<vmem>> -> memref<32xi32, #tpu.memory_space<vmem>>
    %dma_wait3A_270 = arith.constant 0 : i32
    %dma_wait3A_271 = arith.constant 0 : i32
    %dma_wait3A_272 = tpu.memref_slice %arg7[%dma_wait3A_270, %dma_wait3A_271] : memref<100000x128xf32, #tpu.memory_space<hbm>> -> memref<100000x128xf32, #tpu.memory_space<hbm>>
    tpu.wait_indirect_dma semaphore(%arg27 : memref<!tpu.dma_semaphore, #tpu.memory_space<semaphore_mem>>) src(%dma_wait3A_272 : memref<100000x128xf32, #tpu.memory_space<hbm>>) dst(%dma_wait3A_266 : memref<32x128xf32, #tpu.memory_space<vmem>>)
    %dma_wait3A_273 = arith.constant 31 : i32
    %dma_wait3A_274 = arith.constant 0 : i32
    %dma_wait3A_275 = arith.constant 0 : i32
    %dma_wait3A_276 = arith.constant 0 : i32
    %dma_wait3A_277 = tpu.memref_slice %arg23[%dma_wait3A_274, %dma_wait3A_275, %dma_wait3A_276] : memref<2x32x128xf32, #tpu.memory_space<vmem>> -> memref<1x32x128xf32, #tpu.memory_space<vmem>>
    %dma_wait3A_278 = tpu.memref_squeeze %dma_wait3A_277 : memref<1x32x128xf32, #tpu.memory_space<vmem>> -> memref<32x128xf32, #tpu.memory_space<vmem>>
    %dma_wait3A_279 = arith.constant 0 : i32
    %dma_wait3A_280 = tpu.memref_slice %arg14[%dma_wait3A_273, %dma_wait3A_279] : memref<32x32xi32, #tpu.memory_space<vmem>> -> memref<1x32xi32, #tpu.memory_space<vmem>>
    %dma_wait3A_281 = tpu.memref_squeeze %dma_wait3A_280 : memref<1x32xi32, #tpu.memory_space<vmem>> -> memref<32xi32, #tpu.memory_space<vmem>>
    %dma_wait3A_282 = arith.constant 0 : i32
    %dma_wait3A_283 = arith.constant 0 : i32
    %dma_wait3A_284 = tpu.memref_slice %arg10[%dma_wait3A_282, %dma_wait3A_283] : memref<1000x128xf32, #tpu.memory_space<hbm>> -> memref<1000x128xf32, #tpu.memory_space<hbm>>
    tpu.wait_indirect_dma semaphore(%arg27 : memref<!tpu.dma_semaphore, #tpu.memory_space<semaphore_mem>>) src(%dma_wait3A_284 : memref<1000x128xf32, #tpu.memory_space<hbm>>) dst(%dma_wait3A_278 : memref<32x128xf32, #tpu.memory_space<vmem>>)
    %dma_wait3A_285 = arith.constant 31 : i32
    %dma_wait3A_286 = arith.constant 0 : i32
    %dma_wait3A_287 = arith.constant 0 : i32
    %dma_wait3A_288 = arith.constant 0 : i32
    %dma_wait3A_289 = tpu.memref_slice %arg24[%dma_wait3A_286, %dma_wait3A_287, %dma_wait3A_288] : memref<2x32x128xf32, #tpu.memory_space<vmem>> -> memref<1x32x128xf32, #tpu.memory_space<vmem>>
    %dma_wait3A_290 = tpu.memref_squeeze %dma_wait3A_289 : memref<1x32x128xf32, #tpu.memory_space<vmem>> -> memref<32x128xf32, #tpu.memory_space<vmem>>
    %dma_wait3A_291 = arith.constant 0 : i32
    %dma_wait3A_292 = tpu.memref_slice %arg15[%dma_wait3A_285, %dma_wait3A_291] : memref<32x32xi32, #tpu.memory_space<vmem>> -> memref<1x32xi32, #tpu.memory_space<vmem>>
    %dma_wait3A_293 = tpu.memref_squeeze %dma_wait3A_292 : memref<1x32xi32, #tpu.memory_space<vmem>> -> memref<32xi32, #tpu.memory_space<vmem>>
    %dma_wait3A_294 = arith.constant 0 : i32
    %dma_wait3A_295 = arith.constant 0 : i32
    %dma_wait3A_296 = tpu.memref_slice %arg8[%dma_wait3A_294, %dma_wait3A_295] : memref<100000x128xf32, #tpu.memory_space<hbm>> -> memref<100000x128xf32, #tpu.memory_space<hbm>>
    tpu.wait_indirect_dma semaphore(%arg27 : memref<!tpu.dma_semaphore, #tpu.memory_space<semaphore_mem>>) src(%dma_wait3A_296 : memref<100000x128xf32, #tpu.memory_space<hbm>>) dst(%dma_wait3A_290 : memref<32x128xf32, #tpu.memory_space<vmem>>)
    %dma_wait3A_297 = arith.constant 31 : i32
    %dma_wait3A_298 = arith.constant 0 : i32
    %dma_wait3A_299 = arith.constant 0 : i32
    %dma_wait3A_300 = arith.constant 0 : i32
    %dma_wait3A_301 = tpu.memref_slice %arg25[%dma_wait3A_298, %dma_wait3A_299, %dma_wait3A_300] : memref<2x32x128xf32, #tpu.memory_space<vmem>> -> memref<1x32x128xf32, #tpu.memory_space<vmem>>
    %dma_wait3A_302 = tpu.memref_squeeze %dma_wait3A_301 : memref<1x32x128xf32, #tpu.memory_space<vmem>> -> memref<32x128xf32, #tpu.memory_space<vmem>>
    %dma_wait3A_303 = arith.constant 0 : i32
    %dma_wait3A_304 = tpu.memref_slice %arg15[%dma_wait3A_297, %dma_wait3A_303] : memref<32x32xi32, #tpu.memory_space<vmem>> -> memref<1x32xi32, #tpu.memory_space<vmem>>
    %dma_wait3A_305 = tpu.memref_squeeze %dma_wait3A_304 : memref<1x32xi32, #tpu.memory_space<vmem>> -> memref<32xi32, #tpu.memory_space<vmem>>
    %dma_wait3A_306 = arith.constant 0 : i32
    %dma_wait3A_307 = arith.constant 0 : i32
    %dma_wait3A_308 = tpu.memref_slice %arg9[%dma_wait3A_306, %dma_wait3A_307] : memref<1000x128xf32, #tpu.memory_space<hbm>> -> memref<1000x128xf32, #tpu.memory_space<hbm>>
    tpu.wait_indirect_dma semaphore(%arg27 : memref<!tpu.dma_semaphore, #tpu.memory_space<semaphore_mem>>) src(%dma_wait3A_308 : memref<1000x128xf32, #tpu.memory_space<hbm>>) dst(%dma_wait3A_302 : memref<32x128xf32, #tpu.memory_space<vmem>>)
    %dma_wait3A_309 = arith.constant 31 : i32
    %dma_wait3A_310 = arith.constant 1 : i32
    %dma_wait3A_311 = arith.constant 0 : i32
    %dma_wait3A_312 = arith.constant 0 : i32
    %dma_wait3A_313 = tpu.memref_slice %arg21[%dma_wait3A_310, %dma_wait3A_311, %dma_wait3A_312] : memref<2x32x128xf32, #tpu.memory_space<vmem>> -> memref<1x32x128xf32, #tpu.memory_space<vmem>>
    %dma_wait3A_314 = tpu.memref_squeeze %dma_wait3A_313 : memref<1x32x128xf32, #tpu.memory_space<vmem>> -> memref<32x128xf32, #tpu.memory_space<vmem>>
    %dma_wait3A_315 = arith.constant 0 : i32
    %dma_wait3A_316 = tpu.memref_slice %arg14[%dma_wait3A_309, %dma_wait3A_315] : memref<32x32xi32, #tpu.memory_space<vmem>> -> memref<1x32xi32, #tpu.memory_space<vmem>>
    %dma_wait3A_317 = tpu.memref_squeeze %dma_wait3A_316 : memref<1x32xi32, #tpu.memory_space<vmem>> -> memref<32xi32, #tpu.memory_space<vmem>>
    %dma_wait3A_318 = arith.constant 0 : i32
    %dma_wait3A_319 = arith.constant 0 : i32
    %dma_wait3A_320 = tpu.memref_slice %arg7[%dma_wait3A_318, %dma_wait3A_319] : memref<100000x128xf32, #tpu.memory_space<hbm>> -> memref<100000x128xf32, #tpu.memory_space<hbm>>
    tpu.wait_indirect_dma semaphore(%arg28 : memref<!tpu.dma_semaphore, #tpu.memory_space<semaphore_mem>>) src(%dma_wait3A_320 : memref<100000x128xf32, #tpu.memory_space<hbm>>) dst(%dma_wait3A_314 : memref<32x128xf32, #tpu.memory_space<vmem>>)
    %dma_wait3A_321 = arith.constant 31 : i32
    %dma_wait3A_322 = arith.constant 1 : i32
    %dma_wait3A_323 = arith.constant 0 : i32
    %dma_wait3A_324 = arith.constant 0 : i32
    %dma_wait3A_325 = tpu.memref_slice %arg22[%dma_wait3A_322, %dma_wait3A_323, %dma_wait3A_324] : memref<2x32x128xf32, #tpu.memory_space<vmem>> -> memref<1x32x128xf32, #tpu.memory_space<vmem>>
    %dma_wait3A_326 = tpu.memref_squeeze %dma_wait3A_325 : memref<1x32x128xf32, #tpu.memory_space<vmem>> -> memref<32x128xf32, #tpu.memory_space<vmem>>
    %dma_wait3A_327 = arith.constant 0 : i32
    %dma_wait3A_328 = tpu.memref_slice %arg16[%dma_wait3A_321, %dma_wait3A_327] : memref<32x32xi32, #tpu.memory_space<vmem>> -> memref<1x32xi32, #tpu.memory_space<vmem>>
    %dma_wait3A_329 = tpu.memref_squeeze %dma_wait3A_328 : memref<1x32xi32, #tpu.memory_space<vmem>> -> memref<32xi32, #tpu.memory_space<vmem>>
    %dma_wait3A_330 = arith.constant 0 : i32
    %dma_wait3A_331 = arith.constant 0 : i32
    %dma_wait3A_332 = tpu.memref_slice %arg7[%dma_wait3A_330, %dma_wait3A_331] : memref<100000x128xf32, #tpu.memory_space<hbm>> -> memref<100000x128xf32, #tpu.memory_space<hbm>>
    tpu.wait_indirect_dma semaphore(%arg28 : memref<!tpu.dma_semaphore, #tpu.memory_space<semaphore_mem>>) src(%dma_wait3A_332 : memref<100000x128xf32, #tpu.memory_space<hbm>>) dst(%dma_wait3A_326 : memref<32x128xf32, #tpu.memory_space<vmem>>)
    %dma_wait3A_333 = arith.constant 31 : i32
    %dma_wait3A_334 = arith.constant 1 : i32
    %dma_wait3A_335 = arith.constant 0 : i32
    %dma_wait3A_336 = arith.constant 0 : i32
    %dma_wait3A_337 = tpu.memref_slice %arg23[%dma_wait3A_334, %dma_wait3A_335, %dma_wait3A_336] : memref<2x32x128xf32, #tpu.memory_space<vmem>> -> memref<1x32x128xf32, #tpu.memory_space<vmem>>
    %dma_wait3A_338 = tpu.memref_squeeze %dma_wait3A_337 : memref<1x32x128xf32, #tpu.memory_space<vmem>> -> memref<32x128xf32, #tpu.memory_space<vmem>>
    %dma_wait3A_339 = arith.constant 0 : i32
    %dma_wait3A_340 = tpu.memref_slice %arg14[%dma_wait3A_333, %dma_wait3A_339] : memref<32x32xi32, #tpu.memory_space<vmem>> -> memref<1x32xi32, #tpu.memory_space<vmem>>
    %dma_wait3A_341 = tpu.memref_squeeze %dma_wait3A_340 : memref<1x32xi32, #tpu.memory_space<vmem>> -> memref<32xi32, #tpu.memory_space<vmem>>
    %dma_wait3A_342 = arith.constant 0 : i32
    %dma_wait3A_343 = arith.constant 0 : i32
    %dma_wait3A_344 = tpu.memref_slice %arg10[%dma_wait3A_342, %dma_wait3A_343] : memref<1000x128xf32, #tpu.memory_space<hbm>> -> memref<1000x128xf32, #tpu.memory_space<hbm>>
    tpu.wait_indirect_dma semaphore(%arg28 : memref<!tpu.dma_semaphore, #tpu.memory_space<semaphore_mem>>) src(%dma_wait3A_344 : memref<1000x128xf32, #tpu.memory_space<hbm>>) dst(%dma_wait3A_338 : memref<32x128xf32, #tpu.memory_space<vmem>>)
    %dma_wait3A_345 = arith.constant 31 : i32
    %dma_wait3A_346 = arith.constant 1 : i32
    %dma_wait3A_347 = arith.constant 0 : i32
    %dma_wait3A_348 = arith.constant 0 : i32
    %dma_wait3A_349 = tpu.memref_slice %arg24[%dma_wait3A_346, %dma_wait3A_347, %dma_wait3A_348] : memref<2x32x128xf32, #tpu.memory_space<vmem>> -> memref<1x32x128xf32, #tpu.memory_space<vmem>>
    %dma_wait3A_350 = tpu.memref_squeeze %dma_wait3A_349 : memref<1x32x128xf32, #tpu.memory_space<vmem>> -> memref<32x128xf32, #tpu.memory_space<vmem>>
    %dma_wait3A_351 = arith.constant 0 : i32
    %dma_wait3A_352 = tpu.memref_slice %arg15[%dma_wait3A_345, %dma_wait3A_351] : memref<32x32xi32, #tpu.memory_space<vmem>> -> memref<1x32xi32, #tpu.memory_space<vmem>>
    %dma_wait3A_353 = tpu.memref_squeeze %dma_wait3A_352 : memref<1x32xi32, #tpu.memory_space<vmem>> -> memref<32xi32, #tpu.memory_space<vmem>>
    %dma_wait3A_354 = arith.constant 0 : i32
    %dma_wait3A_355 = arith.constant 0 : i32
    %dma_wait3A_356 = tpu.memref_slice %arg8[%dma_wait3A_354, %dma_wait3A_355] : memref<100000x128xf32, #tpu.memory_space<hbm>> -> memref<100000x128xf32, #tpu.memory_space<hbm>>
    tpu.wait_indirect_dma semaphore(%arg28 : memref<!tpu.dma_semaphore, #tpu.memory_space<semaphore_mem>>) src(%dma_wait3A_356 : memref<100000x128xf32, #tpu.memory_space<hbm>>) dst(%dma_wait3A_350 : memref<32x128xf32, #tpu.memory_space<vmem>>)
    %dma_wait3A_357 = arith.constant 31 : i32
    %dma_wait3A_358 = arith.constant 1 : i32
    %dma_wait3A_359 = arith.constant 0 : i32
    %dma_wait3A_360 = arith.constant 0 : i32
    %dma_wait3A_361 = tpu.memref_slice %arg25[%dma_wait3A_358, %dma_wait3A_359, %dma_wait3A_360] : memref<2x32x128xf32, #tpu.memory_space<vmem>> -> memref<1x32x128xf32, #tpu.memory_space<vmem>>
    %dma_wait3A_362 = tpu.memref_squeeze %dma_wait3A_361 : memref<1x32x128xf32, #tpu.memory_space<vmem>> -> memref<32x128xf32, #tpu.memory_space<vmem>>
    %dma_wait3A_363 = arith.constant 0 : i32
    %dma_wait3A_364 = tpu.memref_slice %arg15[%dma_wait3A_357, %dma_wait3A_363] : memref<32x32xi32, #tpu.memory_space<vmem>> -> memref<1x32xi32, #tpu.memory_space<vmem>>
    %dma_wait3A_365 = tpu.memref_squeeze %dma_wait3A_364 : memref<1x32xi32, #tpu.memory_space<vmem>> -> memref<32xi32, #tpu.memory_space<vmem>>
    %dma_wait3A_366 = arith.constant 0 : i32
    %dma_wait3A_367 = arith.constant 0 : i32
    %dma_wait3A_368 = tpu.memref_slice %arg9[%dma_wait3A_366, %dma_wait3A_367] : memref<1000x128xf32, #tpu.memory_space<hbm>> -> memref<1000x128xf32, #tpu.memory_space<hbm>>
    tpu.wait_indirect_dma semaphore(%arg28 : memref<!tpu.dma_semaphore, #tpu.memory_space<semaphore_mem>>) src(%dma_wait3A_368 : memref<1000x128xf32, #tpu.memory_space<hbm>>) dst(%dma_wait3A_362 : memref<32x128xf32, #tpu.memory_space<vmem>>)
    "tpu.region"() ({
      %run_scoped3A = tpu.sem_alloc : memref<!tpu.dma_semaphore, #tpu.memory_space<semaphore_mem>>
      %dma_start3A_369 = arith.constant 0 : i32
      %dma_start3A_370 = tpu.memref_slice %arg13[%add3A, %dma_start3A_369] : memref<32x1024xf32, #tpu.memory_space<hbm>> -> memref<1x1024xf32, #tpu.memory_space<hbm>>
      %dma_start3A_371 = tpu.memref_squeeze %dma_start3A_370 : memref<1x1024xf32, #tpu.memory_space<hbm>> -> memref<1024xf32, #tpu.memory_space<hbm>>
      %dma_start3A_372 = arith.constant 0 : i32
      %dma_start3A_373 = tpu.memref_slice %arg13[%add3A, %dma_start3A_372] : memref<32x1024xf32, #tpu.memory_space<hbm>> -> memref<1x1024xf32, #tpu.memory_space<hbm>>
      %dma_start3A_374 = tpu.memref_squeeze %dma_start3A_373 : memref<1x1024xf32, #tpu.memory_space<hbm>> -> memref<1024xf32, #tpu.memory_space<hbm>>
      tpu.enqueue_dma source(%arg26 : memref<1024xf32, #tpu.memory_space<vmem>>) target(%dma_start3A_374 : memref<1024xf32, #tpu.memory_space<hbm>>) target_semaphore(%run_scoped3A : memref<!tpu.dma_semaphore, #tpu.memory_space<semaphore_mem>>)
      %dma_wait3A_375 = arith.constant 0 : i32
      %dma_wait3A_376 = tpu.memref_slice %arg13[%add3A, %dma_wait3A_375] : memref<32x1024xf32, #tpu.memory_space<hbm>> -> memref<1x1024xf32, #tpu.memory_space<hbm>>
      %dma_wait3A_377 = tpu.memref_squeeze %dma_wait3A_376 : memref<1x1024xf32, #tpu.memory_space<hbm>> -> memref<1024xf32, #tpu.memory_space<hbm>>
      %dma_wait3A_378 = arith.constant 0 : i32
      %dma_wait3A_379 = tpu.memref_slice %arg13[%add3A, %dma_wait3A_378] : memref<32x1024xf32, #tpu.memory_space<hbm>> -> memref<1x1024xf32, #tpu.memory_space<hbm>>
      %dma_wait3A_380 = tpu.memref_squeeze %dma_wait3A_379 : memref<1x1024xf32, #tpu.memory_space<hbm>> -> memref<1024xf32, #tpu.memory_space<hbm>>
      tpu.wait_dma2 semaphore(%run_scoped3A : memref<!tpu.dma_semaphore, #tpu.memory_space<semaphore_mem>>) src(%arg26 : memref<1024xf32, #tpu.memory_space<vmem>>) dst(%dma_wait3A_380 : memref<1024xf32, #tpu.memory_space<hbm>>)
      tpu.yield
    }) : () -> ()
    return
  }
}

</mosaic_0001>

<sc_bundles>
// kernel: _mpke_sc.3.cloned.1.call-start
scs
__scs_entry_jumppad:
0x0: {  	(pc) =	sbr.rel $0x88, $3  }
0x1: {  	(tag) =	ssettag $0x0;
	lr =	simm.s32 $0x1  }
0x2: {  	[smem:$0x3F96] =	sst lr;
	_ =	strace $0xD0000000  }
0x3: {  	_ = 	snop  }
0x4: {  	_ = 	snop  }
0x5: {  	_ = 	snop  }
0x6: {  	_ = 	snop  }
0x7: {  	_ = 	snop  }
__scs_overlays_trampoline_lowered:
0x8: {  	[smem:$0x3FA5] =	sst s0  }
0x9: {  	[smem:$0x3FA6] =	sst s1  }
0xa: {  	[smem:$0x3FA7] =	sst s2  }
0xb: {  	[smem:$0x3FA8] =	sst s3  }
0xc: {  	[smem:$0x3FA9] =	sst s4  }
0xd: {  	[smem:$0x3FAA] =	sst s5  }
0xe: {  	[smem:$0x3FAB] =	sst s6  }
0xf: {  	[smem:$0x3FAC] =	sst s7  }
0x10: {  	[smem:$0x3FAD] =	sst s8  }
0x11: {  	[smem:$0x3FAE] =	sst s9;
	s0 =	simm.s32 @!p0 $0x0  }
0x12: {  	s1 =	sld [smem:$0x3F94];
	s0 =	simm.s32 @p0 $0x1  }
0x13: {  	[smem:$0x3FAF] =	sst s0;
	s0 =	simm.s32 @!p1 $0x0  }
0x14: {  	s2 =	sld [smem:$0x3F93];
	s0 =	simm.s32 @p1 $0x1  }
0x15: {  	[smem:$0x3FB0] =	sst s0;
	s0 =	simm.s32 @!p2 $0x0  }
0x16: {  	s3 =	sld [smem:$0x3FDB];
	s0 =	simm.s32 @p2 $0x1  }
0x17: {  	s4 =	simm.s32 $0x1BF5;
	[smem:$0x3FB2] =	sst s0  }
0x18: {  	s0 =	sld [smem:$0x3F95];
	_ =	swait.ge [sflag:s4], $0x0  }
0x19: {  	s7 =	sld [smem:$0x3F96]  }
0x1a: {  	s8 =	sadd.s32 $0xFFFFE003, lr  }
0x1b: {  	s9 =	sadd.s32 $0xFFFFFEF7, lr;
	s5 =	simm.s32 $0xFFFFFFFF;
	p2 =	slt.u32 s8, $0xFFFFF086  }
0x1c: {  	p1 =	slt.u32 s9, $0xF7A;
	s5 =	simm.s32 @!p2 $0x0  }
0x1d: {  	s5 =	simm.s32 @p1 $0x1;
	p0 =	seq.s32 s7, s2  }
0x1e: {  	s7 =	smul.u32 @!p0 $0xF7A, s2;
	p2 =	seq.s32 @!p0 s5, $0x0  }
0x1f: {  	s9 =	smul.u32 $0xF7A, s1;
	s8 =	simm.s32 @!p0 $0x1BF5;
	p2 =	por !p2, p0  }
0x20: {  	[sflag:s8] =	ssyncset.s32 @!p0 $0xFFFFF086;
	s6 =	sadd.s32 @!p0 s3, s7;
	s7 =	simm.s32 @!p0 $0x108  }
0x21: {  	s3 =	sadd.s32 s3, s9;
	s6 =	sadd.s32 @!p0 $0x88, s6;
	s7 =	simm.s32 @p2 $0x1082  }
0x22: {  	[simem:s7], [sflag:s8] =	dma.local @!p0 [hbm:s6], $0xF7A  }
0x23: {  	s9 =	sor.u32 $0xD0000000, s2;
	s6 =	simm.s32 $0x108;
	_ =	swait.ge @!p0 [sflag:s8], $0x0  }
0x24: {  	s3 =	sadd.s32 $0x88, s3;
	s6 =	simm.s32 @!p1 $0x1082;
	[sflag:s4] =	ssyncset.s32 $0xFFFFF086  }
0x25: {  	[simem:s6], [sflag:s4] =	dma.local [hbm:s3], $0xF7A  }
0x26: {  	[smem:$0x3F96] =	sst s1;
	(tag) =	ssettag s2;
	_ =	strace s9  }
0x27: {  	s1 =	sld [smem:$0x3FA6]  }
0x28: {  	s2 =	sld [smem:$0x3FA7]  }
0x29: {  	s4 =	sld [smem:$0x3FA9]  }
0x2a: {  	p0 =	seq.s32 s5, $0x0;
	s5 =	sld [smem:$0x3FAA]  }
0x2b: {  	s6 =	sld [smem:$0x3FAB]  }
0x2c: {  	s7 =	sld [smem:$0x3FAC]  }
0x2d: {  	s3 =	simm.s32 $0x108;
	s8 =	sld [smem:$0x3FAD]  }
0x2e: {  	s3 =	simm.s32 @!p0 $0x1082;
	s9 =	sld [smem:$0x3FAE]  }
0x2f: {  	lr =	sadd.s32 s0, s3;
	s0 =	sld [smem:$0x3FA5]  }
0x30: {  	s3 =	sld [smem:$0x3FA8]  }
0x31: {  	[smem:$0x3FB1] =	sst s10  }
0x32: {  	s10 =	sld [smem:$0x3FAF];
	_ =	sdelay $0x3  }
0x33: {  	p0 =	seq.s32 s10, $0x1;
	s10 =	sld [smem:$0x3FB1];
	_ =	sdelay $0x3  }
0x34: {  	[smem:$0x3FB1] =	sst s10  }
0x35: {  	s10 =	sld [smem:$0x3FB0];
	_ =	sdelay $0x3  }
0x36: {  	p1 =	seq.s32 s10, $0x1;
	s10 =	sld [smem:$0x3FB1];
	_ =	sdelay $0x3  }
0x37: {  	[smem:$0x3FB1] =	sst s10  }
0x38: {  	s10 =	sld [smem:$0x3FB2]  }
0x39: {  	_ = 	snop;
	(pc) =	sbr.ind lr, $3  }
0x3a: {  	_ = 	snop  }
0x3b: {  	_ = 	snop  }
0x3c: {  	p2 =	seq.s32 s10, $0x1;
	s10 =	sld [smem:$0x3FB1]  }
0x3d: {  	_ =	shalt  }
0x3e: {  	_ =	shalt  }
0x3f: {  	_ =	shalt  }
0x40: {  	_ =	shalt  }
0x41: {  	_ =	shalt  }
0x42: {  	_ =	shalt  }
0x43: {  	_ =	shalt  }
0x44: {  	_ =	shalt  }
0x45: {  	_ =	shalt  }
0x46: {  	_ =	shalt  }
0x47: {  	_ =	shalt  }
0x48: {  	_ =	shalt  }
0x49: {  	_ =	shalt  }
0x4a: {  	_ =	shalt  }
0x4b: {  	_ =	shalt  }
0x4c: {  	_ =	shalt  }
0x4d: {  	_ =	shalt  }
0x4e: {  	_ =	shalt  }
0x4f: {  	_ =	shalt  }
0x50: {  	_ =	shalt  }
0x51: {  	_ =	shalt  }
0x52: {  	_ =	shalt  }
0x53: {  	_ =	shalt  }
0x54: {  	_ =	shalt  }
0x55: {  	_ =	shalt  }
0x56: {  	_ =	shalt  }
0x57: {  	_ =	shalt  }
0x58: {  	_ =	shalt  }
0x59: {  	_ =	shalt  }
0x5a: {  	_ =	shalt  }
0x5b: {  	_ =	shalt  }
0x5c: {  	_ =	shalt  }
0x5d: {  	_ =	shalt  }
0x5e: {  	_ =	shalt  }
0x5f: {  	_ =	shalt  }
0x60: {  	_ =	shalt  }
0x61: {  	_ =	shalt  }
0x62: {  	_ =	shalt  }
0x63: {  	_ =	shalt  }
0x64: {  	_ =	shalt  }
0x65: {  	_ =	shalt  }
0x66: {  	_ =	shalt  }
0x67: {  	_ =	shalt  }
0x68: {  	_ =	shalt  }
0x69: {  	_ =	shalt  }
0x6a: {  	_ =	shalt  }
0x6b: {  	_ =	shalt  }
0x6c: {  	_ =	shalt  }
0x6d: {  	_ =	shalt  }
0x6e: {  	_ =	shalt  }
0x6f: {  	_ =	shalt  }
0x70: {  	_ =	shalt  }
0x71: {  	_ =	shalt  }
0x72: {  	_ =	shalt  }
0x73: {  	_ =	shalt  }
0x74: {  	_ =	shalt  }
0x75: {  	_ =	shalt  }
0x76: {  	_ =	shalt  }
0x77: {  	_ =	shalt  }
0x78: {  	_ =	shalt  }
0x79: {  	_ =	shalt  }
0x7a: {  	_ =	shalt  }
0x7b: {  	_ =	shalt  }
0x7c: {  	_ =	shalt  }
0x7d: {  	_ =	shalt  }
0x7e: {  	_ =	shalt  }
0x7f: {  	_ =	shalt  }
0x80: {  	_ =	shalt  }
0x81: {  	_ =	shalt  }
0x82: {  	_ =	shalt  }
0x83: {  	_ =	shalt  }
0x84: {  	_ =	shalt  }
0x85: {  	_ =	shalt  }
0x86: {  	_ =	shalt  }
0x87: {  	_ =	shalt  }
.Lfunc_end0:
.L_simem_size_0:
called_computation_lowered:
.L_overlay_start_0:
0x88: {  	s2 =	sld [smem:$0x3FD9]  }
0x89: {  	s3 =	sld [smem:$0x3FFE];
	_ =	sdelay $0x1  }
0x8a: {  	s1 =	srdreg.scid  }
0x8b: {  	s0 =	sand.u32 $0x1, s1  }
0x8c: {  	s18 =	sshll.u32 s0, $0xA;
	s2 =	sadd.s32 s3, s2  }
0x8d: {  	s2 =	sadd.s32 s2, s18  }
0x8e: {  	[smem:$0x3FBD] =	sst s2  }
0x8f: {  	_ = 	snop  }
0x90: {  	s2 =	sld [smem:$0x3FC9]  }
0x91: {  	s19 =	sld [smem:$0x3FC8]  }
0x92: {  	s4 =	sld [smem:$0x3FC7]  }
0x93: {  	s5 =	sld [smem:$0x3FC6]  }
0x94: {  	s6 =	sld [smem:$0x3FC5]  }
0x95: {  	s7 =	sld [smem:$0x3FC4]  }
0x96: {  	s8 =	sld [smem:$0x3FC3]  }
0x97: {  	s9 =	sld [smem:$0x3FC2]  }
0x98: {  	s10 =	sld [smem:$0x3FC1]  }
0x99: {  	s11 =	sld [smem:$0x3FC0]  }
0x9a: {  	s12 =	sld [smem:$0x3FBF]  }
0x9b: {  	s13 =	sld [smem:$0x3FD0];
	(tm) =	ssettm $0x1  }
0x9c: {  	s14 =	sld [smem:$0x3FFB];
	_ =	sdelay $0x3  }
0x9d: {  	_ =	strace s14  }
0x9e: {  	s14 =	sld [smem:$0x3FFC];
	_ =	sdelay $0x3  }
0x9f: {  	_ =	strace s14  }
0xa0: {  	s14 =	sld [smem:$0x3FFD];
	_ =	sdelay $0x3  }
0xa1: {  	_ =	strace s14  }
0xa2: {  	_ =	strace $0x8FFFFFFF  }
0xa3: {  	s20 =	sld [smem:$0x3FDB];
	_ =	sdelay $0x1  }
0xa4: {  	s15 =	simm.s32 $_scs_section_size  }
0xa5: {  	s16 =	simm.s32 $_size__tile_overlayer_lowered;
	s17 =	simm.s32 $_tile_overlayer_lowered  }
0xa6: {  	s23 =	simm.s32 $0x1BFF;
	s22 =	sshll.u32 s17, $0x1;
	s14 =	sadd.s32 s15, s20  }
0xa7: {  	s21 =	sshll.u32 s16, $0x1;
	s18 =	simm.s32 $0x0;
	s16 =	sadd.s32 s22, s14  }
0xa8: {  	[timem:s18], [sflag:s23] =	dma.local [hbm:s16], s21  }
0xa9: {  	_ =	swait.ge [sflag:s23], s21  }
0xaa: {  	s15 =	ssub.s32 $0x0, s21;
	[sflag:s23] =	ssyncset.done $0x0  }
0xab: {  	[sflag:s23] =	ssyncadd.s32 s15;
	_ =	sdelay $0x1  }
0xac: {  	s24 =	simm.s32 $0x1B8B  }
0xad: {  	_ =	swait.ge [sflag:s24], $0x1  }
0xae: {  	[sflag:s24] =	ssyncset.done $0x0  }
0xaf: {  	s25 =	simm.s32 $0x1B8E;
	[sflag:s24] =	ssyncadd.s32 $0xFFFFFFFF  }
0xb0: {  	s26 =	simm.s32 $execute0_lowered;
	[smem:$0x3FD2] =	sst s25  }
0xb1: {  	s15 =	sshll.u32 s26, $0x1;
	_ =	strace $0x80000046;
	[dreg:$0x1] =	wrdreg $0xFFFFFFFF  }
0xb2: {  	s28 =	simm.s32 $_size_execute0_lowered;
	s14 =	sadd.s32 s14, s15;
	[dreg:$0x0] =	wrdreg $0x0  }
0xb3: {  	s15 =	sshll.u32 s28, $0x1;
	[dreg:$0x2] =	wrdreg s14  }
0xb4: {  	[dreg:$0x3] =	wrdreg s15  }
0xb5: {  	[dreg:$0x4] =	wrdreg $0xC0  }
0xb6: {  	_ =	task [dreg:s18], $0x5FFFF  }
0xb7: {  	[dreg:$0x1] =	wrdreg $0xFFFFFFFF  }
0xb8: {  	[dreg:$0x0] =	wrdreg $0x60  }
0xb9: {  	[dreg:$0x2] =	wrdreg s2  }
0xba: {  	[dreg:$0x3] =	wrdreg s19  }
0xbb: {  	[dreg:$0x4] =	wrdreg s4  }
0xbc: {  	[dreg:$0x5] =	wrdreg s5  }
0xbd: {  	[dreg:$0x6] =	wrdreg s6  }
0xbe: {  	[dreg:$0x7] =	wrdreg s7  }
0xbf: {  	[dreg:$0x8] =	wrdreg s8  }
0xc0: {  	[dreg:$0x9] =	wrdreg s9  }
0xc1: {  	[dreg:$0xa] =	wrdreg s10  }
0xc2: {  	[dreg:$0xb] =	wrdreg s11  }
0xc3: {  	[dreg:$0xc] =	wrdreg s12  }
0xc4: {  	[dreg:$0xd] =	wrdreg s13  }
0xc5: {  	[dreg:$0xe] =	wrdreg $0x9  }
0xc6: {  	_ =	task.clear_ibuf [dreg:s18], $0xFFFFF;
	_ =	strace $0x90000046  }
0xc7: {  	s29 =	simm.s32 $0x9;
	_ =	strace $0x80000048  }
0xc8: {  	_ =	swait.ge [sflag:s29], $0x1  }
0xc9: {  	[sflag:s29] =	ssyncadd.s32 $0xFFFFFFFF  }
0xca: {  	_ =	strace $0x90000048  }
0xcb: {  	_ =	sfence  }
0xcc: {  	s30 =	sld [smem:$0x0];
	_ =	sdelay $0x2  }
0xcd: {  	s31 =	sshll.u32 s1, $0xD;
	s1 =	sshrl.u32 s1, $0x2  }
0xce: {  	s3 =	sand.u32 $0x4000, s31;
	s1 =	sadd.s32 s1, s30  }
0xcf: {  	s0 =	sor.u32 s3, s0;
	s1 =	sshll.u32 s1, $0x11  }
0xd0: {  	s0 =	sor.u32 s1, s0  }
0xd1: {  	s0 =	sadd.s32 $0x8F2B, s0  }
0xd2: {  	[sflag:s0] =	ssyncadd.remote.s32 $0x1  }
0xd3: {  	_ =	sfence.sel $0xFFFF  }
0xd4: {  	[dreg:$0x0] =	wrdreg $0xFFFFFFFF;
	(pc) =	sbr.abs _section_cstart, $3  }
0xd5: {  	[dreg:$0x1] =	wrdreg $0xFFFFFFFF  }
0xd6: {  	_ =	task.clear_ibuf [dreg:s18], $0x2FFFF;
	_ =	strace $0x9FFFFFFF  }
0xd7: {  	(tm) =	ssettm $0x7FFFFFFF  }
tec
execute0_lowered:
.L_overlay_start_1:
0x0: {  	(tag) =	ssettag $0x1  }
0x1: {  	s1 =	rddreg [dreg:$0x0]  }
0x2: {  	s5 =	rddreg [dreg:$0x1]  }
0x3: {  	s6 =	rddreg [dreg:$0x2]  }
0x4: {  	s7 =	rddreg [dreg:$0x3]  }
0x5: {  	s8 =	rddreg [dreg:$0x4]  }
0x6: {  	s0 =	rddreg [dreg:$0x5]  }
0x7: {  	s2 =	rddreg [dreg:$0x6]  }
0x8: {  	s3 =	rddreg [dreg:$0x7]  }
0x9: {  	s4 =	rddreg [dreg:$0x8]  }
0xa: {  	s9 =	rddreg [dreg:$0xb];
	s10 =	srdreg.scid  }
0xb: {  	s11 =	simm.s32 $0x0;
	s14 =	stileid.u32;
	s28 =	simm.s32 $0x12D00  }
0xc: {  	s29 =	simm.s32 $0x14D00;
	s30 =	simm.s32 $0x16D00;
	s31 =	simm.s32 $0x18D00  }
0xd: {  	s10 =	sand.u32 $0x1, s10;
	[smem:$0x7FF] =	sst s11;
	s12 =	sshll.u32 s14, $0x1  }
0xe: {  	v0 =	vimm.s32 $0xFEDCBA98;
	s14 =	sshll.u32 s14, $0x8;
	s21 =	ssub.s32 $0x2, s10;
	s10 =	sor.u32 s10, s12  }
0xf: {  	v1 =	vimm.s32 $0x76543210;
	_ =	strace $0x80000047;
	s13 =	sshrl.u32 s21, $0x1;
	s12 =	sshll.u32 s10, $0x9  }
0x10: {  	v2 =	vimm.s32 $0x3210FEDC;
	v3 =	vimm.s32 $0xBA987654;
	v4 =	vimm.s32 $0x10FEDCBA;
	s10 =	sshll.u32 s10, $0x4;
	s11 =	ssub.s32 s21, s13;
	s1 =	sadd.s32 s1, s12  }
0x11: {  	v5 =	vimm.s32 $0x98765432;
	v6 =	vimm.s32 $0xFEDCBA9;
	v7 =	vimm.s32 $0x87654321;
	s22 =	sor.u32 s14, s10;
	s5 =	sadd.s32 s5, s12;
	s23 =	sadd.s32 s6, s12  }
0x12: {  	v0 =	vunpack.c.l.s4.s8 v0;
	v1 =	vunpack.c.l.s4.s8 v1;
	v2 =	vunpack.c.l.s4.s8 v2;
	s12 =	simm.s32 $0x1000;
	s13 =	simm.s32 $0x2000;
	[dreg:$0xd] =	wrdreg s1  }
0x13: {  	v3 =	vunpack.c.l.s4.s8 v3;
	v4 =	vunpack.c.l.s4.s8 v4;
	v5 =	vunpack.c.l.s4.s8 v5;
	s10 =	simm.s32 $0x400;
	s14 =	simm.s32 $0x80;
	[dreg:$0xe] =	wrdreg s5  }
0x14: {  	v6 =	vunpack.c.l.s4.s8 v6;
	v7 =	vunpack.c.l.s4.s8 v7;
	v0 =	vunpack.c.0.s8.s32 v0;
	s6 =	simm.s32 $0x15D00;
	[dreg:$0xf] =	wrdreg s23;
	s1 =	sand.u32 $0xC70, s22  }
0x15: {  	v2 =	vunpack.c.0.s8.s32 v2;
	v3 =	vunpack.c.0.s8.s32 v3;
	v4 =	vunpack.c.0.s8.s32 v4;
	s26 =	smax.u32 s11, $0x1;
	s11 =	simm.s32 $0x3;
	s5 =	simm.s32 $0x13D00  }
0x16: {  	v5 =	vunpack.c.0.s8.s32 v5;
	v6 =	vunpack.c.0.s8.s32 v6;
	v7 =	vunpack.c.0.s8.s32 v7;
	s22 =	simm.s32 $0x17D00;
	s24 =	sadd.s32 s7, s1;
	[dreg:$0x13] =	wrdreg s26  }
0x17: {  	v1 =	vunpack.c.0.s8.s32 v1;
	v2 =	vcombine.low v3, v2;
	s23 =	simm.s32 $0x19D00;
	s25 =	sadd.s32 s8, s1;
	[dreg:$0x10] =	wrdreg s24  }
0x18: {  	v3 =	vcombine.low v5, v4;
	v4 =	vand.u32 $0xF, v0;
	v5 =	vcombine.low v7, v6;
	s1 =	sadd.s32 s9, s1;
	s26 =	simm.s32 $0x10D00;
	[dreg:$0x11] =	wrdreg s25  }
0x19: {  	v0 =	vlaneseq.u32;
	v1 =	vcombine.low v4, v1;
	s7 =	simm.s32 $0x2;
	s9 =	simm.s32 $0x0;
	[dreg:$0x12] =	wrdreg s1  }
0x1a: {  	s25 =	simm.s32 $0x20;
	s1 =	simm.s32 $0x11D00;
	s24 =	simm.s32 $0x1;
	v2 =	vand.u32 $0xF, v2;
	v3 =	vand.u32 $0xF, v3;
	v4 =	vand.u32 $0xF, v5  }
.LBB2_1:
0x1b: {  	[dreg:$0x14] =	wrdreg s9  }
0x1c: {  	s9 =	simm.s32 $0x0;
	s8 =	rddreg [dreg:$0xd]  }
0x1d: {  	[tilespmem:s9], [sflag:$0x3] =	stream.linear.gather [hbm4b:s8+s9], $0x1000, $0x38;
	[tilespmem:$0x1B100] =	vst v63  }
0x1e: {  	_ =	swait.ge [sflag:s11], $0x1000  }
0x1f: {  	[sflag:s11] =	ssyncset.done $0x0  }
0x20: {  	s19 =	rddreg [dreg:$0xe];
	[sflag:s11] =	ssyncadd.s32 $0xFFFFF000  }
0x21: {  	[tilespmem:s12], [sflag:$0x3] =	stream.linear.gather [hbm4b:s19+s9], $0x1000, $0x38;
	[tilespmem:$0x1B100] =	vst v63  }
0x22: {  	_ =	swait.ge [sflag:s11], $0x1000  }
0x23: {  	[sflag:s11] =	ssyncset.done $0x0  }
0x24: {  	s20 =	rddreg [dreg:$0xf];
	[sflag:s11] =	ssyncadd.s32 $0xFFFFF000  }
0x25: {  	[tilespmem:s13], [sflag:$0x3] =	stream.linear.gather [hbm4b:s20+s9], $0x1000, $0x38;
	[tilespmem:$0x1B100] =	vst v63  }
0x26: {  	_ =	swait.ge [sflag:s11], $0x1000  }
0x27: {  	[sflag:s11] =	ssyncset.done $0x0  }
0x28: {  	s15 =	simm.s32 $0x3000;
	s21 =	rddreg [dreg:$0x10];
	[sflag:s11] =	ssyncadd.s32 $0xFFFFF000  }
0x29: {  	[tilespmem:s15], [sflag:$0x3] =	stream.strided.gather [hbm4b:s21+s14], $0x400, s10, s14, $0x38;
	[tilespmem:$0x1B100] =	vst v63  }
0x2a: {  	_ =	swait.ge [sflag:s11], $0x400  }
0x2b: {  	[sflag:s11] =	ssyncset.done $0x0  }
0x2c: {  	s17 =	simm.s32 $0x3480;
	s16 =	rddreg [dreg:$0x11];
	[sflag:s11] =	ssyncadd.s32 $0xFFFFFC00  }
0x2d: {  	[tilespmem:s17], [sflag:$0x3] =	stream.strided.gather [hbm4b:s16+s14], $0x400, s10, s14, $0x38;
	[tilespmem:$0x1B100] =	vst v63  }
0x2e: {  	_ =	swait.ge [sflag:s11], $0x400  }
0x2f: {  	[sflag:s11] =	ssyncset.done $0x0  }
0x30: {  	[sflag:s11] =	ssyncadd.s32 $0xFFFFFC00  }
0x31: {  	s19 =	simm.s32 $0x3900;
	s18 =	rddreg [dreg:$0xa]  }
0x32: {  	[tilespmem:s19], [sflag:$0x3] =	stream.linear.gather [hbm4b:s18+s9], $0x1900, $0x38;
	[tilespmem:$0x1B100] =	vst v63  }
0x33: {  	_ =	swait.ge [sflag:s11], $0x1900  }
0x34: {  	[sflag:s11] =	ssyncset.done $0x0  }
0x35: {  	[sflag:s11] =	ssyncadd.s32 $0xFFFFE700  }
0x36: {  	s21 =	simm.s32 $0x5500;
	s20 =	rddreg [dreg:$0x9]  }
0x37: {  	[tilespmem:s21], [sflag:$0x3] =	stream.linear.gather [hbm4b:s20+s9], $0xB680, $0x38;
	[tilespmem:$0x1B100] =	vst v63  }
0x38: {  	_ =	swait.ge [sflag:s11], $0xB680  }
0x39: {  	[sflag:s11] =	ssyncset.done $0x0  }
0x3a: {  	[sflag:s11] =	ssyncadd.s32 $0xFFFF4980  }
0x3b: {  	v5 =	vld [tilespmem:$0x3900]  }
0x3c: {  	v6 =	vld [tilespmem:$0x3910]  }
0x3d: {  	v7 =	vld [tilespmem:$0x3920]  }
0x3e: {  	v8 =	vld [tilespmem:$0x3930]  }
0x3f: {  	v9 =	vld [tilespmem:$0x3950]  }
0x40: {  	v10 =	vld [tilespmem:$0x3960];
	v5 =	vand.u32 $0x7FFFFFFF, v5  }
0x41: {  	[tilespmem:$0x3900] =	vst v5;
	v5 =	vand.u32 $0x7FFFFFFF, v6;
	v6 =	vld [tilespmem:$0x3970]  }
0x42: {  	[tilespmem:$0x3910] =	vst v5;
	v5 =	vand.u32 $0x7FFFFFFF, v7;
	v7 =	vld [tilespmem:$0x3940]  }
0x43: {  	[tilespmem:$0x3920] =	vst v5;
	v5 =	vand.u32 $0x7FFFFFFF, v8  }
0x44: {  	[tilespmem:$0x3930] =	vst v5;
	v5 =	vand.u32 $0x7FFFFFFF, v9  }
0x45: {  	[tilespmem:$0x3950] =	vst v5;
	v5 =	vand.u32 $0x7FFFFFFF, v10  }
0x46: {  	[tilespmem:$0x3960] =	vst v5;
	v5 =	vand.u32 $0x7FFFFFFF, v6  }
0x47: {  	s8 =	simm.s32 $0x0;
	v6 =	vand.u32 $0x7FFFFFFF, v7;
	[tilespmem:$0x3970] =	vst v5  }
0x48: {  	[tilespmem:$0x3940] =	vst v6;
	v11 =	vld [tilespmem:s8+$0x3900]  }
0x49: {  	v10 =	vld [tilespmem:s8+$0x3910]  }
0x4a: {  	v9 =	vld [tilespmem:s8+$0x3920]  }
0x4b: {  	v8 =	vld [tilespmem:s8+$0x3930]  }
0x4c: {  	v7 =	vld [tilespmem:s8+$0x3940]  }
0x4d: {  	v6 =	vld [tilespmem:s8+$0x3950]  }
0x4e: {  	v5 =	vld [tilespmem:s8+$0x3960]  }
0x4f: {  	v12 =	vld [tilespmem:s8+$0x3980]  }
0x50: {  	v17 =	vld [tilespmem:s8+$0x3990]  }
0x51: {  	v15 =	vld [tilespmem:s8+$0x39A0]  }
0x52: {  	v14 =	vld [tilespmem:s8+$0x39B0]  }
0x53: {  	v13 =	vld [tilespmem:s8+$0x39C0]  }
0x54: {  	v16 =	vand.u32 $0x7FFFFFFF, v12;
	v12 =	vld [tilespmem:s8+$0x39D0]  }
0x55: {  	s9 =	simm.s32 $0x200;
	v17 =	vand.u32 $0x7FFFFFFF, v17;
	v16 =	vadd.f32 v11, v16;
	v11 =	vld [tilespmem:s8+$0x39E0]  }
.LBB2_2:
0x56: {  	p0 =	sne.s32 s9, $0x6000;
	v10 =	vadd.f32 v10, v17;
	v15 =	vand.u32 $0x7FFFFFFF, v15;
	v17 =	vld [tilespmem:s8+$0x39F0]  }
0x57: {  	s10 =	sshra.s32 s9, $0x2;
	[tilespmem:s8+$0x3980] =	vst v16;
	v9 =	vadd.f32 v9, v15;
	v14 =	vand.u32 $0x7FFFFFFF, v14;
	v15 =	vld [tilespmem:s8+$0x3970]  }
0x58: {  	v16 =	vld [tilespmem:s10+$0x3900];
	[tilespmem:s8+$0x3990] =	vst v10;
	v8 =	vadd.f32 v8, v14;
	v13 =	vand.u32 $0x7FFFFFFF, v13  }
0x59: {  	v10 =	vld [tilespmem:s10+$0x3910];
	[tilespmem:s8+$0x39A0] =	vst v9;
	v7 =	vadd.f32 v7, v13;
	v12 =	vand.u32 $0x7FFFFFFF, v12  }
0x5a: {  	v9 =	vld [tilespmem:s10+$0x3920];
	[tilespmem:s8+$0x39B0] =	vst v8;
	v6 =	vadd.f32 v6, v12;
	v11 =	vand.u32 $0x7FFFFFFF, v11  }
0x5b: {  	v8 =	vld [tilespmem:s10+$0x3930];
	[tilespmem:s8+$0x39C0] =	vst v7;
	v5 =	vadd.f32 v5, v11;
	v11 =	vand.u32 $0x7FFFFFFF, v17  }
0x5c: {  	v7 =	vld [tilespmem:s10+$0x3940];
	[tilespmem:s8+$0x39D0] =	vst v6;
	v11 =	vadd.f32 v15, v11  }
0x5d: {  	v6 =	vld [tilespmem:s10+$0x3950];
	[tilespmem:s8+$0x39E0] =	vst v5  }
0x5e: {  	v5 =	vld [tilespmem:s10+$0x3960];
	[tilespmem:s8+$0x39F0] =	vst v11;
	s8 =	smov.u32 s10  }
0x5f: {  	v11 =	vld [tilespmem:s8+$0x3980]  }
0x60: {  	v17 =	vld [tilespmem:s8+$0x3990]  }
.Ltmp0:
0x61: {  	v15 =	vld [tilespmem:s8+$0x39A0];
	(pc) =	sbr.rel @p0 .LBB2_2-.Ltmp0, $4  }
0x62: {  	v14 =	vld [tilespmem:s8+$0x39B0]  }
0x63: {  	v13 =	vld [tilespmem:s8+$0x39C0]  }
0x64: {  	v11 =	vand.u32 $0x7FFFFFFF, v11;
	v12 =	vld [tilespmem:s8+$0x39D0]  }
0x65: {  	s9 =	sadd.s32 $0x200, s9;
	v16 =	vadd.f32 v16, v11;
	v17 =	vand.u32 $0x7FFFFFFF, v17;
	v11 =	vld [tilespmem:s8+$0x39E0]  }
0x66: {  	v18 =	vld [tilespmem:s8+$0x39F0];
	v10 =	vadd.f32 v10, v17;
	v15 =	vand.u32 $0x7FFFFFFF, v15  }
0x67: {  	v60 =	vld [tilespmem:s8+$0x3970];
	[tilespmem:s8+$0x3980] =	vst v16;
	v9 =	vadd.f32 v9, v15;
	v14 =	vand.u32 $0x7FFFFFFF, v14  }
0x68: {  	[tilespmem:s8+$0x3990] =	vst v10;
	v8 =	vadd.f32 v8, v14;
	v61 =	vand.u32 $0x7FFFFFFF, v13  }
0x69: {  	[tilespmem:s8+$0x39A0] =	vst v9;
	v7 =	vadd.f32 v7, v61;
	v62 =	vand.u32 $0x7FFFFFFF, v12  }
0x6a: {  	[tilespmem:s8+$0x39B0] =	vst v8;
	v6 =	vadd.f32 v6, v62;
	v63 =	vand.u32 $0x7FFFFFFF, v11  }
0x6b: {  	[tilespmem:s8+$0x39C0] =	vst v7;
	v5 =	vadd.f32 v5, v63;
	v7 =	vand.u32 $0x7FFFFFFF, v18  }
0x6c: {  	[tilespmem:s8+$0x39D0] =	vst v6;
	v6 =	vadd.f32 v60, v7  }
0x6d: {  	[tilespmem:s8+$0x39E0] =	vst v5  }
0x6e: {  	s21 =	simm.s32 $0x0;
	[tilespmem:s8+$0x39F0] =	vst v6  }
0x6f: {  	[tilespmem:s26], [sflag:$0x1] =	stream.indirect.gather [hbm4b:s0+s25], $0x80, s21, s25, $0xb8;
	[tilespmem:$0x1B100] =	vst v63  }
0x70: {  	_ = 	snop  }
0x71: {  	[tilespmem:s28], [sflag:$0x1] =	stream.indirect.gather [hbm4b:s0+s25], $0x80, s13, s25, $0xb8;
	[tilespmem:$0x1B100] =	vst v63  }
0x72: {  	_ = 	snop  }
0x73: {  	[tilespmem:s29], [sflag:$0x1] =	stream.indirect.gather [hbm4b:s4+s25], $0x80, s21, s25, $0xb8;
	[tilespmem:$0x1B100] =	vst v63  }
0x74: {  	_ = 	snop  }
0x75: {  	[tilespmem:s30], [sflag:$0x1] =	stream.indirect.gather [hbm4b:s2+s25], $0x80, s12, s25, $0xb8;
	[tilespmem:$0x1B100] =	vst v63  }
0x76: {  	_ = 	snop  }
0x77: {  	[tilespmem:s31], [sflag:$0x1] =	stream.indirect.gather [hbm4b:s3+s25], $0x80, s12, s25, $0xb8;
	[tilespmem:$0x1B100] =	vst v63  }
0x78: {  	_ = 	snop  }
0x79: {  	[tilespmem:s1], [sflag:$0x2] =	stream.indirect.gather [hbm4b:s0+s25], $0x80, s14, s25, $0xb8;
	[tilespmem:$0x1B100] =	vst v63  }
0x7a: {  	s19 =	simm.s32 $0x2080  }
0x7b: {  	[tilespmem:s5], [sflag:$0x2] =	stream.indirect.gather [hbm4b:s0+s25], $0x80, s19, s25, $0xb8;
	[tilespmem:$0x1B100] =	vst v63  }
0x7c: {  	_ = 	snop  }
0x7d: {  	[tilespmem:s6], [sflag:$0x2] =	stream.indirect.gather [hbm4b:s4+s25], $0x80, s14, s25, $0xb8;
	[tilespmem:$0x1B100] =	vst v63  }
0x7e: {  	s20 =	simm.s32 $0x1080;
	s9 =	simm.s32 $0x3000  }
0x7f: {  	[tilespmem:s22], [sflag:$0x2] =	stream.indirect.gather [hbm4b:s2+s25], $0x80, s20, s25, $0xb8;
	[tilespmem:$0x1B100] =	vst v63  }
0x80: {  	s10 =	simm.s32 $0x3480;
	s11 =	simm.s32 $0x3020;
	s12 =	simm.s32 $0x34A0  }
0x81: {  	[tilespmem:s23], [sflag:$0x2] =	stream.indirect.gather [hbm4b:s3+s25], $0x80, s20, s25, $0xb8;
	[tilespmem:$0x1B100] =	vst v63  }
.LBB2_4:
0x82: {  	_ =	swait.ge [sflag:s24], $0x1000  }
0x83: {  	[sflag:s24] =	ssyncset.done $0x0  }
0x84: {  	[sflag:s24] =	ssyncadd.s32 $0xFFFFF000  }
0x85: {  	_ =	swait.ge [sflag:s24], $0x1000  }
0x86: {  	[sflag:s24] =	ssyncset.done $0x0  }
0x87: {  	[sflag:s24] =	ssyncadd.s32 $0xFFFFF000  }
0x88: {  	_ =	swait.ge [sflag:s24], $0x1000  }
0x89: {  	[sflag:s24] =	ssyncset.done $0x0  }
0x8a: {  	[sflag:s24] =	ssyncadd.s32 $0xFFFFF000  }
0x8b: {  	_ =	swait.ge [sflag:s24], $0x1000  }
0x8c: {  	[sflag:s24] =	ssyncset.done $0x0  }
0x8d: {  	s13 =	sshll.u32 s21, $0x6;
	[sflag:s24] =	ssyncadd.s32 $0xFFFFF000  }
0x8e: {  	s8 =	sand.u32 $0x3FFFFFC0, s13;
	_ =	swait.ge [sflag:s24], $0x1000  }
0x8f: {  	s8 =	sadd.s32 $0x1AD00, s8;
	[sflag:s24] =	ssyncset.done $0x0  }
0x90: {  	p0 =	por $0x1, $0x1;
	v5 =	vmov s8;
	s8 =	simm.s32 $0x0;
	[sflag:s24] =	ssyncadd.s32 $0xFFFFF000  }
.LBB2_5:
0x91: {  	s14 =	sshll.u32 s8, $0xB;
	s18 =	sshll.u32 s8, $0x4  }
0x92: {  	s17 =	sand.u32 $0x3FFFF800, s14;
	s14 =	sand.u32 $0x3FFFFFF0, s18  }
0x93: {  	s19 =	sadd.s32 $0x16D70, s17;
	s15 =	sadd.s32 s14, s9  }
0x94: {  	v8 =	vmov s19;
	v6 =	vld [tilespmem:s15+$0x0]  }
0x95: {  	s16 =	sadd.s32 $0x10D40, s17  }
0x96: {  	s18 =	sadd.s32 $0x12D70, s17;
	v10 =	vmov s16  }
0x97: {  	s8 =	sadd.s32 s14, s10;
	v9 =	vmov s18  }
0x98: {  	v7 =	vld [tilespmem:s8+$0x0];
	s16 =	simm.s32 $0x0  }
0x99: {  	v11 =	vld.idx.msk [tilespmem:v8+s16+$0x0 ss:$0x1], $0xffff;
	(v2sf) =	vpush v6, $0x0  }
0x9a: {  	v12 =	vld.idx.msk [tilespmem:v8+s16+$0xFFFFFFF0 ss:$0x1], $0xffff  }
0x9b: {  	v6 =	vld.idx.msk [tilespmem:v10+s16+$0x30 ss:$0x1], $0xffff  }
0x9c: {  	v14 =	vld.idx.msk [tilespmem:v9+s16+$0x0 ss:$0x1], $0xffff  }
0x9d: {  	v15 =	vld.idx.msk [tilespmem:v10+s16+$0x20 ss:$0x1], $0xffff  }
0x9e: {  	v16 =	vld.idx.msk [tilespmem:v9+s16+$0xFFFFFFF0 ss:$0x1], $0xffff  }
0x9f: {  	v17 =	vld.idx.msk [tilespmem:v10+s16+$0x10 ss:$0x1], $0xffff  }
0xa0: {  	v18 =	vld.idx.msk [tilespmem:v9+s16+$0xFFFFFFE0 ss:$0x1], $0xffff  }
0xa1: {  	v19 =	vld.idx.msk [tilespmem:v10+s16+$0x0 ss:$0x1], $0xffff  }
0xa2: {  	v20 =	vld.idx.msk [tilespmem:v9+s16+$0xFFFFFFD0 ss:$0x1], $0xffff  }
0xa3: {  	v21 =	vld.idx.msk [tilespmem:v10+s16+$0xFFFFFFF0 ss:$0x1], $0xffff  }
0xa4: {  	v22 =	vld.idx.msk [tilespmem:v9+s16+$0xFFFFFFC0 ss:$0x1], $0xffff  }
0xa5: {  	v23 =	vld.idx.msk [tilespmem:v10+s16+$0xFFFFFFE0 ss:$0x1], $0xffff  }
0xa6: {  	v24 =	vld.idx.msk [tilespmem:v9+s16+$0xFFFFFFB0 ss:$0x1], $0xffff  }
0xa7: {  	v25 =	vld.idx.msk [tilespmem:v10+s16+$0xFFFFFFD0 ss:$0x1], $0xffff  }
0xa8: {  	v26 =	vld.idx.msk [tilespmem:v9+s16+$0xFFFFFFA0 ss:$0x1], $0xffff;
	s20 =	spop (v2sf)  }
0xa9: {  	v27 =	vld.idx.msk [tilespmem:v10+s16+$0xFFFFFFC0 ss:$0x1], $0xffff;
	s18 =	sshll.u32 s20, $0x9  }
0xaa: {  	v28 =	vld.idx.msk [tilespmem:v9+s16+$0xFFFFFF90 ss:$0x1], $0xffff;
	s18 =	sshra.s32 s18, $0x2  }
0xab: {  	v29 =	vld [tilespmem:s18+$0x5570]  }
0xac: {  	v30 =	vld [tilespmem:s18+$0x5560]  }
0xad: {  	v31 =	vld [tilespmem:s18+$0x5550]  }
0xae: {  	v14 =	vsub.f32 v6, v14;
	v32 =	vld [tilespmem:s18+$0x5540]  }
0xaf: {  	v17 =	vsub.f32 v17, v18;
	v15 =	vsub.f32 v15, v16;
	v33 =	vld [tilespmem:s18+$0x5530]  }
0xb0: {  	v18 =	vsub.f32 v21, v22;
	v19 =	vsub.f32 v19, v20;
	v16 =	vld [tilespmem:s18+$0x5520]  }
0xb1: {  	v21 =	vsub.f32 v25, v26;
	v22 =	vsub.f32 v23, v24;
	v20 =	vld [tilespmem:s18+$0x5510]  }
0xb2: {  	v24 =	vsub.f32 v27, v28;
	(v2sf) =	vpush v7, $0x0;
	v23 =	vld [tilespmem:s18+$0x5500]  }
0xb3: {  	s19 =	sadd.s32 $0x14D70, s17;
	s17 =	sadd.s32 $0x18D70, s17;
	v13 =	vld.idx.msk [tilespmem:v8+s16+$0xFFFFFFE0 ss:$0x1], $0xffff;
	v26 =	vadd.f32 $1.000000000e+00, v30;
	v27 =	vadd.f32 $1.000000000e+00, v29  }
0xb4: {  	v25 =	vld.idx.msk [tilespmem:v8+s16+$0xFFFFFFD0 ss:$0x1], $0xffff;
	v6 =	vmov s17;
	v29 =	vadd.f32 $1.000000000e+00, v32;
	v30 =	vadd.f32 $1.000000000e+00, v31  }
0xb5: {  	v28 =	vld.idx.msk [tilespmem:v8+s16+$0xFFFFFFC0 ss:$0x1], $0xffff;
	v7 =	vmov s19;
	v16 =	vadd.f32 $1.000000000e+00, v16;
	v52 =	vadd.f32 $1.000000000e+00, v33  }
0xb6: {  	v31 =	vld.idx.msk [tilespmem:v8+s16+$0xFFFFFFB0 ss:$0x1], $0xffff;
	v20 =	vadd.f32 $1.000000000e+00, v20;
	v15 =	vmul.f32 v26, v15;
	v14 =	vmul.f32 v27, v14  }
0xb7: {  	v23 =	vadd.f32 $1.000000000e+00, v23;
	v26 =	vld.idx.msk [tilespmem:v8+s16+$0xFFFFFFA0 ss:$0x1], $0xffff;
	v17 =	vmul.f32 v30, v17;
	v19 =	vmul.f32 v29, v19  }
0xb8: {  	v27 =	vld.idx.msk [tilespmem:v8+s16+$0xFFFFFF90 ss:$0x1], $0xffff;
	v18 =	vmul.f32 v52, v18;
	v16 =	vmul.f32 v16, v22;
	v11 =	vadd.f32 v11, v14  }
0xb9: {  	v13 =	vadd.f32 v13, v17;
	v14 =	vmul.f32 v20, v21;
	v12 =	vadd.f32 v12, v15  }
0xba: {  	v15 =	vadd.f32 v28, v18;
	v17 =	vmul.f32 v23, v24;
	v18 =	vadd.f32 v25, v19  }
0xbb: {  	v16 =	vadd.f32 v31, v16;
	v19 =	vmul.f32 $2.500000000e-01, v12;
	v20 =	vmul.f32 $2.500000000e-01, v11  }
0xbc: {  	v21 =	vmul.f32 $2.500000000e-01, v18;
	v22 =	vmul.f32 $2.500000000e-01, v13;
	v14 =	vadd.f32 v26, v14  }
0xbd: {  	v24 =	vmul.f32 $2.500000000e-01, v15;
	v17 =	vadd.f32 v27, v17;
	v19 =	vadd.f32 $1.258291200e+07, v19  }
0xbe: {  	v23 =	vmul.f32 $2.500000000e-01, v16;
	v20 =	vadd.f32 $1.258291200e+07, v20;
	v21 =	vadd.f32 $1.258291200e+07, v21  }
0xbf: {  	v22 =	vadd.f32 $1.258291200e+07, v22;
	v24 =	vadd.f32 $1.258291200e+07, v24  }
0xc0: {  	v38 =	vld.idx.msk [tilespmem:v6+s16+$0xFFFFFFE0 ss:$0x1], $0xffff;
	v25 =	vmul.f32 $2.500000000e-01, v17;
	v23 =	vadd.f32 $1.258291200e+07, v23;
	v19 =	vadd.f32 $-1.258291200e+07, v19  }
0xc1: {  	v43 =	vld.idx.msk [tilespmem:v6+s16+$0xFFFFFFF0 ss:$0x1], $0xffff;
	v26 =	vmul.f32 $2.500000000e-01, v14;
	v20 =	vadd.f32 $-1.258291200e+07, v20;
	v21 =	vadd.f32 $-1.258291200e+07, v21  }
0xc2: {  	v28 =	vld.idx.msk [tilespmem:v6+s16+$0xFFFFFF90 ss:$0x1], $0xffff;
	v22 =	vadd.f32 $-1.258291200e+07, v22;
	v24 =	vadd.f32 $-1.258291200e+07, v24  }
0xc3: {  	v27 =	vld.idx.msk [tilespmem:v7+s16+$0xFFFFFF90 ss:$0x1], $0xffff;
	v25 =	vadd.f32 $1.258291200e+07, v25;
	v26 =	vadd.f32 $1.258291200e+07, v26  }
0xc4: {  	v47 =	vld.idx.msk [tilespmem:v6+s16+$0x0 ss:$0x1], $0xffff;
	v23 =	vadd.f32 $-1.258291200e+07, v23;
	v19 =	vmul.f32 $4.000000000e+00, v19;
	v20 =	vmul.f32 $4.000000000e+00, v20  }
0xc5: {  	v53 =	vld.idx.msk [tilespmem:v7+s16+$0xFFFFFFD0 ss:$0x1], $0xffff;
	v21 =	vmul.f32 $4.000000000e+00, v21;
	v22 =	vmul.f32 $4.000000000e+00, v22;
	v26 =	vadd.f32 $-1.258291200e+07, v26  }
0xc6: {  	v29 =	vld.idx.msk [tilespmem:v7+s16+$0xFFFFFFA0 ss:$0x1], $0xffff;
	v24 =	vmul.f32 $4.000000000e+00, v24;
	v25 =	vadd.f32 $-1.258291200e+07, v25;
	v11 =	vsub.f32 v11, v20  }
0xc7: {  	v30 =	vld.idx.msk [tilespmem:v6+s16+$0xFFFFFFA0 ss:$0x1], $0xffff;
	v23 =	vmul.f32 $4.000000000e+00, v23;
	v13 =	vsub.f32 v13, v22;
	v12 =	vsub.f32 v12, v19  }
0xc8: {  	v35 =	vld.idx.msk [tilespmem:v7+s16+$0xFFFFFFE0 ss:$0x1], $0xffff;
	v15 =	vsub.f32 v15, v24;
	v22 =	vmul.f32 v28, v27;
	v18 =	vsub.f32 v18, v21  }
0xc9: {  	v40 =	vld.idx.msk [tilespmem:v7+s16+$0xFFFFFFF0 ss:$0x1], $0xffff;
	v20 =	vmul.f32 $4.000000000e+00, v26;
	v19 =	vmul.f32 $4.000000000e+00, v25;
	v16 =	vsub.f32 v16, v23  }
0xca: {  	v44 =	vld.idx.msk [tilespmem:v7+s16+$0x0 ss:$0x1], $0xffff;
	v12 =	vand.u32 $0x7FFFFFFF, v12;
	v11 =	vand.u32 $0x7FFFFFFF, v11;
	v15 =	vand.u32 $0x7FFFFFFF, v15  }
0xcb: {  	v28 =	vld.idx.msk [tilespmem:v7+s16+$0xFFFFFFB0 ss:$0x1], $0xffff;
	v13 =	vand.u32 $0x7FFFFFFF, v13;
	v17 =	vsub.f32 v17, v19;
	v21 =	vsub.f32 $2.000000000e+00, v11  }
0xcc: {  	v14 =	vsub.f32 v14, v20;
	v20 =	vmul.f32 v30, v29;
	v24 =	vsub.f32 $2.000000000e+00, v13;
	v30 =	vld.idx.msk [tilespmem:v6+s16+$0xFFFFFFC0 ss:$0x1], $0xffff  }
0xcd: {  	v26 =	vsub.f32 $2.000000000e+00, v15;
	v17 =	vand.u32 $0x7FFFFFFF, v17;
	v11 =	vmin.f32 v11, v21;
	v21 =	vld.idx.msk [tilespmem:v6+s16+$0xFFFFFFB0 ss:$0x1], $0xffff  }
0xce: {  	v18 =	vand.u32 $0x7FFFFFFF, v18;
	v13 =	vmin.f32 v13, v24;
	v24 =	vld.idx.msk [tilespmem:v7+s16+$0xFFFFFFC0 ss:$0x1], $0xffff;
	v25 =	vsub.f32 $2.000000000e+00, v17  }
0xcf: {  	v19 =	vsub.f32 $2.000000000e+00, v12;
	v14 =	vand.u32 $0x7FFFFFFF, v14;
	v15 =	vmin.f32 v15, v26;
	v26 =	vld.idx.msk [tilespmem:v6+s16+$0xFFFFFFD0 ss:$0x1], $0xffff;
	s16 =	sadd.s32 $0x1, s15  }
0xd0: {  	v23 =	vsub.f32 $2.000000000e+00, v18;
	v27 =	vsub.f32 $2.000000000e+00, v14;
	v59 =	vld [tilespmem:s16+$0x0];
	v17 =	vmin.f32 v17, v25  }
0xd1: {  	v16 =	vand.u32 $0x7FFFFFFF, v16;
	v12 =	vmin.f32 v12, v19;
	v19 =	vmul.f32 v17, v17  }
0xd2: {  	v29 =	vsub.f32 $2.000000000e+00, v16;
	v14 =	vmin.f32 v14, v27  }
0xd3: {  	v18 =	vmin.f32 v18, v23;
	v31 =	vmul.f32 v14, v14;
	v23 =	vmul.f32 $4.333139860e-03, v19  }
0xd4: {  	v16 =	vmin.f32 v16, v29  }
0xd5: {  	s18 =	spop (v2sf);
	v29 =	vmul.f32 $4.333139860e-03, v31;
	(v2sf) =	vpush v59, $0x0;
	v23 =	vsub.f32 $7.943440970e-02, v23  }
0xd6: {  	v54 =	vmul.f32 v12, v12;
	v34 =	vmul.f32 v16, v16  }
0xd7: {  	v36 =	vmul.f32 v15, v15;
	v29 =	vsub.f32 $7.943440970e-02, v29;
	v23 =	vmul.f32 v23, v19  }
0xd8: {  	v22 =	vand.u32 $0x7FFFFFFF, v22;
	v37 =	vmul.f32 v18, v18;
	v39 =	vmul.f32 $4.333139860e-03, v34  }
0xd9: {  	v25 =	vmul.f32 v11, v11;
	v29 =	vmul.f32 v29, v31;
	v23 =	vadd.f32 $-6.458928590e-01, v23  }
0xda: {  	v27 =	vmul.f32 v13, v13;
	v42 =	vmul.f32 $4.333139860e-03, v36;
	v39 =	vsub.f32 $7.943440970e-02, v39  }
0xdb: {  	s8 =	sadd.s32 $0x1, s8;
	s17 =	sshll.u32 s18, $0x9;
	v41 =	vmul.f32 $4.333139860e-03, v54;
	v19 =	vmul.f32 v23, v19;
	v23 =	vadd.f32 $-6.458928590e-01, v29  }
0xdc: {  	v56 =	vld [tilespmem:s8+$0x0];
	s17 =	sshra.s32 s17, $0x2;
	v46 =	vmul.f32 $4.333139860e-03, v37;
	v42 =	vsub.f32 $7.943440970e-02, v42;
	v29 =	vmul.f32 v39, v34  }
0xdd: {  	v55 =	vld [tilespmem:s17+$0x3900];
	v48 =	vmul.f32 $4.333139860e-03, v27;
	v19 =	vadd.f32 $1.570791010e+00, v19;
	v23 =	vmul.f32 v23, v31  }
0xde: {  	v49 =	vld [tilespmem:s17+$0x3910];
	v46 =	vsub.f32 $7.943440970e-02, v46;
	v29 =	vadd.f32 $-6.458928590e-01, v29;
	v31 =	vmul.f32 v42, v36  }
0xdf: {  	v50 =	vld [tilespmem:s17+$0x3970];
	v48 =	vsub.f32 $7.943440970e-02, v48;
	v17 =	vmul.f32 v19, v17;
	v19 =	vadd.f32 $1.570791010e+00, v23  }
0xe0: {  	v57 =	vld [tilespmem:s17+$0x3960];
	v23 =	vmul.f32 v29, v34;
	v29 =	vadd.f32 $-6.458928590e-01, v31;
	v31 =	vmul.f32 v46, v37  }
0xe1: {  	s19 =	simm.s32 $0x80;
	v61 =	vld [tilespmem:s17+$0x3940];
	v58 =	vmul.f32 v48, v27;
	v17 =	vadd.f32 $0.0e+00, v17;
	v14 =	vmul.f32 v19, v14  }
0xe2: {  	v48 =	vld.idx.msk [tilespmem:v8+s19+$0xFFFFFFC0 ss:$0x1], $0xffff;
	v19 =	vadd.f32 $1.570791010e+00, v23;
	v23 =	vmul.f32 v29, v36;
	v29 =	vadd.f32 $-6.458928590e-01, v31  }
0xe3: {  	v45 =	vmul.f32 $4.333139860e-03, v25;
	v41 =	vsub.f32 $7.943440970e-02, v41;
	v31 =	vld [tilespmem:s17+$0x3950];
	v14 =	vadd.f32 v14, v17  }
0xe4: {  	s20 =	spop (v2sf);
	v16 =	vmul.f32 v19, v16;
	v17 =	vmul.f32 v29, v37;
	v19 =	vld [tilespmem:s17+$0x3920];
	v23 =	vadd.f32 $1.570791010e+00, v23  }
0xe5: {  	v41 =	vmul.f32 v41, v54;
	v60 =	vadd.f32 $-6.458928590e-01, v58;
	v29 =	vld [tilespmem:s17+$0x3930];
	s17 =	sshll.u32 s20, $0x9  }
0xe6: {  	s17 =	sshra.s32 s17, $0x2;
	v14 =	vadd.f32 v16, v14;
	v16 =	vld.idx.msk [tilespmem:v8+s19+$0x0 ss:$0x1], $0xffff;
	v15 =	vmul.f32 v23, v15;
	v17 =	vadd.f32 $1.570791010e+00, v17  }
0xe7: {  	v21 =	vmul.f32 v21, v28;
	v45 =	vsub.f32 $7.943440970e-02, v45;
	v27 =	vmul.f32 v60, v27;
	v46 =	vld [tilespmem:s17+$0x5550]  }
0xe8: {  	v62 =	vadd.f32 $-6.458928590e-01, v41;
	v14 =	vadd.f32 v15, v14;
	v15 =	vmul.f32 v17, v18;
	v18 =	vld.idx.msk [tilespmem:v10+s19+$0x30 ss:$0x1], $0xffff  }
0xe9: {  	v21 =	vand.u32 $0x7FFFFFFF, v21;
	v63 =	vmul.f32 v45, v25;
	v17 =	vadd.f32 $1.570791010e+00, v27;
	v27 =	vld.idx.msk [tilespmem:v9+s19+$0x0 ss:$0x1], $0xffff  }
0xea: {  	v28 =	vmul.f32 v62, v54;
	v19 =	vsub.f32 v21, v19;
	v21 =	vmul.f32 v30, v24;
	v24 =	vld.idx.msk [tilespmem:v9+s19+$0xFFFFFFF0 ss:$0x1], $0xffff  }
0xeb: {  	v22 =	vsub.f32 v22, v55;
	v20 =	vand.u32 $0x7FFFFFFF, v20;
	v37 =	vadd.f32 $-6.458928590e-01, v63;
	v30 =	vld.idx.msk [tilespmem:v10+s19+$0xFFFFFFE0 ss:$0x1], $0xffff  }
0xec: {  	v14 =	vadd.f32 v15, v14;
	v13 =	vmul.f32 v17, v13;
	v15 =	vadd.f32 $1.570791010e+00, v28;
	v17 =	vld.idx.msk [tilespmem:v10+s19+$0x20 ss:$0x1], $0xffff  }
0xed: {  	v20 =	vsub.f32 v20, v49;
	v25 =	vmul.f32 v37, v25;
	v28 =	vmul.f32 v43, v40;
	v43 =	vld.idx.msk [tilespmem:v10+s19+$0xFFFFFFC0 ss:$0x1], $0xffff  }
0xee: {  	v22 =	vmul.f32 v22, v22;
	v12 =	vmul.f32 v15, v12;
	v15 =	vld.idx.msk [tilespmem:v10+s19+$0x10 ss:$0x1], $0xffff  }
0xef: {  	v20 =	vmul.f32 v20, v20;
	v13 =	vadd.f32 v13, v14;
	v14 =	vadd.f32 $1.570791010e+00, v25;
	v25 =	vld.idx.msk [tilespmem:v9+s19+$0xFFFFFFE0 ss:$0x1], $0xffff  }
0xf0: {  	v26 =	vmul.f32 v26, v53;
	v21 =	vand.u32 $0x7FFFFFFF, v21;
	v18 =	vsub.f32 v18, v27;
	v27 =	vld [tilespmem:s17+$0x5530]  }
0xf1: {  	v19 =	vmul.f32 v19, v19;
	v12 =	vadd.f32 v12, v13;
	v11 =	vmul.f32 v14, v11;
	v14 =	vld.idx.msk [tilespmem:v10+s19+$0x0 ss:$0x1], $0xffff  }
0xf2: {  	v13 =	vadd.f32 v20, v22;
	v20 =	vsub.f32 v21, v29;
	v21 =	vld.idx.msk [tilespmem:v9+s19+$0xFFFFFFD0 ss:$0x1], $0xffff;
	v22 =	vand.u32 $0x7FFFFFFF, v26  }
0xf3: {  	v26 =	vmul.f32 v38, v35;
	v17 =	vsub.f32 v17, v24;
	v24 =	vld [tilespmem:s17+$0x5520];
	v11 =	vadd.f32 v11, v12  }
0xf4: {  	v12 =	vld.idx.msk [tilespmem:v10+s19+$0xFFFFFFF0 ss:$0x1], $0xffff;
	v13 =	vadd.f32 v19, v13;
	v19 =	vmul.f32 v20, v20;
	v20 =	vsub.f32 v22, v61  }
0xf5: {  	v22 =	vld.idx.msk [tilespmem:v9+s19+$0xFFFFFFC0 ss:$0x1], $0xffff;
	v26 =	vand.u32 $0x7FFFFFFF, v26;
	v29 =	vperm.xlane v11, v1  }
0xf6: {  	v13 =	vadd.f32 v19, v13;
	v19 =	vmul.f32 v20, v20;
	v20 =	vsub.f32 v26, v31;
	v26 =	vld.idx.msk [tilespmem:v9+s19+$0xFFFFFFB0 ss:$0x1], $0xffff  }
0xf7: {  	(v2sf) =	vpush v56, $0x0;
	v31 =	vmul.f32 v47, v44;
	v44 =	vld [tilespmem:s17+$0x5570]  }
0xf8: {  	v28 =	vand.u32 $0x7FFFFFFF, v28;
	v15 =	vsub.f32 v15, v25;
	v11 =	vadd.f32 v11, v29;
	v29 =	vld.idx.msk [tilespmem:v10+s19+$0xFFFFFFD0 ss:$0x1], $0xffff  }
0xf9: {  	v13 =	vadd.f32 v19, v13;
	v19 =	vmul.f32 v20, v20;
	v20 =	vsub.f32 v28, v57;
	v28 =	vld.idx.msk [tilespmem:v9+s19+$0xFFFFFFA0 ss:$0x1], $0xffff  }
0xfa: {  	v47 =	vadd.f32 $1.000000000e+00, v46;
	v14 =	vsub.f32 v14, v21;
	v21 =	vld [tilespmem:s17+$0x5510];
	v31 =	vand.u32 $0x7FFFFFFF, v31  }
0xfb: {  	v31 =	vsub.f32 v31, v50;
	v13 =	vadd.f32 v19, v13;
	v19 =	vmul.f32 v20, v20;
	v20 =	vld.idx.msk [tilespmem:v9+s19+$0xFFFFFF90 ss:$0x1], $0xffff  }
0xfc: {  	v27 =	vadd.f32 $1.000000000e+00, v27;
	v25 =	vsub.f32 v30, v26;
	v26 =	vld [tilespmem:s17+$0x5500]  }
0xfd: {  	v12 =	vsub.f32 v12, v22;
	v31 =	vmul.f32 v31, v31;
	v13 =	vadd.f32 v19, v13;
	v19 =	vld [tilespmem:s17+$0x5560]  }
0xfe: {  	v41 =	vperm.xlane v11, v2;
	v22 =	vsub.f32 v29, v28;
	v28 =	vld.idx.msk [tilespmem:v8+s19+$0xFFFFFFE0 ss:$0x1], $0xffff;
	v29 =	vadd.f32 $1.000000000e+00, v44  }
0xff: {  	v24 =	vadd.f32 $1.000000000e+00, v24;
	v13 =	vadd.f32 v31, v13;
	v31 =	vld [tilespmem:s17+$0x5540]  }
0x100: {  	v11 =	vadd.f32 v11, v41;
	v21 =	vadd.f32 $1.000000000e+00, v21;
	v18 =	vmul.f32 v29, v18;
	v29 =	vld.idx.msk [tilespmem:v8+s19+$0xFFFFFF90 ss:$0x1], $0xffff  }
0x101: {  	v23 =	vld.idx.msk [tilespmem:v8+s19+$0xFFFFFFF0 ss:$0x1], $0xffff;
	v15 =	vmul.f32 v47, v15;
	v20 =	vsub.f32 v43, v20;
	v26 =	vadd.f32 $1.000000000e+00, v26  }
0x102: {  	v49 =	vld.idx.msk [tilespmem:v8+s19+$0xFFFFFFB0 ss:$0x1], $0xffff;
	v12 =	vmul.f32 v27, v12;
	v19 =	vadd.f32 $1.000000000e+00, v19;
	v16 =	vadd.f32 v16, v18  }
0x103: {  	v30 =	vld.idx.msk [tilespmem:v8+s19+$0xFFFFFFD0 ss:$0x1], $0xffff;
	v18 =	vmul.f32 v21, v22;
	v21 =	vadd.f32 v28, v15;
	v15 =	vmul.f32 v26, v20  }
0x104: {  	v20 =	vadd.f32 v48, v12;
	v31 =	vadd.f32 $1.000000000e+00, v31;
	v17 =	vmul.f32 v19, v17;
	v19 =	vld.idx.msk [tilespmem:v8+s19+$0xFFFFFFA0 ss:$0x1], $0xffff  }
0x105: {  	v24 =	vmul.f32 v24, v25;
	v25 =	vmul.f32 $2.500000000e-01, v21;
	v27 =	vadd.f32 v29, v15  }
0x106: {  	v28 =	vmul.f32 $2.500000000e-01, v20;
	v14 =	vmul.f32 v31, v14;
	v17 =	vadd.f32 v23, v17  }
0x107: {  	v45 =	vperm.xlane v11, v3;
	v23 =	vadd.f32 v49, v24;
	v25 =	vadd.f32 $1.258291200e+07, v25  }
0x108: {  	v51 =	vld.idx.msk [tilespmem:v6+s19+$0xFFFFFFA0 ss:$0x1], $0xffff;
	v28 =	vadd.f32 $1.258291200e+07, v28;
	v22 =	vadd.f32 v30, v14;
	v12 =	vmul.f32 $2.500000000e-01, v17  }
0x109: {  	v26 =	vld.idx.msk [tilespmem:v6+s19+$0xFFFFFF90 ss:$0x1], $0xffff;
	v14 =	vmul.f32 $2.500000000e-01, v16;
	v15 =	vmul.f32 $2.500000000e-01, v23;
	v18 =	vadd.f32 v19, v18  }
0x10a: {  	v29 =	vld.idx.msk [tilespmem:v7+s19+$0xFFFFFFA0 ss:$0x1], $0xffff;
	v25 =	vadd.f32 $-1.258291200e+07, v25;
	v28 =	vadd.f32 $-1.258291200e+07, v28;
	v19 =	vmul.f32 $2.500000000e-01, v22  }
0x10b: {  	v24 =	vld.idx.msk [tilespmem:v7+s19+$0xFFFFFF90 ss:$0x1], $0xffff;
	v31 =	vadd.f32 $1.258291200e+07, v12;
	v50 =	vadd.f32 $1.258291200e+07, v14;
	v14 =	vmul.f32 $2.500000000e-01, v27  }
0x10c: {  	v52 =	vadd.f32 $1.258291200e+07, v15;
	v30 =	vmul.f32 $2.500000000e-01, v18;
	v19 =	vadd.f32 $1.258291200e+07, v19  }
0x10d: {  	v25 =	vmul.f32 $4.000000000e+00, v25;
	v53 =	vadd.f32 $1.258291200e+07, v14;
	v31 =	vadd.f32 $-1.258291200e+07, v31  }
0x10e: {  	v28 =	vmul.f32 $4.000000000e+00, v28;
	v32 =	vadd.f32 $-1.258291200e+07, v50;
	v54 =	vadd.f32 $-1.258291200e+07, v52  }
0x10f: {  	v29 =	vmul.f32 v51, v29;
	v30 =	vadd.f32 $1.258291200e+07, v30;
	v21 =	vsub.f32 v21, v25  }
0x110: {  	v55 =	vld.idx.msk [tilespmem:v6+s19+$0xFFFFFFB0 ss:$0x1], $0xffff;
	v24 =	vmul.f32 v26, v24;
	v20 =	vsub.f32 v20, v28;
	v19 =	vadd.f32 $-1.258291200e+07, v19  }
0x111: {  	v26 =	vld.idx.msk [tilespmem:v7+s19+$0xFFFFFFB0 ss:$0x1], $0xffff;
	v31 =	vmul.f32 $4.000000000e+00, v31;
	v32 =	vmul.f32 $4.000000000e+00, v32;
	v35 =	vadd.f32 $-1.258291200e+07, v53  }
0x112: {  	v33 =	vmul.f32 $4.000000000e+00, v54;
	v30 =	vadd.f32 $-1.258291200e+07, v30;
	v20 =	vand.u32 $0x7FFFFFFF, v20  }
0x113: {  	v21 =	vand.u32 $0x7FFFFFFF, v21;
	v19 =	vmul.f32 $4.000000000e+00, v19;
	v16 =	vsub.f32 v16, v32  }
0x114: {  	v17 =	vsub.f32 v17, v31;
	v25 =	vmul.f32 $4.000000000e+00, v35;
	v23 =	vsub.f32 v23, v33  }
0x115: {  	v56 =	vsub.f32 $2.000000000e+00, v20;
	v30 =	vmul.f32 $4.000000000e+00, v30;
	v19 =	vsub.f32 v22, v19  }
0x116: {  	v22 =	vmul.f32 v55, v26;
	v25 =	vsub.f32 v27, v25;
	v17 =	vand.u32 $0x7FFFFFFF, v17  }
0x117: {  	v16 =	vand.u32 $0x7FFFFFFF, v16;
	v23 =	vand.u32 $0x7FFFFFFF, v23;
	v18 =	vsub.f32 v18, v30  }
0x118: {  	v20 =	vmin.f32 v20, v56;
	v26 =	vsub.f32 $2.000000000e+00, v17;
	v27 =	vsub.f32 $2.000000000e+00, v16  }
0x119: {  	v30 =	vsub.f32 $2.000000000e+00, v21;
	v58 =	vsub.f32 $2.000000000e+00, v23;
	v25 =	vand.u32 $0x7FFFFFFF, v25  }
0x11a: {  	v34 =	vmul.f32 v20, v20;
	v19 =	vand.u32 $0x7FFFFFFF, v19;
	v31 =	vsub.f32 $2.000000000e+00, v25  }
0x11b: {  	v28 =	vsub.f32 $2.000000000e+00, v19;
	v18 =	vand.u32 $0x7FFFFFFF, v18;
	v16 =	vmin.f32 v16, v27  }
0x11c: {  	v21 =	vmin.f32 v21, v30;
	v57 =	vsub.f32 $2.000000000e+00, v18;
	v25 =	vmin.f32 v25, v31  }
0x11d: {  	v26 =	vmin.f32 v17, v26;
	v56 =	vmul.f32 $4.333139860e-03, v34;
	v17 =	vmul.f32 v25, v25  }
0x11e: {  	v38 =	vld.idx.msk [tilespmem:v6+s19+$0xFFFFFFD0 ss:$0x1], $0xffff;
	v27 =	vmul.f32 v16, v16;
	v30 =	vmul.f32 v21, v21;
	v18 =	vmin.f32 v18, v57  }
0x11f: {  	v46 =	vld.idx.msk [tilespmem:v7+s19+$0xFFFFFFF0 ss:$0x1], $0xffff;
	s18 =	spop (v2sf);
	v23 =	vmin.f32 v23, v58;
	v60 =	vmul.f32 v18, v18;
	v59 =	vmul.f32 $4.333139860e-03, v17  }
0x120: {  	v41 =	vld.idx.msk [tilespmem:v7+s19+$0xFFFFFFE0 ss:$0x1], $0xffff;
	s17 =	sshll.u32 s18, $0x9;
	v62 =	vmul.f32 v23, v23;
	v19 =	vmin.f32 v19, v28;
	v31 =	vmul.f32 v26, v26  }
0x121: {  	v44 =	vld.idx.msk [tilespmem:v6+s19+$0xFFFFFFE0 ss:$0x1], $0xffff;
	s17 =	sshra.s32 s17, $0x2;
	v37 =	vmul.f32 v19, v19;
	v61 =	vmul.f32 $4.333139860e-03, v60;
	v35 =	vsub.f32 $7.943440970e-02, v59  }
0x122: {  	v40 =	vld [tilespmem:s17+$0x3960];
	v47 =	vsub.f32 $7.943440970e-02, v56;
	v54 =	vmul.f32 $4.333139860e-03, v27;
	v55 =	vmul.f32 $4.333139860e-03, v62  }
0x123: {  	v49 =	vld.idx.msk [tilespmem:v6+s19+$0xFFFFFFF0 ss:$0x1], $0xffff;
	v57 =	vmul.f32 $4.333139860e-03, v30;
	v39 =	vsub.f32 $7.943440970e-02, v61;
	v35 =	vmul.f32 v35, v17  }
0x124: {  	v11 =	vadd.f32 v11, v45;
	v50 =	vld.idx.msk [tilespmem:v7+s19+$0x0 ss:$0x1], $0xffff;
	v63 =	vmul.f32 $4.333139860e-03, v31;
	v47 =	vmul.f32 v47, v34  }
0x125: {  	v52 =	vld.idx.msk [tilespmem:v6+s19+$0x0 ss:$0x1], $0xffff;
	v45 =	vsub.f32 $7.943440970e-02, v55;
	v39 =	vmul.f32 v39, v60;
	v35 =	vadd.f32 $-6.458928590e-01, v35  }
0x126: {  	v53 =	vld [tilespmem:s17+$0x3910];
	v51 =	vmul.f32 $4.333139860e-03, v37;
	v43 =	vsub.f32 $7.943440970e-02, v54;
	v48 =	vsub.f32 $7.943440970e-02, v57  }
0x127: {  	v33 =	vld.idx.msk [tilespmem:v6+s19+$0xFFFFFFC0 ss:$0x1], $0xffff;
	v59 =	vmul.f32 v45, v62;
	v58 =	vadd.f32 $-6.458928590e-01, v39;
	v17 =	vmul.f32 v35, v17  }
0x128: {  	v32 =	vld.idx.msk [tilespmem:v7+s19+$0xFFFFFFD0 ss:$0x1], $0xffff;
	v47 =	vadd.f32 $-6.458928590e-01, v47;
	v51 =	vsub.f32 $7.943440970e-02, v51;
	v48 =	vmul.f32 v48, v30  }
0x129: {  	v28 =	vld.idx.msk [tilespmem:v7+s19+$0xFFFFFFC0 ss:$0x1], $0xffff;
	v35 =	vmul.f32 v58, v60;
	v60 =	vadd.f32 $-6.458928590e-01, v59;
	v17 =	vadd.f32 $1.570791010e+00, v17  }
0x12a: {  	v56 =	vld [tilespmem:s17+$0x3940];
	v42 =	vsub.f32 $7.943440970e-02, v63;
	v34 =	vmul.f32 v47, v34;
	v51 =	vmul.f32 v51, v37  }
0x12b: {  	v45 =	vld [tilespmem:s17+$0x3900];
	v35 =	vadd.f32 $1.570791010e+00, v35;
	v36 =	vmul.f32 v60, v62;
	v17 =	vmul.f32 v17, v25  }
0x12c: {  	s15 =	sadd.s32 $0x1, s8;
	s8 =	sadd.s32 $0x1, s16;
	v54 =	vld [tilespmem:s17+$0x3950];
	v42 =	vmul.f32 v42, v31;
	v55 =	vadd.f32 $-6.458928590e-01, v48;
	v61 =	vadd.f32 $-6.458928590e-01, v51  }
0x12d: {  	v62 =	vld [tilespmem:s8+$0x0];
	v18 =	vmul.f32 v35, v18;
	v63 =	vadd.f32 $1.570791010e+00, v36;
	v17 =	vadd.f32 $0.0e+00, v17  }
0x12e: {  	s16 =	simm.s32 $0x100;
	v24 =	vand.u32 $0x7FFFFFFF, v24;
	v57 =	vld [tilespmem:s17+$0x3920];
	v30 =	vmul.f32 v55, v30;
	v37 =	vmul.f32 v61, v37  }
0x12f: {  	v47 =	vld.idx.msk [tilespmem:v9+s16+$0xFFFFFFC0 ss:$0x1], $0xffff;
	v17 =	vadd.f32 v18, v17;
	v18 =	vmul.f32 v63, v23;
	v23 =	vadd.f32 $1.570791010e+00, v34  }
0x130: {  	v39 =	vld [tilespmem:s15+$0x0];
	v24 =	vsub.f32 v24, v45;
	v58 =	vadd.f32 $-6.458928590e-01, v42;
	v59 =	vmul.f32 v43, v27  }
0x131: {  	v45 =	vld.idx.msk [tilespmem:v9+s16+$0xFFFFFFE0 ss:$0x1], $0xffff;
	v61 =	vadd.f32 v18, v17;
	v20 =	vmul.f32 v23, v20;
	v23 =	vadd.f32 $1.570791010e+00, v37  }
0x132: {  	v60 =	vld [tilespmem:s17+$0x3930];
	v31 =	vmul.f32 v58, v31;
	(v2sf) =	vpush v62, $0x0;
	v62 =	vadd.f32 $-6.458928590e-01, v59  }
0x133: {  	v25 =	vld [tilespmem:s17+$0x3970];
	v20 =	vadd.f32 v20, v61;
	v19 =	vmul.f32 v23, v19;
	v23 =	vadd.f32 $1.570791010e+00, v30  }
0x134: {  	v29 =	vand.u32 $0x7FFFFFFF, v29;
	v22 =	vand.u32 $0x7FFFFFFF, v22;
	v63 =	vld.idx.msk [tilespmem:v9+s16+$0x0 ss:$0x1], $0xffff;
	v27 =	vmul.f32 v62, v27  }
0x135: {  	v17 =	vld.idx.msk [tilespmem:v8+s16+$0x0 ss:$0x1], $0xffff;
	v19 =	vadd.f32 v19, v20;
	v20 =	vmul.f32 v23, v21;
	v21 =	vadd.f32 $1.570791010e+00, v31  }
0x136: {  	v28 =	vmul.f32 v33, v28;
	v22 =	vsub.f32 v22, v57;
	v30 =	vld.idx.msk [tilespmem:v10+s16+$0x30 ss:$0x1], $0xffff;
	v23 =	vsub.f32 v29, v53  }
0x137: {  	v29 =	vld.idx.msk [tilespmem:v10+s16+$0x20 ss:$0x1], $0xffff;
	v19 =	vadd.f32 v20, v19;
	v20 =	vmul.f32 v21, v26;
	v21 =	vadd.f32 $1.570791010e+00, v27  }
0x138: {  	v24 =	vmul.f32 v24, v24;
	v31 =	vld.idx.msk [tilespmem:v9+s16+$0xFFFFFFF0 ss:$0x1], $0xffff;
	v23 =	vmul.f32 v23, v23;
	v26 =	vand.u32 $0x7FFFFFFF, v28  }
0x139: {  	v27 =	vld.idx.msk [tilespmem:v10+s16+$0x10 ss:$0x1], $0xffff;
	v28 =	vmul.f32 v38, v32;
	v19 =	vadd.f32 v20, v19;
	v16 =	vmul.f32 v21, v16  }
0x13a: {  	v20 =	vadd.f32 v23, v24;
	v21 =	vmul.f32 v22, v22;
	v22 =	vsub.f32 v26, v60;
	v23 =	vld.idx.msk [tilespmem:v10+s16+$0x0 ss:$0x1], $0xffff  }
0x13b: {  	v24 =	vand.u32 $0x7FFFFFFF, v28;
	v26 =	vmul.f32 v44, v41;
	v28 =	vld.idx.msk [tilespmem:v9+s16+$0xFFFFFFD0 ss:$0x1], $0xffff;
	v16 =	vadd.f32 v16, v19  }
0x13c: {  	v19 =	vadd.f32 v21, v20;
	v20 =	vmul.f32 v22, v22;
	v21 =	vsub.f32 v24, v56;
	v22 =	vld.idx.msk [tilespmem:v10+s16+$0xFFFFFFF0 ss:$0x1], $0xffff  }
0x13d: {  	v24 =	vand.u32 $0x7FFFFFFF, v26;
	v26 =	vmul.f32 v49, v46;
	v49 =	vmul.f32 v52, v50;
	v50 =	vld.idx.msk [tilespmem:v9+s16+$0xFFFFFFB0 ss:$0x1], $0xffff  }
0x13e: {  	v15 =	vperm.xlane v13, v1;
	v52 =	vld.idx.msk [tilespmem:v9+s16+$0xFFFFFFA0 ss:$0x1], $0xffff  }
0x13f: {  	v24 =	vsub.f32 v24, v54;
	v54 =	vld.idx.msk [tilespmem:v9+s16+$0xFFFFFF90 ss:$0x1], $0xffff  }
0x140: {  	v13 =	vadd.f32 v15, v13;
	v27 =	vsub.f32 v27, v45;
	v45 =	vld.idx.msk [tilespmem:v7+s16+$0xFFFFFFB0 ss:$0x1], $0xffff  }
0x141: {  	v19 =	vadd.f32 v20, v19;
	v20 =	vmul.f32 v21, v21;
	v21 =	vld.idx.msk [tilespmem:v10+s16+$0xFFFFFFE0 ss:$0x1], $0xffff;
	v51 =	vand.u32 $0x7FFFFFFF, v49  }
0x142: {  	v14 =	vperm.xlane v11, v4;
	s19 =	spop (v2sf);
	v15 =	vsub.f32 v51, v25;
	v25 =	vld.idx.msk [tilespmem:v10+s16+$0xFFFFFFC0 ss:$0x1], $0xffff  }
0x143: {  	v55 =	vperm.xlane v13, v2;
	v48 =	vperm.xlane v16, v1;
	v19 =	vadd.f32 v20, v19;
	v20 =	vld.idx.msk [tilespmem:v10+s16+$0xFFFFFFD0 ss:$0x1], $0xffff;
	s17 =	sshll.u32 s19, $0x9  }
0x144: {  	v12 =	vimm.f32 $0.0e+00;
	v11 =	vadd.f32 v11, v14;
	s17 =	sshra.s32 s17, $0x2;
	v22 =	vsub.f32 v22, v47;
	v47 =	vld.idx.msk [tilespmem:v6+s16+$0xFFFFFFB0 ss:$0x1], $0xffff  }
0x145: {  	s18 =	simm.s32 $0x1;
	v13 =	vadd.f32 v55, v13;
	v26 =	vand.u32 $0x7FFFFFFF, v26;
	v16 =	vadd.f32 v16, v48;
	v56 =	vld [tilespmem:s17+$0x5570]  }
0x146: {  	v61 =	vmov s18;
	v24 =	vmul.f32 v24, v24;
	v26 =	vsub.f32 v26, v40;
	v57 =	vld [tilespmem:s17+$0x5540]  }
0x147: {  	s20 =	simm.s32 $0x0;
	v30 =	vsub.f32 v30, v63;
	v29 =	vsub.f32 v29, v31;
	v53 =	vperm.xlane v16, v2;
	v58 =	vld [tilespmem:s17+$0x5530]  }
0x148: {  	v19 =	vadd.f32 v24, v19;
	v24 =	vmul.f32 v26, v26;
	v26 =	vmov s20;
	v31 =	vld [tilespmem:s17+$0x5520]  }
0x149: {  	(v2sf) =	vpush v39, $0x0;
	v23 =	vsub.f32 v23, v28;
	vm0 =	veq.s32 v26, v0;
	v26 =	vld [tilespmem:s17+$0x5550]  }
0x14a: {  	v14 =	vmul.f32 v15, v15;
	v16 =	vadd.f32 v16, v53;
	v15 =	vadd.f32 v24, v19;
	v19 =	vld [tilespmem:s17+$0x5560]  }
0x14b: {  	vm1 =	veq.s32 v61, v0;
	v59 =	vld [tilespmem:s17+$0x5510];
	v21 =	vsub.f32 v21, v50;
	v25 =	vsub.f32 v25, v54  }
0x14c: {  	v60 =	vld [tilespmem:s17+$0x5500];
	v20 =	vsub.f32 v20, v52;
	v24 =	vperm.xlane v16, v3;
	v62 =	vadd.f32 $1.000000000e+00, v56  }
0x14d: {  	v18 =	vld.idx.msk [tilespmem:v8+s16+$0xFFFFFFF0 ss:$0x1], $0xffff;
	v11 =	vsel vm0, v11, v12;
	v40 =	vadd.f32 $1.000000000e+00, v57;
	v31 =	vadd.f32 $1.000000000e+00, v31  }
0x14e: {  	v63 =	vld.idx.msk [tilespmem:v8+s16+$0xFFFFFFD0 ss:$0x1], $0xffff;
	v51 =	vmul.f32 v47, v45;
	v24 =	vadd.f32 v16, v24;
	v26 =	vadd.f32 $1.000000000e+00, v26  }
0x14f: {  	v41 =	vld.idx.msk [tilespmem:v8+s16+$0xFFFFFFB0 ss:$0x1], $0xffff;
	v35 =	vadd.f32 $1.000000000e+00, v58;
	v19 =	vadd.f32 $1.000000000e+00, v19;
	v23 =	vmul.f32 v40, v23  }
0x150: {  	v32 =	vadd.f32 $1.000000000e+00, v59;
	v28 =	vperm.xlane v24, v4;
	v26 =	vmul.f32 v26, v27;
	v27 =	vld.idx.msk [tilespmem:v8+s16+$0xFFFFFF90 ss:$0x1], $0xffff  }
0x151: {  	v33 =	vadd.f32 $1.000000000e+00, v60;
	v19 =	vmul.f32 v19, v29;
	v29 =	vmul.f32 v62, v30;
	v30 =	vld.idx.msk [tilespmem:v8+s16+$0xFFFFFFA0 ss:$0x1], $0xffff  }
0x152: {  	v21 =	vmul.f32 v31, v21;
	v22 =	vmul.f32 v35, v22;
	v24 =	vadd.f32 v24, v28;
	v28 =	vld.idx.msk [tilespmem:v8+s16+$0xFFFFFFE0 ss:$0x1], $0xffff  }
0x153: {  	v20 =	vmul.f32 v32, v20;
	v25 =	vmul.f32 v33, v25;
	v17 =	vadd.f32 v17, v29;
	v29 =	vld.idx.msk [tilespmem:v7+s16+$0xFFFFFF90 ss:$0x1], $0xffff  }
0x154: {  	v23 =	vadd.f32 v63, v23;
	v21 =	vadd.f32 v41, v21;
	v11 =	vsel vm1, v24, v11;
	v24 =	vld.idx.msk [tilespmem:v8+s16+$0xFFFFFFC0 ss:$0x1], $0xffff  }
0x155: {  	v18 =	vadd.f32 v18, v19;
	v19 =	vld.idx.msk [tilespmem:v6+s16+$0xFFFFFF90 ss:$0x1], $0xffff;
	v31 =	vmul.f32 $2.500000000e-01, v17;
	v25 =	vadd.f32 v27, v25  }
0x156: {  	v27 =	vmul.f32 $2.500000000e-01, v21;
	v20 =	vadd.f32 v30, v20;
	v30 =	vmul.f32 $2.500000000e-01, v23  }
0x157: {  	v26 =	vadd.f32 v28, v26;
	v28 =	vmul.f32 $2.500000000e-01, v18;
	v31 =	vadd.f32 $1.258291200e+07, v31  }
0x158: {  	v48 =	vmul.f32 $2.500000000e-01, v25;
	v27 =	vadd.f32 $1.258291200e+07, v27;
	v30 =	vadd.f32 $1.258291200e+07, v30  }
0x159: {  	v46 =	vmul.f32 $2.500000000e-01, v20;
	v22 =	vadd.f32 v24, v22;
	v28 =	vadd.f32 $1.258291200e+07, v28  }
0x15a: {  	v19 =	vmul.f32 v19, v29;
	v49 =	vadd.f32 $1.258291200e+07, v48;
	v31 =	vadd.f32 $-1.258291200e+07, v31  }
0x15b: {  	v42 =	vld.idx.msk [tilespmem:v6+s16+$0xFFFFFFA0 ss:$0x1], $0xffff;
	v43 =	vmul.f32 $2.500000000e-01, v26;
	v27 =	vadd.f32 $-1.258291200e+07, v27;
	v36 =	vadd.f32 $1.258291200e+07, v46  }
0x15c: {  	v24 =	vld.idx.msk [tilespmem:v7+s16+$0xFFFFFFA0 ss:$0x1], $0xffff;
	v19 =	vand.u32 $0x7FFFFFFF, v19;
	v30 =	vadd.f32 $-1.258291200e+07, v30;
	v44 =	vmul.f32 $2.500000000e-01, v22  }
0x15d: {  	v33 =	vadd.f32 $1.258291200e+07, v43;
	v28 =	vadd.f32 $-1.258291200e+07, v28;
	v31 =	vmul.f32 $4.000000000e+00, v31  }
0x15e: {  	v34 =	vadd.f32 $-1.258291200e+07, v49;
	v27 =	vmul.f32 $4.000000000e+00, v27;
	v52 =	vadd.f32 $-1.258291200e+07, v36  }
0x15f: {  	v30 =	vmul.f32 $4.000000000e+00, v30;
	v29 =	vadd.f32 $1.258291200e+07, v44;
	v50 =	vadd.f32 $-1.258291200e+07, v33  }
0x160: {  	v28 =	vmul.f32 $4.000000000e+00, v28;
	v17 =	vsub.f32 v17, v31;
	v21 =	vsub.f32 v21, v27  }
0x161: {  	v27 =	vand.u32 $0x7FFFFFFF, v51;
	v24 =	vmul.f32 v42, v24;
	v31 =	vmul.f32 $4.000000000e+00, v52  }
0x162: {  	v23 =	vsub.f32 v23, v30;
	v29 =	vadd.f32 $-1.258291200e+07, v29;
	v32 =	vmul.f32 $4.000000000e+00, v50  }
0x163: {  	v18 =	vsub.f32 v18, v28;
	v28 =	vmul.f32 $4.000000000e+00, v34;
	v17 =	vand.u32 $0x7FFFFFFF, v17  }
0x164: {  	v21 =	vand.u32 $0x7FFFFFFF, v21;
	v24 =	vand.u32 $0x7FFFFFFF, v24;
	v20 =	vsub.f32 v20, v31  }
0x165: {  	v23 =	vand.u32 $0x7FFFFFFF, v23;
	v56 =	vsub.f32 $2.000000000e+00, v21;
	v29 =	vmul.f32 $4.000000000e+00, v29  }
0x166: {  	v26 =	vsub.f32 v26, v32;
	v25 =	vsub.f32 v25, v28;
	v18 =	vand.u32 $0x7FFFFFFF, v18  }
0x167: {  	v30 =	vsub.f32 $2.000000000e+00, v23;
	v28 =	vsub.f32 $2.000000000e+00, v18;
	v20 =	vand.u32 $0x7FFFFFFF, v20  }
0x168: {  	v22 =	vsub.f32 v22, v29;
	v26 =	vand.u32 $0x7FFFFFFF, v26;
	v29 =	vsub.f32 $2.000000000e+00, v17  }
0x169: {  	v25 =	vand.u32 $0x7FFFFFFF, v25;
	v55 =	vsub.f32 $2.000000000e+00, v20;
	v30 =	vmin.f32 v23, v30  }
0x16a: {  	s19 =	spop (v2sf);
	v31 =	vsub.f32 $2.000000000e+00, v26;
	v53 =	vsub.f32 $2.000000000e+00, v25;
	v28 =	vmin.f32 v18, v28  }
0x16b: {  	s17 =	sshll.u32 s19, $0x9;
	v35 =	vmul.f32 v30, v30;
	v22 =	vand.u32 $0x7FFFFFFF, v22;
	v17 =	vmin.f32 v17, v29  }
0x16c: {  	s20 =	sshra.s32 s17, $0x2;
	v23 =	vmin.f32 v20, v55;
	v39 =	vmul.f32 v28, v28;
	v54 =	vsub.f32 $2.000000000e+00, v22  }
0x16d: {  	v18 =	vld [tilespmem:s20+$0x3900];
	v29 =	vmin.f32 v25, v53;
	v36 =	vmul.f32 v17, v17;
	v57 =	vmul.f32 v23, v23  }
0x16e: {  	v31 =	vmin.f32 v26, v31;
	v62 =	vmul.f32 $4.333139860e-03, v35;
	v25 =	vmul.f32 v29, v29  }
0x16f: {  	v26 =	vld [tilespmem:s20+$0x3910];
	v38 =	vmul.f32 v31, v31;
	v58 =	vmul.f32 $4.333139860e-03, v39;
	v33 =	vmin.f32 v22, v54  }
0x170: {  	v22 =	vmin.f32 v21, v56;
	v21 =	vmul.f32 $4.333139860e-03, v57;
	v59 =	vmul.f32 $4.333139860e-03, v36  }
0x171: {  	v37 =	vld.idx.msk [tilespmem:v7+s16+$0xFFFFFFC0 ss:$0x1], $0xffff;
	v52 =	vsub.f32 $7.943440970e-02, v62;
	v20 =	vmul.f32 $4.333139860e-03, v25;
	v34 =	vmul.f32 v33, v33  }
0x172: {  	v47 =	vld.idx.msk [tilespmem:v7+s16+$0xFFFFFFE0 ss:$0x1], $0xffff;
	v42 =	vmul.f32 v22, v22;
	v44 =	vsub.f32 v19, v18;
	v45 =	vsub.f32 $7.943440970e-02, v58  }
0x173: {  	v40 =	vld.idx.msk [tilespmem:v6+s16+$0xFFFFFFC0 ss:$0x1], $0xffff;
	v46 =	vsub.f32 $7.943440970e-02, v59;
	v52 =	vmul.f32 v52, v35;
	v20 =	vsub.f32 $7.943440970e-02, v20  }
0x174: {  	v41 =	vld.idx.msk [tilespmem:v7+s16+$0xFFFFFFD0 ss:$0x1], $0xffff;
	v49 =	vsub.f32 v24, v26;
	v24 =	vmul.f32 $4.333139860e-03, v34;
	v26 =	vmul.f32 $4.333139860e-03, v38  }
0x175: {  	v48 =	vld.idx.msk [tilespmem:v6+s16+$0xFFFFFFE0 ss:$0x1], $0xffff;
	v19 =	vmul.f32 v20, v25;
	v20 =	vsub.f32 $7.943440970e-02, v21;
	v21 =	vmul.f32 $4.333139860e-03, v42  }
0x176: {  	v43 =	vld.idx.msk [tilespmem:v6+s16+$0xFFFFFFD0 ss:$0x1], $0xffff;
	v45 =	vmul.f32 v45, v39;
	v59 =	vadd.f32 $-6.458928590e-01, v52;
	v46 =	vmul.f32 v46, v36  }
0x177: {  	v18 =	vld.idx.msk [tilespmem:v7+s16+$0xFFFFFFF0 ss:$0x1], $0xffff;
	v60 =	vadd.f32 $-6.458928590e-01, v19;
	v61 =	vmul.f32 v20, v57;
	v21 =	vsub.f32 $7.943440970e-02, v21  }
0x178: {  	v24 =	vsub.f32 $7.943440970e-02, v24;
	v35 =	vmul.f32 v59, v35;
	v54 =	vadd.f32 $-6.458928590e-01, v46;
	v19 =	vld.idx.msk [tilespmem:v6+s16+$0xFFFFFFF0 ss:$0x1], $0xffff  }
0x179: {  	v20 =	vld.idx.msk [tilespmem:v7+s16+$0x0 ss:$0x1], $0xffff;
	v50 =	vmul.f32 v60, v25;
	v51 =	vadd.f32 $-6.458928590e-01, v61;
	v63 =	vmul.f32 v21, v42  }
0x17a: {  	s17 =	sadd.s32 $0x1, s15;
	v24 =	vmul.f32 v24, v34;
	v35 =	vadd.f32 $1.570791010e+00, v35;
	v36 =	vmul.f32 v54, v36;
	v21 =	vld.idx.msk [tilespmem:v6+s16+$0x0 ss:$0x1], $0xffff  }
0x17b: {  	s8 =	sadd.s32 $0x1, s8;
	v25 =	vld [tilespmem:s17+$0x0];
	v50 =	vadd.f32 $1.570791010e+00, v50;
	v32 =	vmul.f32 v51, v57;
	v56 =	vadd.f32 $-6.458928590e-01, v63  }
0x17c: {  	s15 =	simm.s32 $0x180;
	v24 =	vadd.f32 $-6.458928590e-01, v24;
	v61 =	vld [tilespmem:s8+$0x0];
	v35 =	vmul.f32 v35, v30;
	v57 =	vsub.f32 $7.943440970e-02, v26  }
0x17d: {  	v30 =	vld.idx.msk [tilespmem:v9+s15+$0x0 ss:$0x1], $0xffff;
	v29 =	vmul.f32 v50, v29;
	v58 =	vadd.f32 $1.570791010e+00, v32;
	v42 =	vmul.f32 v56, v42  }
0x17e: {  	v59 =	vadd.f32 $1.570791010e+00, v36;
	v36 =	vld.idx.msk [tilespmem:v10+s15+$0x10 ss:$0x1], $0xffff;
	v24 =	vmul.f32 v24, v34;
	v60 =	vmul.f32 v57, v38  }
0x17f: {  	v26 =	vld [tilespmem:s20+$0x3970];
	v29 =	vadd.f32 $0.0e+00, v29;
	v23 =	vmul.f32 v58, v23;
	v42 =	vadd.f32 $1.570791010e+00, v42  }
0x180: {  	v45 =	vadd.f32 $-6.458928590e-01, v45;
	v34 =	vld [tilespmem:s20+$0x3950];
	v24 =	vadd.f32 $1.570791010e+00, v24  }
0x181: {  	v63 =	vld [tilespmem:s20+$0x3930];
	v62 =	vadd.f32 $-6.458928590e-01, v60;
	v23 =	vadd.f32 v23, v29;
	v42 =	vmul.f32 v42, v22  }
0x182: {  	v39 =	vmul.f32 v45, v39;
	v32 =	vld [tilespmem:s20+$0x3960]  }
0x183: {  	v33 =	vmul.f32 v24, v33;
	v29 =	vld [tilespmem:s20+$0x3920];
	v38 =	vmul.f32 v62, v38;
	v42 =	vadd.f32 v42, v23  }
0x184: {  	vm0 =	vmmov vm0;
	v39 =	vadd.f32 $1.570791010e+00, v39;
	v50 =	vld [tilespmem:s20+$0x3940];
	(v2sf) =	vpush v61, $0x0  }
0x185: {  	vm0 =	vmmov vm0;
	v24 =	vld.idx.msk [tilespmem:v8+s15+$0xFFFFFFE0 ss:$0x1], $0xffff;
	v38 =	vadd.f32 $1.570791010e+00, v38;
	v42 =	vadd.f32 v33, v42  }
0x186: {  	v14 =	vadd.f32 v14, v15;
	v15 =	vperm.xlane v13, v3;
	v58 =	vmul.f32 v39, v28;
	v28 =	vld.idx.msk [tilespmem:v9+s15+$0xFFFFFFE0 ss:$0x1], $0xffff  }
0x187: {  	v56 =	vmul.f32 v44, v44;
	v22 =	vld.idx.msk [tilespmem:v8+s15+$0x0 ss:$0x1], $0xffff;
	v38 =	vmul.f32 v38, v31;
	v55 =	vadd.f32 v35, v42  }
0x188: {  	v57 =	vmul.f32 v49, v49;
	v23 =	vld.idx.msk [tilespmem:v8+s15+$0xFFFFFFF0 ss:$0x1], $0xffff;
	v27 =	vsub.f32 v27, v29;
	v29 =	vmul.f32 v40, v37  }
0x189: {  	v16 =	vperm.xlane v14, v1;
	v41 =	vmul.f32 v43, v41;
	v33 =	vld.idx.msk [tilespmem:v10+s15+$0x30 ss:$0x1], $0xffff;
	v37 =	vadd.f32 v38, v55  }
0x18a: {  	v31 =	vld.idx.msk [tilespmem:v10+s15+$0x20 ss:$0x1], $0xffff;
	v40 =	vadd.f32 v57, v56;
	v29 =	vand.u32 $0x7FFFFFFF, v29;
	v60 =	vmul.f32 v27, v27  }
0x18b: {  	v17 =	vmul.f32 v59, v17;
	v35 =	vld.idx.msk [tilespmem:v9+s15+$0xFFFFFFF0 ss:$0x1], $0xffff;
	v61 =	vsub.f32 v29, v63;
	v62 =	vadd.f32 v58, v37  }
0x18c: {  	v27 =	vld.idx.msk [tilespmem:v10+s15+$0x0 ss:$0x1], $0xffff;
	v63 =	vand.u32 $0x7FFFFFFF, v41;
	v38 =	vmul.f32 v48, v47;
	v37 =	vadd.f32 v60, v40  }
0x18d: {  	p1 =	por p0, p0;
	s20 =	simm.s32 $0x800;
	v29 =	vld.idx.msk [tilespmem:v9+s15+$0xFFFFFFD0 ss:$0x1], $0xffff;
	v39 =	vmul.f32 v61, v61;
	v40 =	vsub.f32 v63, v50;
	v17 =	vadd.f32 v17, v62  }
.LBB2_6:
0x18e: {  	p0 =	sne.s32 s20, $0x1E00;
	v41 =	vld.idx.msk [tilespmem:v10+s15+$0xFFFFFFF0 ss:$0x1], $0xffff;
	v38 =	vand.u32 $0x7FFFFFFF, v38;
	v18 =	vmul.f32 v19, v18;
	v19 =	vmul.f32 v21, v20  }
0x18f: {  	v20 =	vld.idx.msk [tilespmem:v9+s15+$0xFFFFFFC0 ss:$0x1], $0xffff;
	v21 =	vadd.f32 v39, v37;
	v37 =	vmul.f32 v40, v40;
	v39 =	vperm.xlane v17, v1  }
0x190: {  	v34 =	vsub.f32 v38, v34;
	v40 =	vld.idx.msk [tilespmem:v10+s15+$0xFFFFFFE0 ss:$0x1], $0xffff;
	v18 =	vand.u32 $0x7FFFFFFF, v18;
	v19 =	vand.u32 $0x7FFFFFFF, v19  }
0x191: {  	vm2 =	vmmov vm1;
	v38 =	vld.idx.msk [tilespmem:v9+s15+$0xFFFFFFB0 ss:$0x1], $0xffff;
	v21 =	vadd.f32 v37, v21;
	v17 =	vadd.f32 v17, v39  }
0x192: {  	v34 =	vmul.f32 v34, v34;
	v18 =	vsub.f32 v18, v32;
	v19 =	vsub.f32 v19, v26;
	v37 =	vld.idx.msk [tilespmem:v10+s15+$0xFFFFFFD0 ss:$0x1], $0xffff  }
0x193: {  	v14 =	vadd.f32 v16, v14;
	v15 =	vadd.f32 v15, v13;
	v26 =	vld.idx.msk [tilespmem:v9+s15+$0xFFFFFFA0 ss:$0x1], $0xffff;
	s16 =	spop (v2sf);
	v32 =	vperm.xlane v17, v2  }
0x194: {  	v13 =	vadd.f32 v34, v21;
	v16 =	vmul.f32 v18, v18;
	v18 =	vmul.f32 v19, v19;
	v39 =	vld.idx.msk [tilespmem:v10+s15+$0xFFFFFFC0 ss:$0x1], $0xffff;
	s16 =	sshll.u32 s16, $0x9  }
0x195: {  	v21 =	vperm.xlane v14, v2;
	v19 =	vld.idx.msk [tilespmem:v9+s15+$0xFFFFFF90 ss:$0x1], $0xffff;
	s16 =	sshra.s32 s16, $0x2;
	v17 =	vadd.f32 v17, v32;
	v32 =	vperm.xlane v15, v4  }
0x196: {  	v16 =	vadd.f32 v16, v13;
	v34 =	vld [tilespmem:s16+$0x5570]  }
0x197: {  	v13 =	vadd.f32 v21, v14;
	v42 =	vld [tilespmem:s16+$0x5560];
	v43 =	vperm.xlane v17, v3;
	v21 =	vadd.f32 v32, v15  }
0x198: {  	v14 =	vadd.f32 v18, v16;
	v32 =	vld [tilespmem:s16+$0x5550];
	(v2sf) =	vpush v25, $0x0  }
0x199: {  	v15 =	vperm.xlane v13, v3;
	v25 =	vsub.f32 v33, v30;
	v18 =	vld [tilespmem:s16+$0x5540];
	v17 =	vadd.f32 v17, v43  }
0x19a: {  	v31 =	vsub.f32 v31, v35;
	v28 =	vsub.f32 v36, v28;
	v16 =	vperm.xlane v14, v1;
	v30 =	vld [tilespmem:s16+$0x5530]  }
0x19b: {  	v27 =	vsub.f32 v27, v29;
	v20 =	vsub.f32 v41, v20;
	v33 =	vld [tilespmem:s16+$0x5520];
	v29 =	vperm.xlane v17, v4  }
0x19c: {  	s18 =	sadd.s32 $0x1, s18;
	v36 =	vsub.f32 v40, v38;
	v26 =	vsub.f32 v37, v26;
	v12 =	vsel vm0, v21, v12;
	v35 =	vld [tilespmem:s16+$0x5510]  }
0x19d: {  	v37 =	vmov s18;
	v19 =	vsub.f32 v39, v19;
	v21 =	vld [tilespmem:s16+$0x5500];
	v17 =	vadd.f32 v17, v29  }
0x19e: {  	vm1 =	veq.s32 v37, v0;
	v34 =	vadd.f32 $1.000000000e+00, v34;
	v38 =	vadd.f32 $1.000000000e+00, v42;
	v29 =	vld.idx.msk [tilespmem:v8+s15+$0xFFFFFFD0 ss:$0x1], $0xffff  }
0x19f: {  	v32 =	vadd.f32 $1.000000000e+00, v32;
	v18 =	vadd.f32 $1.000000000e+00, v18;
	v37 =	vld.idx.msk [tilespmem:v8+s15+$0xFFFFFFC0 ss:$0x1], $0xffff;
	v11 =	vsel vm1, v17, v11  }
0x1a0: {  	vm0 =	vmmov vm2;
	v30 =	vadd.f32 $1.000000000e+00, v30;
	v17 =	vadd.f32 $1.000000000e+00, v33;
	v33 =	vld.idx.msk [tilespmem:v8+s15+$0xFFFFFFB0 ss:$0x1], $0xffff  }
0x1a1: {  	v25 =	vmul.f32 v34, v25;
	v31 =	vmul.f32 v38, v31;
	v35 =	vadd.f32 $1.000000000e+00, v35;
	v39 =	vld.idx.msk [tilespmem:v8+s15+$0xFFFFFFA0 ss:$0x1], $0xffff  }
0x1a2: {  	v18 =	vmul.f32 v18, v27;
	v27 =	vmul.f32 v32, v28;
	v21 =	vadd.f32 $1.000000000e+00, v21;
	v34 =	vld.idx.msk [tilespmem:v8+s15+$0xFFFFFF90 ss:$0x1], $0xffff  }
0x1a3: {  	v22 =	vadd.f32 v22, v25;
	v20 =	vmul.f32 v30, v20;
	v17 =	vmul.f32 v17, v36;
	v28 =	vld.idx.msk [tilespmem:v7+s15+$0xFFFFFF90 ss:$0x1], $0xffff  }
0x1a4: {  	v23 =	vadd.f32 v23, v31;
	v24 =	vadd.f32 v24, v27;
	v26 =	vmul.f32 v35, v26;
	v25 =	vld.idx.msk [tilespmem:v6+s15+$0xFFFFFF90 ss:$0x1], $0xffff  }
0x1a5: {  	v35 =	vadd.f32 v29, v18;
	v19 =	vmul.f32 v21, v19;
	v32 =	vadd.f32 v37, v20;
	v21 =	vld.idx.msk [tilespmem:v7+s15+$0xFFFFFFA0 ss:$0x1], $0xffff  }
0x1a6: {  	v20 =	vmul.f32 $2.500000000e-01, v22;
	v33 =	vadd.f32 v33, v17;
	v17 =	vmul.f32 $2.500000000e-01, v23;
	v18 =	vld.idx.msk [tilespmem:v6+s15+$0xFFFFFFA0 ss:$0x1], $0xffff  }
0x1a7: {  	v29 =	vmul.f32 $2.500000000e-01, v24;
	v27 =	vmul.f32 $2.500000000e-01, v35;
	v26 =	vadd.f32 v39, v26;
	v36 =	vld.idx.msk [tilespmem:v7+s15+$0xFFFFFFB0 ss:$0x1], $0xffff;
	s16 =	spop (v2sf)  }
0x1a8: {  	v38 =	vmul.f32 $2.500000000e-01, v32;
	v34 =	vadd.f32 v34, v19;
	v19 =	vmul.f32 $2.500000000e-01, v33;
	v37 =	vld.idx.msk [tilespmem:v6+s15+$0xFFFFFFB0 ss:$0x1], $0xffff  }
0x1a9: {  	v20 =	vadd.f32 $1.258291200e+07, v20;
	v40 =	vadd.f32 $1.258291200e+07, v17;
	v39 =	vmul.f32 $2.500000000e-01, v26;
	v30 =	vld.idx.msk [tilespmem:v7+s15+$0xFFFFFFC0 ss:$0x1], $0xffff  }
0x1aa: {  	v29 =	vadd.f32 $1.258291200e+07, v29;
	v41 =	vadd.f32 $1.258291200e+07, v27;
	v17 =	vmul.f32 $2.500000000e-01, v34;
	v31 =	vld.idx.msk [tilespmem:v6+s15+$0xFFFFFFC0 ss:$0x1], $0xffff  }
0x1ab: {  	v38 =	vadd.f32 $1.258291200e+07, v38;
	v25 =	vmul.f32 v25, v28;
	v19 =	vadd.f32 $1.258291200e+07, v19;
	v27 =	vld.idx.msk [tilespmem:v7+s15+$0xFFFFFFD0 ss:$0x1], $0xffff  }
0x1ac: {  	v39 =	vadd.f32 $1.258291200e+07, v39;
	v42 =	vadd.f32 $1.258291200e+07, v17;
	v18 =	vmul.f32 v18, v21;
	v28 =	vld.idx.msk [tilespmem:v6+s15+$0xFFFFFFD0 ss:$0x1], $0xffff  }
0x1ad: {  	v20 =	vadd.f32 $-1.258291200e+07, v20;
	v25 =	vand.u32 $0x7FFFFFFF, v25;
	v21 =	vadd.f32 $-1.258291200e+07, v40;
	v17 =	vld.idx.msk [tilespmem:v7+s15+$0xFFFFFFE0 ss:$0x1], $0xffff  }
0x1ae: {  	v43 =	vadd.f32 $-1.258291200e+07, v29;
	v41 =	vadd.f32 $-1.258291200e+07, v41;
	v40 =	vand.u32 $0x7FFFFFFF, v18;
	v29 =	vld.idx.msk [tilespmem:v6+s15+$0xFFFFFFE0 ss:$0x1], $0xffff  }
0x1af: {  	v44 =	vadd.f32 $-1.258291200e+07, v19;
	v36 =	vmul.f32 v37, v36;
	v37 =	vadd.f32 $-1.258291200e+07, v38;
	v18 =	vld.idx.msk [tilespmem:v7+s15+$0xFFFFFFF0 ss:$0x1], $0xffff  }
0x1b0: {  	v38 =	vadd.f32 $-1.258291200e+07, v39;
	v39 =	vmul.f32 $4.000000000e+00, v21;
	v21 =	vmul.f32 $4.000000000e+00, v20;
	v19 =	vld.idx.msk [tilespmem:v6+s15+$0xFFFFFFF0 ss:$0x1], $0xffff  }
0x1b1: {  	v43 =	vmul.f32 $4.000000000e+00, v43;
	v41 =	vmul.f32 $4.000000000e+00, v41;
	v42 =	vadd.f32 $-1.258291200e+07, v42;
	v20 =	vld.idx.msk [tilespmem:v7+s15+$0x0 ss:$0x1], $0xffff  }
0x1b2: {  	v44 =	vmul.f32 $4.000000000e+00, v44;
	v37 =	vmul.f32 $4.000000000e+00, v37;
	v22 =	vsub.f32 v22, v21;
	v21 =	vld.idx.msk [tilespmem:v6+s15+$0x0 ss:$0x1], $0xffff  }
0x1b3: {  	v24 =	vsub.f32 v24, v43;
	v38 =	vmul.f32 $4.000000000e+00, v38;
	v23 =	vsub.f32 v23, v39  }
0x1b4: {  	v39 =	vmul.f32 $4.000000000e+00, v42;
	v32 =	vsub.f32 v32, v37;
	v37 =	vsub.f32 v35, v41  }
0x1b5: {  	v33 =	vsub.f32 v33, v44;
	v26 =	vsub.f32 v26, v38;
	v35 =	vand.u32 $0x7FFFFFFF, v36  }
0x1b6: {  	v34 =	vsub.f32 v34, v39;
	v23 =	vand.u32 $0x7FFFFFFF, v23;
	v22 =	vand.u32 $0x7FFFFFFF, v22  }
0x1b7: {  	v24 =	vand.u32 $0x7FFFFFFF, v24;
	v32 =	vand.u32 $0x7FFFFFFF, v32;
	v36 =	vand.u32 $0x7FFFFFFF, v37  }
0x1b8: {  	v33 =	vand.u32 $0x7FFFFFFF, v33;
	v38 =	vsub.f32 $2.000000000e+00, v23;
	v37 =	vsub.f32 $2.000000000e+00, v22  }
0x1b9: {  	v41 =	vsub.f32 $2.000000000e+00, v24;
	v34 =	vand.u32 $0x7FFFFFFF, v34;
	v39 =	vsub.f32 $2.000000000e+00, v36  }
0x1ba: {  	v26 =	vand.u32 $0x7FFFFFFF, v26;
	v42 =	vsub.f32 $2.000000000e+00, v34;
	v43 =	vsub.f32 $2.000000000e+00, v32  }
0x1bb: {  	s15 =	sshll.u32 s16, $0x9;
	v45 =	vsub.f32 $2.000000000e+00, v33;
	v44 =	vsub.f32 $2.000000000e+00, v26;
	v37 =	vmin.f32 v22, v37  }
0x1bc: {  	s16 =	sshra.s32 s15, $0x2;
	v41 =	vmin.f32 v24, v41;
	v38 =	vmin.f32 v23, v38;
	v22 =	vmin.f32 v34, v42  }
0x1bd: {  	v36 =	vmin.f32 v36, v39;
	v39 =	vmul.f32 v37, v37;
	v24 =	vmul.f32 v22, v22;
	v23 =	vld [tilespmem:s16+$0x3900]  }
0x1be: {  	v46 =	vmul.f32 v38, v38;
	v42 =	vmin.f32 v26, v44;
	v44 =	vmul.f32 v41, v41  }
0x1bf: {  	v43 =	vmin.f32 v32, v43;
	v47 =	vmul.f32 v42, v42;
	v26 =	vmul.f32 $4.333139860e-03, v24;
	v34 =	vld [tilespmem:s16+$0x3910]  }
0x1c0: {  	v33 =	vmin.f32 v33, v45;
	v45 =	vmul.f32 v43, v43;
	v48 =	vmul.f32 v36, v36  }
0x1c1: {  	v49 =	vmul.f32 v33, v33;
	v32 =	vmul.f32 $4.333139860e-03, v47;
	v26 =	vsub.f32 $7.943440970e-02, v26  }
0x1c2: {  	v50 =	vsub.f32 v25, v23;
	v23 =	vmul.f32 $4.333139860e-03, v46;
	v25 =	vmul.f32 $4.333139860e-03, v39  }
0x1c3: {  	v51 =	vmul.f32 $4.333139860e-03, v49;
	v32 =	vsub.f32 $7.943440970e-02, v32;
	v26 =	vmul.f32 v26, v24  }
0x1c4: {  	v52 =	vmul.f32 $4.333139860e-03, v44;
	v40 =	vsub.f32 v40, v34;
	v34 =	vmul.f32 $4.333139860e-03, v45  }
0x1c5: {  	v51 =	vsub.f32 $7.943440970e-02, v51;
	v32 =	vmul.f32 v32, v47;
	v26 =	vadd.f32 $-6.458928590e-01, v26  }
0x1c6: {  	v53 =	vmul.f32 $4.333139860e-03, v48;
	v54 =	vsub.f32 $7.943440970e-02, v25;
	v34 =	vsub.f32 $7.943440970e-02, v34  }
0x1c7: {  	v24 =	vmul.f32 v26, v24;
	v26 =	vadd.f32 $-6.458928590e-01, v32;
	v32 =	vmul.f32 v51, v49  }
0x1c8: {  	s17 =	sadd.s32 $0x1, s17;
	v51 =	vsub.f32 $7.943440970e-02, v53;
	v23 =	vsub.f32 $7.943440970e-02, v23;
	v34 =	vmul.f32 v34, v45  }
0x1c9: {  	v24 =	vadd.f32 $1.570791010e+00, v24;
	v47 =	vmul.f32 v26, v47;
	v32 =	vadd.f32 $-6.458928590e-01, v32;
	v25 =	vld [tilespmem:s17+$0x0]  }
0x1ca: {  	v52 =	vsub.f32 $7.943440970e-02, v52;
	v51 =	vmul.f32 v51, v48;
	v34 =	vadd.f32 $-6.458928590e-01, v34;
	v26 =	vld [tilespmem:s16+$0x3970]  }
0x1cb: {  	v22 =	vmul.f32 v24, v22;
	v24 =	vadd.f32 $1.570791010e+00, v47;
	v47 =	vmul.f32 v32, v49;
	v32 =	vld [tilespmem:s16+$0x3960]  }
0x1cc: {  	s8 =	sadd.s32 $0x1, s8;
	v49 =	vadd.f32 $-6.458928590e-01, v51;
	v51 =	vmul.f32 v52, v44;
	v45 =	vmul.f32 v34, v45;
	v34 =	vld [tilespmem:s16+$0x3950]  }
0x1cd: {  	v22 =	vadd.f32 $0.0e+00, v22;
	v24 =	vmul.f32 v24, v42;
	v42 =	vadd.f32 $1.570791010e+00, v47;
	v52 =	vld [tilespmem:s8+$0x0]  }
0x1ce: {  	v23 =	vmul.f32 v23, v46;
	v48 =	vmul.f32 v49, v48;
	v49 =	vadd.f32 $-6.458928590e-01, v51;
	v47 =	vld [tilespmem:s16+$0x3940]  }
0x1cf: {  	v24 =	vadd.f32 v24, v22;
	v33 =	vmul.f32 v42, v33;
	v42 =	vadd.f32 $1.570791010e+00, v45;
	v51 =	vld [tilespmem:s16+$0x3920]  }
0x1d0: {  	s15 =	sshra.s32 s20, $0x2;
	v53 =	vmul.f32 v54, v39;
	v44 =	vmul.f32 v49, v44;
	v49 =	vadd.f32 $-6.458928590e-01, v23;
	v45 =	vld [tilespmem:s16+$0x3930]  }
0x1d1: {  	v33 =	vadd.f32 v33, v24;
	v42 =	vmul.f32 v42, v43;
	v43 =	vadd.f32 $1.570791010e+00, v48;
	v22 =	vld.idx.msk [tilespmem:v8+s15+$0x0 ss:$0x1], $0xffff  }
0x1d2: {  	v46 =	vmul.f32 v49, v46;
	v48 =	vadd.f32 $-6.458928590e-01, v53;
	v23 =	vld.idx.msk [tilespmem:v8+s15+$0xFFFFFFF0 ss:$0x1], $0xffff;
	(v2sf) =	vpush v52, $0x0  }
0x1d3: {  	v42 =	vadd.f32 v42, v33;
	v36 =	vmul.f32 v43, v36;
	v43 =	vadd.f32 $1.570791010e+00, v44;
	v24 =	vld.idx.msk [tilespmem:v8+s15+$0xFFFFFFE0 ss:$0x1], $0xffff  }
0x1d4: {  	v39 =	vmul.f32 v48, v39;
	v33 =	vld.idx.msk [tilespmem:v10+s15+$0x30 ss:$0x1], $0xffff;
	v44 =	vsub.f32 v35, v51;
	v35 =	vmul.f32 v31, v30  }
0x1d5: {  	v36 =	vadd.f32 v36, v42;
	v41 =	vmul.f32 v43, v41;
	v42 =	vadd.f32 $1.570791010e+00, v46;
	v30 =	vld.idx.msk [tilespmem:v9+s15+$0x0 ss:$0x1], $0xffff  }
0x1d6: {  	v40 =	vmul.f32 v40, v40;
	v43 =	vmul.f32 v50, v50;
	v31 =	vld.idx.msk [tilespmem:v10+s15+$0x20 ss:$0x1], $0xffff;
	v46 =	vand.u32 $0x7FFFFFFF, v35  }
.Ltmp1:
0x1d7: {  	v39 =	vadd.f32 $1.570791010e+00, v39;
	v41 =	vadd.f32 v41, v36;
	v38 =	vmul.f32 v42, v38;
	v35 =	vld.idx.msk [tilespmem:v9+s15+$0xFFFFFFF0 ss:$0x1], $0xffff;
	(pc) =	sbr.rel @p0 .LBB2_6-.Ltmp1, $4  }
0x1d8: {  	v40 =	vadd.f32 v40, v43;
	v42 =	vmul.f32 v44, v44;
	v43 =	vmul.f32 v28, v27;
	v36 =	vld.idx.msk [tilespmem:v10+s15+$0x10 ss:$0x1], $0xffff  }
0x1d9: {  	v44 =	vsub.f32 v46, v45;
	v45 =	vmul.f32 v39, v37;
	v41 =	vadd.f32 v38, v41;
	v28 =	vld.idx.msk [tilespmem:v9+s15+$0xFFFFFFE0 ss:$0x1], $0xffff  }
0x1da: {  	v37 =	vadd.f32 v42, v40;
	v40 =	vand.u32 $0x7FFFFFFF, v43;
	v38 =	vmul.f32 v29, v17;
	v27 =	vld.idx.msk [tilespmem:v10+s15+$0x0 ss:$0x1], $0xffff  }
0x1db: {  	s20 =	sadd.s32 $0x200, s20;
	v39 =	vmul.f32 v44, v44;
	v40 =	vsub.f32 v40, v47;
	v17 =	vadd.f32 v45, v41;
	v29 =	vld.idx.msk [tilespmem:v9+s15+$0xFFFFFFD0 ss:$0x1], $0xffff  }
0x1dc: {  	_ =	sdelay $0x3  }
0x1dd: {  	v41 =	vld.idx.msk [tilespmem:v10+s15+$0xFFFFFFF0 ss:$0x1], $0xffff  }
0x1de: {  	v42 =	vld.idx.msk [tilespmem:v9+s15+$0xFFFFFFC0 ss:$0x1], $0xffff  }
0x1df: {  	v59 =	vld.idx.msk [tilespmem:v10+s15+$0xFFFFFFE0 ss:$0x1], $0xffff  }
0x1e0: {  	v61 =	vld.idx.msk [tilespmem:v9+s15+$0xFFFFFFB0 ss:$0x1], $0xffff  }
0x1e1: {  	v62 =	vld.idx.msk [tilespmem:v10+s15+$0xFFFFFFD0 ss:$0x1], $0xffff  }
0x1e2: {  	v63 =	vld.idx.msk [tilespmem:v9+s15+$0xFFFFFFA0 ss:$0x1], $0xffff  }
0x1e3: {  	v45 =	vld.idx.msk [tilespmem:v9+s15+$0xFFFFFF90 ss:$0x1], $0xffff  }
0x1e4: {  	v38 =	vand.u32 $0x7FFFFFFF, v38;
	v58 =	vld.idx.msk [tilespmem:v8+s15+$0xFFFFFFD0 ss:$0x1], $0xffff  }
0x1e5: {  	v14 =	vadd.f32 v16, v14;
	v13 =	vadd.f32 v15, v13;
	v60 =	vmul.f32 v40, v40;
	v40 =	vld.idx.msk [tilespmem:v10+s15+$0xFFFFFFC0 ss:$0x1], $0xffff  }
0x1e6: {  	v18 =	vmul.f32 v19, v18;
	v52 =	vsub.f32 v33, v30;
	v37 =	vadd.f32 v39, v37;
	v39 =	vld.idx.msk [tilespmem:v8+s15+$0xFFFFFF90 ss:$0x1], $0xffff;
	s8 =	spop (v2sf)  }
0x1e7: {  	v20 =	vmul.f32 v21, v20;
	v31 =	vsub.f32 v31, v35;
	v19 =	vsub.f32 v59, v61;
	v61 =	vld.idx.msk [tilespmem:v8+s15+$0xFFFFFFC0 ss:$0x1], $0xffff;
	s8 =	sshll.u32 s8, $0x9  }
0x1e8: {  	vm1 =	vmmov vm1;
	v34 =	vsub.f32 v38, v34;
	v21 =	vsub.f32 v62, v63;
	v62 =	vld.idx.msk [tilespmem:v8+s15+$0xFFFFFFB0 ss:$0x1], $0xffff;
	s8 =	sshra.s32 s8, $0x2  }
0x1e9: {  	vm1 =	vmmov vm1;
	v18 =	vand.u32 $0x7FFFFFFF, v18;
	v20 =	vand.u32 $0x7FFFFFFF, v20;
	v48 =	vld [tilespmem:s8+$0x5570]  }
0x1ea: {  	v46 =	vperm.xlane v14, v2;
	v47 =	vperm.xlane v13, v4;
	v28 =	vsub.f32 v36, v28;
	v49 =	vld [tilespmem:s8+$0x5560]  }
0x1eb: {  	s20 =	sadd.s32 $0x1, s18;
	v37 =	vadd.f32 v60, v37;
	v34 =	vmul.f32 v34, v34;
	v18 =	vsub.f32 v18, v32;
	v50 =	vld [tilespmem:s8+$0x5550]  }
0x1ec: {  	v43 =	vsub.f32 v20, v26;
	v60 =	vmov s20;
	v9 =	vadd.f32 v46, v14;
	v51 =	vld [tilespmem:s8+$0x5540]  }
0x1ed: {  	v26 =	vadd.f32 v47, v13;
	v44 =	vadd.f32 v34, v37;
	v18 =	vmul.f32 v18, v18;
	v53 =	vld [tilespmem:s8+$0x5530]  }
0x1ee: {  	v27 =	vsub.f32 v27, v29;
	vm13 =	veq.s32 v60, v0;
	(v2sf) =	vpush v25, $0x0;
	v54 =	vld [tilespmem:s8+$0x5520]  }
0x1ef: {  	v15 =	vmul.f32 v43, v43;
	v55 =	vsub.f32 v41, v42;
	v16 =	vadd.f32 v18, v44;
	v56 =	vld [tilespmem:s8+$0x5510]  }
0x1f0: {  	vm2 =	vmmov vm13;
	v13 =	vperm.xlane v9, v3;
	v20 =	vsub.f32 v40, v45;
	v57 =	vld [tilespmem:s8+$0x5500]  }
0x1f1: {  	v41 =	vld.idx.msk [tilespmem:v7+s15+$0xFFFFFF90 ss:$0x1], $0xffff;
	v10 =	vsel vm0, v26, v12;
	v14 =	vadd.f32 v15, v16;
	v18 =	vadd.f32 $1.000000000e+00, v49  }
0x1f2: {  	v42 =	vld.idx.msk [tilespmem:v6+s15+$0xFFFFFF90 ss:$0x1], $0xffff;
	vm2 =	vmmov vm2;
	v34 =	vadd.f32 $1.000000000e+00, v48;
	v16 =	vadd.f32 $1.000000000e+00, v51  }
0x1f3: {  	v45 =	vld.idx.msk [tilespmem:v7+s15+$0xFFFFFFA0 ss:$0x1], $0xffff;
	v15 =	vperm.xlane v14, v1;
	v59 =	vadd.f32 $1.000000000e+00, v50;
	v33 =	vadd.f32 $1.000000000e+00, v54  }
0x1f4: {  	v30 =	vadd.f32 $1.000000000e+00, v53;
	v29 =	vadd.f32 $1.000000000e+00, v56;
	v48 =	vld.idx.msk [tilespmem:v6+s15+$0xFFFFFFA0 ss:$0x1], $0xffff;
	v18 =	vmul.f32 v18, v31  }
0x1f5: {  	v32 =	vadd.f32 $1.000000000e+00, v57;
	v51 =	vld.idx.msk [tilespmem:v7+s15+$0xFFFFFFB0 ss:$0x1], $0xffff;
	v25 =	vmul.f32 v34, v52;
	v16 =	vmul.f32 v16, v27  }
0x1f6: {  	v53 =	vld.idx.msk [tilespmem:v6+s15+$0xFFFFFFB0 ss:$0x1], $0xffff;
	v14 =	vadd.f32 v15, v14;
	v26 =	vmul.f32 v59, v28;
	v19 =	vmul.f32 v33, v19  }
0x1f7: {  	v63 =	vld.idx.msk [tilespmem:v8+s15+$0xFFFFFFA0 ss:$0x1], $0xffff;
	v40 =	vmul.f32 v30, v55;
	v21 =	vmul.f32 v29, v21;
	v22 =	vadd.f32 v22, v25  }
0x1f8: {  	v20 =	vmul.f32 v32, v20;
	v24 =	vadd.f32 v24, v26;
	v18 =	vadd.f32 v23, v18  }
0x1f9: {  	v25 =	vadd.f32 v61, v40;
	v12 =	vadd.f32 v58, v16;
	v16 =	vmul.f32 v42, v41  }
0x1fa: {  	v8 =	vadd.f32 v39, v20;
	v39 =	vperm.xlane v14, v2;
	v28 =	vmul.f32 v48, v45  }
0x1fb: {  	v19 =	vadd.f32 v62, v19;
	v45 =	vmul.f32 v53, v51;
	v43 =	vmul.f32 $2.500000000e-01, v18  }
0x1fc: {  	v56 =	vld.idx.msk [tilespmem:v6+s15+$0xFFFFFFC0 ss:$0x1], $0xffff;
	v21 =	vadd.f32 v63, v21;
	v44 =	vmul.f32 $2.500000000e-01, v22;
	v46 =	vmul.f32 $2.500000000e-01, v12  }
0x1fd: {  	v9 =	vadd.f32 v13, v9;
	v55 =	vld.idx.msk [tilespmem:v7+s15+$0xFFFFFFC0 ss:$0x1], $0xffff;
	v47 =	vmul.f32 $2.500000000e-01, v24;
	v49 =	vmul.f32 $2.500000000e-01, v19  }
0x1fe: {  	v60 =	vld.idx.msk [tilespmem:v7+s15+$0xFFFFFFE0 ss:$0x1], $0xffff;
	v50 =	vmul.f32 $2.500000000e-01, v25;
	v52 =	vmul.f32 $2.500000000e-01, v21;
	v14 =	vadd.f32 v39, v14  }
0x1ff: {  	v59 =	vld.idx.msk [tilespmem:v6+s15+$0xFFFFFFD0 ss:$0x1], $0xffff;
	v54 =	vmul.f32 $2.500000000e-01, v8;
	v26 =	vadd.f32 $1.258291200e+07, v43;
	v27 =	vadd.f32 $1.258291200e+07, v44  }
0x200: {  	v58 =	vld.idx.msk [tilespmem:v7+s15+$0xFFFFFFD0 ss:$0x1], $0xffff;
	v16 =	vand.u32 $0x7FFFFFFF, v16;
	v29 =	vadd.f32 $1.258291200e+07, v46;
	v30 =	vadd.f32 $1.258291200e+07, v47  }
0x201: {  	v63 =	vld.idx.msk [tilespmem:v6+s15+$0xFFFFFFE0 ss:$0x1], $0xffff;
	v28 =	vand.u32 $0x7FFFFFFF, v28;
	v20 =	vadd.f32 $1.258291200e+07, v49;
	v32 =	vadd.f32 $1.258291200e+07, v50  }
0x202: {  	v51 =	vmul.f32 v56, v55;
	v57 =	vadd.f32 $1.258291200e+07, v54;
	v34 =	vadd.f32 $1.258291200e+07, v52  }
0x203: {  	v48 =	vld.idx.msk [tilespmem:v6+s15+$0xFFFFFFF0 ss:$0x1], $0xffff;
	s16 =	spop (v2sf);
	v49 =	vand.u32 $0x7FFFFFFF, v45;
	v26 =	vadd.f32 $-1.258291200e+07, v26;
	v27 =	vadd.f32 $-1.258291200e+07, v27  }
0x204: {  	v6 =	vld.idx.msk [tilespmem:v6+s15+$0x0 ss:$0x1], $0xffff;
	s16 =	sshll.u32 s16, $0x9;
	v45 =	vperm.xlane v14, v3;
	v29 =	vadd.f32 $-1.258291200e+07, v29;
	v30 =	vadd.f32 $-1.258291200e+07, v30  }
0x205: {  	v46 =	vld.idx.msk [tilespmem:v7+s15+$0xFFFFFFF0 ss:$0x1], $0xffff;
	s16 =	sshra.s32 s16, $0x2;
	v31 =	vmul.f32 v59, v58;
	v20 =	vadd.f32 $-1.258291200e+07, v20;
	v32 =	vadd.f32 $-1.258291200e+07, v32  }
0x206: {  	v55 =	vmul.f32 v63, v60;
	v34 =	vadd.f32 $-1.258291200e+07, v34;
	v61 =	vld [tilespmem:s16+$0x3900];
	v23 =	vadd.f32 $-1.258291200e+07, v57  }
0x207: {  	v62 =	vld [tilespmem:s16+$0x3910];
	v14 =	vadd.f32 v45, v14;
	v54 =	vand.u32 $0x7FFFFFFF, v31;
	v27 =	vmul.f32 $4.000000000e+00, v27  }
0x208: {  	v7 =	vld.idx.msk [tilespmem:v7+s15+$0x0 ss:$0x1], $0xffff;
	v57 =	vand.u32 $0x7FFFFFFF, v55;
	v26 =	vmul.f32 $4.000000000e+00, v26;
	v30 =	vmul.f32 $4.000000000e+00, v30  }
0x209: {  	v44 =	vld [tilespmem:s16+$0x3920];
	v29 =	vmul.f32 $4.000000000e+00, v29;
	v32 =	vmul.f32 $4.000000000e+00, v32;
	v22 =	vsub.f32 v22, v27  }
0x20a: {  	v47 =	vld [tilespmem:s16+$0x3930];
	v20 =	vmul.f32 $4.000000000e+00, v20;
	v24 =	vsub.f32 v24, v30;
	v18 =	vsub.f32 v18, v26  }
0x20b: {  	v50 =	vld [tilespmem:s16+$0x3940];
	v43 =	vmul.f32 $4.000000000e+00, v34;
	v25 =	vsub.f32 v25, v32;
	v12 =	vsub.f32 v12, v29  }
0x20c: {  	v52 =	vld [tilespmem:s16+$0x3950];
	v23 =	vmul.f32 $4.000000000e+00, v23;
	v16 =	vsub.f32 v16, v61;
	v28 =	vsub.f32 v28, v62  }
0x20d: {  	v6 =	vmul.f32 v6, v7;
	v21 =	vsub.f32 v21, v43;
	v19 =	vsub.f32 v19, v20  }
0x20e: {  	v26 =	vsub.f32 v49, v44;
	v16 =	vmul.f32 v16, v16;
	v28 =	vmul.f32 v28, v28  }
0x20f: {  	v8 =	vsub.f32 v8, v23;
	v30 =	vand.u32 $0x7FFFFFFF, v51;
	v27 =	vmul.f32 v48, v46  }
0x210: {  	v20 =	vsub.f32 v30, v47;
	v26 =	vmul.f32 v26, v26;
	v16 =	vadd.f32 v28, v16  }
0x211: {  	v53 =	vld [tilespmem:s16+$0x3960];
	v51 =	vperm.xlane v9, v4;
	v23 =	vsub.f32 v54, v50;
	v59 =	vsub.f32 v57, v52  }
0x212: {  	s8 =	sadd.s32 $0x1, s20;
	v56 =	vld [tilespmem:s16+$0x3970];
	v6 =	vand.u32 $0x7FFFFFFF, v6;
	v20 =	vmul.f32 v20, v20;
	v16 =	vadd.f32 v26, v16  }
0x213: {  	v54 =	vmov s8;
	v18 =	vand.u32 $0x7FFFFFFF, v18;
	v22 =	vand.u32 $0x7FFFFFFF, v22  }
0x214: {  	v25 =	vand.u32 $0x7FFFFFFF, v25;
	v58 =	vmul.f32 v23, v23;
	v16 =	vadd.f32 v20, v16  }
0x215: {  	v12 =	vand.u32 $0x7FFFFFFF, v12;
	v7 =	vand.u32 $0x7FFFFFFF, v27;
	v61 =	vand.u32 $0x7FFFFFFF, v24  }
0x216: {  	v60 =	vmul.f32 v59, v59;
	v7 =	vsub.f32 v7, v53;
	v16 =	vadd.f32 v58, v16  }
0x217: {  	v6 =	vsub.f32 v6, v56;
	v8 =	vand.u32 $0x7FFFFFFF, v8;
	v9 =	vadd.f32 v51, v9  }
0x218: {  	v62 =	vsub.f32 $2.000000000e+00, v18;
	v7 =	vmul.f32 v7, v7;
	v16 =	vadd.f32 v60, v16  }
0x219: {  	v21 =	vand.u32 $0x7FFFFFFF, v21;
	v63 =	vsub.f32 $2.000000000e+00, v22;
	v32 =	vsub.f32 $2.000000000e+00, v12  }
0x21a: {  	v33 =	vsub.f32 $2.000000000e+00, v61;
	v6 =	vmul.f32 v6, v6;
	v7 =	vadd.f32 v7, v16  }
0x21b: {  	v19 =	vand.u32 $0x7FFFFFFF, v19;
	v34 =	vsub.f32 $2.000000000e+00, v8;
	v35 =	vsub.f32 $2.000000000e+00, v25  }
0x21c: {  	vm14 =	veq.s32 v54, v0;
	v36 =	vsub.f32 $2.000000000e+00, v21;
	v6 =	vadd.f32 v6, v7  }
0x21d: {  	v53 =	vperm.xlane v14, v4;
	vm15 =	vmmov vm14;
	v9 =	vsel vm1, v9, v10  }
0x21e: {  	v8 =	vmin.f32 v8, v34;
	v12 =	vmin.f32 v12, v32;
	v37 =	vperm.xlane v6, v1  }
0x21f: {  	v40 =	vmin.f32 v21, v36;
	v25 =	vmin.f32 v25, v35;
	v14 =	vadd.f32 v53, v14  }
0x220: {  	v38 =	vmul.f32 v8, v8;
	v29 =	vmul.f32 v40, v40;
	v6 =	vadd.f32 v37, v6  }
0x221: {  	v18 =	vmin.f32 v18, v62;
	v44 =	vmul.f32 v25, v25;
	v46 =	vmul.f32 v12, v12  }
0x222: {  	v26 =	vmul.f32 v18, v18;
	v9 =	vsel vm2, v14, v9;
	v43 =	vperm.xlane v6, v2  }
0x223: {  	vm2 =	vmmov vm15;
	v42 =	vmul.f32 $4.333139860e-03, v38;
	v47 =	vmul.f32 $4.333139860e-03, v29  }
0x224: {  	v20 =	vmin.f32 v22, v63;
	v50 =	vmul.f32 $4.333139860e-03, v26;
	v6 =	vadd.f32 v43, v6  }
0x225: {  	v23 =	vmul.f32 v20, v20;
	v27 =	vsub.f32 $7.943440970e-02, v42;
	v7 =	vsub.f32 $2.000000000e+00, v19  }
0x226: {  	v56 =	vsub.f32 $7.943440970e-02, v47;
	v58 =	vmul.f32 $4.333139860e-03, v44;
	v49 =	vperm.xlane v6, v3  }
0x227: {  	v63 =	vsub.f32 $7.943440970e-02, v50;
	v27 =	vmul.f32 v27, v38;
	v7 =	vmin.f32 v19, v7  }
0x228: {  	v52 =	vmul.f32 $4.333139860e-03, v23;
	v48 =	vmul.f32 v7, v7;
	v6 =	vadd.f32 v49, v6  }
0x229: {  	v10 =	vmul.f32 v56, v29;
	v60 =	vmul.f32 $4.333139860e-03, v46;
	v27 =	vadd.f32 $-6.458928590e-01, v27  }
0x22a: {  	v16 =	vmin.f32 v61, v33;
	v57 =	vmul.f32 $4.333139860e-03, v48;
	v55 =	vperm.xlane v6, v4  }
0x22b: {  	v10 =	vadd.f32 $-6.458928590e-01, v10;
	v61 =	vsub.f32 $7.943440970e-02, v52;
	v41 =	vmul.f32 v16, v16  }
0x22c: {  	v36 =	vmul.f32 v63, v26;
	v14 =	vsub.f32 $7.943440970e-02, v57;
	v6 =	vadd.f32 v55, v6  }
0x22d: {  	v62 =	vsub.f32 $7.943440970e-02, v60;
	v22 =	vmul.f32 v27, v38;
	v59 =	vmul.f32 $4.333139860e-03, v41  }
0x22e: {  	v14 =	vmul.f32 v14, v48;
	v6 =	vsel vm2, v6, v9;
	v9 =	vsub.f32 $7.943440970e-02, v58  }
0x22f: {  	v10 =	vmul.f32 v10, v29;
	v38 =	vadd.f32 $-6.458928590e-01, v36;
	v22 =	vadd.f32 $1.570791010e+00, v22  }
0x230: {  	v28 =	vsub.f32 $7.943440970e-02, v59;
	v14 =	vadd.f32 $-6.458928590e-01, v14;
	v9 =	vmul.f32 v9, v44  }
0x231: {  	v27 =	vmul.f32 v62, v46;
	v10 =	vadd.f32 $1.570791010e+00, v10;
	v8 =	vmul.f32 v22, v8  }
0x232: {  	v34 =	vmul.f32 v28, v41;
	v13 =	vmul.f32 v14, v48;
	v9 =	vadd.f32 $-6.458928590e-01, v9  }
0x233: {  	v33 =	vadd.f32 $-6.458928590e-01, v27;
	v10 =	vmul.f32 v10, v40;
	v8 =	vadd.f32 $0.0e+00, v8  }
0x234: {  	v35 =	vadd.f32 $-6.458928590e-01, v34;
	v13 =	vadd.f32 $1.570791010e+00, v13;
	v9 =	vmul.f32 v9, v44  }
0x235: {  	v39 =	vmul.f32 v61, v23;
	v8 =	vadd.f32 v10, v8;
	v14 =	vmul.f32 v33, v46  }
0x236: {  	v37 =	vmul.f32 v35, v41;
	v7 =	vmul.f32 v13, v7;
	v9 =	vadd.f32 $1.570791010e+00, v9  }
0x237: {  	v14 =	vadd.f32 $1.570791010e+00, v14;
	v40 =	vshrl.u32 v6, $0x1;
	v41 =	vmul.f32 $5.000000000e-01, v6  }
0x238: {  	v7 =	vadd.f32 v7, v8;
	v8 =	vsub.s32 $0x5F3759DF, v40;
	v9 =	vmul.f32 v9, v25  }
0x239: {  	v15 =	vadd.f32 $-6.458928590e-01, v39;
	v10 =	vadd.f32 $1.570791010e+00, v37;
	v42 =	vmul.f32 v8, v41  }
0x23a: {  	v13 =	vmul.f32 v38, v26;
	v43 =	vmul.f32 v14, v12;
	v7 =	vadd.f32 v9, v7  }
0x23b: {  	v46 =	vmul.f32 v10, v16;
	v45 =	vmul.f32 v8, v42  }
0x23c: {  	v47 =	vadd.f32 $1.570791010e+00, v13;
	v44 =	vmul.f32 v15, v23;
	v7 =	vadd.f32 v43, v7  }
0x23d: {  	v48 =	vsub.f32 $1.500000000e+00, v45  }
0x23e: {  	v49 =	vmul.f32 v47, v18;
	v50 =	vadd.f32 $1.570791010e+00, v44;
	v7 =	vadd.f32 v46, v7  }
0x23f: {  	v8 =	vmul.f32 v8, v48  }
0x240: {  	v51 =	vmul.f32 v50, v20;
	v7 =	vadd.f32 v49, v7  }
0x241: {  	v52 =	vmul.f32 v8, v41  }
0x242: {  	v7 =	vadd.f32 v51, v7  }
0x243: {  	v53 =	vperm.xlane v17, v1;
	v10 =	vmul.f32 v52, v8  }
0x244: {  	v54 =	vperm.xlane v7, v1  }
0x245: {  	v9 =	vadd.f32 v17, v53;
	v10 =	vsub.f32 $1.500000000e+00, v10  }
0x246: {  	v7 =	vadd.f32 v7, v54  }
0x247: {  	v55 =	vperm.xlane v9, v2;
	v8 =	vmul.f32 v10, v8  }
0x248: {  	v56 =	vperm.xlane v7, v2  }
0x249: {  	v9 =	vadd.f32 v9, v55;
	v57 =	vmul.f32 v8, v41  }
0x24a: {  	v7 =	vadd.f32 v7, v56  }
0x24b: {  	v58 =	vperm.xlane v9, v3;
	v12 =	vmul.f32 v57, v8  }
0x24c: {  	v59 =	vperm.xlane v7, v3  }
0x24d: {  	v9 =	vadd.f32 v9, v58;
	v60 =	vsub.f32 $1.500000000e+00, v12  }
0x24e: {  	v7 =	vadd.f32 v7, v59  }
0x24f: {  	v61 =	vperm.xlane v9, v4;
	v8 =	vmul.f32 v60, v8  }
0x250: {  	v62 =	vperm.xlane v7, v4  }
0x251: {  	v9 =	vadd.f32 v9, v61;
	v6 =	vmul.f32 v8, v6  }
0x252: {  	v7 =	vadd.f32 v7, v62  }
.Ltmp2:
0x253: {  	v63 =	vsel vm13, v9, v11;
	v6 =	vmul.f32 $5.000000000e-01, v6;
	(pc) =	sbr.rel @p1 .LBB2_5-.Ltmp2, $3  }
0x254: {  	v7 =	vsel vm14, v7, v63  }
0x255: {  	v6 =	vadd.f32 v6, v7;
	_ =	sdelay $0x1  }
0x256: {  	p0 =	por $0x0, $0x0;
	s8 =	simm.s32 $0x1;
	[tilespmem:v5+s14+$0x0 ss:$0x1] =	vst.idx.msk $0xffff, v6  }
0x257: {  	s14 =	sshll.u32 s21, $0x1  }
0x258: {  	s8 =	smin.u32 s14, $0x1D  }
0x259: {  	s8 =	sshll.u32 s8, $0x7  }
0x25a: {  	s15 =	sadd.s32 $0x100, s8  }
0x25b: {  	[tilespmem:s26], [sflag:$0x1] =	stream.indirect.gather [hbm4b:s0+s25], $0x80, s15, s25, $0xb8;
	[tilespmem:$0x1B100] =	vst v63  }
0x25c: {  	s16 =	sadd.s32 $0x2100, s8  }
0x25d: {  	[tilespmem:s28], [sflag:$0x1] =	stream.indirect.gather [hbm4b:s0+s25], $0x80, s16, s25, $0xb8;
	[tilespmem:$0x1B100] =	vst v63  }
0x25e: {  	_ = 	snop  }
0x25f: {  	[tilespmem:s29], [sflag:$0x1] =	stream.indirect.gather [hbm4b:s4+s25], $0x80, s15, s25, $0xb8;
	[tilespmem:$0x1B100] =	vst v63  }
0x260: {  	s8 =	sadd.s32 $0x1100, s8  }
0x261: {  	[tilespmem:s30], [sflag:$0x1] =	stream.indirect.gather [hbm4b:s2+s25], $0x80, s8, s25, $0xb8;
	[tilespmem:$0x1B100] =	vst v63  }
0x262: {  	_ = 	snop  }
0x263: {  	[tilespmem:s31], [sflag:$0x1] =	stream.indirect.gather [hbm4b:s3+s25], $0x80, s8, s25, $0xb8;
	[tilespmem:$0x1B100] =	vst v63  }
0x264: {  	_ =	swait.ge [sflag:s7], $0x1000  }
0x265: {  	[sflag:s7] =	ssyncset.done $0x0  }
0x266: {  	[sflag:s7] =	ssyncadd.s32 $0xFFFFF000  }
0x267: {  	_ =	swait.ge [sflag:s7], $0x1000  }
0x268: {  	[sflag:s7] =	ssyncset.done $0x0  }
0x269: {  	[sflag:s7] =	ssyncadd.s32 $0xFFFFF000  }
0x26a: {  	_ =	swait.ge [sflag:s7], $0x1000  }
0x26b: {  	[sflag:s7] =	ssyncset.done $0x0  }
0x26c: {  	[sflag:s7] =	ssyncadd.s32 $0xFFFFF000  }
0x26d: {  	_ =	swait.ge [sflag:s7], $0x1000  }
0x26e: {  	[sflag:s7] =	ssyncset.done $0x0  }
0x26f: {  	s20 =	sor.u32 $0x20, s13;
	[sflag:s7] =	ssyncadd.s32 $0xFFFFF000  }
0x270: {  	s8 =	sand.u32 $0x3FFFFFE0, s20;
	_ =	swait.ge [sflag:s7], $0x1000  }
0x271: {  	s13 =	simm.s32 $0x0;
	s8 =	sadd.s32 $0x1AD00, s8;
	[sflag:s7] =	ssyncset.done $0x0  }
0x272: {  	p0 =	por $0x1, $0x1;
	v5 =	vmov s8;
	s8 =	simm.s32 $0x0;
	[sflag:s7] =	ssyncadd.s32 $0xFFFFF000  }
.LBB2_9:
0x273: {  	s15 =	sshll.u32 s8, $0xB  }
0x274: {  	s18 =	sshll.u32 s8, $0x4;
	s17 =	sand.u32 $0x3FFFF800, s15  }
0x275: {  	s18 =	sand.u32 $0x3FFFFFF0, s18;
	s19 =	sadd.s32 $0x17D70, s17  }
0x276: {  	s15 =	sadd.s32 s18, s11;
	v8 =	vmov s19  }
0x277: {  	v6 =	vld [tilespmem:s15+$0x0]  }
0x278: {  	s16 =	sadd.s32 $0x11D00, s17  }
0x279: {  	s8 =	sadd.s32 s18, s12;
	v10 =	vmov s16  }
0x27a: {  	v7 =	vld [tilespmem:s8+$0x0];
	s16 =	simm.s32 $0x0  }
0x27b: {  	v11 =	vld.idx.msk [tilespmem:v8+s16+$0x0 ss:$0x1], $0xffff  }
0x27c: {  	v12 =	vld.idx.msk [tilespmem:v8+s16+$0xFFFFFFF0 ss:$0x1], $0xffff;
	(v2sf) =	vpush v6, $0x0  }
0x27d: {  	v13 =	vld.idx.msk [tilespmem:v8+s16+$0xFFFFFFE0 ss:$0x1], $0xffff  }
0x27e: {  	v6 =	vld.idx.msk [tilespmem:v10+s16+$0x70 ss:$0x1], $0xffff  }
0x27f: {  	v15 =	vld.idx.msk [tilespmem:v10+s16+$0x60 ss:$0x1], $0xffff  }
0x280: {  	s19 =	sadd.s32 $0x13D70, s17;
	v17 =	vld.idx.msk [tilespmem:v10+s16+$0x50 ss:$0x1], $0xffff  }
0x281: {  	v9 =	vmov s19;
	v19 =	vld.idx.msk [tilespmem:v10+s16+$0x40 ss:$0x1], $0xffff  }
0x282: {  	v21 =	vld.idx.msk [tilespmem:v10+s16+$0x30 ss:$0x1], $0xffff  }
0x283: {  	v23 =	vld.idx.msk [tilespmem:v10+s16+$0x20 ss:$0x1], $0xffff  }
0x284: {  	v25 =	vld.idx.msk [tilespmem:v10+s16+$0x10 ss:$0x1], $0xffff  }
0x285: {  	v27 =	vld.idx.msk [tilespmem:v10+s16+$0x0 ss:$0x1], $0xffff  }
0x286: {  	v14 =	vld.idx.msk [tilespmem:v9+s16+$0x0 ss:$0x1], $0xffff  }
0x287: {  	v16 =	vld.idx.msk [tilespmem:v9+s16+$0xFFFFFFF0 ss:$0x1], $0xffff  }
0x288: {  	v18 =	vld.idx.msk [tilespmem:v9+s16+$0xFFFFFFE0 ss:$0x1], $0xffff  }
0x289: {  	v20 =	vld.idx.msk [tilespmem:v9+s16+$0xFFFFFFD0 ss:$0x1], $0xffff  }
0x28a: {  	v22 =	vld.idx.msk [tilespmem:v9+s16+$0xFFFFFFC0 ss:$0x1], $0xffff  }
0x28b: {  	v24 =	vld.idx.msk [tilespmem:v9+s16+$0xFFFFFFB0 ss:$0x1], $0xffff;
	s20 =	spop (v2sf)  }
0x28c: {  	v26 =	vld.idx.msk [tilespmem:v9+s16+$0xFFFFFFA0 ss:$0x1], $0xffff;
	s19 =	sshll.u32 s20, $0x9  }
0x28d: {  	v28 =	vld.idx.msk [tilespmem:v9+s16+$0xFFFFFF90 ss:$0x1], $0xffff;
	s19 =	sshra.s32 s19, $0x2  }
0x28e: {  	v29 =	vld [tilespmem:s19+$0x5570]  }
0x28f: {  	v30 =	vld [tilespmem:s19+$0x5560]  }
0x290: {  	v31 =	vld [tilespmem:s19+$0x5550]  }
0x291: {  	(v2sf) =	vpush v7, $0x0;
	v32 =	vld [tilespmem:s19+$0x5540]  }
0x292: {  	v14 =	vsub.f32 v6, v14;
	v17 =	vsub.f32 v17, v18;
	v33 =	vld [tilespmem:s19+$0x5530]  }
0x293: {  	v15 =	vsub.f32 v15, v16;
	v18 =	vsub.f32 v21, v22;
	v16 =	vld [tilespmem:s19+$0x5520]  }
0x294: {  	v19 =	vsub.f32 v19, v20;
	v21 =	vsub.f32 v25, v26;
	v20 =	vld [tilespmem:s19+$0x5510]  }
0x295: {  	v22 =	vsub.f32 v23, v24;
	v24 =	vsub.f32 v27, v28;
	s20 =	sadd.s32 $0x15D70, s17;
	v23 =	vld [tilespmem:s19+$0x5500]  }
0x296: {  	v25 =	vld.idx.msk [tilespmem:v8+s16+$0xFFFFFFD0 ss:$0x1], $0xffff;
	s17 =	sadd.s32 $0x19D70, s17;
	v7 =	vmov s20;
	v26 =	vadd.f32 $1.000000000e+00, v30;
	v27 =	vadd.f32 $1.000000000e+00, v29  }
0x297: {  	v28 =	vld.idx.msk [tilespmem:v8+s16+$0xFFFFFFC0 ss:$0x1], $0xffff;
	v6 =	vmov s17;
	v29 =	vadd.f32 $1.000000000e+00, v32;
	v30 =	vadd.f32 $1.000000000e+00, v31  }
0x298: {  	v16 =	vadd.f32 $1.000000000e+00, v16;
	v31 =	vld.idx.msk [tilespmem:v8+s16+$0xFFFFFFB0 ss:$0x1], $0xffff;
	v52 =	vadd.f32 $1.000000000e+00, v33;
	v15 =	vmul.f32 v26, v15  }
0x299: {  	v20 =	vadd.f32 $1.000000000e+00, v20;
	v26 =	vld.idx.msk [tilespmem:v8+s16+$0xFFFFFFA0 ss:$0x1], $0xffff;
	v14 =	vmul.f32 v27, v14;
	v17 =	vmul.f32 v30, v17  }
0x29a: {  	s15 =	sadd.s32 $0x1, s15;
	v23 =	vadd.f32 $1.000000000e+00, v23;
	v27 =	vld.idx.msk [tilespmem:v8+s16+$0xFFFFFF90 ss:$0x1], $0xffff;
	v19 =	vmul.f32 v29, v19;
	v18 =	vmul.f32 v52, v18  }
0x29b: {  	v59 =	vld [tilespmem:s15+$0x0];
	v16 =	vmul.f32 v16, v22;
	v11 =	vadd.f32 v11, v14;
	v12 =	vadd.f32 v12, v15  }
0x29c: {  	v14 =	vmul.f32 v20, v21;
	v15 =	vadd.f32 v28, v18;
	v18 =	vadd.f32 v25, v19  }
0x29d: {  	v13 =	vadd.f32 v13, v17;
	v17 =	vmul.f32 v23, v24;
	v19 =	vmul.f32 $2.500000000e-01, v12  }
0x29e: {  	v16 =	vadd.f32 v31, v16;
	v20 =	vmul.f32 $2.500000000e-01, v11;
	v21 =	vmul.f32 $2.500000000e-01, v18  }
0x29f: {  	v22 =	vmul.f32 $2.500000000e-01, v13;
	v14 =	vadd.f32 v26, v14;
	v17 =	vadd.f32 v27, v17  }
0x2a0: {  	v24 =	vmul.f32 $2.500000000e-01, v15;
	s19 =	spop (v2sf);
	(v2sf) =	vpush v59, $0x0;
	v19 =	vadd.f32 $1.258291200e+07, v19  }
0x2a1: {  	v23 =	vmul.f32 $2.500000000e-01, v16;
	v20 =	vadd.f32 $1.258291200e+07, v20;
	v21 =	vadd.f32 $1.258291200e+07, v21  }
0x2a2: {  	v22 =	vadd.f32 $1.258291200e+07, v22;
	v24 =	vadd.f32 $1.258291200e+07, v24  }
0x2a3: {  	v25 =	vmul.f32 $2.500000000e-01, v17;
	v23 =	vadd.f32 $1.258291200e+07, v23;
	v19 =	vadd.f32 $-1.258291200e+07, v19  }
0x2a4: {  	v26 =	vmul.f32 $2.500000000e-01, v14;
	v20 =	vadd.f32 $-1.258291200e+07, v20;
	v21 =	vadd.f32 $-1.258291200e+07, v21  }
0x2a5: {  	v28 =	vld.idx.msk [tilespmem:v6+s16+$0xFFFFFF90 ss:$0x1], $0xffff;
	v22 =	vadd.f32 $-1.258291200e+07, v22;
	v24 =	vadd.f32 $-1.258291200e+07, v24  }
0x2a6: {  	v27 =	vld.idx.msk [tilespmem:v7+s16+$0xFFFFFF90 ss:$0x1], $0xffff;
	v25 =	vadd.f32 $1.258291200e+07, v25;
	v26 =	vadd.f32 $1.258291200e+07, v26;
	v19 =	vmul.f32 $4.000000000e+00, v19  }
0x2a7: {  	v23 =	vadd.f32 $-1.258291200e+07, v23;
	v20 =	vmul.f32 $4.000000000e+00, v20;
	v21 =	vmul.f32 $4.000000000e+00, v21  }
0x2a8: {  	v22 =	vmul.f32 $4.000000000e+00, v22;
	v24 =	vmul.f32 $4.000000000e+00, v24;
	v25 =	vadd.f32 $-1.258291200e+07, v25  }
0x2a9: {  	v26 =	vadd.f32 $-1.258291200e+07, v26;
	v23 =	vmul.f32 $4.000000000e+00, v23;
	v11 =	vsub.f32 v11, v20  }
0x2aa: {  	v29 =	vld.idx.msk [tilespmem:v7+s16+$0xFFFFFFA0 ss:$0x1], $0xffff;
	v13 =	vsub.f32 v13, v22;
	v12 =	vsub.f32 v12, v19;
	v19 =	vmul.f32 $4.000000000e+00, v25  }
0x2ab: {  	v30 =	vld.idx.msk [tilespmem:v6+s16+$0xFFFFFFA0 ss:$0x1], $0xffff;
	v15 =	vsub.f32 v15, v24;
	v22 =	vmul.f32 v28, v27;
	v18 =	vsub.f32 v18, v21  }
0x2ac: {  	v20 =	vmul.f32 $4.000000000e+00, v26;
	v16 =	vsub.f32 v16, v23;
	v17 =	vsub.f32 v17, v19  }
0x2ad: {  	v12 =	vand.u32 $0x7FFFFFFF, v12;
	v11 =	vand.u32 $0x7FFFFFFF, v11;
	v15 =	vand.u32 $0x7FFFFFFF, v15  }
0x2ae: {  	v18 =	vand.u32 $0x7FFFFFFF, v18;
	v14 =	vsub.f32 v14, v20;
	v17 =	vand.u32 $0x7FFFFFFF, v17  }
0x2af: {  	v13 =	vand.u32 $0x7FFFFFFF, v13;
	v22 =	vand.u32 $0x7FFFFFFF, v22;
	v25 =	vsub.f32 $2.000000000e+00, v17  }
0x2b0: {  	s8 =	sadd.s32 $0x1, s8;
	v20 =	vmul.f32 v30, v29;
	v19 =	vsub.f32 $2.000000000e+00, v12;
	v14 =	vand.u32 $0x7FFFFFFF, v14  }
0x2b1: {  	v56 =	vld [tilespmem:s8+$0x0];
	v23 =	vsub.f32 $2.000000000e+00, v18;
	v27 =	vsub.f32 $2.000000000e+00, v14;
	v17 =	vmin.f32 v17, v25  }
0x2b2: {  	v53 =	vld.idx.msk [tilespmem:v7+s16+$0xFFFFFFD0 ss:$0x1], $0xffff;
	v16 =	vand.u32 $0x7FFFFFFF, v16;
	v12 =	vmin.f32 v12, v19;
	v19 =	vmul.f32 v17, v17  }
0x2b3: {  	v35 =	vld.idx.msk [tilespmem:v7+s16+$0xFFFFFFE0 ss:$0x1], $0xffff;
	v21 =	vsub.f32 $2.000000000e+00, v11;
	v29 =	vsub.f32 $2.000000000e+00, v16;
	v14 =	vmin.f32 v14, v27  }
0x2b4: {  	v38 =	vld.idx.msk [tilespmem:v6+s16+$0xFFFFFFE0 ss:$0x1], $0xffff;
	v18 =	vmin.f32 v18, v23;
	v31 =	vmul.f32 v14, v14;
	v23 =	vmul.f32 $4.333139860e-03, v19  }
0x2b5: {  	v40 =	vld.idx.msk [tilespmem:v7+s16+$0xFFFFFFF0 ss:$0x1], $0xffff;
	v24 =	vsub.f32 $2.000000000e+00, v13;
	v26 =	vsub.f32 $2.000000000e+00, v15;
	v11 =	vmin.f32 v11, v21  }
0x2b6: {  	v43 =	vld.idx.msk [tilespmem:v6+s16+$0xFFFFFFF0 ss:$0x1], $0xffff;
	v16 =	vmin.f32 v16, v29;
	v29 =	vmul.f32 $4.333139860e-03, v31;
	v23 =	vsub.f32 $7.943440970e-02, v23  }
0x2b7: {  	v44 =	vld.idx.msk [tilespmem:v7+s16+$0x0 ss:$0x1], $0xffff;
	s17 =	sshll.u32 s19, $0x9;
	v15 =	vmin.f32 v15, v26;
	v54 =	vmul.f32 v12, v12;
	v34 =	vmul.f32 v16, v16  }
0x2b8: {  	v47 =	vld.idx.msk [tilespmem:v6+s16+$0x0 ss:$0x1], $0xffff;
	s17 =	sshra.s32 s17, $0x2;
	v36 =	vmul.f32 v15, v15;
	v29 =	vsub.f32 $7.943440970e-02, v29;
	v23 =	vmul.f32 v23, v19  }
0x2b9: {  	v55 =	vld [tilespmem:s17+$0x3900];
	v13 =	vmin.f32 v13, v24;
	v37 =	vmul.f32 v18, v18;
	v39 =	vmul.f32 $4.333139860e-03, v34  }
0x2ba: {  	v49 =	vld [tilespmem:s17+$0x3910];
	v25 =	vmul.f32 v11, v11;
	v29 =	vmul.f32 v29, v31;
	v23 =	vadd.f32 $-6.458928590e-01, v23  }
0x2bb: {  	v50 =	vld [tilespmem:s17+$0x3970];
	v27 =	vmul.f32 v13, v13;
	v42 =	vmul.f32 $4.333139860e-03, v36;
	v39 =	vsub.f32 $7.943440970e-02, v39  }
0x2bc: {  	v57 =	vld [tilespmem:s17+$0x3960];
	v41 =	vmul.f32 $4.333139860e-03, v54;
	v19 =	vmul.f32 v23, v19;
	v23 =	vadd.f32 $-6.458928590e-01, v29  }
0x2bd: {  	v61 =	vld [tilespmem:s17+$0x3940];
	v46 =	vmul.f32 $4.333139860e-03, v37;
	v42 =	vsub.f32 $7.943440970e-02, v42;
	v29 =	vmul.f32 v39, v34  }
0x2be: {  	v28 =	vld.idx.msk [tilespmem:v7+s16+$0xFFFFFFB0 ss:$0x1], $0xffff;
	v48 =	vmul.f32 $4.333139860e-03, v27;
	v19 =	vadd.f32 $1.570791010e+00, v19;
	v23 =	vmul.f32 v23, v31  }
0x2bf: {  	v30 =	vld.idx.msk [tilespmem:v6+s16+$0xFFFFFFC0 ss:$0x1], $0xffff;
	v46 =	vsub.f32 $7.943440970e-02, v46;
	v29 =	vadd.f32 $-6.458928590e-01, v29;
	v31 =	vmul.f32 v42, v36  }
0x2c0: {  	v21 =	vld.idx.msk [tilespmem:v6+s16+$0xFFFFFFB0 ss:$0x1], $0xffff;
	v48 =	vsub.f32 $7.943440970e-02, v48;
	v17 =	vmul.f32 v19, v17;
	v19 =	vadd.f32 $1.570791010e+00, v23  }
0x2c1: {  	v24 =	vld.idx.msk [tilespmem:v7+s16+$0xFFFFFFC0 ss:$0x1], $0xffff;
	v23 =	vmul.f32 v29, v34;
	v29 =	vadd.f32 $-6.458928590e-01, v31;
	v31 =	vmul.f32 v46, v37  }
0x2c2: {  	v26 =	vld.idx.msk [tilespmem:v6+s16+$0xFFFFFFD0 ss:$0x1], $0xffff;
	s16 =	simm.s32 $0x80;
	v58 =	vmul.f32 v48, v27;
	v17 =	vadd.f32 $0.0e+00, v17;
	v14 =	vmul.f32 v19, v14  }
0x2c3: {  	v48 =	vld.idx.msk [tilespmem:v8+s16+$0xFFFFFFC0 ss:$0x1], $0xffff;
	v19 =	vadd.f32 $1.570791010e+00, v23;
	v23 =	vmul.f32 v29, v36;
	v29 =	vadd.f32 $-6.458928590e-01, v31  }
0x2c4: {  	v45 =	vmul.f32 $4.333139860e-03, v25;
	v41 =	vsub.f32 $7.943440970e-02, v41;
	v31 =	vld [tilespmem:s17+$0x3950];
	v14 =	vadd.f32 v14, v17  }
0x2c5: {  	s20 =	spop (v2sf);
	v16 =	vmul.f32 v19, v16;
	v17 =	vmul.f32 v29, v37;
	v19 =	vld [tilespmem:s17+$0x3920];
	v23 =	vadd.f32 $1.570791010e+00, v23  }
0x2c6: {  	v41 =	vmul.f32 v41, v54;
	v60 =	vadd.f32 $-6.458928590e-01, v58;
	v29 =	vld [tilespmem:s17+$0x3930];
	s17 =	sshll.u32 s20, $0x9  }
0x2c7: {  	s17 =	sshra.s32 s17, $0x2;
	v14 =	vadd.f32 v16, v14;
	v16 =	vld.idx.msk [tilespmem:v8+s16+$0x0 ss:$0x1], $0xffff;
	v15 =	vmul.f32 v23, v15;
	v17 =	vadd.f32 $1.570791010e+00, v17  }
0x2c8: {  	v21 =	vmul.f32 v21, v28;
	v45 =	vsub.f32 $7.943440970e-02, v45;
	v27 =	vmul.f32 v60, v27;
	v46 =	vld [tilespmem:s17+$0x5550]  }
0x2c9: {  	v62 =	vadd.f32 $-6.458928590e-01, v41;
	v14 =	vadd.f32 v15, v14;
	v15 =	vmul.f32 v17, v18;
	v18 =	vld.idx.msk [tilespmem:v10+s16+$0x70 ss:$0x1], $0xffff  }
0x2ca: {  	v21 =	vand.u32 $0x7FFFFFFF, v21;
	v63 =	vmul.f32 v45, v25;
	v17 =	vadd.f32 $1.570791010e+00, v27;
	v27 =	vld.idx.msk [tilespmem:v9+s16+$0x0 ss:$0x1], $0xffff  }
0x2cb: {  	v28 =	vmul.f32 v62, v54;
	v19 =	vsub.f32 v21, v19;
	v21 =	vmul.f32 v30, v24;
	v24 =	vld.idx.msk [tilespmem:v9+s16+$0xFFFFFFF0 ss:$0x1], $0xffff  }
0x2cc: {  	v22 =	vsub.f32 v22, v55;
	v20 =	vand.u32 $0x7FFFFFFF, v20;
	v37 =	vadd.f32 $-6.458928590e-01, v63;
	v30 =	vld.idx.msk [tilespmem:v10+s16+$0x20 ss:$0x1], $0xffff  }
0x2cd: {  	v14 =	vadd.f32 v15, v14;
	v13 =	vmul.f32 v17, v13;
	v15 =	vadd.f32 $1.570791010e+00, v28;
	v17 =	vld.idx.msk [tilespmem:v10+s16+$0x60 ss:$0x1], $0xffff  }
0x2ce: {  	v20 =	vsub.f32 v20, v49;
	v25 =	vmul.f32 v37, v25;
	v28 =	vmul.f32 v43, v40;
	v43 =	vld.idx.msk [tilespmem:v10+s16+$0x0 ss:$0x1], $0xffff  }
0x2cf: {  	v22 =	vmul.f32 v22, v22;
	v12 =	vmul.f32 v15, v12;
	v15 =	vld.idx.msk [tilespmem:v10+s16+$0x50 ss:$0x1], $0xffff  }
0x2d0: {  	v20 =	vmul.f32 v20, v20;
	v13 =	vadd.f32 v13, v14;
	v14 =	vadd.f32 $1.570791010e+00, v25;
	v25 =	vld.idx.msk [tilespmem:v9+s16+$0xFFFFFFE0 ss:$0x1], $0xffff  }
0x2d1: {  	v26 =	vmul.f32 v26, v53;
	v21 =	vand.u32 $0x7FFFFFFF, v21;
	v18 =	vsub.f32 v18, v27;
	v27 =	vld [tilespmem:s17+$0x5530]  }
0x2d2: {  	v19 =	vmul.f32 v19, v19;
	v12 =	vadd.f32 v12, v13;
	v11 =	vmul.f32 v14, v11;
	v14 =	vld.idx.msk [tilespmem:v10+s16+$0x40 ss:$0x1], $0xffff  }
0x2d3: {  	v13 =	vadd.f32 v20, v22;
	v20 =	vsub.f32 v21, v29;
	v21 =	vld.idx.msk [tilespmem:v9+s16+$0xFFFFFFD0 ss:$0x1], $0xffff;
	v22 =	vand.u32 $0x7FFFFFFF, v26  }
0x2d4: {  	v26 =	vmul.f32 v38, v35;
	v17 =	vsub.f32 v17, v24;
	v24 =	vld [tilespmem:s17+$0x5520];
	v11 =	vadd.f32 v11, v12  }
0x2d5: {  	v12 =	vld.idx.msk [tilespmem:v10+s16+$0x30 ss:$0x1], $0xffff;
	v13 =	vadd.f32 v19, v13;
	v19 =	vmul.f32 v20, v20;
	v20 =	vsub.f32 v22, v61  }
0x2d6: {  	v22 =	vld.idx.msk [tilespmem:v9+s16+$0xFFFFFFC0 ss:$0x1], $0xffff;
	v26 =	vand.u32 $0x7FFFFFFF, v26;
	v29 =	vperm.xlane v11, v1  }
0x2d7: {  	v13 =	vadd.f32 v19, v13;
	v19 =	vmul.f32 v20, v20;
	v20 =	vsub.f32 v26, v31;
	v26 =	vld.idx.msk [tilespmem:v9+s16+$0xFFFFFFB0 ss:$0x1], $0xffff  }
0x2d8: {  	(v2sf) =	vpush v56, $0x0;
	v31 =	vmul.f32 v47, v44;
	v44 =	vld [tilespmem:s17+$0x5570]  }
0x2d9: {  	v28 =	vand.u32 $0x7FFFFFFF, v28;
	v15 =	vsub.f32 v15, v25;
	v11 =	vadd.f32 v11, v29;
	v29 =	vld.idx.msk [tilespmem:v10+s16+$0x10 ss:$0x1], $0xffff  }
0x2da: {  	v13 =	vadd.f32 v19, v13;
	v19 =	vmul.f32 v20, v20;
	v20 =	vsub.f32 v28, v57;
	v28 =	vld.idx.msk [tilespmem:v9+s16+$0xFFFFFFA0 ss:$0x1], $0xffff  }
0x2db: {  	v47 =	vadd.f32 $1.000000000e+00, v46;
	v14 =	vsub.f32 v14, v21;
	v21 =	vld [tilespmem:s17+$0x5510];
	v31 =	vand.u32 $0x7FFFFFFF, v31  }
0x2dc: {  	v31 =	vsub.f32 v31, v50;
	v13 =	vadd.f32 v19, v13;
	v19 =	vmul.f32 v20, v20;
	v20 =	vld.idx.msk [tilespmem:v9+s16+$0xFFFFFF90 ss:$0x1], $0xffff  }
0x2dd: {  	v27 =	vadd.f32 $1.000000000e+00, v27;
	v25 =	vsub.f32 v30, v26;
	v26 =	vld [tilespmem:s17+$0x5500]  }
0x2de: {  	v12 =	vsub.f32 v12, v22;
	v31 =	vmul.f32 v31, v31;
	v13 =	vadd.f32 v19, v13;
	v19 =	vld [tilespmem:s17+$0x5560]  }
0x2df: {  	v41 =	vperm.xlane v11, v2;
	v22 =	vsub.f32 v29, v28;
	v28 =	vld.idx.msk [tilespmem:v8+s16+$0xFFFFFFE0 ss:$0x1], $0xffff;
	v29 =	vadd.f32 $1.000000000e+00, v44  }
0x2e0: {  	v24 =	vadd.f32 $1.000000000e+00, v24;
	v13 =	vadd.f32 v31, v13;
	v31 =	vld [tilespmem:s17+$0x5540]  }
0x2e1: {  	v11 =	vadd.f32 v11, v41;
	v21 =	vadd.f32 $1.000000000e+00, v21;
	v18 =	vmul.f32 v29, v18;
	v29 =	vld.idx.msk [tilespmem:v8+s16+$0xFFFFFF90 ss:$0x1], $0xffff  }
0x2e2: {  	v23 =	vld.idx.msk [tilespmem:v8+s16+$0xFFFFFFF0 ss:$0x1], $0xffff;
	v15 =	vmul.f32 v47, v15;
	v20 =	vsub.f32 v43, v20;
	v26 =	vadd.f32 $1.000000000e+00, v26  }
0x2e3: {  	v49 =	vld.idx.msk [tilespmem:v8+s16+$0xFFFFFFB0 ss:$0x1], $0xffff;
	v12 =	vmul.f32 v27, v12;
	v19 =	vadd.f32 $1.000000000e+00, v19;
	v16 =	vadd.f32 v16, v18  }
0x2e4: {  	v30 =	vld.idx.msk [tilespmem:v8+s16+$0xFFFFFFD0 ss:$0x1], $0xffff;
	v18 =	vmul.f32 v21, v22;
	v21 =	vadd.f32 v28, v15;
	v15 =	vmul.f32 v26, v20  }
0x2e5: {  	v20 =	vadd.f32 v48, v12;
	v31 =	vadd.f32 $1.000000000e+00, v31;
	v17 =	vmul.f32 v19, v17;
	v19 =	vld.idx.msk [tilespmem:v8+s16+$0xFFFFFFA0 ss:$0x1], $0xffff  }
0x2e6: {  	v24 =	vmul.f32 v24, v25;
	v25 =	vmul.f32 $2.500000000e-01, v21;
	v27 =	vadd.f32 v29, v15  }
0x2e7: {  	v28 =	vmul.f32 $2.500000000e-01, v20;
	v14 =	vmul.f32 v31, v14;
	v17 =	vadd.f32 v23, v17  }
0x2e8: {  	v45 =	vperm.xlane v11, v3;
	v23 =	vadd.f32 v49, v24;
	v25 =	vadd.f32 $1.258291200e+07, v25  }
0x2e9: {  	v51 =	vld.idx.msk [tilespmem:v6+s16+$0xFFFFFFA0 ss:$0x1], $0xffff;
	v28 =	vadd.f32 $1.258291200e+07, v28;
	v22 =	vadd.f32 v30, v14;
	v12 =	vmul.f32 $2.500000000e-01, v17  }
0x2ea: {  	v26 =	vld.idx.msk [tilespmem:v6+s16+$0xFFFFFF90 ss:$0x1], $0xffff;
	v14 =	vmul.f32 $2.500000000e-01, v16;
	v15 =	vmul.f32 $2.500000000e-01, v23;
	v18 =	vadd.f32 v19, v18  }
0x2eb: {  	v29 =	vld.idx.msk [tilespmem:v7+s16+$0xFFFFFFA0 ss:$0x1], $0xffff;
	v25 =	vadd.f32 $-1.258291200e+07, v25;
	v28 =	vadd.f32 $-1.258291200e+07, v28;
	v19 =	vmul.f32 $2.500000000e-01, v22  }
0x2ec: {  	v24 =	vld.idx.msk [tilespmem:v7+s16+$0xFFFFFF90 ss:$0x1], $0xffff;
	v31 =	vadd.f32 $1.258291200e+07, v12;
	v50 =	vadd.f32 $1.258291200e+07, v14;
	v14 =	vmul.f32 $2.500000000e-01, v27  }
0x2ed: {  	v52 =	vadd.f32 $1.258291200e+07, v15;
	v30 =	vmul.f32 $2.500000000e-01, v18;
	v19 =	vadd.f32 $1.258291200e+07, v19  }
0x2ee: {  	v25 =	vmul.f32 $4.000000000e+00, v25;
	v53 =	vadd.f32 $1.258291200e+07, v14;
	v31 =	vadd.f32 $-1.258291200e+07, v31  }
0x2ef: {  	v28 =	vmul.f32 $4.000000000e+00, v28;
	v32 =	vadd.f32 $-1.258291200e+07, v50;
	v54 =	vadd.f32 $-1.258291200e+07, v52  }
0x2f0: {  	v29 =	vmul.f32 v51, v29;
	v30 =	vadd.f32 $1.258291200e+07, v30;
	v21 =	vsub.f32 v21, v25  }
0x2f1: {  	v55 =	vld.idx.msk [tilespmem:v6+s16+$0xFFFFFFB0 ss:$0x1], $0xffff;
	v24 =	vmul.f32 v26, v24;
	v20 =	vsub.f32 v20, v28;
	v19 =	vadd.f32 $-1.258291200e+07, v19  }
0x2f2: {  	v26 =	vld.idx.msk [tilespmem:v7+s16+$0xFFFFFFB0 ss:$0x1], $0xffff;
	v31 =	vmul.f32 $4.000000000e+00, v31;
	v32 =	vmul.f32 $4.000000000e+00, v32;
	v35 =	vadd.f32 $-1.258291200e+07, v53  }
0x2f3: {  	v33 =	vmul.f32 $4.000000000e+00, v54;
	v30 =	vadd.f32 $-1.258291200e+07, v30;
	v20 =	vand.u32 $0x7FFFFFFF, v20  }
0x2f4: {  	v21 =	vand.u32 $0x7FFFFFFF, v21;
	v19 =	vmul.f32 $4.000000000e+00, v19;
	v16 =	vsub.f32 v16, v32  }
0x2f5: {  	v17 =	vsub.f32 v17, v31;
	v25 =	vmul.f32 $4.000000000e+00, v35;
	v23 =	vsub.f32 v23, v33  }
0x2f6: {  	v56 =	vsub.f32 $2.000000000e+00, v20;
	v30 =	vmul.f32 $4.000000000e+00, v30;
	v19 =	vsub.f32 v22, v19  }
0x2f7: {  	v22 =	vmul.f32 v55, v26;
	v25 =	vsub.f32 v27, v25;
	v17 =	vand.u32 $0x7FFFFFFF, v17  }
0x2f8: {  	v16 =	vand.u32 $0x7FFFFFFF, v16;
	v23 =	vand.u32 $0x7FFFFFFF, v23;
	v18 =	vsub.f32 v18, v30  }
0x2f9: {  	v20 =	vmin.f32 v20, v56;
	v26 =	vsub.f32 $2.000000000e+00, v17;
	v27 =	vsub.f32 $2.000000000e+00, v16  }
0x2fa: {  	v30 =	vsub.f32 $2.000000000e+00, v21;
	v58 =	vsub.f32 $2.000000000e+00, v23;
	v25 =	vand.u32 $0x7FFFFFFF, v25  }
0x2fb: {  	v34 =	vmul.f32 v20, v20;
	v19 =	vand.u32 $0x7FFFFFFF, v19;
	v31 =	vsub.f32 $2.000000000e+00, v25  }
0x2fc: {  	v28 =	vsub.f32 $2.000000000e+00, v19;
	v18 =	vand.u32 $0x7FFFFFFF, v18;
	v16 =	vmin.f32 v16, v27  }
0x2fd: {  	v21 =	vmin.f32 v21, v30;
	v57 =	vsub.f32 $2.000000000e+00, v18;
	v25 =	vmin.f32 v25, v31  }
0x2fe: {  	v26 =	vmin.f32 v17, v26;
	v56 =	vmul.f32 $4.333139860e-03, v34;
	v17 =	vmul.f32 v25, v25  }
0x2ff: {  	v38 =	vld.idx.msk [tilespmem:v6+s16+$0xFFFFFFD0 ss:$0x1], $0xffff;
	v27 =	vmul.f32 v16, v16;
	v30 =	vmul.f32 v21, v21;
	v18 =	vmin.f32 v18, v57  }
0x300: {  	s19 =	spop (v2sf);
	v46 =	vld.idx.msk [tilespmem:v7+s16+$0xFFFFFFF0 ss:$0x1], $0xffff;
	v23 =	vmin.f32 v23, v58;
	v60 =	vmul.f32 v18, v18;
	v59 =	vmul.f32 $4.333139860e-03, v17  }
0x301: {  	v41 =	vld.idx.msk [tilespmem:v7+s16+$0xFFFFFFE0 ss:$0x1], $0xffff;
	s17 =	sshll.u32 s19, $0x9;
	v62 =	vmul.f32 v23, v23;
	v19 =	vmin.f32 v19, v28;
	v31 =	vmul.f32 v26, v26  }
0x302: {  	v44 =	vld.idx.msk [tilespmem:v6+s16+$0xFFFFFFE0 ss:$0x1], $0xffff;
	s20 =	sshra.s32 s17, $0x2;
	v37 =	vmul.f32 v19, v19;
	v61 =	vmul.f32 $4.333139860e-03, v60;
	v35 =	vsub.f32 $7.943440970e-02, v59  }
0x303: {  	v40 =	vld [tilespmem:s20+$0x3960];
	v47 =	vsub.f32 $7.943440970e-02, v56;
	v54 =	vmul.f32 $4.333139860e-03, v27;
	v55 =	vmul.f32 $4.333139860e-03, v62  }
0x304: {  	v49 =	vld.idx.msk [tilespmem:v6+s16+$0xFFFFFFF0 ss:$0x1], $0xffff;
	v57 =	vmul.f32 $4.333139860e-03, v30;
	v39 =	vsub.f32 $7.943440970e-02, v61;
	v35 =	vmul.f32 v35, v17  }
0x305: {  	v11 =	vadd.f32 v11, v45;
	v50 =	vld.idx.msk [tilespmem:v7+s16+$0x0 ss:$0x1], $0xffff;
	v63 =	vmul.f32 $4.333139860e-03, v31;
	v47 =	vmul.f32 v47, v34  }
0x306: {  	v52 =	vld.idx.msk [tilespmem:v6+s16+$0x0 ss:$0x1], $0xffff;
	v45 =	vsub.f32 $7.943440970e-02, v55;
	v39 =	vmul.f32 v39, v60;
	v35 =	vadd.f32 $-6.458928590e-01, v35  }
0x307: {  	v53 =	vld [tilespmem:s20+$0x3910];
	v51 =	vmul.f32 $4.333139860e-03, v37;
	v43 =	vsub.f32 $7.943440970e-02, v54;
	v48 =	vsub.f32 $7.943440970e-02, v57  }
0x308: {  	v33 =	vld.idx.msk [tilespmem:v6+s16+$0xFFFFFFC0 ss:$0x1], $0xffff;
	v59 =	vmul.f32 v45, v62;
	v58 =	vadd.f32 $-6.458928590e-01, v39;
	v17 =	vmul.f32 v35, v17  }
0x309: {  	v32 =	vld.idx.msk [tilespmem:v7+s16+$0xFFFFFFD0 ss:$0x1], $0xffff;
	v47 =	vadd.f32 $-6.458928590e-01, v47;
	v51 =	vsub.f32 $7.943440970e-02, v51;
	v48 =	vmul.f32 v48, v30  }
0x30a: {  	v28 =	vld.idx.msk [tilespmem:v7+s16+$0xFFFFFFC0 ss:$0x1], $0xffff;
	v35 =	vmul.f32 v58, v60;
	v60 =	vadd.f32 $-6.458928590e-01, v59;
	v17 =	vadd.f32 $1.570791010e+00, v17  }
0x30b: {  	v56 =	vld [tilespmem:s20+$0x3940];
	v42 =	vsub.f32 $7.943440970e-02, v63;
	v34 =	vmul.f32 v47, v34;
	v51 =	vmul.f32 v51, v37  }
0x30c: {  	v45 =	vld [tilespmem:s20+$0x3900];
	v35 =	vadd.f32 $1.570791010e+00, v35;
	v36 =	vmul.f32 v60, v62;
	v17 =	vmul.f32 v17, v25  }
0x30d: {  	s16 =	sadd.s32 $0x1, s15;
	v54 =	vld [tilespmem:s20+$0x3950];
	v42 =	vmul.f32 v42, v31;
	v55 =	vadd.f32 $-6.458928590e-01, v48;
	v61 =	vadd.f32 $-6.458928590e-01, v51  }
0x30e: {  	v62 =	vld [tilespmem:s16+$0x0];
	v18 =	vmul.f32 v35, v18;
	v63 =	vadd.f32 $1.570791010e+00, v36;
	v17 =	vadd.f32 $0.0e+00, v17  }
0x30f: {  	s17 =	simm.s32 $0x100;
	v24 =	vand.u32 $0x7FFFFFFF, v24;
	v57 =	vld [tilespmem:s20+$0x3920];
	v30 =	vmul.f32 v55, v30;
	v37 =	vmul.f32 v61, v37  }
0x310: {  	s8 =	sadd.s32 $0x1, s8;
	v47 =	vld.idx.msk [tilespmem:v9+s17+$0xFFFFFFC0 ss:$0x1], $0xffff;
	v17 =	vadd.f32 v18, v17;
	v18 =	vmul.f32 v63, v23;
	v23 =	vadd.f32 $1.570791010e+00, v34  }
0x311: {  	v39 =	vld [tilespmem:s8+$0x0];
	v24 =	vsub.f32 v24, v45;
	v58 =	vadd.f32 $-6.458928590e-01, v42;
	v59 =	vmul.f32 v43, v27  }
0x312: {  	v45 =	vld.idx.msk [tilespmem:v9+s17+$0xFFFFFFE0 ss:$0x1], $0xffff;
	v61 =	vadd.f32 v18, v17;
	v20 =	vmul.f32 v23, v20;
	v23 =	vadd.f32 $1.570791010e+00, v37  }
0x313: {  	v60 =	vld [tilespmem:s20+$0x3930];
	v31 =	vmul.f32 v58, v31;
	(v2sf) =	vpush v62, $0x0;
	v62 =	vadd.f32 $-6.458928590e-01, v59  }
0x314: {  	v25 =	vld [tilespmem:s20+$0x3970];
	v20 =	vadd.f32 v20, v61;
	v19 =	vmul.f32 v23, v19;
	v23 =	vadd.f32 $1.570791010e+00, v30  }
0x315: {  	v29 =	vand.u32 $0x7FFFFFFF, v29;
	v22 =	vand.u32 $0x7FFFFFFF, v22;
	v63 =	vld.idx.msk [tilespmem:v9+s17+$0x0 ss:$0x1], $0xffff;
	v27 =	vmul.f32 v62, v27  }
0x316: {  	v17 =	vld.idx.msk [tilespmem:v8+s17+$0x0 ss:$0x1], $0xffff;
	v19 =	vadd.f32 v19, v20;
	v20 =	vmul.f32 v23, v21;
	v21 =	vadd.f32 $1.570791010e+00, v31  }
0x317: {  	v28 =	vmul.f32 v33, v28;
	v22 =	vsub.f32 v22, v57;
	v30 =	vld.idx.msk [tilespmem:v10+s17+$0x70 ss:$0x1], $0xffff;
	v23 =	vsub.f32 v29, v53  }
0x318: {  	v29 =	vld.idx.msk [tilespmem:v10+s17+$0x60 ss:$0x1], $0xffff;
	v19 =	vadd.f32 v20, v19;
	v20 =	vmul.f32 v21, v26;
	v21 =	vadd.f32 $1.570791010e+00, v27  }
0x319: {  	v24 =	vmul.f32 v24, v24;
	v31 =	vld.idx.msk [tilespmem:v9+s17+$0xFFFFFFF0 ss:$0x1], $0xffff;
	v23 =	vmul.f32 v23, v23;
	v26 =	vand.u32 $0x7FFFFFFF, v28  }
0x31a: {  	v27 =	vld.idx.msk [tilespmem:v10+s17+$0x50 ss:$0x1], $0xffff;
	v28 =	vmul.f32 v38, v32;
	v19 =	vadd.f32 v20, v19;
	v16 =	vmul.f32 v21, v16  }
0x31b: {  	v20 =	vadd.f32 v23, v24;
	v21 =	vmul.f32 v22, v22;
	v22 =	vsub.f32 v26, v60;
	v23 =	vld.idx.msk [tilespmem:v10+s17+$0x40 ss:$0x1], $0xffff  }
0x31c: {  	v24 =	vand.u32 $0x7FFFFFFF, v28;
	v26 =	vmul.f32 v44, v41;
	v28 =	vld.idx.msk [tilespmem:v9+s17+$0xFFFFFFD0 ss:$0x1], $0xffff;
	v16 =	vadd.f32 v16, v19  }
0x31d: {  	v19 =	vadd.f32 v21, v20;
	v20 =	vmul.f32 v22, v22;
	v21 =	vsub.f32 v24, v56;
	v22 =	vld.idx.msk [tilespmem:v10+s17+$0x30 ss:$0x1], $0xffff  }
0x31e: {  	v24 =	vand.u32 $0x7FFFFFFF, v26;
	v26 =	vmul.f32 v49, v46;
	v49 =	vmul.f32 v52, v50;
	v50 =	vld.idx.msk [tilespmem:v9+s17+$0xFFFFFFB0 ss:$0x1], $0xffff  }
0x31f: {  	v15 =	vperm.xlane v13, v1;
	v52 =	vld.idx.msk [tilespmem:v9+s17+$0xFFFFFFA0 ss:$0x1], $0xffff  }
0x320: {  	v24 =	vsub.f32 v24, v54;
	v54 =	vld.idx.msk [tilespmem:v9+s17+$0xFFFFFF90 ss:$0x1], $0xffff  }
0x321: {  	v13 =	vadd.f32 v15, v13;
	v27 =	vsub.f32 v27, v45;
	v45 =	vld.idx.msk [tilespmem:v7+s17+$0xFFFFFFB0 ss:$0x1], $0xffff  }
0x322: {  	v19 =	vadd.f32 v20, v19;
	v20 =	vmul.f32 v21, v21;
	v21 =	vld.idx.msk [tilespmem:v10+s17+$0x20 ss:$0x1], $0xffff;
	v51 =	vand.u32 $0x7FFFFFFF, v49  }
0x323: {  	v14 =	vperm.xlane v11, v4;
	s19 =	spop (v2sf);
	v15 =	vsub.f32 v51, v25;
	v25 =	vld.idx.msk [tilespmem:v10+s17+$0x0 ss:$0x1], $0xffff  }
0x324: {  	v55 =	vperm.xlane v13, v2;
	v48 =	vperm.xlane v16, v1;
	v19 =	vadd.f32 v20, v19;
	v20 =	vld.idx.msk [tilespmem:v10+s17+$0x10 ss:$0x1], $0xffff;
	s15 =	sshll.u32 s19, $0x9  }
0x325: {  	v12 =	vimm.f32 $0.0e+00;
	v11 =	vadd.f32 v11, v14;
	s20 =	sshra.s32 s15, $0x2;
	v22 =	vsub.f32 v22, v47;
	v47 =	vld.idx.msk [tilespmem:v6+s17+$0xFFFFFFB0 ss:$0x1], $0xffff  }
0x326: {  	v13 =	vadd.f32 v55, v13;
	v26 =	vand.u32 $0x7FFFFFFF, v26;
	v16 =	vadd.f32 v16, v48;
	v56 =	vld [tilespmem:s20+$0x5570]  }
0x327: {  	v30 =	vsub.f32 v30, v63;
	v24 =	vmul.f32 v24, v24;
	v26 =	vsub.f32 v26, v40;
	v57 =	vld [tilespmem:s20+$0x5540]  }
0x328: {  	v29 =	vsub.f32 v29, v31;
	(v2sf) =	vpush v39, $0x0;
	v53 =	vperm.xlane v16, v2;
	v58 =	vld [tilespmem:s20+$0x5530]  }
0x329: {  	v19 =	vadd.f32 v24, v19;
	v24 =	vmul.f32 v26, v26;
	v26 =	vmov s13;
	v31 =	vld [tilespmem:s20+$0x5520]  }
0x32a: {  	v23 =	vsub.f32 v23, v28;
	v14 =	vmul.f32 v15, v15;
	s15 =	simm.s32 $0x1;
	vm0 =	veq.s32 v26, v0;
	v26 =	vld [tilespmem:s20+$0x5550]  }
0x32b: {  	v61 =	vmov s15;
	v16 =	vadd.f32 v16, v53;
	v15 =	vadd.f32 v24, v19;
	v19 =	vld [tilespmem:s20+$0x5560]  }
0x32c: {  	v59 =	vld [tilespmem:s20+$0x5510];
	v21 =	vsub.f32 v21, v50;
	vm1 =	veq.s32 v61, v0;
	v25 =	vsub.f32 v25, v54  }
0x32d: {  	v60 =	vld [tilespmem:s20+$0x5500];
	v20 =	vsub.f32 v20, v52;
	v24 =	vperm.xlane v16, v3;
	v62 =	vadd.f32 $1.000000000e+00, v56  }
0x32e: {  	v18 =	vld.idx.msk [tilespmem:v8+s17+$0xFFFFFFF0 ss:$0x1], $0xffff;
	v11 =	vsel vm0, v11, v12;
	v40 =	vadd.f32 $1.000000000e+00, v57;
	v31 =	vadd.f32 $1.000000000e+00, v31  }
0x32f: {  	v63 =	vld.idx.msk [tilespmem:v8+s17+$0xFFFFFFD0 ss:$0x1], $0xffff;
	v51 =	vmul.f32 v47, v45;
	v24 =	vadd.f32 v16, v24;
	v26 =	vadd.f32 $1.000000000e+00, v26  }
0x330: {  	v41 =	vld.idx.msk [tilespmem:v8+s17+$0xFFFFFFB0 ss:$0x1], $0xffff;
	v35 =	vadd.f32 $1.000000000e+00, v58;
	v19 =	vadd.f32 $1.000000000e+00, v19;
	v23 =	vmul.f32 v40, v23  }
0x331: {  	v32 =	vadd.f32 $1.000000000e+00, v59;
	v28 =	vperm.xlane v24, v4;
	v26 =	vmul.f32 v26, v27;
	v27 =	vld.idx.msk [tilespmem:v8+s17+$0xFFFFFF90 ss:$0x1], $0xffff  }
0x332: {  	v33 =	vadd.f32 $1.000000000e+00, v60;
	v19 =	vmul.f32 v19, v29;
	v29 =	vmul.f32 v62, v30;
	v30 =	vld.idx.msk [tilespmem:v8+s17+$0xFFFFFFA0 ss:$0x1], $0xffff  }
0x333: {  	v21 =	vmul.f32 v31, v21;
	v22 =	vmul.f32 v35, v22;
	v24 =	vadd.f32 v24, v28;
	v28 =	vld.idx.msk [tilespmem:v8+s17+$0xFFFFFFE0 ss:$0x1], $0xffff  }
0x334: {  	v20 =	vmul.f32 v32, v20;
	v25 =	vmul.f32 v33, v25;
	v17 =	vadd.f32 v17, v29;
	v29 =	vld.idx.msk [tilespmem:v7+s17+$0xFFFFFF90 ss:$0x1], $0xffff  }
0x335: {  	v23 =	vadd.f32 v63, v23;
	v21 =	vadd.f32 v41, v21;
	v11 =	vsel vm1, v24, v11;
	v24 =	vld.idx.msk [tilespmem:v8+s17+$0xFFFFFFC0 ss:$0x1], $0xffff  }
0x336: {  	v18 =	vadd.f32 v18, v19;
	v19 =	vld.idx.msk [tilespmem:v6+s17+$0xFFFFFF90 ss:$0x1], $0xffff;
	v31 =	vmul.f32 $2.500000000e-01, v17;
	v25 =	vadd.f32 v27, v25  }
0x337: {  	v27 =	vmul.f32 $2.500000000e-01, v21;
	v20 =	vadd.f32 v30, v20;
	v30 =	vmul.f32 $2.500000000e-01, v23  }
0x338: {  	v26 =	vadd.f32 v28, v26;
	v28 =	vmul.f32 $2.500000000e-01, v18;
	v31 =	vadd.f32 $1.258291200e+07, v31  }
0x339: {  	v48 =	vmul.f32 $2.500000000e-01, v25;
	v27 =	vadd.f32 $1.258291200e+07, v27;
	v30 =	vadd.f32 $1.258291200e+07, v30  }
0x33a: {  	v46 =	vmul.f32 $2.500000000e-01, v20;
	v22 =	vadd.f32 v24, v22;
	v28 =	vadd.f32 $1.258291200e+07, v28  }
0x33b: {  	v19 =	vmul.f32 v19, v29;
	v49 =	vadd.f32 $1.258291200e+07, v48;
	v31 =	vadd.f32 $-1.258291200e+07, v31  }
0x33c: {  	v42 =	vld.idx.msk [tilespmem:v6+s17+$0xFFFFFFA0 ss:$0x1], $0xffff;
	v43 =	vmul.f32 $2.500000000e-01, v26;
	v27 =	vadd.f32 $-1.258291200e+07, v27;
	v36 =	vadd.f32 $1.258291200e+07, v46  }
0x33d: {  	v24 =	vld.idx.msk [tilespmem:v7+s17+$0xFFFFFFA0 ss:$0x1], $0xffff;
	v19 =	vand.u32 $0x7FFFFFFF, v19;
	v30 =	vadd.f32 $-1.258291200e+07, v30;
	v44 =	vmul.f32 $2.500000000e-01, v22  }
0x33e: {  	v33 =	vadd.f32 $1.258291200e+07, v43;
	v28 =	vadd.f32 $-1.258291200e+07, v28;
	v31 =	vmul.f32 $4.000000000e+00, v31  }
0x33f: {  	v34 =	vadd.f32 $-1.258291200e+07, v49;
	v27 =	vmul.f32 $4.000000000e+00, v27;
	v52 =	vadd.f32 $-1.258291200e+07, v36  }
0x340: {  	v30 =	vmul.f32 $4.000000000e+00, v30;
	v29 =	vadd.f32 $1.258291200e+07, v44;
	v50 =	vadd.f32 $-1.258291200e+07, v33  }
0x341: {  	v28 =	vmul.f32 $4.000000000e+00, v28;
	v17 =	vsub.f32 v17, v31;
	v21 =	vsub.f32 v21, v27  }
0x342: {  	v27 =	vand.u32 $0x7FFFFFFF, v51;
	v24 =	vmul.f32 v42, v24;
	v31 =	vmul.f32 $4.000000000e+00, v52  }
0x343: {  	v23 =	vsub.f32 v23, v30;
	v29 =	vadd.f32 $-1.258291200e+07, v29;
	v32 =	vmul.f32 $4.000000000e+00, v50  }
0x344: {  	v18 =	vsub.f32 v18, v28;
	v28 =	vmul.f32 $4.000000000e+00, v34;
	v17 =	vand.u32 $0x7FFFFFFF, v17  }
0x345: {  	v21 =	vand.u32 $0x7FFFFFFF, v21;
	v24 =	vand.u32 $0x7FFFFFFF, v24;
	v20 =	vsub.f32 v20, v31  }
0x346: {  	v23 =	vand.u32 $0x7FFFFFFF, v23;
	v56 =	vsub.f32 $2.000000000e+00, v21;
	v29 =	vmul.f32 $4.000000000e+00, v29  }
0x347: {  	v26 =	vsub.f32 v26, v32;
	v25 =	vsub.f32 v25, v28;
	v18 =	vand.u32 $0x7FFFFFFF, v18  }
0x348: {  	v30 =	vsub.f32 $2.000000000e+00, v23;
	v28 =	vsub.f32 $2.000000000e+00, v18;
	v20 =	vand.u32 $0x7FFFFFFF, v20  }
0x349: {  	v22 =	vsub.f32 v22, v29;
	v26 =	vand.u32 $0x7FFFFFFF, v26;
	v29 =	vsub.f32 $2.000000000e+00, v17  }
0x34a: {  	v25 =	vand.u32 $0x7FFFFFFF, v25;
	v55 =	vsub.f32 $2.000000000e+00, v20;
	v30 =	vmin.f32 v23, v30  }
0x34b: {  	s20 =	spop (v2sf);
	v31 =	vsub.f32 $2.000000000e+00, v26;
	v53 =	vsub.f32 $2.000000000e+00, v25;
	v28 =	vmin.f32 v18, v28  }
0x34c: {  	s19 =	sshll.u32 s20, $0x9;
	v35 =	vmul.f32 v30, v30;
	v22 =	vand.u32 $0x7FFFFFFF, v22;
	v17 =	vmin.f32 v17, v29  }
0x34d: {  	s19 =	sshra.s32 s19, $0x2;
	v23 =	vmin.f32 v20, v55;
	v39 =	vmul.f32 v28, v28;
	v54 =	vsub.f32 $2.000000000e+00, v22  }
0x34e: {  	v18 =	vld [tilespmem:s19+$0x3900];
	v29 =	vmin.f32 v25, v53;
	v36 =	vmul.f32 v17, v17;
	v57 =	vmul.f32 v23, v23  }
0x34f: {  	v31 =	vmin.f32 v26, v31;
	v62 =	vmul.f32 $4.333139860e-03, v35;
	v25 =	vmul.f32 v29, v29  }
0x350: {  	v26 =	vld [tilespmem:s19+$0x3910];
	v38 =	vmul.f32 v31, v31;
	v58 =	vmul.f32 $4.333139860e-03, v39;
	v33 =	vmin.f32 v22, v54  }
0x351: {  	v22 =	vmin.f32 v21, v56;
	v21 =	vmul.f32 $4.333139860e-03, v57;
	v59 =	vmul.f32 $4.333139860e-03, v36  }
0x352: {  	v37 =	vld.idx.msk [tilespmem:v7+s17+$0xFFFFFFC0 ss:$0x1], $0xffff;
	v52 =	vsub.f32 $7.943440970e-02, v62;
	v20 =	vmul.f32 $4.333139860e-03, v25;
	v34 =	vmul.f32 v33, v33  }
0x353: {  	v47 =	vld.idx.msk [tilespmem:v7+s17+$0xFFFFFFE0 ss:$0x1], $0xffff;
	v42 =	vmul.f32 v22, v22;
	v44 =	vsub.f32 v19, v18;
	v45 =	vsub.f32 $7.943440970e-02, v58  }
0x354: {  	v40 =	vld.idx.msk [tilespmem:v6+s17+$0xFFFFFFC0 ss:$0x1], $0xffff;
	v46 =	vsub.f32 $7.943440970e-02, v59;
	v52 =	vmul.f32 v52, v35;
	v20 =	vsub.f32 $7.943440970e-02, v20  }
0x355: {  	v41 =	vld.idx.msk [tilespmem:v7+s17+$0xFFFFFFD0 ss:$0x1], $0xffff;
	v49 =	vsub.f32 v24, v26;
	v24 =	vmul.f32 $4.333139860e-03, v34;
	v26 =	vmul.f32 $4.333139860e-03, v38  }
0x356: {  	v48 =	vld.idx.msk [tilespmem:v6+s17+$0xFFFFFFE0 ss:$0x1], $0xffff;
	v19 =	vmul.f32 v20, v25;
	v20 =	vsub.f32 $7.943440970e-02, v21;
	v21 =	vmul.f32 $4.333139860e-03, v42  }
0x357: {  	v43 =	vld.idx.msk [tilespmem:v6+s17+$0xFFFFFFD0 ss:$0x1], $0xffff;
	v45 =	vmul.f32 v45, v39;
	v59 =	vadd.f32 $-6.458928590e-01, v52;
	v46 =	vmul.f32 v46, v36  }
0x358: {  	v18 =	vld.idx.msk [tilespmem:v7+s17+$0xFFFFFFF0 ss:$0x1], $0xffff;
	v60 =	vadd.f32 $-6.458928590e-01, v19;
	v61 =	vmul.f32 v20, v57;
	v21 =	vsub.f32 $7.943440970e-02, v21  }
0x359: {  	v24 =	vsub.f32 $7.943440970e-02, v24;
	v35 =	vmul.f32 v59, v35;
	v54 =	vadd.f32 $-6.458928590e-01, v46;
	v19 =	vld.idx.msk [tilespmem:v6+s17+$0xFFFFFFF0 ss:$0x1], $0xffff  }
0x35a: {  	v20 =	vld.idx.msk [tilespmem:v7+s17+$0x0 ss:$0x1], $0xffff;
	v50 =	vmul.f32 v60, v25;
	v51 =	vadd.f32 $-6.458928590e-01, v61;
	v63 =	vmul.f32 v21, v42  }
0x35b: {  	s8 =	sadd.s32 $0x1, s8;
	v24 =	vmul.f32 v24, v34;
	v35 =	vadd.f32 $1.570791010e+00, v35;
	v36 =	vmul.f32 v54, v36;
	v21 =	vld.idx.msk [tilespmem:v6+s17+$0x0 ss:$0x1], $0xffff  }
0x35c: {  	s20 =	sadd.s32 $0x1, s16;
	v25 =	vld [tilespmem:s8+$0x0];
	v50 =	vadd.f32 $1.570791010e+00, v50;
	v32 =	vmul.f32 v51, v57;
	v56 =	vadd.f32 $-6.458928590e-01, v63  }
0x35d: {  	v24 =	vadd.f32 $-6.458928590e-01, v24;
	v61 =	vld [tilespmem:s20+$0x0];
	s17 =	simm.s32 $0x180;
	v35 =	vmul.f32 v35, v30;
	v57 =	vsub.f32 $7.943440970e-02, v26  }
0x35e: {  	v30 =	vld.idx.msk [tilespmem:v9+s17+$0x0 ss:$0x1], $0xffff;
	v29 =	vmul.f32 v50, v29;
	v58 =	vadd.f32 $1.570791010e+00, v32;
	v42 =	vmul.f32 v56, v42  }
0x35f: {  	v59 =	vadd.f32 $1.570791010e+00, v36;
	v36 =	vld.idx.msk [tilespmem:v10+s17+$0x50 ss:$0x1], $0xffff;
	v24 =	vmul.f32 v24, v34;
	v60 =	vmul.f32 v57, v38  }
0x360: {  	v26 =	vld [tilespmem:s19+$0x3970];
	v29 =	vadd.f32 $0.0e+00, v29;
	v23 =	vmul.f32 v58, v23;
	v42 =	vadd.f32 $1.570791010e+00, v42  }
0x361: {  	v45 =	vadd.f32 $-6.458928590e-01, v45;
	v34 =	vld [tilespmem:s19+$0x3950];
	v24 =	vadd.f32 $1.570791010e+00, v24  }
0x362: {  	v63 =	vld [tilespmem:s19+$0x3930];
	v62 =	vadd.f32 $-6.458928590e-01, v60;
	v23 =	vadd.f32 v23, v29;
	v42 =	vmul.f32 v42, v22  }
0x363: {  	v39 =	vmul.f32 v45, v39;
	v32 =	vld [tilespmem:s19+$0x3960]  }
0x364: {  	v33 =	vmul.f32 v24, v33;
	v29 =	vld [tilespmem:s19+$0x3920];
	v38 =	vmul.f32 v62, v38;
	v42 =	vadd.f32 v42, v23  }
0x365: {  	vm0 =	vmmov vm0;
	v39 =	vadd.f32 $1.570791010e+00, v39;
	v50 =	vld [tilespmem:s19+$0x3940];
	(v2sf) =	vpush v61, $0x0  }
0x366: {  	vm0 =	vmmov vm0;
	v24 =	vld.idx.msk [tilespmem:v8+s17+$0xFFFFFFE0 ss:$0x1], $0xffff;
	v38 =	vadd.f32 $1.570791010e+00, v38;
	v42 =	vadd.f32 v33, v42  }
0x367: {  	v14 =	vadd.f32 v14, v15;
	v15 =	vperm.xlane v13, v3;
	v58 =	vmul.f32 v39, v28;
	v28 =	vld.idx.msk [tilespmem:v9+s17+$0xFFFFFFE0 ss:$0x1], $0xffff  }
0x368: {  	v56 =	vmul.f32 v44, v44;
	v22 =	vld.idx.msk [tilespmem:v8+s17+$0x0 ss:$0x1], $0xffff;
	v38 =	vmul.f32 v38, v31;
	v55 =	vadd.f32 v35, v42  }
0x369: {  	v57 =	vmul.f32 v49, v49;
	v23 =	vld.idx.msk [tilespmem:v8+s17+$0xFFFFFFF0 ss:$0x1], $0xffff;
	v27 =	vsub.f32 v27, v29;
	v29 =	vmul.f32 v40, v37  }
0x36a: {  	v16 =	vperm.xlane v14, v1;
	v41 =	vmul.f32 v43, v41;
	v33 =	vld.idx.msk [tilespmem:v10+s17+$0x70 ss:$0x1], $0xffff;
	v37 =	vadd.f32 v38, v55  }
0x36b: {  	v31 =	vld.idx.msk [tilespmem:v10+s17+$0x60 ss:$0x1], $0xffff;
	v40 =	vadd.f32 v57, v56;
	v29 =	vand.u32 $0x7FFFFFFF, v29;
	v60 =	vmul.f32 v27, v27  }
0x36c: {  	v17 =	vmul.f32 v59, v17;
	v35 =	vld.idx.msk [tilespmem:v9+s17+$0xFFFFFFF0 ss:$0x1], $0xffff;
	v61 =	vsub.f32 v29, v63;
	v62 =	vadd.f32 v58, v37  }
0x36d: {  	v27 =	vld.idx.msk [tilespmem:v10+s17+$0x40 ss:$0x1], $0xffff;
	v63 =	vand.u32 $0x7FFFFFFF, v41;
	v38 =	vmul.f32 v48, v47;
	v37 =	vadd.f32 v60, v40  }
0x36e: {  	p1 =	por p0, p0;
	s16 =	simm.s32 $0x800;
	v29 =	vld.idx.msk [tilespmem:v9+s17+$0xFFFFFFD0 ss:$0x1], $0xffff;
	v39 =	vmul.f32 v61, v61;
	v40 =	vsub.f32 v63, v50;
	v17 =	vadd.f32 v17, v62  }
.LBB2_10:
0x36f: {  	p0 =	sne.s32 s16, $0x1E00;
	v41 =	vld.idx.msk [tilespmem:v10+s17+$0x30 ss:$0x1], $0xffff;
	v38 =	vand.u32 $0x7FFFFFFF, v38;
	v18 =	vmul.f32 v19, v18;
	v19 =	vmul.f32 v21, v20  }
0x370: {  	v20 =	vld.idx.msk [tilespmem:v9+s17+$0xFFFFFFC0 ss:$0x1], $0xffff;
	v21 =	vadd.f32 v39, v37;
	v37 =	vmul.f32 v40, v40;
	v39 =	vperm.xlane v17, v1  }
0x371: {  	v34 =	vsub.f32 v38, v34;
	v40 =	vld.idx.msk [tilespmem:v10+s17+$0x20 ss:$0x1], $0xffff;
	v18 =	vand.u32 $0x7FFFFFFF, v18;
	v19 =	vand.u32 $0x7FFFFFFF, v19  }
0x372: {  	vm2 =	vmmov vm1;
	v38 =	vld.idx.msk [tilespmem:v9+s17+$0xFFFFFFB0 ss:$0x1], $0xffff;
	v21 =	vadd.f32 v37, v21;
	v17 =	vadd.f32 v17, v39  }
0x373: {  	v34 =	vmul.f32 v34, v34;
	v18 =	vsub.f32 v18, v32;
	v19 =	vsub.f32 v19, v26;
	v37 =	vld.idx.msk [tilespmem:v10+s17+$0x10 ss:$0x1], $0xffff  }
0x374: {  	v14 =	vadd.f32 v16, v14;
	v15 =	vadd.f32 v15, v13;
	v26 =	vld.idx.msk [tilespmem:v9+s17+$0xFFFFFFA0 ss:$0x1], $0xffff;
	s19 =	spop (v2sf);
	v32 =	vperm.xlane v17, v2  }
0x375: {  	v13 =	vadd.f32 v34, v21;
	v16 =	vmul.f32 v18, v18;
	v18 =	vmul.f32 v19, v19;
	v39 =	vld.idx.msk [tilespmem:v10+s17+$0x0 ss:$0x1], $0xffff;
	s19 =	sshll.u32 s19, $0x9  }
0x376: {  	v21 =	vperm.xlane v14, v2;
	v19 =	vld.idx.msk [tilespmem:v9+s17+$0xFFFFFF90 ss:$0x1], $0xffff;
	s19 =	sshra.s32 s19, $0x2;
	v17 =	vadd.f32 v17, v32;
	v32 =	vperm.xlane v15, v4  }
0x377: {  	v16 =	vadd.f32 v16, v13;
	v34 =	vld [tilespmem:s19+$0x5570]  }
0x378: {  	v13 =	vadd.f32 v21, v14;
	v42 =	vld [tilespmem:s19+$0x5560];
	v43 =	vperm.xlane v17, v3;
	v21 =	vadd.f32 v32, v15  }
0x379: {  	v14 =	vadd.f32 v18, v16;
	v32 =	vld [tilespmem:s19+$0x5550];
	(v2sf) =	vpush v25, $0x0  }
0x37a: {  	v15 =	vperm.xlane v13, v3;
	v25 =	vsub.f32 v33, v30;
	v18 =	vld [tilespmem:s19+$0x5540];
	v17 =	vadd.f32 v17, v43  }
0x37b: {  	v31 =	vsub.f32 v31, v35;
	v28 =	vsub.f32 v36, v28;
	v16 =	vperm.xlane v14, v1;
	v30 =	vld [tilespmem:s19+$0x5530]  }
0x37c: {  	v27 =	vsub.f32 v27, v29;
	v20 =	vsub.f32 v41, v20;
	v33 =	vld [tilespmem:s19+$0x5520];
	v29 =	vperm.xlane v17, v4  }
0x37d: {  	s15 =	sadd.s32 $0x1, s15;
	v36 =	vsub.f32 v40, v38;
	v26 =	vsub.f32 v37, v26;
	v12 =	vsel vm0, v21, v12;
	v35 =	vld [tilespmem:s19+$0x5510]  }
0x37e: {  	v37 =	vmov s15;
	v19 =	vsub.f32 v39, v19;
	v21 =	vld [tilespmem:s19+$0x5500];
	v17 =	vadd.f32 v17, v29  }
0x37f: {  	vm1 =	veq.s32 v37, v0;
	v34 =	vadd.f32 $1.000000000e+00, v34;
	v38 =	vadd.f32 $1.000000000e+00, v42;
	v29 =	vld.idx.msk [tilespmem:v8+s17+$0xFFFFFFD0 ss:$0x1], $0xffff  }
0x380: {  	v32 =	vadd.f32 $1.000000000e+00, v32;
	v18 =	vadd.f32 $1.000000000e+00, v18;
	v37 =	vld.idx.msk [tilespmem:v8+s17+$0xFFFFFFC0 ss:$0x1], $0xffff;
	v11 =	vsel vm1, v17, v11  }
0x381: {  	vm0 =	vmmov vm2;
	v30 =	vadd.f32 $1.000000000e+00, v30;
	v17 =	vadd.f32 $1.000000000e+00, v33;
	v33 =	vld.idx.msk [tilespmem:v8+s17+$0xFFFFFFB0 ss:$0x1], $0xffff  }
0x382: {  	v25 =	vmul.f32 v34, v25;
	v31 =	vmul.f32 v38, v31;
	v35 =	vadd.f32 $1.000000000e+00, v35;
	v39 =	vld.idx.msk [tilespmem:v8+s17+$0xFFFFFFA0 ss:$0x1], $0xffff  }
0x383: {  	v18 =	vmul.f32 v18, v27;
	v27 =	vmul.f32 v32, v28;
	v21 =	vadd.f32 $1.000000000e+00, v21;
	v34 =	vld.idx.msk [tilespmem:v8+s17+$0xFFFFFF90 ss:$0x1], $0xffff  }
0x384: {  	v22 =	vadd.f32 v22, v25;
	v20 =	vmul.f32 v30, v20;
	v17 =	vmul.f32 v17, v36;
	v28 =	vld.idx.msk [tilespmem:v7+s17+$0xFFFFFF90 ss:$0x1], $0xffff  }
0x385: {  	v23 =	vadd.f32 v23, v31;
	v24 =	vadd.f32 v24, v27;
	v26 =	vmul.f32 v35, v26;
	v25 =	vld.idx.msk [tilespmem:v6+s17+$0xFFFFFF90 ss:$0x1], $0xffff  }
0x386: {  	v35 =	vadd.f32 v29, v18;
	v19 =	vmul.f32 v21, v19;
	v32 =	vadd.f32 v37, v20;
	v21 =	vld.idx.msk [tilespmem:v7+s17+$0xFFFFFFA0 ss:$0x1], $0xffff  }
0x387: {  	v20 =	vmul.f32 $2.500000000e-01, v22;
	v33 =	vadd.f32 v33, v17;
	v17 =	vmul.f32 $2.500000000e-01, v23;
	v18 =	vld.idx.msk [tilespmem:v6+s17+$0xFFFFFFA0 ss:$0x1], $0xffff  }
0x388: {  	v29 =	vmul.f32 $2.500000000e-01, v24;
	v27 =	vmul.f32 $2.500000000e-01, v35;
	v26 =	vadd.f32 v39, v26;
	v36 =	vld.idx.msk [tilespmem:v7+s17+$0xFFFFFFB0 ss:$0x1], $0xffff;
	s19 =	spop (v2sf)  }
0x389: {  	v38 =	vmul.f32 $2.500000000e-01, v32;
	v34 =	vadd.f32 v34, v19;
	v19 =	vmul.f32 $2.500000000e-01, v33;
	v37 =	vld.idx.msk [tilespmem:v6+s17+$0xFFFFFFB0 ss:$0x1], $0xffff  }
0x38a: {  	v20 =	vadd.f32 $1.258291200e+07, v20;
	v40 =	vadd.f32 $1.258291200e+07, v17;
	v39 =	vmul.f32 $2.500000000e-01, v26;
	v30 =	vld.idx.msk [tilespmem:v7+s17+$0xFFFFFFC0 ss:$0x1], $0xffff  }
0x38b: {  	v29 =	vadd.f32 $1.258291200e+07, v29;
	v41 =	vadd.f32 $1.258291200e+07, v27;
	v17 =	vmul.f32 $2.500000000e-01, v34;
	v31 =	vld.idx.msk [tilespmem:v6+s17+$0xFFFFFFC0 ss:$0x1], $0xffff  }
0x38c: {  	v38 =	vadd.f32 $1.258291200e+07, v38;
	v25 =	vmul.f32 v25, v28;
	v19 =	vadd.f32 $1.258291200e+07, v19;
	v27 =	vld.idx.msk [tilespmem:v7+s17+$0xFFFFFFD0 ss:$0x1], $0xffff  }
0x38d: {  	v39 =	vadd.f32 $1.258291200e+07, v39;
	v42 =	vadd.f32 $1.258291200e+07, v17;
	v18 =	vmul.f32 v18, v21;
	v28 =	vld.idx.msk [tilespmem:v6+s17+$0xFFFFFFD0 ss:$0x1], $0xffff  }
0x38e: {  	v20 =	vadd.f32 $-1.258291200e+07, v20;
	v25 =	vand.u32 $0x7FFFFFFF, v25;
	v21 =	vadd.f32 $-1.258291200e+07, v40;
	v17 =	vld.idx.msk [tilespmem:v7+s17+$0xFFFFFFE0 ss:$0x1], $0xffff  }
0x38f: {  	v43 =	vadd.f32 $-1.258291200e+07, v29;
	v41 =	vadd.f32 $-1.258291200e+07, v41;
	v40 =	vand.u32 $0x7FFFFFFF, v18;
	v29 =	vld.idx.msk [tilespmem:v6+s17+$0xFFFFFFE0 ss:$0x1], $0xffff  }
0x390: {  	v44 =	vadd.f32 $-1.258291200e+07, v19;
	v36 =	vmul.f32 v37, v36;
	v37 =	vadd.f32 $-1.258291200e+07, v38;
	v18 =	vld.idx.msk [tilespmem:v7+s17+$0xFFFFFFF0 ss:$0x1], $0xffff  }
0x391: {  	v38 =	vadd.f32 $-1.258291200e+07, v39;
	v39 =	vmul.f32 $4.000000000e+00, v21;
	v21 =	vmul.f32 $4.000000000e+00, v20;
	v19 =	vld.idx.msk [tilespmem:v6+s17+$0xFFFFFFF0 ss:$0x1], $0xffff  }
0x392: {  	v43 =	vmul.f32 $4.000000000e+00, v43;
	v41 =	vmul.f32 $4.000000000e+00, v41;
	v42 =	vadd.f32 $-1.258291200e+07, v42;
	v20 =	vld.idx.msk [tilespmem:v7+s17+$0x0 ss:$0x1], $0xffff  }
0x393: {  	v44 =	vmul.f32 $4.000000000e+00, v44;
	v37 =	vmul.f32 $4.000000000e+00, v37;
	v22 =	vsub.f32 v22, v21;
	v21 =	vld.idx.msk [tilespmem:v6+s17+$0x0 ss:$0x1], $0xffff  }
0x394: {  	v24 =	vsub.f32 v24, v43;
	v38 =	vmul.f32 $4.000000000e+00, v38;
	v23 =	vsub.f32 v23, v39  }
0x395: {  	v39 =	vmul.f32 $4.000000000e+00, v42;
	v32 =	vsub.f32 v32, v37;
	v37 =	vsub.f32 v35, v41  }
0x396: {  	v33 =	vsub.f32 v33, v44;
	v26 =	vsub.f32 v26, v38;
	v35 =	vand.u32 $0x7FFFFFFF, v36  }
0x397: {  	v34 =	vsub.f32 v34, v39;
	v23 =	vand.u32 $0x7FFFFFFF, v23;
	v22 =	vand.u32 $0x7FFFFFFF, v22  }
0x398: {  	v24 =	vand.u32 $0x7FFFFFFF, v24;
	v32 =	vand.u32 $0x7FFFFFFF, v32;
	v36 =	vand.u32 $0x7FFFFFFF, v37  }
0x399: {  	v33 =	vand.u32 $0x7FFFFFFF, v33;
	v38 =	vsub.f32 $2.000000000e+00, v23;
	v37 =	vsub.f32 $2.000000000e+00, v22  }
0x39a: {  	v41 =	vsub.f32 $2.000000000e+00, v24;
	v34 =	vand.u32 $0x7FFFFFFF, v34;
	v39 =	vsub.f32 $2.000000000e+00, v36  }
0x39b: {  	v26 =	vand.u32 $0x7FFFFFFF, v26;
	v42 =	vsub.f32 $2.000000000e+00, v34;
	v43 =	vsub.f32 $2.000000000e+00, v32  }
0x39c: {  	s17 =	sshll.u32 s19, $0x9;
	v45 =	vsub.f32 $2.000000000e+00, v33;
	v44 =	vsub.f32 $2.000000000e+00, v26;
	v37 =	vmin.f32 v22, v37  }
0x39d: {  	s19 =	sshra.s32 s17, $0x2;
	v41 =	vmin.f32 v24, v41;
	v38 =	vmin.f32 v23, v38;
	v22 =	vmin.f32 v34, v42  }
0x39e: {  	v36 =	vmin.f32 v36, v39;
	v39 =	vmul.f32 v37, v37;
	v24 =	vmul.f32 v22, v22;
	v23 =	vld [tilespmem:s19+$0x3900]  }
0x39f: {  	v46 =	vmul.f32 v38, v38;
	v42 =	vmin.f32 v26, v44;
	v44 =	vmul.f32 v41, v41  }
0x3a0: {  	v43 =	vmin.f32 v32, v43;
	v47 =	vmul.f32 v42, v42;
	v26 =	vmul.f32 $4.333139860e-03, v24;
	v34 =	vld [tilespmem:s19+$0x3910]  }
0x3a1: {  	v33 =	vmin.f32 v33, v45;
	v45 =	vmul.f32 v43, v43;
	v48 =	vmul.f32 v36, v36  }
0x3a2: {  	v49 =	vmul.f32 v33, v33;
	v32 =	vmul.f32 $4.333139860e-03, v47;
	v26 =	vsub.f32 $7.943440970e-02, v26  }
0x3a3: {  	v50 =	vsub.f32 v25, v23;
	v23 =	vmul.f32 $4.333139860e-03, v46;
	v25 =	vmul.f32 $4.333139860e-03, v39  }
0x3a4: {  	v51 =	vmul.f32 $4.333139860e-03, v49;
	v32 =	vsub.f32 $7.943440970e-02, v32;
	v26 =	vmul.f32 v26, v24  }
0x3a5: {  	v52 =	vmul.f32 $4.333139860e-03, v44;
	v40 =	vsub.f32 v40, v34;
	v34 =	vmul.f32 $4.333139860e-03, v45  }
0x3a6: {  	v51 =	vsub.f32 $7.943440970e-02, v51;
	v32 =	vmul.f32 v32, v47;
	v26 =	vadd.f32 $-6.458928590e-01, v26  }
0x3a7: {  	v53 =	vmul.f32 $4.333139860e-03, v48;
	v54 =	vsub.f32 $7.943440970e-02, v25;
	v34 =	vsub.f32 $7.943440970e-02, v34  }
0x3a8: {  	v24 =	vmul.f32 v26, v24;
	v26 =	vadd.f32 $-6.458928590e-01, v32;
	v32 =	vmul.f32 v51, v49  }
0x3a9: {  	s8 =	sadd.s32 $0x1, s8;
	v51 =	vsub.f32 $7.943440970e-02, v53;
	v23 =	vsub.f32 $7.943440970e-02, v23;
	v34 =	vmul.f32 v34, v45  }
0x3aa: {  	v24 =	vadd.f32 $1.570791010e+00, v24;
	v47 =	vmul.f32 v26, v47;
	v32 =	vadd.f32 $-6.458928590e-01, v32;
	v25 =	vld [tilespmem:s8+$0x0]  }
0x3ab: {  	v52 =	vsub.f32 $7.943440970e-02, v52;
	v51 =	vmul.f32 v51, v48;
	v34 =	vadd.f32 $-6.458928590e-01, v34;
	v26 =	vld [tilespmem:s19+$0x3970]  }
0x3ac: {  	v22 =	vmul.f32 v24, v22;
	v24 =	vadd.f32 $1.570791010e+00, v47;
	v47 =	vmul.f32 v32, v49;
	v32 =	vld [tilespmem:s19+$0x3960]  }
0x3ad: {  	s20 =	sadd.s32 $0x1, s20;
	v49 =	vadd.f32 $-6.458928590e-01, v51;
	v51 =	vmul.f32 v52, v44;
	v45 =	vmul.f32 v34, v45;
	v34 =	vld [tilespmem:s19+$0x3950]  }
0x3ae: {  	v22 =	vadd.f32 $0.0e+00, v22;
	v24 =	vmul.f32 v24, v42;
	v42 =	vadd.f32 $1.570791010e+00, v47;
	v52 =	vld [tilespmem:s20+$0x0]  }
0x3af: {  	v23 =	vmul.f32 v23, v46;
	v48 =	vmul.f32 v49, v48;
	v49 =	vadd.f32 $-6.458928590e-01, v51;
	v47 =	vld [tilespmem:s19+$0x3940]  }
0x3b0: {  	v24 =	vadd.f32 v24, v22;
	v33 =	vmul.f32 v42, v33;
	v42 =	vadd.f32 $1.570791010e+00, v45;
	v51 =	vld [tilespmem:s19+$0x3920]  }
0x3b1: {  	s17 =	sshra.s32 s16, $0x2;
	v53 =	vmul.f32 v54, v39;
	v44 =	vmul.f32 v49, v44;
	v49 =	vadd.f32 $-6.458928590e-01, v23;
	v45 =	vld [tilespmem:s19+$0x3930]  }
0x3b2: {  	v33 =	vadd.f32 v33, v24;
	v42 =	vmul.f32 v42, v43;
	v43 =	vadd.f32 $1.570791010e+00, v48;
	v22 =	vld.idx.msk [tilespmem:v8+s17+$0x0 ss:$0x1], $0xffff  }
0x3b3: {  	v46 =	vmul.f32 v49, v46;
	v48 =	vadd.f32 $-6.458928590e-01, v53;
	v23 =	vld.idx.msk [tilespmem:v8+s17+$0xFFFFFFF0 ss:$0x1], $0xffff;
	(v2sf) =	vpush v52, $0x0  }
0x3b4: {  	v42 =	vadd.f32 v42, v33;
	v36 =	vmul.f32 v43, v36;
	v43 =	vadd.f32 $1.570791010e+00, v44;
	v24 =	vld.idx.msk [tilespmem:v8+s17+$0xFFFFFFE0 ss:$0x1], $0xffff  }
0x3b5: {  	v39 =	vmul.f32 v48, v39;
	v33 =	vld.idx.msk [tilespmem:v10+s17+$0x70 ss:$0x1], $0xffff;
	v44 =	vsub.f32 v35, v51;
	v35 =	vmul.f32 v31, v30  }
0x3b6: {  	v36 =	vadd.f32 v36, v42;
	v41 =	vmul.f32 v43, v41;
	v42 =	vadd.f32 $1.570791010e+00, v46;
	v30 =	vld.idx.msk [tilespmem:v9+s17+$0x0 ss:$0x1], $0xffff  }
0x3b7: {  	v40 =	vmul.f32 v40, v40;
	v43 =	vmul.f32 v50, v50;
	v31 =	vld.idx.msk [tilespmem:v10+s17+$0x60 ss:$0x1], $0xffff;
	v46 =	vand.u32 $0x7FFFFFFF, v35  }
.Ltmp3:
0x3b8: {  	v39 =	vadd.f32 $1.570791010e+00, v39;
	v41 =	vadd.f32 v41, v36;
	v38 =	vmul.f32 v42, v38;
	v35 =	vld.idx.msk [tilespmem:v9+s17+$0xFFFFFFF0 ss:$0x1], $0xffff;
	(pc) =	sbr.rel @p0 .LBB2_10-.Ltmp3, $4  }
0x3b9: {  	v40 =	vadd.f32 v40, v43;
	v42 =	vmul.f32 v44, v44;
	v43 =	vmul.f32 v28, v27;
	v36 =	vld.idx.msk [tilespmem:v10+s17+$0x50 ss:$0x1], $0xffff  }
0x3ba: {  	v44 =	vsub.f32 v46, v45;
	v45 =	vmul.f32 v39, v37;
	v41 =	vadd.f32 v38, v41;
	v28 =	vld.idx.msk [tilespmem:v9+s17+$0xFFFFFFE0 ss:$0x1], $0xffff  }
0x3bb: {  	v37 =	vadd.f32 v42, v40;
	v40 =	vand.u32 $0x7FFFFFFF, v43;
	v38 =	vmul.f32 v29, v17;
	v27 =	vld.idx.msk [tilespmem:v10+s17+$0x40 ss:$0x1], $0xffff  }
0x3bc: {  	s16 =	sadd.s32 $0x200, s16;
	v39 =	vmul.f32 v44, v44;
	v40 =	vsub.f32 v40, v47;
	v17 =	vadd.f32 v45, v41;
	v29 =	vld.idx.msk [tilespmem:v9+s17+$0xFFFFFFD0 ss:$0x1], $0xffff  }
0x3bd: {  	_ =	sdelay $0x3  }
0x3be: {  	v41 =	vld.idx.msk [tilespmem:v10+s17+$0x30 ss:$0x1], $0xffff  }
0x3bf: {  	v42 =	vld.idx.msk [tilespmem:v9+s17+$0xFFFFFFC0 ss:$0x1], $0xffff  }
0x3c0: {  	v59 =	vld.idx.msk [tilespmem:v10+s17+$0x20 ss:$0x1], $0xffff  }
0x3c1: {  	v61 =	vld.idx.msk [tilespmem:v9+s17+$0xFFFFFFB0 ss:$0x1], $0xffff  }
0x3c2: {  	v62 =	vld.idx.msk [tilespmem:v10+s17+$0x10 ss:$0x1], $0xffff  }
0x3c3: {  	v63 =	vld.idx.msk [tilespmem:v9+s17+$0xFFFFFFA0 ss:$0x1], $0xffff  }
0x3c4: {  	v45 =	vld.idx.msk [tilespmem:v9+s17+$0xFFFFFF90 ss:$0x1], $0xffff  }
0x3c5: {  	v38 =	vand.u32 $0x7FFFFFFF, v38;
	v58 =	vld.idx.msk [tilespmem:v8+s17+$0xFFFFFFD0 ss:$0x1], $0xffff  }
0x3c6: {  	v14 =	vadd.f32 v16, v14;
	v13 =	vadd.f32 v15, v13;
	v60 =	vmul.f32 v40, v40;
	v40 =	vld.idx.msk [tilespmem:v10+s17+$0x0 ss:$0x1], $0xffff  }
0x3c7: {  	v18 =	vmul.f32 v19, v18;
	v52 =	vsub.f32 v33, v30;
	v37 =	vadd.f32 v39, v37;
	v39 =	vld.idx.msk [tilespmem:v8+s17+$0xFFFFFF90 ss:$0x1], $0xffff;
	s8 =	spop (v2sf)  }
0x3c8: {  	v20 =	vmul.f32 v21, v20;
	v31 =	vsub.f32 v31, v35;
	v19 =	vsub.f32 v59, v61;
	v61 =	vld.idx.msk [tilespmem:v8+s17+$0xFFFFFFC0 ss:$0x1], $0xffff;
	s8 =	sshll.u32 s8, $0x9  }
0x3c9: {  	vm1 =	vmmov vm1;
	v34 =	vsub.f32 v38, v34;
	v21 =	vsub.f32 v62, v63;
	v62 =	vld.idx.msk [tilespmem:v8+s17+$0xFFFFFFB0 ss:$0x1], $0xffff;
	s8 =	sshra.s32 s8, $0x2  }
0x3ca: {  	vm1 =	vmmov vm1;
	v18 =	vand.u32 $0x7FFFFFFF, v18;
	v20 =	vand.u32 $0x7FFFFFFF, v20;
	v48 =	vld [tilespmem:s8+$0x5570]  }
0x3cb: {  	v46 =	vperm.xlane v14, v2;
	v47 =	vperm.xlane v13, v4;
	v28 =	vsub.f32 v36, v28;
	v49 =	vld [tilespmem:s8+$0x5560]  }
0x3cc: {  	s19 =	sadd.s32 $0x1, s15;
	v37 =	vadd.f32 v60, v37;
	v34 =	vmul.f32 v34, v34;
	v18 =	vsub.f32 v18, v32;
	v50 =	vld [tilespmem:s8+$0x5550]  }
0x3cd: {  	v43 =	vsub.f32 v20, v26;
	v60 =	vmov s19;
	v9 =	vadd.f32 v46, v14;
	v51 =	vld [tilespmem:s8+$0x5540]  }
0x3ce: {  	v26 =	vadd.f32 v47, v13;
	v44 =	vadd.f32 v34, v37;
	v18 =	vmul.f32 v18, v18;
	v53 =	vld [tilespmem:s8+$0x5530]  }
0x3cf: {  	v27 =	vsub.f32 v27, v29;
	vm13 =	veq.s32 v60, v0;
	(v2sf) =	vpush v25, $0x0;
	v54 =	vld [tilespmem:s8+$0x5520]  }
0x3d0: {  	v15 =	vmul.f32 v43, v43;
	v55 =	vsub.f32 v41, v42;
	v16 =	vadd.f32 v18, v44;
	v56 =	vld [tilespmem:s8+$0x5510]  }
0x3d1: {  	vm2 =	vmmov vm13;
	v13 =	vperm.xlane v9, v3;
	v20 =	vsub.f32 v40, v45;
	v57 =	vld [tilespmem:s8+$0x5500]  }
0x3d2: {  	v41 =	vld.idx.msk [tilespmem:v7+s17+$0xFFFFFF90 ss:$0x1], $0xffff;
	v10 =	vsel vm0, v26, v12;
	v14 =	vadd.f32 v15, v16;
	v18 =	vadd.f32 $1.000000000e+00, v49  }
0x3d3: {  	v42 =	vld.idx.msk [tilespmem:v6+s17+$0xFFFFFF90 ss:$0x1], $0xffff;
	vm2 =	vmmov vm2;
	v34 =	vadd.f32 $1.000000000e+00, v48;
	v16 =	vadd.f32 $1.000000000e+00, v51  }
0x3d4: {  	v45 =	vld.idx.msk [tilespmem:v7+s17+$0xFFFFFFA0 ss:$0x1], $0xffff;
	v15 =	vperm.xlane v14, v1;
	v59 =	vadd.f32 $1.000000000e+00, v50;
	v33 =	vadd.f32 $1.000000000e+00, v54  }
0x3d5: {  	v30 =	vadd.f32 $1.000000000e+00, v53;
	v29 =	vadd.f32 $1.000000000e+00, v56;
	v48 =	vld.idx.msk [tilespmem:v6+s17+$0xFFFFFFA0 ss:$0x1], $0xffff;
	v18 =	vmul.f32 v18, v31  }
0x3d6: {  	v32 =	vadd.f32 $1.000000000e+00, v57;
	v51 =	vld.idx.msk [tilespmem:v7+s17+$0xFFFFFFB0 ss:$0x1], $0xffff;
	v25 =	vmul.f32 v34, v52;
	v16 =	vmul.f32 v16, v27  }
0x3d7: {  	v53 =	vld.idx.msk [tilespmem:v6+s17+$0xFFFFFFB0 ss:$0x1], $0xffff;
	v14 =	vadd.f32 v15, v14;
	v26 =	vmul.f32 v59, v28;
	v19 =	vmul.f32 v33, v19  }
0x3d8: {  	v63 =	vld.idx.msk [tilespmem:v8+s17+$0xFFFFFFA0 ss:$0x1], $0xffff;
	v40 =	vmul.f32 v30, v55;
	v21 =	vmul.f32 v29, v21;
	v22 =	vadd.f32 v22, v25  }
0x3d9: {  	v20 =	vmul.f32 v32, v20;
	v24 =	vadd.f32 v24, v26;
	v18 =	vadd.f32 v23, v18  }
0x3da: {  	v25 =	vadd.f32 v61, v40;
	v12 =	vadd.f32 v58, v16;
	v16 =	vmul.f32 v42, v41  }
0x3db: {  	v8 =	vadd.f32 v39, v20;
	v39 =	vperm.xlane v14, v2;
	v28 =	vmul.f32 v48, v45  }
0x3dc: {  	v19 =	vadd.f32 v62, v19;
	v45 =	vmul.f32 v53, v51;
	v43 =	vmul.f32 $2.500000000e-01, v18  }
0x3dd: {  	v56 =	vld.idx.msk [tilespmem:v6+s17+$0xFFFFFFC0 ss:$0x1], $0xffff;
	v21 =	vadd.f32 v63, v21;
	v44 =	vmul.f32 $2.500000000e-01, v22;
	v46 =	vmul.f32 $2.500000000e-01, v12  }
0x3de: {  	v9 =	vadd.f32 v13, v9;
	v55 =	vld.idx.msk [tilespmem:v7+s17+$0xFFFFFFC0 ss:$0x1], $0xffff;
	v47 =	vmul.f32 $2.500000000e-01, v24;
	v49 =	vmul.f32 $2.500000000e-01, v19  }
0x3df: {  	v60 =	vld.idx.msk [tilespmem:v7+s17+$0xFFFFFFE0 ss:$0x1], $0xffff;
	v50 =	vmul.f32 $2.500000000e-01, v25;
	v52 =	vmul.f32 $2.500000000e-01, v21;
	v14 =	vadd.f32 v39, v14  }
0x3e0: {  	v59 =	vld.idx.msk [tilespmem:v6+s17+$0xFFFFFFD0 ss:$0x1], $0xffff;
	v54 =	vmul.f32 $2.500000000e-01, v8;
	v26 =	vadd.f32 $1.258291200e+07, v43;
	v27 =	vadd.f32 $1.258291200e+07, v44  }
0x3e1: {  	v58 =	vld.idx.msk [tilespmem:v7+s17+$0xFFFFFFD0 ss:$0x1], $0xffff;
	v16 =	vand.u32 $0x7FFFFFFF, v16;
	v29 =	vadd.f32 $1.258291200e+07, v46;
	v30 =	vadd.f32 $1.258291200e+07, v47  }
0x3e2: {  	v63 =	vld.idx.msk [tilespmem:v6+s17+$0xFFFFFFE0 ss:$0x1], $0xffff;
	v28 =	vand.u32 $0x7FFFFFFF, v28;
	v20 =	vadd.f32 $1.258291200e+07, v49;
	v32 =	vadd.f32 $1.258291200e+07, v50  }
0x3e3: {  	v51 =	vmul.f32 v56, v55;
	v57 =	vadd.f32 $1.258291200e+07, v54;
	v34 =	vadd.f32 $1.258291200e+07, v52  }
0x3e4: {  	v48 =	vld.idx.msk [tilespmem:v6+s17+$0xFFFFFFF0 ss:$0x1], $0xffff;
	s20 =	spop (v2sf);
	v49 =	vand.u32 $0x7FFFFFFF, v45;
	v26 =	vadd.f32 $-1.258291200e+07, v26;
	v27 =	vadd.f32 $-1.258291200e+07, v27  }
0x3e5: {  	v6 =	vld.idx.msk [tilespmem:v6+s17+$0x0 ss:$0x1], $0xffff;
	s15 =	sshll.u32 s20, $0x9;
	v45 =	vperm.xlane v14, v3;
	v29 =	vadd.f32 $-1.258291200e+07, v29;
	v30 =	vadd.f32 $-1.258291200e+07, v30  }
0x3e6: {  	v46 =	vld.idx.msk [tilespmem:v7+s17+$0xFFFFFFF0 ss:$0x1], $0xffff;
	s15 =	sshra.s32 s15, $0x2;
	v31 =	vmul.f32 v59, v58;
	v20 =	vadd.f32 $-1.258291200e+07, v20;
	v32 =	vadd.f32 $-1.258291200e+07, v32  }
0x3e7: {  	v55 =	vmul.f32 v63, v60;
	v34 =	vadd.f32 $-1.258291200e+07, v34;
	v61 =	vld [tilespmem:s15+$0x3900];
	v23 =	vadd.f32 $-1.258291200e+07, v57  }
0x3e8: {  	v62 =	vld [tilespmem:s15+$0x3910];
	v14 =	vadd.f32 v45, v14;
	v54 =	vand.u32 $0x7FFFFFFF, v31;
	v27 =	vmul.f32 $4.000000000e+00, v27  }
0x3e9: {  	v7 =	vld.idx.msk [tilespmem:v7+s17+$0x0 ss:$0x1], $0xffff;
	v57 =	vand.u32 $0x7FFFFFFF, v55;
	v26 =	vmul.f32 $4.000000000e+00, v26;
	v30 =	vmul.f32 $4.000000000e+00, v30  }
0x3ea: {  	v44 =	vld [tilespmem:s15+$0x3920];
	v29 =	vmul.f32 $4.000000000e+00, v29;
	v32 =	vmul.f32 $4.000000000e+00, v32;
	v22 =	vsub.f32 v22, v27  }
0x3eb: {  	v47 =	vld [tilespmem:s15+$0x3930];
	v20 =	vmul.f32 $4.000000000e+00, v20;
	v24 =	vsub.f32 v24, v30;
	v18 =	vsub.f32 v18, v26  }
0x3ec: {  	v50 =	vld [tilespmem:s15+$0x3940];
	v43 =	vmul.f32 $4.000000000e+00, v34;
	v25 =	vsub.f32 v25, v32;
	v12 =	vsub.f32 v12, v29  }
0x3ed: {  	v52 =	vld [tilespmem:s15+$0x3950];
	v23 =	vmul.f32 $4.000000000e+00, v23;
	v16 =	vsub.f32 v16, v61;
	v28 =	vsub.f32 v28, v62  }
0x3ee: {  	v6 =	vmul.f32 v6, v7;
	v21 =	vsub.f32 v21, v43;
	v19 =	vsub.f32 v19, v20  }
0x3ef: {  	v26 =	vsub.f32 v49, v44;
	v16 =	vmul.f32 v16, v16;
	v28 =	vmul.f32 v28, v28  }
0x3f0: {  	v8 =	vsub.f32 v8, v23;
	v30 =	vand.u32 $0x7FFFFFFF, v51;
	v27 =	vmul.f32 v48, v46  }
0x3f1: {  	v20 =	vsub.f32 v30, v47;
	v26 =	vmul.f32 v26, v26;
	v16 =	vadd.f32 v28, v16  }
0x3f2: {  	v53 =	vld [tilespmem:s15+$0x3960];
	v51 =	vperm.xlane v9, v4;
	v23 =	vsub.f32 v54, v50;
	v59 =	vsub.f32 v57, v52  }
0x3f3: {  	s8 =	sadd.s32 $0x1, s19;
	v56 =	vld [tilespmem:s15+$0x3970];
	v6 =	vand.u32 $0x7FFFFFFF, v6;
	v20 =	vmul.f32 v20, v20;
	v16 =	vadd.f32 v26, v16  }
0x3f4: {  	v54 =	vmov s8;
	v18 =	vand.u32 $0x7FFFFFFF, v18;
	v22 =	vand.u32 $0x7FFFFFFF, v22  }
0x3f5: {  	v25 =	vand.u32 $0x7FFFFFFF, v25;
	v58 =	vmul.f32 v23, v23;
	v16 =	vadd.f32 v20, v16  }
0x3f6: {  	v12 =	vand.u32 $0x7FFFFFFF, v12;
	v7 =	vand.u32 $0x7FFFFFFF, v27;
	v61 =	vand.u32 $0x7FFFFFFF, v24  }
0x3f7: {  	v60 =	vmul.f32 v59, v59;
	v7 =	vsub.f32 v7, v53;
	v16 =	vadd.f32 v58, v16  }
0x3f8: {  	v6 =	vsub.f32 v6, v56;
	v8 =	vand.u32 $0x7FFFFFFF, v8;
	v9 =	vadd.f32 v51, v9  }
0x3f9: {  	v62 =	vsub.f32 $2.000000000e+00, v18;
	v7 =	vmul.f32 v7, v7;
	v16 =	vadd.f32 v60, v16  }
0x3fa: {  	v21 =	vand.u32 $0x7FFFFFFF, v21;
	v63 =	vsub.f32 $2.000000000e+00, v22;
	v32 =	vsub.f32 $2.000000000e+00, v12  }
0x3fb: {  	v33 =	vsub.f32 $2.000000000e+00, v61;
	v6 =	vmul.f32 v6, v6;
	v7 =	vadd.f32 v7, v16  }
0x3fc: {  	v19 =	vand.u32 $0x7FFFFFFF, v19;
	v34 =	vsub.f32 $2.000000000e+00, v8;
	v35 =	vsub.f32 $2.000000000e+00, v25  }
0x3fd: {  	vm14 =	veq.s32 v54, v0;
	v36 =	vsub.f32 $2.000000000e+00, v21;
	v6 =	vadd.f32 v6, v7  }
0x3fe: {  	v53 =	vperm.xlane v14, v4;
	vm15 =	vmmov vm14;
	v9 =	vsel vm1, v9, v10  }
0x3ff: {  	v8 =	vmin.f32 v8, v34;
	v12 =	vmin.f32 v12, v32;
	v37 =	vperm.xlane v6, v1  }
0x400: {  	v40 =	vmin.f32 v21, v36;
	v25 =	vmin.f32 v25, v35;
	v14 =	vadd.f32 v53, v14  }
0x401: {  	v38 =	vmul.f32 v8, v8;
	v29 =	vmul.f32 v40, v40;
	v6 =	vadd.f32 v37, v6  }
0x402: {  	v18 =	vmin.f32 v18, v62;
	v44 =	vmul.f32 v25, v25;
	v46 =	vmul.f32 v12, v12  }
0x403: {  	v26 =	vmul.f32 v18, v18;
	v9 =	vsel vm2, v14, v9;
	v43 =	vperm.xlane v6, v2  }
0x404: {  	vm2 =	vmmov vm15;
	v42 =	vmul.f32 $4.333139860e-03, v38;
	v47 =	vmul.f32 $4.333139860e-03, v29  }
0x405: {  	v20 =	vmin.f32 v22, v63;
	v50 =	vmul.f32 $4.333139860e-03, v26;
	v6 =	vadd.f32 v43, v6  }
0x406: {  	v23 =	vmul.f32 v20, v20;
	v27 =	vsub.f32 $7.943440970e-02, v42;
	v7 =	vsub.f32 $2.000000000e+00, v19  }
0x407: {  	v56 =	vsub.f32 $7.943440970e-02, v47;
	v58 =	vmul.f32 $4.333139860e-03, v44;
	v49 =	vperm.xlane v6, v3  }
0x408: {  	v63 =	vsub.f32 $7.943440970e-02, v50;
	v27 =	vmul.f32 v27, v38;
	v7 =	vmin.f32 v19, v7  }
0x409: {  	v52 =	vmul.f32 $4.333139860e-03, v23;
	v48 =	vmul.f32 v7, v7;
	v6 =	vadd.f32 v49, v6  }
0x40a: {  	v10 =	vmul.f32 v56, v29;
	v60 =	vmul.f32 $4.333139860e-03, v46;
	v27 =	vadd.f32 $-6.458928590e-01, v27  }
0x40b: {  	v16 =	vmin.f32 v61, v33;
	v57 =	vmul.f32 $4.333139860e-03, v48;
	v55 =	vperm.xlane v6, v4  }
0x40c: {  	v10 =	vadd.f32 $-6.458928590e-01, v10;
	v61 =	vsub.f32 $7.943440970e-02, v52;
	v41 =	vmul.f32 v16, v16  }
0x40d: {  	v36 =	vmul.f32 v63, v26;
	v14 =	vsub.f32 $7.943440970e-02, v57;
	v6 =	vadd.f32 v55, v6  }
0x40e: {  	v62 =	vsub.f32 $7.943440970e-02, v60;
	v22 =	vmul.f32 v27, v38;
	v59 =	vmul.f32 $4.333139860e-03, v41  }
0x40f: {  	v14 =	vmul.f32 v14, v48;
	v6 =	vsel vm2, v6, v9;
	v9 =	vsub.f32 $7.943440970e-02, v58  }
0x410: {  	v10 =	vmul.f32 v10, v29;
	v38 =	vadd.f32 $-6.458928590e-01, v36;
	v22 =	vadd.f32 $1.570791010e+00, v22  }
0x411: {  	v28 =	vsub.f32 $7.943440970e-02, v59;
	v14 =	vadd.f32 $-6.458928590e-01, v14;
	v9 =	vmul.f32 v9, v44  }
0x412: {  	v27 =	vmul.f32 v62, v46;
	v10 =	vadd.f32 $1.570791010e+00, v10;
	v8 =	vmul.f32 v22, v8  }
0x413: {  	v34 =	vmul.f32 v28, v41;
	v13 =	vmul.f32 v14, v48;
	v9 =	vadd.f32 $-6.458928590e-01, v9  }
0x414: {  	v33 =	vadd.f32 $-6.458928590e-01, v27;
	v10 =	vmul.f32 v10, v40;
	v8 =	vadd.f32 $0.0e+00, v8  }
0x415: {  	v35 =	vadd.f32 $-6.458928590e-01, v34;
	v13 =	vadd.f32 $1.570791010e+00, v13;
	v9 =	vmul.f32 v9, v44  }
0x416: {  	v39 =	vmul.f32 v61, v23;
	v8 =	vadd.f32 v10, v8;
	v14 =	vmul.f32 v33, v46  }
0x417: {  	v37 =	vmul.f32 v35, v41;
	v7 =	vmul.f32 v13, v7;
	v9 =	vadd.f32 $1.570791010e+00, v9  }
0x418: {  	v14 =	vadd.f32 $1.570791010e+00, v14;
	v40 =	vshrl.u32 v6, $0x1;
	v41 =	vmul.f32 $5.000000000e-01, v6  }
0x419: {  	v7 =	vadd.f32 v7, v8;
	v8 =	vsub.s32 $0x5F3759DF, v40;
	v9 =	vmul.f32 v9, v25  }
0x41a: {  	v15 =	vadd.f32 $-6.458928590e-01, v39;
	v10 =	vadd.f32 $1.570791010e+00, v37;
	v42 =	vmul.f32 v8, v41  }
0x41b: {  	v13 =	vmul.f32 v38, v26;
	v43 =	vmul.f32 v14, v12;
	v7 =	vadd.f32 v9, v7  }
0x41c: {  	v46 =	vmul.f32 v10, v16;
	v45 =	vmul.f32 v8, v42  }
0x41d: {  	v47 =	vadd.f32 $1.570791010e+00, v13;
	v44 =	vmul.f32 v15, v23;
	v7 =	vadd.f32 v43, v7  }
0x41e: {  	v48 =	vsub.f32 $1.500000000e+00, v45  }
0x41f: {  	v49 =	vmul.f32 v47, v18;
	v50 =	vadd.f32 $1.570791010e+00, v44;
	v7 =	vadd.f32 v46, v7  }
0x420: {  	v8 =	vmul.f32 v8, v48  }
0x421: {  	v51 =	vmul.f32 v50, v20;
	v7 =	vadd.f32 v49, v7  }
0x422: {  	v52 =	vmul.f32 v8, v41  }
0x423: {  	v7 =	vadd.f32 v51, v7  }
0x424: {  	v53 =	vperm.xlane v17, v1;
	v10 =	vmul.f32 v52, v8  }
0x425: {  	v54 =	vperm.xlane v7, v1  }
0x426: {  	v9 =	vadd.f32 v17, v53;
	v10 =	vsub.f32 $1.500000000e+00, v10  }
0x427: {  	v7 =	vadd.f32 v7, v54  }
0x428: {  	v55 =	vperm.xlane v9, v2;
	v8 =	vmul.f32 v10, v8  }
0x429: {  	v56 =	vperm.xlane v7, v2  }
0x42a: {  	v9 =	vadd.f32 v9, v55;
	v57 =	vmul.f32 v8, v41  }
0x42b: {  	v7 =	vadd.f32 v7, v56  }
0x42c: {  	v58 =	vperm.xlane v9, v3;
	v12 =	vmul.f32 v57, v8  }
0x42d: {  	v59 =	vperm.xlane v7, v3  }
0x42e: {  	v9 =	vadd.f32 v9, v58;
	v60 =	vsub.f32 $1.500000000e+00, v12  }
0x42f: {  	v7 =	vadd.f32 v7, v59  }
0x430: {  	v61 =	vperm.xlane v9, v4;
	v8 =	vmul.f32 v60, v8  }
0x431: {  	v62 =	vperm.xlane v7, v4  }
0x432: {  	v9 =	vadd.f32 v9, v61;
	v6 =	vmul.f32 v8, v6  }
0x433: {  	v7 =	vadd.f32 v7, v62  }
.Ltmp4:
0x434: {  	v63 =	vsel vm13, v9, v11;
	v6 =	vmul.f32 $5.000000000e-01, v6;
	(pc) =	sbr.rel @p1 .LBB2_9-.Ltmp4, $3  }
0x435: {  	v7 =	vsel vm14, v7, v63  }
0x436: {  	v6 =	vadd.f32 v6, v7;
	_ =	sdelay $0x1  }
0x437: {  	p0 =	por $0x0, $0x0;
	s8 =	simm.s32 $0x1;
	[tilespmem:v5+s18+$0x0 ss:$0x1] =	vst.idx.msk $0xffff, v6  }
0x438: {  	s8 =	smin.u32 s14, $0x1C  }
0x439: {  	s8 =	sshll.u32 s8, $0x7  }
0x43a: {  	s13 =	sadd.s32 $0x180, s8  }
0x43b: {  	[tilespmem:s1], [sflag:$0x2] =	stream.indirect.gather [hbm4b:s0+s25], $0x80, s13, s25, $0xb8;
	[tilespmem:$0x1B100] =	vst v63  }
0x43c: {  	s21 =	sadd.s32 $0x1, s21;
	s20 =	sadd.s32 $0x2180, s8  }
0x43d: {  	[tilespmem:s5], [sflag:$0x2] =	stream.indirect.gather [hbm4b:s0+s25], $0x80, s20, s25, $0xb8;
	[tilespmem:$0x1B100] =	vst v63  }
0x43e: {  	p0 =	sne.s32 s21, $0x10  }
0x43f: {  	[tilespmem:s6], [sflag:$0x2] =	stream.indirect.gather [hbm4b:s4+s25], $0x80, s13, s25, $0xb8;
	[tilespmem:$0x1B100] =	vst v63  }
.Ltmp5:
0x440: {  	_ = 	snop;
	(pc) =	sbr.rel @p0 .LBB2_4-.Ltmp5, $4  }
0x441: {  	s9 =	sadd.s32 $0x40, s9;
	s8 =	sadd.s32 $0x1180, s8  }
0x442: {  	[tilespmem:s22], [sflag:$0x2] =	stream.indirect.gather [hbm4b:s2+s25], $0x80, s8, s25, $0xb8;
	[tilespmem:$0x1B100] =	vst v63  }
0x443: {  	s10 =	sadd.s32 $0x40, s10;
	s11 =	sadd.s32 $0x40, s11;
	s12 =	sadd.s32 $0x40, s12  }
0x444: {  	[tilespmem:s23], [sflag:$0x2] =	stream.indirect.gather [hbm4b:s3+s25], $0x80, s8, s25, $0xb8;
	[tilespmem:$0x1B100] =	vst v63  }
0x445: {  	_ =	swait.ge [sflag:s24], $0x1000  }
0x446: {  	[sflag:s24] =	ssyncset.done $0x0  }
0x447: {  	[sflag:s24] =	ssyncadd.s32 $0xFFFFF000  }
0x448: {  	_ =	swait.ge [sflag:s24], $0x1000  }
0x449: {  	[sflag:s24] =	ssyncset.done $0x0  }
0x44a: {  	[sflag:s24] =	ssyncadd.s32 $0xFFFFF000  }
0x44b: {  	_ =	swait.ge [sflag:s24], $0x1000  }
0x44c: {  	[sflag:s24] =	ssyncset.done $0x0  }
0x44d: {  	[sflag:s24] =	ssyncadd.s32 $0xFFFFF000  }
0x44e: {  	_ =	swait.ge [sflag:s24], $0x1000  }
0x44f: {  	[sflag:s24] =	ssyncset.done $0x0  }
0x450: {  	[sflag:s24] =	ssyncadd.s32 $0xFFFFF000  }
0x451: {  	_ =	swait.ge [sflag:s24], $0x1000  }
0x452: {  	[sflag:s24] =	ssyncset.done $0x0  }
0x453: {  	[sflag:s24] =	ssyncadd.s32 $0xFFFFF000  }
0x454: {  	_ =	swait.ge [sflag:s7], $0x1000  }
0x455: {  	[sflag:s7] =	ssyncset.done $0x0  }
0x456: {  	[sflag:s7] =	ssyncadd.s32 $0xFFFFF000  }
0x457: {  	_ =	swait.ge [sflag:s7], $0x1000  }
0x458: {  	[sflag:s7] =	ssyncset.done $0x0  }
0x459: {  	[sflag:s7] =	ssyncadd.s32 $0xFFFFF000  }
0x45a: {  	_ =	swait.ge [sflag:s7], $0x1000  }
0x45b: {  	[sflag:s7] =	ssyncset.done $0x0  }
0x45c: {  	[sflag:s7] =	ssyncadd.s32 $0xFFFFF000  }
0x45d: {  	_ =	swait.ge [sflag:s7], $0x1000  }
0x45e: {  	[sflag:s7] =	ssyncset.done $0x0  }
0x45f: {  	[sflag:s7] =	ssyncadd.s32 $0xFFFFF000  }
0x460: {  	s10 =	simm.s32 $0x400;
	_ =	swait.ge [sflag:s7], $0x1000  }
0x461: {  	s14 =	simm.s32 $0x80;
	s9 =	simm.s32 $0x1AD00;
	[sflag:s7] =	ssyncset.done $0x0  }
0x462: {  	s11 =	simm.s32 $0x3;
	s8 =	rddreg [dreg:$0x12];
	[sflag:s7] =	ssyncadd.s32 $0xFFFFF000  }
0x463: {  	[hbm4b:s8+s14] =	stream.strided.scatter [tilespmem:s9], [sflag:$0x3], $0x400, s10, s14, $0x38;
	[tilespmem:$0x1B100] =	vst v63  }
0x464: {  	_ =	swait.ge [sflag:s11], $0x400  }
0x465: {  	s20 =	rddreg [dreg:$0x14]  }
0x466: {  	s21 =	rddreg [dreg:$0x13];
	s9 =	sadd.s32 $0x1, s20  }
0x467: {  	p0 =	sne.s32 s9, s21  }
.Ltmp6:
0x468: {  	_ = 	snop;
	(pc) =	sbr.rel @p0 .LBB2_1-.Ltmp6, $3  }
0x469: {  	_ =	sdelay $0x1  }
0x46a: {  	[sflag:s11] =	ssyncset.done $0x0  }
0x46b: {  	s12 =	simm.s32 $0x1000;
	s13 =	simm.s32 $0x2000;
	[sflag:s11] =	ssyncadd.s32 $0xFFFFFC00  }
0x46c: {  	_ =	sfence.sel $0x180000  }
0x46d: {  	[bflag:$0x0] =	sbarrier.arrive $0xFFFF  }
0x46e: {  	_ =	strace $0x90000047  }
0x46f: {  	s0 =	stileid.u32;
	[bflag:$0x2] =	sbarrier.arrive $0xFFFF  }
0x470: {  	p0 =	sne.s32 s0, $0x0;
	s0 =	rddreg [dreg:$0xc]  }
0x471: {  	s0 =	sadd.s32 @!p0 $0x100000, s0  }
0x472: {  	[sflag:s0] =	ssyncadd.tile.s32 @!p0 $0x1;
	_ =	shalt  }
.Lfunc_end2:
_tile_overlayer_lowered:
.L_overlay_start_2:
0x473: {  	(tag) =	ssettag $0x2  }
0x474: {  	s0 =	rddreg [dreg:$0x0];
	s2 =	stileid.u32  }
0x475: {  	s1 =	rddreg [dreg:$0x1];
	p0 =	sne.s32 s2, $0x0  }
0x476: {  	s3 =	rddreg [dreg:$0x2];
	[bflag:$0x3] =	sbarrier.arrive $0xFFFF;
	s2 =	simm.s32 @!p0 $0x1C03  }
0x477: {  	[timem:s3], [sflag:s2] =	dma.local @!p0 [hbm:s0], s1  }
0x478: {  	s0 =	simm.s32 @!p0 $0x3  }
0x479: {  	_ =	swait.ge @!p0 [sflag:s0], s1  }
0x47a: {  	s1 =	ssub.s32 @!p0 $0x0, s1;
	[sflag:s0] =	ssyncset.done @!p0 $0x0  }
0x47b: {  	[sflag:s0] =	ssyncadd.s32 @!p0 s1  }
0x47c: {  	[bflag:$0x3] =	sbarrier.arrive $0xFFFF  }
0x47d: {  	_ =	shalt  }

</sc_bundles>
